<compile_context>
chip_gen: v7x
topology: tpu7x:2x2x1
jax: 0.10.2.dev20260603
libtpu: 0.0.44.dev20260713+nightly
codegen_flags: <defaults>
</compile_context>

<pallas_src>
import functools

import jax
import jax.numpy as jnp
from jax import lax
from jax.experimental import pallas as pl
from jax.experimental.pallas import tpu as pltpu
from jax.experimental.pallas import tpu_sc as plsc

_G = 128


def _make_gather(n_groups, V, D, K, NBUF):
    info = plsc.get_sparse_core_info()
    NC, NS = info.num_cores, info.num_subcores
    NW = NC * NS
    assert n_groups % NW == 0
    g_per_w = n_groups // NW
    assert g_per_w % (K * NBUF) == 0
    n_outer = g_per_w // (K * NBUF)
    mesh = plsc.VectorSubcoreMesh(core_axis_name="c", subcore_axis_name="s")

    sem_types = [pltpu.SemaphoreType.DMA] * (3 * NBUF)

    @functools.partial(
        pl.kernel,
        mesh=mesh,
        out_type=jax.ShapeDtypeStruct((NW, g_per_w, _G, D), jnp.float32),
        scratch_types=[
            pltpu.VMEM((NBUF, K, _G), jnp.int32),
            pltpu.VMEM((NBUF, K, _G, D), jnp.float32),
        ]
        + sem_types,
        compiler_params=pltpu.CompilerParams(use_tc_tiling_on_sc=False),
    )
    def k(tok_hbm, table_hbm, out_hbm, idx_v, rows_v, *sems):
        isems = sems[:NBUF]
        gsems = sems[NBUF : 2 * NBUF]
        ssems = sems[2 * NBUF :]
        wid = lax.axis_index("s") * NC + lax.axis_index("c")
        tok_w = tok_hbm.at[wid]
        out_w = out_hbm.at[wid]

        def wait_store(c, b):
            pltpu.make_async_copy(
                rows_v.at[b], out_w.at[pl.ds(c * K, K)], ssems[b]
            ).wait()

        def emit_iter(c0, first):
            iwaits = []
            for b in range(NBUF):
                iwaits.append(
                    pltpu.async_copy(
                        tok_w.at[pl.ds((c0 + b) * K, K)], idx_v.at[b], isems[b]
                    )
                )
            gwaits = []
            for b in range(NBUF):
                if not first:
                    wait_store(c0 + b - NBUF, b)
                iwaits[b].wait()
                ws = []
                for j in range(K):
                    ws.append(
                        pltpu.async_copy(
                            table_hbm.at[idx_v.at[b].at[j]],
                            rows_v.at[b].at[j],
                            gsems[b],
                        )
                    )
                gwaits.append(ws)
            for b in range(NBUF):
                for w in gwaits[b]:
                    w.wait()
                pltpu.async_copy(
                    rows_v.at[b], out_w.at[pl.ds((c0 + b) * K, K)], ssems[b]
                )

        emit_iter(0, True)

        def outer_body(ci, carry):
            emit_iter(ci * NBUF, False)
            return carry

        lax.fori_loop(1, n_outer, outer_body, 0)

        for b in range(NBUF):
            wait_store((n_outer - 1) * NBUF + b, b)

    return k


def kernel(tokens, table):
    B0, S = tokens.shape
    V, D = table.shape
    B = B0 * S
    assert B % _G == 0
    n_groups = B // _G
    info = plsc.get_sparse_core_info()
    NW = info.num_cores * info.num_subcores
    tokens3d = tokens.reshape(NW, n_groups // NW, _G)
    out = _make_gather(n_groups, V, D, K=5, NBUF=4)(tokens3d, table)
    return out.reshape(B0, S, D)

# --- scband reference (transcript-rebuilt; emitter-appended) ---
"""Pipeline reference for scband-token-embedding-32298154065998 (READ-ONLY COPY).

The authoritative reference and input builder live on the scoring server;
editing this copy changes nothing except your own understanding.
"""

import jax, jax.numpy as jnp
import numpy as np

VOCAB = 1000000
EMB = 32
PAD = 0


def setup_inputs(seed: int = 0) -> dict:
    key = jax.random.key(seed)
    k1, k2 = jax.random.split(key)
    tokens = jax.random.randint(k1, (4096, 200), 0, VOCAB, dtype=jnp.int32)
    table = jax.random.normal(k2, (VOCAB, EMB), dtype=jnp.float32)
    # nn.Embedding with padding_idx zeros that row at init
    table = table.at[PAD].set(0.0)
    return {"tokens": tokens, "table": table}


def reference(tokens, table):
    # TokenEmbedding.forward: embedding lookup (no scaling)
    return jnp.take(table, tokens, axis=0)

if __name__ == "__main__":
    import jax
    _d = setup_inputs()
    print(jax.jit(kernel)(*tuple(_d.values())))

</pallas_src>

<mosaic_0001>
#map = affine_map<(d0, d1) -> (0, 0, 0)>
#map1 = affine_map<(d0, d1) -> (0, 0)>
#map2 = affine_map<(d0, d1) -> (0, 0, 0, 0)>
module attributes {stable_mosaic.version = 14 : i64} {
  func.func @k(%arg0: i32, %arg1: i32, %arg2: memref<32x200x128xi32, #tpu.memory_space<hbm>>, %arg3: memref<1000000x32xf32, #tpu.memory_space<hbm>>, %arg4: memref<32x200x128x32xf32, #tpu.memory_space<hbm>>, %arg5: memref<4x5x128xi32, #tpu.memory_space<vmem>>, %arg6: memref<4x5x128x32xf32, #tpu.memory_space<vmem>>, %arg7: memref<!tpu.dma_semaphore, #tpu.memory_space<semaphore_mem>>, %arg8: memref<!tpu.dma_semaphore, #tpu.memory_space<semaphore_mem>>, %arg9: memref<!tpu.dma_semaphore, #tpu.memory_space<semaphore_mem>>, %arg10: memref<!tpu.dma_semaphore, #tpu.memory_space<semaphore_mem>>, %arg11: memref<!tpu.dma_semaphore, #tpu.memory_space<semaphore_mem>>, %arg12: memref<!tpu.dma_semaphore, #tpu.memory_space<semaphore_mem>>, %arg13: memref<!tpu.dma_semaphore, #tpu.memory_space<semaphore_mem>>, %arg14: memref<!tpu.dma_semaphore, #tpu.memory_space<semaphore_mem>>, %arg15: memref<!tpu.dma_semaphore, #tpu.memory_space<semaphore_mem>>, %arg16: memref<!tpu.dma_semaphore, #tpu.memory_space<semaphore_mem>>, %arg17: memref<!tpu.dma_semaphore, #tpu.memory_space<semaphore_mem>>, %arg18: memref<!tpu.dma_semaphore, #tpu.memory_space<semaphore_mem>>) attributes {dimension_semantics = [#tpu.dimension_semantics<core_parallel>, #tpu.dimension_semantics<subcore_parallel>], iteration_bounds = array<i64: 2, 16>, scalar_prefetch = 0 : i64, scratch_operands = 14 : i64, tpu.core_type = #tpu.core_type<sc_vector_subcore>, window_params = [{transform_indices = #map}, {transform_indices = #map1}, {transform_indices = #map2}]} {
    %mul3A = arith.constant 2 : i32
    %mul3A_0 = arith.muli %arg1, %mul3A : i32
    %add3A = arith.addi %mul3A_0, %arg0 : i32
    %dma_start3A = arith.constant 0 : i32
    %dma_start3A_1 = arith.constant 0 : i32
    %dma_start3A_2 = arith.constant 0 : i32
    %dma_start3A_3 = tpu.memref_slice %arg5[%dma_start3A, %dma_start3A_1, %dma_start3A_2] : memref<4x5x128xi32, #tpu.memory_space<vmem>> -> memref<1x5x128xi32, #tpu.memory_space<vmem>>
    %dma_start3A_4 = tpu.memref_squeeze %dma_start3A_3 : memref<1x5x128xi32, #tpu.memory_space<vmem>> -> memref<5x128xi32, #tpu.memory_space<vmem>>
    %dma_start3A_5 = arith.constant 0 : i32
    %dma_start3A_6 = arith.constant 0 : i32
    %dma_start3A_7 = tpu.memref_slice %arg2[%add3A, %dma_start3A_5, %dma_start3A_6] : memref<32x200x128xi32, #tpu.memory_space<hbm>> -> memref<1x200x128xi32, #tpu.memory_space<hbm>>
    %dma_start3A_8 = tpu.memref_squeeze %dma_start3A_7 : memref<1x200x128xi32, #tpu.memory_space<hbm>> -> memref<200x128xi32, #tpu.memory_space<hbm>>
    %dma_start3A_9 = arith.constant 0 : i32
    %dma_start3A_10 = arith.constant 0 : i32
    %dma_start3A_11 = tpu.memref_slice %dma_start3A_8[%dma_start3A_9, %dma_start3A_10] : memref<200x128xi32, #tpu.memory_space<hbm>> -> memref<5x128xi32, #tpu.memory_space<hbm>>
    %dma_start3A_12 = arith.constant 0 : i32
    %dma_start3A_13 = arith.constant 0 : i32
    %dma_start3A_14 = tpu.memref_slice %arg5[%dma_start3A, %dma_start3A_12, %dma_start3A_13] : memref<4x5x128xi32, #tpu.memory_space<vmem>> -> memref<1x5x128xi32, #tpu.memory_space<vmem>>
    %dma_start3A_15 = tpu.memref_squeeze %dma_start3A_14 : memref<1x5x128xi32, #tpu.memory_space<vmem>> -> memref<5x128xi32, #tpu.memory_space<vmem>>
    %dma_start3A_16 = arith.constant 0 : i32
    %dma_start3A_17 = arith.constant 0 : i32
    %dma_start3A_18 = tpu.memref_slice %arg2[%add3A, %dma_start3A_16, %dma_start3A_17] : memref<32x200x128xi32, #tpu.memory_space<hbm>> -> memref<1x200x128xi32, #tpu.memory_space<hbm>>
    %dma_start3A_19 = tpu.memref_squeeze %dma_start3A_18 : memref<1x200x128xi32, #tpu.memory_space<hbm>> -> memref<200x128xi32, #tpu.memory_space<hbm>>
    %dma_start3A_20 = arith.constant 0 : i32
    %dma_start3A_21 = arith.constant 0 : i32
    %dma_start3A_22 = tpu.memref_slice %dma_start3A_19[%dma_start3A_20, %dma_start3A_21] : memref<200x128xi32, #tpu.memory_space<hbm>> -> memref<5x128xi32, #tpu.memory_space<hbm>>
    tpu.enqueue_dma source(%dma_start3A_22 : memref<5x128xi32, #tpu.memory_space<hbm>>) target(%dma_start3A_15 : memref<5x128xi32, #tpu.memory_space<vmem>>) target_semaphore(%arg7 : memref<!tpu.dma_semaphore, #tpu.memory_space<semaphore_mem>>)
    %dma_start3A_23 = arith.constant 1 : i32
    %dma_start3A_24 = arith.constant 0 : i32
    %dma_start3A_25 = arith.constant 0 : i32
    %dma_start3A_26 = tpu.memref_slice %arg5[%dma_start3A_23, %dma_start3A_24, %dma_start3A_25] : memref<4x5x128xi32, #tpu.memory_space<vmem>> -> memref<1x5x128xi32, #tpu.memory_space<vmem>>
    %dma_start3A_27 = tpu.memref_squeeze %dma_start3A_26 : memref<1x5x128xi32, #tpu.memory_space<vmem>> -> memref<5x128xi32, #tpu.memory_space<vmem>>
    %dma_start3A_28 = arith.constant 0 : i32
    %dma_start3A_29 = arith.constant 0 : i32
    %dma_start3A_30 = tpu.memref_slice %arg2[%add3A, %dma_start3A_28, %dma_start3A_29] : memref<32x200x128xi32, #tpu.memory_space<hbm>> -> memref<1x200x128xi32, #tpu.memory_space<hbm>>
    %dma_start3A_31 = tpu.memref_squeeze %dma_start3A_30 : memref<1x200x128xi32, #tpu.memory_space<hbm>> -> memref<200x128xi32, #tpu.memory_space<hbm>>
    %dma_start3A_32 = arith.constant 5 : i32
    %dma_start3A_33 = arith.constant 0 : i32
    %dma_start3A_34 = tpu.memref_slice %dma_start3A_31[%dma_start3A_32, %dma_start3A_33] : memref<200x128xi32, #tpu.memory_space<hbm>> -> memref<5x128xi32, #tpu.memory_space<hbm>>
    %dma_start3A_35 = arith.constant 0 : i32
    %dma_start3A_36 = arith.constant 0 : i32
    %dma_start3A_37 = tpu.memref_slice %arg5[%dma_start3A_23, %dma_start3A_35, %dma_start3A_36] : memref<4x5x128xi32, #tpu.memory_space<vmem>> -> memref<1x5x128xi32, #tpu.memory_space<vmem>>
    %dma_start3A_38 = tpu.memref_squeeze %dma_start3A_37 : memref<1x5x128xi32, #tpu.memory_space<vmem>> -> memref<5x128xi32, #tpu.memory_space<vmem>>
    %dma_start3A_39 = arith.constant 0 : i32
    %dma_start3A_40 = arith.constant 0 : i32
    %dma_start3A_41 = tpu.memref_slice %arg2[%add3A, %dma_start3A_39, %dma_start3A_40] : memref<32x200x128xi32, #tpu.memory_space<hbm>> -> memref<1x200x128xi32, #tpu.memory_space<hbm>>
    %dma_start3A_42 = tpu.memref_squeeze %dma_start3A_41 : memref<1x200x128xi32, #tpu.memory_space<hbm>> -> memref<200x128xi32, #tpu.memory_space<hbm>>
    %dma_start3A_43 = arith.constant 5 : i32
    %dma_start3A_44 = arith.constant 0 : i32
    %dma_start3A_45 = tpu.memref_slice %dma_start3A_42[%dma_start3A_43, %dma_start3A_44] : memref<200x128xi32, #tpu.memory_space<hbm>> -> memref<5x128xi32, #tpu.memory_space<hbm>>
    tpu.enqueue_dma source(%dma_start3A_45 : memref<5x128xi32, #tpu.memory_space<hbm>>) target(%dma_start3A_38 : memref<5x128xi32, #tpu.memory_space<vmem>>) target_semaphore(%arg8 : memref<!tpu.dma_semaphore, #tpu.memory_space<semaphore_mem>>)
    %dma_start3A_46 = arith.constant 2 : i32
    %dma_start3A_47 = arith.constant 0 : i32
    %dma_start3A_48 = arith.constant 0 : i32
    %dma_start3A_49 = tpu.memref_slice %arg5[%dma_start3A_46, %dma_start3A_47, %dma_start3A_48] : memref<4x5x128xi32, #tpu.memory_space<vmem>> -> memref<1x5x128xi32, #tpu.memory_space<vmem>>
    %dma_start3A_50 = tpu.memref_squeeze %dma_start3A_49 : memref<1x5x128xi32, #tpu.memory_space<vmem>> -> memref<5x128xi32, #tpu.memory_space<vmem>>
    %dma_start3A_51 = arith.constant 0 : i32
    %dma_start3A_52 = arith.constant 0 : i32
    %dma_start3A_53 = tpu.memref_slice %arg2[%add3A, %dma_start3A_51, %dma_start3A_52] : memref<32x200x128xi32, #tpu.memory_space<hbm>> -> memref<1x200x128xi32, #tpu.memory_space<hbm>>
    %dma_start3A_54 = tpu.memref_squeeze %dma_start3A_53 : memref<1x200x128xi32, #tpu.memory_space<hbm>> -> memref<200x128xi32, #tpu.memory_space<hbm>>
    %dma_start3A_55 = arith.constant 10 : i32
    %dma_start3A_56 = arith.constant 0 : i32
    %dma_start3A_57 = tpu.memref_slice %dma_start3A_54[%dma_start3A_55, %dma_start3A_56] : memref<200x128xi32, #tpu.memory_space<hbm>> -> memref<5x128xi32, #tpu.memory_space<hbm>>
    %dma_start3A_58 = arith.constant 0 : i32
    %dma_start3A_59 = arith.constant 0 : i32
    %dma_start3A_60 = tpu.memref_slice %arg5[%dma_start3A_46, %dma_start3A_58, %dma_start3A_59] : memref<4x5x128xi32, #tpu.memory_space<vmem>> -> memref<1x5x128xi32, #tpu.memory_space<vmem>>
    %dma_start3A_61 = tpu.memref_squeeze %dma_start3A_60 : memref<1x5x128xi32, #tpu.memory_space<vmem>> -> memref<5x128xi32, #tpu.memory_space<vmem>>
    %dma_start3A_62 = arith.constant 0 : i32
    %dma_start3A_63 = arith.constant 0 : i32
    %dma_start3A_64 = tpu.memref_slice %arg2[%add3A, %dma_start3A_62, %dma_start3A_63] : memref<32x200x128xi32, #tpu.memory_space<hbm>> -> memref<1x200x128xi32, #tpu.memory_space<hbm>>
    %dma_start3A_65 = tpu.memref_squeeze %dma_start3A_64 : memref<1x200x128xi32, #tpu.memory_space<hbm>> -> memref<200x128xi32, #tpu.memory_space<hbm>>
    %dma_start3A_66 = arith.constant 10 : i32
    %dma_start3A_67 = arith.constant 0 : i32
    %dma_start3A_68 = tpu.memref_slice %dma_start3A_65[%dma_start3A_66, %dma_start3A_67] : memref<200x128xi32, #tpu.memory_space<hbm>> -> memref<5x128xi32, #tpu.memory_space<hbm>>
    tpu.enqueue_dma source(%dma_start3A_68 : memref<5x128xi32, #tpu.memory_space<hbm>>) target(%dma_start3A_61 : memref<5x128xi32, #tpu.memory_space<vmem>>) target_semaphore(%arg9 : memref<!tpu.dma_semaphore, #tpu.memory_space<semaphore_mem>>)
    %dma_start3A_69 = arith.constant 3 : i32
    %dma_start3A_70 = arith.constant 0 : i32
    %dma_start3A_71 = arith.constant 0 : i32
    %dma_start3A_72 = tpu.memref_slice %arg5[%dma_start3A_69, %dma_start3A_70, %dma_start3A_71] : memref<4x5x128xi32, #tpu.memory_space<vmem>> -> memref<1x5x128xi32, #tpu.memory_space<vmem>>
    %dma_start3A_73 = tpu.memref_squeeze %dma_start3A_72 : memref<1x5x128xi32, #tpu.memory_space<vmem>> -> memref<5x128xi32, #tpu.memory_space<vmem>>
    %dma_start3A_74 = arith.constant 0 : i32
    %dma_start3A_75 = arith.constant 0 : i32
    %dma_start3A_76 = tpu.memref_slice %arg2[%add3A, %dma_start3A_74, %dma_start3A_75] : memref<32x200x128xi32, #tpu.memory_space<hbm>> -> memref<1x200x128xi32, #tpu.memory_space<hbm>>
    %dma_start3A_77 = tpu.memref_squeeze %dma_start3A_76 : memref<1x200x128xi32, #tpu.memory_space<hbm>> -> memref<200x128xi32, #tpu.memory_space<hbm>>
    %dma_start3A_78 = arith.constant 15 : i32
    %dma_start3A_79 = arith.constant 0 : i32
    %dma_start3A_80 = tpu.memref_slice %dma_start3A_77[%dma_start3A_78, %dma_start3A_79] : memref<200x128xi32, #tpu.memory_space<hbm>> -> memref<5x128xi32, #tpu.memory_space<hbm>>
    %dma_start3A_81 = arith.constant 0 : i32
    %dma_start3A_82 = arith.constant 0 : i32
    %dma_start3A_83 = tpu.memref_slice %arg5[%dma_start3A_69, %dma_start3A_81, %dma_start3A_82] : memref<4x5x128xi32, #tpu.memory_space<vmem>> -> memref<1x5x128xi32, #tpu.memory_space<vmem>>
    %dma_start3A_84 = tpu.memref_squeeze %dma_start3A_83 : memref<1x5x128xi32, #tpu.memory_space<vmem>> -> memref<5x128xi32, #tpu.memory_space<vmem>>
    %dma_start3A_85 = arith.constant 0 : i32
    %dma_start3A_86 = arith.constant 0 : i32
    %dma_start3A_87 = tpu.memref_slice %arg2[%add3A, %dma_start3A_85, %dma_start3A_86] : memref<32x200x128xi32, #tpu.memory_space<hbm>> -> memref<1x200x128xi32, #tpu.memory_space<hbm>>
    %dma_start3A_88 = tpu.memref_squeeze %dma_start3A_87 : memref<1x200x128xi32, #tpu.memory_space<hbm>> -> memref<200x128xi32, #tpu.memory_space<hbm>>
    %dma_start3A_89 = arith.constant 15 : i32
    %dma_start3A_90 = arith.constant 0 : i32
    %dma_start3A_91 = tpu.memref_slice %dma_start3A_88[%dma_start3A_89, %dma_start3A_90] : memref<200x128xi32, #tpu.memory_space<hbm>> -> memref<5x128xi32, #tpu.memory_space<hbm>>
    tpu.enqueue_dma source(%dma_start3A_91 : memref<5x128xi32, #tpu.memory_space<hbm>>) target(%dma_start3A_84 : memref<5x128xi32, #tpu.memory_space<vmem>>) target_semaphore(%arg10 : memref<!tpu.dma_semaphore, #tpu.memory_space<semaphore_mem>>)
    %dma_wait3A = arith.constant 0 : i32
    %dma_wait3A_92 = arith.constant 0 : i32
    %dma_wait3A_93 = arith.constant 0 : i32
    %dma_wait3A_94 = tpu.memref_slice %arg5[%dma_wait3A, %dma_wait3A_92, %dma_wait3A_93] : memref<4x5x128xi32, #tpu.memory_space<vmem>> -> memref<1x5x128xi32, #tpu.memory_space<vmem>>
    %dma_wait3A_95 = tpu.memref_squeeze %dma_wait3A_94 : memref<1x5x128xi32, #tpu.memory_space<vmem>> -> memref<5x128xi32, #tpu.memory_space<vmem>>
    %dma_wait3A_96 = arith.constant 0 : i32
    %dma_wait3A_97 = arith.constant 0 : i32
    %dma_wait3A_98 = tpu.memref_slice %arg2[%add3A, %dma_wait3A_96, %dma_wait3A_97] : memref<32x200x128xi32, #tpu.memory_space<hbm>> -> memref<1x200x128xi32, #tpu.memory_space<hbm>>
    %dma_wait3A_99 = tpu.memref_squeeze %dma_wait3A_98 : memref<1x200x128xi32, #tpu.memory_space<hbm>> -> memref<200x128xi32, #tpu.memory_space<hbm>>
    %dma_wait3A_100 = arith.constant 0 : i32
    %dma_wait3A_101 = arith.constant 0 : i32
    %dma_wait3A_102 = tpu.memref_slice %dma_wait3A_99[%dma_wait3A_100, %dma_wait3A_101] : memref<200x128xi32, #tpu.memory_space<hbm>> -> memref<5x128xi32, #tpu.memory_space<hbm>>
    %dma_wait3A_103 = arith.constant 0 : i32
    %dma_wait3A_104 = arith.constant 0 : i32
    %dma_wait3A_105 = tpu.memref_slice %arg5[%dma_wait3A, %dma_wait3A_103, %dma_wait3A_104] : memref<4x5x128xi32, #tpu.memory_space<vmem>> -> memref<1x5x128xi32, #tpu.memory_space<vmem>>
    %dma_wait3A_106 = tpu.memref_squeeze %dma_wait3A_105 : memref<1x5x128xi32, #tpu.memory_space<vmem>> -> memref<5x128xi32, #tpu.memory_space<vmem>>
    %dma_wait3A_107 = arith.constant 0 : i32
    %dma_wait3A_108 = arith.constant 0 : i32
    %dma_wait3A_109 = tpu.memref_slice %arg2[%add3A, %dma_wait3A_107, %dma_wait3A_108] : memref<32x200x128xi32, #tpu.memory_space<hbm>> -> memref<1x200x128xi32, #tpu.memory_space<hbm>>
    %dma_wait3A_110 = tpu.memref_squeeze %dma_wait3A_109 : memref<1x200x128xi32, #tpu.memory_space<hbm>> -> memref<200x128xi32, #tpu.memory_space<hbm>>
    %dma_wait3A_111 = arith.constant 0 : i32
    %dma_wait3A_112 = arith.constant 0 : i32
    %dma_wait3A_113 = tpu.memref_slice %dma_wait3A_110[%dma_wait3A_111, %dma_wait3A_112] : memref<200x128xi32, #tpu.memory_space<hbm>> -> memref<5x128xi32, #tpu.memory_space<hbm>>
    tpu.wait_dma2 semaphore(%arg7 : memref<!tpu.dma_semaphore, #tpu.memory_space<semaphore_mem>>) src(%dma_wait3A_113 : memref<5x128xi32, #tpu.memory_space<hbm>>) dst(%dma_wait3A_106 : memref<5x128xi32, #tpu.memory_space<vmem>>)
    %dma_start3A_114 = arith.constant 0 : i32
    %dma_start3A_115 = arith.constant 0 : i32
    %dma_start3A_116 = arith.constant 0 : i32
    %dma_start3A_117 = arith.constant 0 : i32
    %dma_start3A_118 = arith.constant 0 : i32
    %dma_start3A_119 = arith.constant 0 : i32
    %dma_start3A_120 = arith.constant 0 : i32
    %dma_start3A_121 = tpu.memref_slice %arg6[%dma_start3A_116, %dma_start3A_118, %dma_start3A_119, %dma_start3A_120] : memref<4x5x128x32xf32, #tpu.memory_space<vmem>> -> memref<1x5x128x32xf32, #tpu.memory_space<vmem>>
    %dma_start3A_122 = tpu.memref_squeeze %dma_start3A_121 : memref<1x5x128x32xf32, #tpu.memory_space<vmem>> -> memref<5x128x32xf32, #tpu.memory_space<vmem>>
    %dma_start3A_123 = arith.constant 0 : i32
    %dma_start3A_124 = arith.constant 0 : i32
    %dma_start3A_125 = tpu.memref_slice %dma_start3A_122[%dma_start3A_117, %dma_start3A_123, %dma_start3A_124] : memref<5x128x32xf32, #tpu.memory_space<vmem>> -> memref<1x128x32xf32, #tpu.memory_space<vmem>>
    %dma_start3A_126 = tpu.memref_squeeze %dma_start3A_125 : memref<1x128x32xf32, #tpu.memory_space<vmem>> -> memref<128x32xf32, #tpu.memory_space<vmem>>
    %dma_start3A_127 = arith.constant 0 : i32
    %dma_start3A_128 = arith.constant 0 : i32
    %dma_start3A_129 = tpu.memref_slice %arg5[%dma_start3A_114, %dma_start3A_127, %dma_start3A_128] : memref<4x5x128xi32, #tpu.memory_space<vmem>> -> memref<1x5x128xi32, #tpu.memory_space<vmem>>
    %dma_start3A_130 = tpu.memref_squeeze %dma_start3A_129 : memref<1x5x128xi32, #tpu.memory_space<vmem>> -> memref<5x128xi32, #tpu.memory_space<vmem>>
    %dma_start3A_131 = arith.constant 0 : i32
    %dma_start3A_132 = tpu.memref_slice %dma_start3A_130[%dma_start3A_115, %dma_start3A_131] : memref<5x128xi32, #tpu.memory_space<vmem>> -> memref<1x128xi32, #tpu.memory_space<vmem>>
    %dma_start3A_133 = tpu.memref_squeeze %dma_start3A_132 : memref<1x128xi32, #tpu.memory_space<vmem>> -> memref<128xi32, #tpu.memory_space<vmem>>
    %dma_start3A_134 = arith.constant 0 : i32
    %dma_start3A_135 = arith.constant 0 : i32
    %dma_start3A_136 = tpu.memref_slice %arg3[%dma_start3A_134, %dma_start3A_135] : memref<1000000x32xf32, #tpu.memory_space<hbm>> -> memref<1000000x32xf32, #tpu.memory_space<hbm>>
    tpu.enqueue_indirect_dma source(%dma_start3A_136 : memref<1000000x32xf32, #tpu.memory_space<hbm>>) target(%dma_start3A_126 : memref<128x32xf32, #tpu.memory_space<vmem>>) offsets(%dma_start3A_133 : memref<128xi32, #tpu.memory_space<vmem>>) semaphore(%arg11 : memref<!tpu.dma_semaphore, #tpu.memory_space<semaphore_mem>>)
    %dma_start3A_137 = arith.constant 0 : i32
    %dma_start3A_138 = arith.constant 1 : i32
    %dma_start3A_139 = arith.constant 0 : i32
    %dma_start3A_140 = arith.constant 1 : i32
    %dma_start3A_141 = arith.constant 0 : i32
    %dma_start3A_142 = arith.constant 0 : i32
    %dma_start3A_143 = arith.constant 0 : i32
    %dma_start3A_144 = tpu.memref_slice %arg6[%dma_start3A_139, %dma_start3A_141, %dma_start3A_142, %dma_start3A_143] : memref<4x5x128x32xf32, #tpu.memory_space<vmem>> -> memref<1x5x128x32xf32, #tpu.memory_space<vmem>>
    %dma_start3A_145 = tpu.memref_squeeze %dma_start3A_144 : memref<1x5x128x32xf32, #tpu.memory_space<vmem>> -> memref<5x128x32xf32, #tpu.memory_space<vmem>>
    %dma_start3A_146 = arith.constant 0 : i32
    %dma_start3A_147 = arith.constant 0 : i32
    %dma_start3A_148 = tpu.memref_slice %dma_start3A_145[%dma_start3A_140, %dma_start3A_146, %dma_start3A_147] : memref<5x128x32xf32, #tpu.memory_space<vmem>> -> memref<1x128x32xf32, #tpu.memory_space<vmem>>
    %dma_start3A_149 = tpu.memref_squeeze %dma_start3A_148 : memref<1x128x32xf32, #tpu.memory_space<vmem>> -> memref<128x32xf32, #tpu.memory_space<vmem>>
    %dma_start3A_150 = arith.constant 0 : i32
    %dma_start3A_151 = arith.constant 0 : i32
    %dma_start3A_152 = tpu.memref_slice %arg5[%dma_start3A_137, %dma_start3A_150, %dma_start3A_151] : memref<4x5x128xi32, #tpu.memory_space<vmem>> -> memref<1x5x128xi32, #tpu.memory_space<vmem>>
    %dma_start3A_153 = tpu.memref_squeeze %dma_start3A_152 : memref<1x5x128xi32, #tpu.memory_space<vmem>> -> memref<5x128xi32, #tpu.memory_space<vmem>>
    %dma_start3A_154 = arith.constant 0 : i32
    %dma_start3A_155 = tpu.memref_slice %dma_start3A_153[%dma_start3A_138, %dma_start3A_154] : memref<5x128xi32, #tpu.memory_space<vmem>> -> memref<1x128xi32, #tpu.memory_space<vmem>>
    %dma_start3A_156 = tpu.memref_squeeze %dma_start3A_155 : memref<1x128xi32, #tpu.memory_space<vmem>> -> memref<128xi32, #tpu.memory_space<vmem>>
    %dma_start3A_157 = arith.constant 0 : i32
    %dma_start3A_158 = arith.constant 0 : i32
    %dma_start3A_159 = tpu.memref_slice %arg3[%dma_start3A_157, %dma_start3A_158] : memref<1000000x32xf32, #tpu.memory_space<hbm>> -> memref<1000000x32xf32, #tpu.memory_space<hbm>>
    tpu.enqueue_indirect_dma source(%dma_start3A_159 : memref<1000000x32xf32, #tpu.memory_space<hbm>>) target(%dma_start3A_149 : memref<128x32xf32, #tpu.memory_space<vmem>>) offsets(%dma_start3A_156 : memref<128xi32, #tpu.memory_space<vmem>>) semaphore(%arg11 : memref<!tpu.dma_semaphore, #tpu.memory_space<semaphore_mem>>)
    %dma_start3A_160 = arith.constant 0 : i32
    %dma_start3A_161 = arith.constant 2 : i32
    %dma_start3A_162 = arith.constant 0 : i32
    %dma_start3A_163 = arith.constant 2 : i32
    %dma_start3A_164 = arith.constant 0 : i32
    %dma_start3A_165 = arith.constant 0 : i32
    %dma_start3A_166 = arith.constant 0 : i32
    %dma_start3A_167 = tpu.memref_slice %arg6[%dma_start3A_162, %dma_start3A_164, %dma_start3A_165, %dma_start3A_166] : memref<4x5x128x32xf32, #tpu.memory_space<vmem>> -> memref<1x5x128x32xf32, #tpu.memory_space<vmem>>
    %dma_start3A_168 = tpu.memref_squeeze %dma_start3A_167 : memref<1x5x128x32xf32, #tpu.memory_space<vmem>> -> memref<5x128x32xf32, #tpu.memory_space<vmem>>
    %dma_start3A_169 = arith.constant 0 : i32
    %dma_start3A_170 = arith.constant 0 : i32
    %dma_start3A_171 = tpu.memref_slice %dma_start3A_168[%dma_start3A_163, %dma_start3A_169, %dma_start3A_170] : memref<5x128x32xf32, #tpu.memory_space<vmem>> -> memref<1x128x32xf32, #tpu.memory_space<vmem>>
    %dma_start3A_172 = tpu.memref_squeeze %dma_start3A_171 : memref<1x128x32xf32, #tpu.memory_space<vmem>> -> memref<128x32xf32, #tpu.memory_space<vmem>>
    %dma_start3A_173 = arith.constant 0 : i32
    %dma_start3A_174 = arith.constant 0 : i32
    %dma_start3A_175 = tpu.memref_slice %arg5[%dma_start3A_160, %dma_start3A_173, %dma_start3A_174] : memref<4x5x128xi32, #tpu.memory_space<vmem>> -> memref<1x5x128xi32, #tpu.memory_space<vmem>>
    %dma_start3A_176 = tpu.memref_squeeze %dma_start3A_175 : memref<1x5x128xi32, #tpu.memory_space<vmem>> -> memref<5x128xi32, #tpu.memory_space<vmem>>
    %dma_start3A_177 = arith.constant 0 : i32
    %dma_start3A_178 = tpu.memref_slice %dma_start3A_176[%dma_start3A_161, %dma_start3A_177] : memref<5x128xi32, #tpu.memory_space<vmem>> -> memref<1x128xi32, #tpu.memory_space<vmem>>
    %dma_start3A_179 = tpu.memref_squeeze %dma_start3A_178 : memref<1x128xi32, #tpu.memory_space<vmem>> -> memref<128xi32, #tpu.memory_space<vmem>>
    %dma_start3A_180 = arith.constant 0 : i32
    %dma_start3A_181 = arith.constant 0 : i32
    %dma_start3A_182 = tpu.memref_slice %arg3[%dma_start3A_180, %dma_start3A_181] : memref<1000000x32xf32, #tpu.memory_space<hbm>> -> memref<1000000x32xf32, #tpu.memory_space<hbm>>
    tpu.enqueue_indirect_dma source(%dma_start3A_182 : memref<1000000x32xf32, #tpu.memory_space<hbm>>) target(%dma_start3A_172 : memref<128x32xf32, #tpu.memory_space<vmem>>) offsets(%dma_start3A_179 : memref<128xi32, #tpu.memory_space<vmem>>) semaphore(%arg11 : memref<!tpu.dma_semaphore, #tpu.memory_space<semaphore_mem>>)
    %dma_start3A_183 = arith.constant 0 : i32
    %dma_start3A_184 = arith.constant 3 : i32
    %dma_start3A_185 = arith.constant 0 : i32
    %dma_start3A_186 = arith.constant 3 : i32
    %dma_start3A_187 = arith.constant 0 : i32
    %dma_start3A_188 = arith.constant 0 : i32
    %dma_start3A_189 = arith.constant 0 : i32
    %dma_start3A_190 = tpu.memref_slice %arg6[%dma_start3A_185, %dma_start3A_187, %dma_start3A_188, %dma_start3A_189] : memref<4x5x128x32xf32, #tpu.memory_space<vmem>> -> memref<1x5x128x32xf32, #tpu.memory_space<vmem>>
    %dma_start3A_191 = tpu.memref_squeeze %dma_start3A_190 : memref<1x5x128x32xf32, #tpu.memory_space<vmem>> -> memref<5x128x32xf32, #tpu.memory_space<vmem>>
    %dma_start3A_192 = arith.constant 0 : i32
    %dma_start3A_193 = arith.constant 0 : i32
    %dma_start3A_194 = tpu.memref_slice %dma_start3A_191[%dma_start3A_186, %dma_start3A_192, %dma_start3A_193] : memref<5x128x32xf32, #tpu.memory_space<vmem>> -> memref<1x128x32xf32, #tpu.memory_space<vmem>>
    %dma_start3A_195 = tpu.memref_squeeze %dma_start3A_194 : memref<1x128x32xf32, #tpu.memory_space<vmem>> -> memref<128x32xf32, #tpu.memory_space<vmem>>
    %dma_start3A_196 = arith.constant 0 : i32
    %dma_start3A_197 = arith.constant 0 : i32
    %dma_start3A_198 = tpu.memref_slice %arg5[%dma_start3A_183, %dma_start3A_196, %dma_start3A_197] : memref<4x5x128xi32, #tpu.memory_space<vmem>> -> memref<1x5x128xi32, #tpu.memory_space<vmem>>
    %dma_start3A_199 = tpu.memref_squeeze %dma_start3A_198 : memref<1x5x128xi32, #tpu.memory_space<vmem>> -> memref<5x128xi32, #tpu.memory_space<vmem>>
    %dma_start3A_200 = arith.constant 0 : i32
    %dma_start3A_201 = tpu.memref_slice %dma_start3A_199[%dma_start3A_184, %dma_start3A_200] : memref<5x128xi32, #tpu.memory_space<vmem>> -> memref<1x128xi32, #tpu.memory_space<vmem>>
    %dma_start3A_202 = tpu.memref_squeeze %dma_start3A_201 : memref<1x128xi32, #tpu.memory_space<vmem>> -> memref<128xi32, #tpu.memory_space<vmem>>
    %dma_start3A_203 = arith.constant 0 : i32
    %dma_start3A_204 = arith.constant 0 : i32
    %dma_start3A_205 = tpu.memref_slice %arg3[%dma_start3A_203, %dma_start3A_204] : memref<1000000x32xf32, #tpu.memory_space<hbm>> -> memref<1000000x32xf32, #tpu.memory_space<hbm>>
    tpu.enqueue_indirect_dma source(%dma_start3A_205 : memref<1000000x32xf32, #tpu.memory_space<hbm>>) target(%dma_start3A_195 : memref<128x32xf32, #tpu.memory_space<vmem>>) offsets(%dma_start3A_202 : memref<128xi32, #tpu.memory_space<vmem>>) semaphore(%arg11 : memref<!tpu.dma_semaphore, #tpu.memory_space<semaphore_mem>>)
    %dma_start3A_206 = arith.constant 0 : i32
    %dma_start3A_207 = arith.constant 4 : i32
    %dma_start3A_208 = arith.constant 0 : i32
    %dma_start3A_209 = arith.constant 4 : i32
    %dma_start3A_210 = arith.constant 0 : i32
    %dma_start3A_211 = arith.constant 0 : i32
    %dma_start3A_212 = arith.constant 0 : i32
    %dma_start3A_213 = tpu.memref_slice %arg6[%dma_start3A_208, %dma_start3A_210, %dma_start3A_211, %dma_start3A_212] : memref<4x5x128x32xf32, #tpu.memory_space<vmem>> -> memref<1x5x128x32xf32, #tpu.memory_space<vmem>>
    %dma_start3A_214 = tpu.memref_squeeze %dma_start3A_213 : memref<1x5x128x32xf32, #tpu.memory_space<vmem>> -> memref<5x128x32xf32, #tpu.memory_space<vmem>>
    %dma_start3A_215 = arith.constant 0 : i32
    %dma_start3A_216 = arith.constant 0 : i32
    %dma_start3A_217 = tpu.memref_slice %dma_start3A_214[%dma_start3A_209, %dma_start3A_215, %dma_start3A_216] : memref<5x128x32xf32, #tpu.memory_space<vmem>> -> memref<1x128x32xf32, #tpu.memory_space<vmem>>
    %dma_start3A_218 = tpu.memref_squeeze %dma_start3A_217 : memref<1x128x32xf32, #tpu.memory_space<vmem>> -> memref<128x32xf32, #tpu.memory_space<vmem>>
    %dma_start3A_219 = arith.constant 0 : i32
    %dma_start3A_220 = arith.constant 0 : i32
    %dma_start3A_221 = tpu.memref_slice %arg5[%dma_start3A_206, %dma_start3A_219, %dma_start3A_220] : memref<4x5x128xi32, #tpu.memory_space<vmem>> -> memref<1x5x128xi32, #tpu.memory_space<vmem>>
    %dma_start3A_222 = tpu.memref_squeeze %dma_start3A_221 : memref<1x5x128xi32, #tpu.memory_space<vmem>> -> memref<5x128xi32, #tpu.memory_space<vmem>>
    %dma_start3A_223 = arith.constant 0 : i32
    %dma_start3A_224 = tpu.memref_slice %dma_start3A_222[%dma_start3A_207, %dma_start3A_223] : memref<5x128xi32, #tpu.memory_space<vmem>> -> memref<1x128xi32, #tpu.memory_space<vmem>>
    %dma_start3A_225 = tpu.memref_squeeze %dma_start3A_224 : memref<1x128xi32, #tpu.memory_space<vmem>> -> memref<128xi32, #tpu.memory_space<vmem>>
    %dma_start3A_226 = arith.constant 0 : i32
    %dma_start3A_227 = arith.constant 0 : i32
    %dma_start3A_228 = tpu.memref_slice %arg3[%dma_start3A_226, %dma_start3A_227] : memref<1000000x32xf32, #tpu.memory_space<hbm>> -> memref<1000000x32xf32, #tpu.memory_space<hbm>>
    tpu.enqueue_indirect_dma source(%dma_start3A_228 : memref<1000000x32xf32, #tpu.memory_space<hbm>>) target(%dma_start3A_218 : memref<128x32xf32, #tpu.memory_space<vmem>>) offsets(%dma_start3A_225 : memref<128xi32, #tpu.memory_space<vmem>>) semaphore(%arg11 : memref<!tpu.dma_semaphore, #tpu.memory_space<semaphore_mem>>)
    %dma_wait3A_229 = arith.constant 1 : i32
    %dma_wait3A_230 = arith.constant 0 : i32
    %dma_wait3A_231 = arith.constant 0 : i32
    %dma_wait3A_232 = tpu.memref_slice %arg5[%dma_wait3A_229, %dma_wait3A_230, %dma_wait3A_231] : memref<4x5x128xi32, #tpu.memory_space<vmem>> -> memref<1x5x128xi32, #tpu.memory_space<vmem>>
    %dma_wait3A_233 = tpu.memref_squeeze %dma_wait3A_232 : memref<1x5x128xi32, #tpu.memory_space<vmem>> -> memref<5x128xi32, #tpu.memory_space<vmem>>
    %dma_wait3A_234 = arith.constant 0 : i32
    %dma_wait3A_235 = arith.constant 0 : i32
    %dma_wait3A_236 = tpu.memref_slice %arg2[%add3A, %dma_wait3A_234, %dma_wait3A_235] : memref<32x200x128xi32, #tpu.memory_space<hbm>> -> memref<1x200x128xi32, #tpu.memory_space<hbm>>
    %dma_wait3A_237 = tpu.memref_squeeze %dma_wait3A_236 : memref<1x200x128xi32, #tpu.memory_space<hbm>> -> memref<200x128xi32, #tpu.memory_space<hbm>>
    %dma_wait3A_238 = arith.constant 5 : i32
    %dma_wait3A_239 = arith.constant 0 : i32
    %dma_wait3A_240 = tpu.memref_slice %dma_wait3A_237[%dma_wait3A_238, %dma_wait3A_239] : memref<200x128xi32, #tpu.memory_space<hbm>> -> memref<5x128xi32, #tpu.memory_space<hbm>>
    %dma_wait3A_241 = arith.constant 0 : i32
    %dma_wait3A_242 = arith.constant 0 : i32
    %dma_wait3A_243 = tpu.memref_slice %arg5[%dma_wait3A_229, %dma_wait3A_241, %dma_wait3A_242] : memref<4x5x128xi32, #tpu.memory_space<vmem>> -> memref<1x5x128xi32, #tpu.memory_space<vmem>>
    %dma_wait3A_244 = tpu.memref_squeeze %dma_wait3A_243 : memref<1x5x128xi32, #tpu.memory_space<vmem>> -> memref<5x128xi32, #tpu.memory_space<vmem>>
    %dma_wait3A_245 = arith.constant 0 : i32
    %dma_wait3A_246 = arith.constant 0 : i32
    %dma_wait3A_247 = tpu.memref_slice %arg2[%add3A, %dma_wait3A_245, %dma_wait3A_246] : memref<32x200x128xi32, #tpu.memory_space<hbm>> -> memref<1x200x128xi32, #tpu.memory_space<hbm>>
    %dma_wait3A_248 = tpu.memref_squeeze %dma_wait3A_247 : memref<1x200x128xi32, #tpu.memory_space<hbm>> -> memref<200x128xi32, #tpu.memory_space<hbm>>
    %dma_wait3A_249 = arith.constant 5 : i32
    %dma_wait3A_250 = arith.constant 0 : i32
    %dma_wait3A_251 = tpu.memref_slice %dma_wait3A_248[%dma_wait3A_249, %dma_wait3A_250] : memref<200x128xi32, #tpu.memory_space<hbm>> -> memref<5x128xi32, #tpu.memory_space<hbm>>
    tpu.wait_dma2 semaphore(%arg8 : memref<!tpu.dma_semaphore, #tpu.memory_space<semaphore_mem>>) src(%dma_wait3A_251 : memref<5x128xi32, #tpu.memory_space<hbm>>) dst(%dma_wait3A_244 : memref<5x128xi32, #tpu.memory_space<vmem>>)
    %dma_start3A_252 = arith.constant 1 : i32
    %dma_start3A_253 = arith.constant 0 : i32
    %dma_start3A_254 = arith.constant 1 : i32
    %dma_start3A_255 = arith.constant 0 : i32
    %dma_start3A_256 = arith.constant 0 : i32
    %dma_start3A_257 = arith.constant 0 : i32
    %dma_start3A_258 = arith.constant 0 : i32
    %dma_start3A_259 = tpu.memref_slice %arg6[%dma_start3A_254, %dma_start3A_256, %dma_start3A_257, %dma_start3A_258] : memref<4x5x128x32xf32, #tpu.memory_space<vmem>> -> memref<1x5x128x32xf32, #tpu.memory_space<vmem>>
    %dma_start3A_260 = tpu.memref_squeeze %dma_start3A_259 : memref<1x5x128x32xf32, #tpu.memory_space<vmem>> -> memref<5x128x32xf32, #tpu.memory_space<vmem>>
    %dma_start3A_261 = arith.constant 0 : i32
    %dma_start3A_262 = arith.constant 0 : i32
    %dma_start3A_263 = tpu.memref_slice %dma_start3A_260[%dma_start3A_255, %dma_start3A_261, %dma_start3A_262] : memref<5x128x32xf32, #tpu.memory_space<vmem>> -> memref<1x128x32xf32, #tpu.memory_space<vmem>>
    %dma_start3A_264 = tpu.memref_squeeze %dma_start3A_263 : memref<1x128x32xf32, #tpu.memory_space<vmem>> -> memref<128x32xf32, #tpu.memory_space<vmem>>
    %dma_start3A_265 = arith.constant 0 : i32
    %dma_start3A_266 = arith.constant 0 : i32
    %dma_start3A_267 = tpu.memref_slice %arg5[%dma_start3A_252, %dma_start3A_265, %dma_start3A_266] : memref<4x5x128xi32, #tpu.memory_space<vmem>> -> memref<1x5x128xi32, #tpu.memory_space<vmem>>
    %dma_start3A_268 = tpu.memref_squeeze %dma_start3A_267 : memref<1x5x128xi32, #tpu.memory_space<vmem>> -> memref<5x128xi32, #tpu.memory_space<vmem>>
    %dma_start3A_269 = arith.constant 0 : i32
    %dma_start3A_270 = tpu.memref_slice %dma_start3A_268[%dma_start3A_253, %dma_start3A_269] : memref<5x128xi32, #tpu.memory_space<vmem>> -> memref<1x128xi32, #tpu.memory_space<vmem>>
    %dma_start3A_271 = tpu.memref_squeeze %dma_start3A_270 : memref<1x128xi32, #tpu.memory_space<vmem>> -> memref<128xi32, #tpu.memory_space<vmem>>
    %dma_start3A_272 = arith.constant 0 : i32
    %dma_start3A_273 = arith.constant 0 : i32
    %dma_start3A_274 = tpu.memref_slice %arg3[%dma_start3A_272, %dma_start3A_273] : memref<1000000x32xf32, #tpu.memory_space<hbm>> -> memref<1000000x32xf32, #tpu.memory_space<hbm>>
    tpu.enqueue_indirect_dma source(%dma_start3A_274 : memref<1000000x32xf32, #tpu.memory_space<hbm>>) target(%dma_start3A_264 : memref<128x32xf32, #tpu.memory_space<vmem>>) offsets(%dma_start3A_271 : memref<128xi32, #tpu.memory_space<vmem>>) semaphore(%arg12 : memref<!tpu.dma_semaphore, #tpu.memory_space<semaphore_mem>>)
    %dma_start3A_275 = arith.constant 1 : i32
    %dma_start3A_276 = arith.constant 1 : i32
    %dma_start3A_277 = arith.constant 1 : i32
    %dma_start3A_278 = arith.constant 1 : i32
    %dma_start3A_279 = arith.constant 0 : i32
    %dma_start3A_280 = arith.constant 0 : i32
    %dma_start3A_281 = arith.constant 0 : i32
    %dma_start3A_282 = tpu.memref_slice %arg6[%dma_start3A_277, %dma_start3A_279, %dma_start3A_280, %dma_start3A_281] : memref<4x5x128x32xf32, #tpu.memory_space<vmem>> -> memref<1x5x128x32xf32, #tpu.memory_space<vmem>>
    %dma_start3A_283 = tpu.memref_squeeze %dma_start3A_282 : memref<1x5x128x32xf32, #tpu.memory_space<vmem>> -> memref<5x128x32xf32, #tpu.memory_space<vmem>>
    %dma_start3A_284 = arith.constant 0 : i32
    %dma_start3A_285 = arith.constant 0 : i32
    %dma_start3A_286 = tpu.memref_slice %dma_start3A_283[%dma_start3A_278, %dma_start3A_284, %dma_start3A_285] : memref<5x128x32xf32, #tpu.memory_space<vmem>> -> memref<1x128x32xf32, #tpu.memory_space<vmem>>
    %dma_start3A_287 = tpu.memref_squeeze %dma_start3A_286 : memref<1x128x32xf32, #tpu.memory_space<vmem>> -> memref<128x32xf32, #tpu.memory_space<vmem>>
    %dma_start3A_288 = arith.constant 0 : i32
    %dma_start3A_289 = arith.constant 0 : i32
    %dma_start3A_290 = tpu.memref_slice %arg5[%dma_start3A_275, %dma_start3A_288, %dma_start3A_289] : memref<4x5x128xi32, #tpu.memory_space<vmem>> -> memref<1x5x128xi32, #tpu.memory_space<vmem>>
    %dma_start3A_291 = tpu.memref_squeeze %dma_start3A_290 : memref<1x5x128xi32, #tpu.memory_space<vmem>> -> memref<5x128xi32, #tpu.memory_space<vmem>>
    %dma_start3A_292 = arith.constant 0 : i32
    %dma_start3A_293 = tpu.memref_slice %dma_start3A_291[%dma_start3A_276, %dma_start3A_292] : memref<5x128xi32, #tpu.memory_space<vmem>> -> memref<1x128xi32, #tpu.memory_space<vmem>>
    %dma_start3A_294 = tpu.memref_squeeze %dma_start3A_293 : memref<1x128xi32, #tpu.memory_space<vmem>> -> memref<128xi32, #tpu.memory_space<vmem>>
    %dma_start3A_295 = arith.constant 0 : i32
    %dma_start3A_296 = arith.constant 0 : i32
    %dma_start3A_297 = tpu.memref_slice %arg3[%dma_start3A_295, %dma_start3A_296] : memref<1000000x32xf32, #tpu.memory_space<hbm>> -> memref<1000000x32xf32, #tpu.memory_space<hbm>>
    tpu.enqueue_indirect_dma source(%dma_start3A_297 : memref<1000000x32xf32, #tpu.memory_space<hbm>>) target(%dma_start3A_287 : memref<128x32xf32, #tpu.memory_space<vmem>>) offsets(%dma_start3A_294 : memref<128xi32, #tpu.memory_space<vmem>>) semaphore(%arg12 : memref<!tpu.dma_semaphore, #tpu.memory_space<semaphore_mem>>)
    %dma_start3A_298 = arith.constant 1 : i32
    %dma_start3A_299 = arith.constant 2 : i32
    %dma_start3A_300 = arith.constant 1 : i32
    %dma_start3A_301 = arith.constant 2 : i32
    %dma_start3A_302 = arith.constant 0 : i32
    %dma_start3A_303 = arith.constant 0 : i32
    %dma_start3A_304 = arith.constant 0 : i32
    %dma_start3A_305 = tpu.memref_slice %arg6[%dma_start3A_300, %dma_start3A_302, %dma_start3A_303, %dma_start3A_304] : memref<4x5x128x32xf32, #tpu.memory_space<vmem>> -> memref<1x5x128x32xf32, #tpu.memory_space<vmem>>
    %dma_start3A_306 = tpu.memref_squeeze %dma_start3A_305 : memref<1x5x128x32xf32, #tpu.memory_space<vmem>> -> memref<5x128x32xf32, #tpu.memory_space<vmem>>
    %dma_start3A_307 = arith.constant 0 : i32
    %dma_start3A_308 = arith.constant 0 : i32
    %dma_start3A_309 = tpu.memref_slice %dma_start3A_306[%dma_start3A_301, %dma_start3A_307, %dma_start3A_308] : memref<5x128x32xf32, #tpu.memory_space<vmem>> -> memref<1x128x32xf32, #tpu.memory_space<vmem>>
    %dma_start3A_310 = tpu.memref_squeeze %dma_start3A_309 : memref<1x128x32xf32, #tpu.memory_space<vmem>> -> memref<128x32xf32, #tpu.memory_space<vmem>>
    %dma_start3A_311 = arith.constant 0 : i32
    %dma_start3A_312 = arith.constant 0 : i32
    %dma_start3A_313 = tpu.memref_slice %arg5[%dma_start3A_298, %dma_start3A_311, %dma_start3A_312] : memref<4x5x128xi32, #tpu.memory_space<vmem>> -> memref<1x5x128xi32, #tpu.memory_space<vmem>>
    %dma_start3A_314 = tpu.memref_squeeze %dma_start3A_313 : memref<1x5x128xi32, #tpu.memory_space<vmem>> -> memref<5x128xi32, #tpu.memory_space<vmem>>
    %dma_start3A_315 = arith.constant 0 : i32
    %dma_start3A_316 = tpu.memref_slice %dma_start3A_314[%dma_start3A_299, %dma_start3A_315] : memref<5x128xi32, #tpu.memory_space<vmem>> -> memref<1x128xi32, #tpu.memory_space<vmem>>
    %dma_start3A_317 = tpu.memref_squeeze %dma_start3A_316 : memref<1x128xi32, #tpu.memory_space<vmem>> -> memref<128xi32, #tpu.memory_space<vmem>>
    %dma_start3A_318 = arith.constant 0 : i32
    %dma_start3A_319 = arith.constant 0 : i32
    %dma_start3A_320 = tpu.memref_slice %arg3[%dma_start3A_318, %dma_start3A_319] : memref<1000000x32xf32, #tpu.memory_space<hbm>> -> memref<1000000x32xf32, #tpu.memory_space<hbm>>
    tpu.enqueue_indirect_dma source(%dma_start3A_320 : memref<1000000x32xf32, #tpu.memory_space<hbm>>) target(%dma_start3A_310 : memref<128x32xf32, #tpu.memory_space<vmem>>) offsets(%dma_start3A_317 : memref<128xi32, #tpu.memory_space<vmem>>) semaphore(%arg12 : memref<!tpu.dma_semaphore, #tpu.memory_space<semaphore_mem>>)
    %dma_start3A_321 = arith.constant 1 : i32
    %dma_start3A_322 = arith.constant 3 : i32
    %dma_start3A_323 = arith.constant 1 : i32
    %dma_start3A_324 = arith.constant 3 : i32
    %dma_start3A_325 = arith.constant 0 : i32
    %dma_start3A_326 = arith.constant 0 : i32
    %dma_start3A_327 = arith.constant 0 : i32
    %dma_start3A_328 = tpu.memref_slice %arg6[%dma_start3A_323, %dma_start3A_325, %dma_start3A_326, %dma_start3A_327] : memref<4x5x128x32xf32, #tpu.memory_space<vmem>> -> memref<1x5x128x32xf32, #tpu.memory_space<vmem>>
    %dma_start3A_329 = tpu.memref_squeeze %dma_start3A_328 : memref<1x5x128x32xf32, #tpu.memory_space<vmem>> -> memref<5x128x32xf32, #tpu.memory_space<vmem>>
    %dma_start3A_330 = arith.constant 0 : i32
    %dma_start3A_331 = arith.constant 0 : i32
    %dma_start3A_332 = tpu.memref_slice %dma_start3A_329[%dma_start3A_324, %dma_start3A_330, %dma_start3A_331] : memref<5x128x32xf32, #tpu.memory_space<vmem>> -> memref<1x128x32xf32, #tpu.memory_space<vmem>>
    %dma_start3A_333 = tpu.memref_squeeze %dma_start3A_332 : memref<1x128x32xf32, #tpu.memory_space<vmem>> -> memref<128x32xf32, #tpu.memory_space<vmem>>
    %dma_start3A_334 = arith.constant 0 : i32
    %dma_start3A_335 = arith.constant 0 : i32
    %dma_start3A_336 = tpu.memref_slice %arg5[%dma_start3A_321, %dma_start3A_334, %dma_start3A_335] : memref<4x5x128xi32, #tpu.memory_space<vmem>> -> memref<1x5x128xi32, #tpu.memory_space<vmem>>
    %dma_start3A_337 = tpu.memref_squeeze %dma_start3A_336 : memref<1x5x128xi32, #tpu.memory_space<vmem>> -> memref<5x128xi32, #tpu.memory_space<vmem>>
    %dma_start3A_338 = arith.constant 0 : i32
    %dma_start3A_339 = tpu.memref_slice %dma_start3A_337[%dma_start3A_322, %dma_start3A_338] : memref<5x128xi32, #tpu.memory_space<vmem>> -> memref<1x128xi32, #tpu.memory_space<vmem>>
    %dma_start3A_340 = tpu.memref_squeeze %dma_start3A_339 : memref<1x128xi32, #tpu.memory_space<vmem>> -> memref<128xi32, #tpu.memory_space<vmem>>
    %dma_start3A_341 = arith.constant 0 : i32
    %dma_start3A_342 = arith.constant 0 : i32
    %dma_start3A_343 = tpu.memref_slice %arg3[%dma_start3A_341, %dma_start3A_342] : memref<1000000x32xf32, #tpu.memory_space<hbm>> -> memref<1000000x32xf32, #tpu.memory_space<hbm>>
    tpu.enqueue_indirect_dma source(%dma_start3A_343 : memref<1000000x32xf32, #tpu.memory_space<hbm>>) target(%dma_start3A_333 : memref<128x32xf32, #tpu.memory_space<vmem>>) offsets(%dma_start3A_340 : memref<128xi32, #tpu.memory_space<vmem>>) semaphore(%arg12 : memref<!tpu.dma_semaphore, #tpu.memory_space<semaphore_mem>>)
    %dma_start3A_344 = arith.constant 1 : i32
    %dma_start3A_345 = arith.constant 4 : i32
    %dma_start3A_346 = arith.constant 1 : i32
    %dma_start3A_347 = arith.constant 4 : i32
    %dma_start3A_348 = arith.constant 0 : i32
    %dma_start3A_349 = arith.constant 0 : i32
    %dma_start3A_350 = arith.constant 0 : i32
    %dma_start3A_351 = tpu.memref_slice %arg6[%dma_start3A_346, %dma_start3A_348, %dma_start3A_349, %dma_start3A_350] : memref<4x5x128x32xf32, #tpu.memory_space<vmem>> -> memref<1x5x128x32xf32, #tpu.memory_space<vmem>>
    %dma_start3A_352 = tpu.memref_squeeze %dma_start3A_351 : memref<1x5x128x32xf32, #tpu.memory_space<vmem>> -> memref<5x128x32xf32, #tpu.memory_space<vmem>>
    %dma_start3A_353 = arith.constant 0 : i32
    %dma_start3A_354 = arith.constant 0 : i32
    %dma_start3A_355 = tpu.memref_slice %dma_start3A_352[%dma_start3A_347, %dma_start3A_353, %dma_start3A_354] : memref<5x128x32xf32, #tpu.memory_space<vmem>> -> memref<1x128x32xf32, #tpu.memory_space<vmem>>
    %dma_start3A_356 = tpu.memref_squeeze %dma_start3A_355 : memref<1x128x32xf32, #tpu.memory_space<vmem>> -> memref<128x32xf32, #tpu.memory_space<vmem>>
    %dma_start3A_357 = arith.constant 0 : i32
    %dma_start3A_358 = arith.constant 0 : i32
    %dma_start3A_359 = tpu.memref_slice %arg5[%dma_start3A_344, %dma_start3A_357, %dma_start3A_358] : memref<4x5x128xi32, #tpu.memory_space<vmem>> -> memref<1x5x128xi32, #tpu.memory_space<vmem>>
    %dma_start3A_360 = tpu.memref_squeeze %dma_start3A_359 : memref<1x5x128xi32, #tpu.memory_space<vmem>> -> memref<5x128xi32, #tpu.memory_space<vmem>>
    %dma_start3A_361 = arith.constant 0 : i32
    %dma_start3A_362 = tpu.memref_slice %dma_start3A_360[%dma_start3A_345, %dma_start3A_361] : memref<5x128xi32, #tpu.memory_space<vmem>> -> memref<1x128xi32, #tpu.memory_space<vmem>>
    %dma_start3A_363 = tpu.memref_squeeze %dma_start3A_362 : memref<1x128xi32, #tpu.memory_space<vmem>> -> memref<128xi32, #tpu.memory_space<vmem>>
    %dma_start3A_364 = arith.constant 0 : i32
    %dma_start3A_365 = arith.constant 0 : i32
    %dma_start3A_366 = tpu.memref_slice %arg3[%dma_start3A_364, %dma_start3A_365] : memref<1000000x32xf32, #tpu.memory_space<hbm>> -> memref<1000000x32xf32, #tpu.memory_space<hbm>>
    tpu.enqueue_indirect_dma source(%dma_start3A_366 : memref<1000000x32xf32, #tpu.memory_space<hbm>>) target(%dma_start3A_356 : memref<128x32xf32, #tpu.memory_space<vmem>>) offsets(%dma_start3A_363 : memref<128xi32, #tpu.memory_space<vmem>>) semaphore(%arg12 : memref<!tpu.dma_semaphore, #tpu.memory_space<semaphore_mem>>)
    %dma_wait3A_367 = arith.constant 2 : i32
    %dma_wait3A_368 = arith.constant 0 : i32
    %dma_wait3A_369 = arith.constant 0 : i32
    %dma_wait3A_370 = tpu.memref_slice %arg5[%dma_wait3A_367, %dma_wait3A_368, %dma_wait3A_369] : memref<4x5x128xi32, #tpu.memory_space<vmem>> -> memref<1x5x128xi32, #tpu.memory_space<vmem>>
    %dma_wait3A_371 = tpu.memref_squeeze %dma_wait3A_370 : memref<1x5x128xi32, #tpu.memory_space<vmem>> -> memref<5x128xi32, #tpu.memory_space<vmem>>
    %dma_wait3A_372 = arith.constant 0 : i32
    %dma_wait3A_373 = arith.constant 0 : i32
    %dma_wait3A_374 = tpu.memref_slice %arg2[%add3A, %dma_wait3A_372, %dma_wait3A_373] : memref<32x200x128xi32, #tpu.memory_space<hbm>> -> memref<1x200x128xi32, #tpu.memory_space<hbm>>
    %dma_wait3A_375 = tpu.memref_squeeze %dma_wait3A_374 : memref<1x200x128xi32, #tpu.memory_space<hbm>> -> memref<200x128xi32, #tpu.memory_space<hbm>>
    %dma_wait3A_376 = arith.constant 10 : i32
    %dma_wait3A_377 = arith.constant 0 : i32
    %dma_wait3A_378 = tpu.memref_slice %dma_wait3A_375[%dma_wait3A_376, %dma_wait3A_377] : memref<200x128xi32, #tpu.memory_space<hbm>> -> memref<5x128xi32, #tpu.memory_space<hbm>>
    %dma_wait3A_379 = arith.constant 0 : i32
    %dma_wait3A_380 = arith.constant 0 : i32
    %dma_wait3A_381 = tpu.memref_slice %arg5[%dma_wait3A_367, %dma_wait3A_379, %dma_wait3A_380] : memref<4x5x128xi32, #tpu.memory_space<vmem>> -> memref<1x5x128xi32, #tpu.memory_space<vmem>>
    %dma_wait3A_382 = tpu.memref_squeeze %dma_wait3A_381 : memref<1x5x128xi32, #tpu.memory_space<vmem>> -> memref<5x128xi32, #tpu.memory_space<vmem>>
    %dma_wait3A_383 = arith.constant 0 : i32
    %dma_wait3A_384 = arith.constant 0 : i32
    %dma_wait3A_385 = tpu.memref_slice %arg2[%add3A, %dma_wait3A_383, %dma_wait3A_384] : memref<32x200x128xi32, #tpu.memory_space<hbm>> -> memref<1x200x128xi32, #tpu.memory_space<hbm>>
    %dma_wait3A_386 = tpu.memref_squeeze %dma_wait3A_385 : memref<1x200x128xi32, #tpu.memory_space<hbm>> -> memref<200x128xi32, #tpu.memory_space<hbm>>
    %dma_wait3A_387 = arith.constant 10 : i32
    %dma_wait3A_388 = arith.constant 0 : i32
    %dma_wait3A_389 = tpu.memref_slice %dma_wait3A_386[%dma_wait3A_387, %dma_wait3A_388] : memref<200x128xi32, #tpu.memory_space<hbm>> -> memref<5x128xi32, #tpu.memory_space<hbm>>
    tpu.wait_dma2 semaphore(%arg9 : memref<!tpu.dma_semaphore, #tpu.memory_space<semaphore_mem>>) src(%dma_wait3A_389 : memref<5x128xi32, #tpu.memory_space<hbm>>) dst(%dma_wait3A_382 : memref<5x128xi32, #tpu.memory_space<vmem>>)
    %dma_start3A_390 = arith.constant 2 : i32
    %dma_start3A_391 = arith.constant 0 : i32
    %dma_start3A_392 = arith.constant 2 : i32
    %dma_start3A_393 = arith.constant 0 : i32
    %dma_start3A_394 = arith.constant 0 : i32
    %dma_start3A_395 = arith.constant 0 : i32
    %dma_start3A_396 = arith.constant 0 : i32
    %dma_start3A_397 = tpu.memref_slice %arg6[%dma_start3A_392, %dma_start3A_394, %dma_start3A_395, %dma_start3A_396] : memref<4x5x128x32xf32, #tpu.memory_space<vmem>> -> memref<1x5x128x32xf32, #tpu.memory_space<vmem>>
    %dma_start3A_398 = tpu.memref_squeeze %dma_start3A_397 : memref<1x5x128x32xf32, #tpu.memory_space<vmem>> -> memref<5x128x32xf32, #tpu.memory_space<vmem>>
    %dma_start3A_399 = arith.constant 0 : i32
    %dma_start3A_400 = arith.constant 0 : i32
    %dma_start3A_401 = tpu.memref_slice %dma_start3A_398[%dma_start3A_393, %dma_start3A_399, %dma_start3A_400] : memref<5x128x32xf32, #tpu.memory_space<vmem>> -> memref<1x128x32xf32, #tpu.memory_space<vmem>>
    %dma_start3A_402 = tpu.memref_squeeze %dma_start3A_401 : memref<1x128x32xf32, #tpu.memory_space<vmem>> -> memref<128x32xf32, #tpu.memory_space<vmem>>
    %dma_start3A_403 = arith.constant 0 : i32
    %dma_start3A_404 = arith.constant 0 : i32
    %dma_start3A_405 = tpu.memref_slice %arg5[%dma_start3A_390, %dma_start3A_403, %dma_start3A_404] : memref<4x5x128xi32, #tpu.memory_space<vmem>> -> memref<1x5x128xi32, #tpu.memory_space<vmem>>
    %dma_start3A_406 = tpu.memref_squeeze %dma_start3A_405 : memref<1x5x128xi32, #tpu.memory_space<vmem>> -> memref<5x128xi32, #tpu.memory_space<vmem>>
    %dma_start3A_407 = arith.constant 0 : i32
    %dma_start3A_408 = tpu.memref_slice %dma_start3A_406[%dma_start3A_391, %dma_start3A_407] : memref<5x128xi32, #tpu.memory_space<vmem>> -> memref<1x128xi32, #tpu.memory_space<vmem>>
    %dma_start3A_409 = tpu.memref_squeeze %dma_start3A_408 : memref<1x128xi32, #tpu.memory_space<vmem>> -> memref<128xi32, #tpu.memory_space<vmem>>
    %dma_start3A_410 = arith.constant 0 : i32
    %dma_start3A_411 = arith.constant 0 : i32
    %dma_start3A_412 = tpu.memref_slice %arg3[%dma_start3A_410, %dma_start3A_411] : memref<1000000x32xf32, #tpu.memory_space<hbm>> -> memref<1000000x32xf32, #tpu.memory_space<hbm>>
    tpu.enqueue_indirect_dma source(%dma_start3A_412 : memref<1000000x32xf32, #tpu.memory_space<hbm>>) target(%dma_start3A_402 : memref<128x32xf32, #tpu.memory_space<vmem>>) offsets(%dma_start3A_409 : memref<128xi32, #tpu.memory_space<vmem>>) semaphore(%arg13 : memref<!tpu.dma_semaphore, #tpu.memory_space<semaphore_mem>>)
    %dma_start3A_413 = arith.constant 2 : i32
    %dma_start3A_414 = arith.constant 1 : i32
    %dma_start3A_415 = arith.constant 2 : i32
    %dma_start3A_416 = arith.constant 1 : i32
    %dma_start3A_417 = arith.constant 0 : i32
    %dma_start3A_418 = arith.constant 0 : i32
    %dma_start3A_419 = arith.constant 0 : i32
    %dma_start3A_420 = tpu.memref_slice %arg6[%dma_start3A_415, %dma_start3A_417, %dma_start3A_418, %dma_start3A_419] : memref<4x5x128x32xf32, #tpu.memory_space<vmem>> -> memref<1x5x128x32xf32, #tpu.memory_space<vmem>>
    %dma_start3A_421 = tpu.memref_squeeze %dma_start3A_420 : memref<1x5x128x32xf32, #tpu.memory_space<vmem>> -> memref<5x128x32xf32, #tpu.memory_space<vmem>>
    %dma_start3A_422 = arith.constant 0 : i32
    %dma_start3A_423 = arith.constant 0 : i32
    %dma_start3A_424 = tpu.memref_slice %dma_start3A_421[%dma_start3A_416, %dma_start3A_422, %dma_start3A_423] : memref<5x128x32xf32, #tpu.memory_space<vmem>> -> memref<1x128x32xf32, #tpu.memory_space<vmem>>
    %dma_start3A_425 = tpu.memref_squeeze %dma_start3A_424 : memref<1x128x32xf32, #tpu.memory_space<vmem>> -> memref<128x32xf32, #tpu.memory_space<vmem>>
    %dma_start3A_426 = arith.constant 0 : i32
    %dma_start3A_427 = arith.constant 0 : i32
    %dma_start3A_428 = tpu.memref_slice %arg5[%dma_start3A_413, %dma_start3A_426, %dma_start3A_427] : memref<4x5x128xi32, #tpu.memory_space<vmem>> -> memref<1x5x128xi32, #tpu.memory_space<vmem>>
    %dma_start3A_429 = tpu.memref_squeeze %dma_start3A_428 : memref<1x5x128xi32, #tpu.memory_space<vmem>> -> memref<5x128xi32, #tpu.memory_space<vmem>>
    %dma_start3A_430 = arith.constant 0 : i32
    %dma_start3A_431 = tpu.memref_slice %dma_start3A_429[%dma_start3A_414, %dma_start3A_430] : memref<5x128xi32, #tpu.memory_space<vmem>> -> memref<1x128xi32, #tpu.memory_space<vmem>>
    %dma_start3A_432 = tpu.memref_squeeze %dma_start3A_431 : memref<1x128xi32, #tpu.memory_space<vmem>> -> memref<128xi32, #tpu.memory_space<vmem>>
    %dma_start3A_433 = arith.constant 0 : i32
    %dma_start3A_434 = arith.constant 0 : i32
    %dma_start3A_435 = tpu.memref_slice %arg3[%dma_start3A_433, %dma_start3A_434] : memref<1000000x32xf32, #tpu.memory_space<hbm>> -> memref<1000000x32xf32, #tpu.memory_space<hbm>>
    tpu.enqueue_indirect_dma source(%dma_start3A_435 : memref<1000000x32xf32, #tpu.memory_space<hbm>>) target(%dma_start3A_425 : memref<128x32xf32, #tpu.memory_space<vmem>>) offsets(%dma_start3A_432 : memref<128xi32, #tpu.memory_space<vmem>>) semaphore(%arg13 : memref<!tpu.dma_semaphore, #tpu.memory_space<semaphore_mem>>)
    %dma_start3A_436 = arith.constant 2 : i32
    %dma_start3A_437 = arith.constant 2 : i32
    %dma_start3A_438 = arith.constant 2 : i32
    %dma_start3A_439 = arith.constant 2 : i32
    %dma_start3A_440 = arith.constant 0 : i32
    %dma_start3A_441 = arith.constant 0 : i32
    %dma_start3A_442 = arith.constant 0 : i32
    %dma_start3A_443 = tpu.memref_slice %arg6[%dma_start3A_438, %dma_start3A_440, %dma_start3A_441, %dma_start3A_442] : memref<4x5x128x32xf32, #tpu.memory_space<vmem>> -> memref<1x5x128x32xf32, #tpu.memory_space<vmem>>
    %dma_start3A_444 = tpu.memref_squeeze %dma_start3A_443 : memref<1x5x128x32xf32, #tpu.memory_space<vmem>> -> memref<5x128x32xf32, #tpu.memory_space<vmem>>
    %dma_start3A_445 = arith.constant 0 : i32
    %dma_start3A_446 = arith.constant 0 : i32
    %dma_start3A_447 = tpu.memref_slice %dma_start3A_444[%dma_start3A_439, %dma_start3A_445, %dma_start3A_446] : memref<5x128x32xf32, #tpu.memory_space<vmem>> -> memref<1x128x32xf32, #tpu.memory_space<vmem>>
    %dma_start3A_448 = tpu.memref_squeeze %dma_start3A_447 : memref<1x128x32xf32, #tpu.memory_space<vmem>> -> memref<128x32xf32, #tpu.memory_space<vmem>>
    %dma_start3A_449 = arith.constant 0 : i32
    %dma_start3A_450 = arith.constant 0 : i32
    %dma_start3A_451 = tpu.memref_slice %arg5[%dma_start3A_436, %dma_start3A_449, %dma_start3A_450] : memref<4x5x128xi32, #tpu.memory_space<vmem>> -> memref<1x5x128xi32, #tpu.memory_space<vmem>>
    %dma_start3A_452 = tpu.memref_squeeze %dma_start3A_451 : memref<1x5x128xi32, #tpu.memory_space<vmem>> -> memref<5x128xi32, #tpu.memory_space<vmem>>
    %dma_start3A_453 = arith.constant 0 : i32
    %dma_start3A_454 = tpu.memref_slice %dma_start3A_452[%dma_start3A_437, %dma_start3A_453] : memref<5x128xi32, #tpu.memory_space<vmem>> -> memref<1x128xi32, #tpu.memory_space<vmem>>
    %dma_start3A_455 = tpu.memref_squeeze %dma_start3A_454 : memref<1x128xi32, #tpu.memory_space<vmem>> -> memref<128xi32, #tpu.memory_space<vmem>>
    %dma_start3A_456 = arith.constant 0 : i32
    %dma_start3A_457 = arith.constant 0 : i32
    %dma_start3A_458 = tpu.memref_slice %arg3[%dma_start3A_456, %dma_start3A_457] : memref<1000000x32xf32, #tpu.memory_space<hbm>> -> memref<1000000x32xf32, #tpu.memory_space<hbm>>
    tpu.enqueue_indirect_dma source(%dma_start3A_458 : memref<1000000x32xf32, #tpu.memory_space<hbm>>) target(%dma_start3A_448 : memref<128x32xf32, #tpu.memory_space<vmem>>) offsets(%dma_start3A_455 : memref<128xi32, #tpu.memory_space<vmem>>) semaphore(%arg13 : memref<!tpu.dma_semaphore, #tpu.memory_space<semaphore_mem>>)
    %dma_start3A_459 = arith.constant 2 : i32
    %dma_start3A_460 = arith.constant 3 : i32
    %dma_start3A_461 = arith.constant 2 : i32
    %dma_start3A_462 = arith.constant 3 : i32
    %dma_start3A_463 = arith.constant 0 : i32
    %dma_start3A_464 = arith.constant 0 : i32
    %dma_start3A_465 = arith.constant 0 : i32
    %dma_start3A_466 = tpu.memref_slice %arg6[%dma_start3A_461, %dma_start3A_463, %dma_start3A_464, %dma_start3A_465] : memref<4x5x128x32xf32, #tpu.memory_space<vmem>> -> memref<1x5x128x32xf32, #tpu.memory_space<vmem>>
    %dma_start3A_467 = tpu.memref_squeeze %dma_start3A_466 : memref<1x5x128x32xf32, #tpu.memory_space<vmem>> -> memref<5x128x32xf32, #tpu.memory_space<vmem>>
    %dma_start3A_468 = arith.constant 0 : i32
    %dma_start3A_469 = arith.constant 0 : i32
    %dma_start3A_470 = tpu.memref_slice %dma_start3A_467[%dma_start3A_462, %dma_start3A_468, %dma_start3A_469] : memref<5x128x32xf32, #tpu.memory_space<vmem>> -> memref<1x128x32xf32, #tpu.memory_space<vmem>>
    %dma_start3A_471 = tpu.memref_squeeze %dma_start3A_470 : memref<1x128x32xf32, #tpu.memory_space<vmem>> -> memref<128x32xf32, #tpu.memory_space<vmem>>
    %dma_start3A_472 = arith.constant 0 : i32
    %dma_start3A_473 = arith.constant 0 : i32
    %dma_start3A_474 = tpu.memref_slice %arg5[%dma_start3A_459, %dma_start3A_472, %dma_start3A_473] : memref<4x5x128xi32, #tpu.memory_space<vmem>> -> memref<1x5x128xi32, #tpu.memory_space<vmem>>
    %dma_start3A_475 = tpu.memref_squeeze %dma_start3A_474 : memref<1x5x128xi32, #tpu.memory_space<vmem>> -> memref<5x128xi32, #tpu.memory_space<vmem>>
    %dma_start3A_476 = arith.constant 0 : i32
    %dma_start3A_477 = tpu.memref_slice %dma_start3A_475[%dma_start3A_460, %dma_start3A_476] : memref<5x128xi32, #tpu.memory_space<vmem>> -> memref<1x128xi32, #tpu.memory_space<vmem>>
    %dma_start3A_478 = tpu.memref_squeeze %dma_start3A_477 : memref<1x128xi32, #tpu.memory_space<vmem>> -> memref<128xi32, #tpu.memory_space<vmem>>
    %dma_start3A_479 = arith.constant 0 : i32
    %dma_start3A_480 = arith.constant 0 : i32
    %dma_start3A_481 = tpu.memref_slice %arg3[%dma_start3A_479, %dma_start3A_480] : memref<1000000x32xf32, #tpu.memory_space<hbm>> -> memref<1000000x32xf32, #tpu.memory_space<hbm>>
    tpu.enqueue_indirect_dma source(%dma_start3A_481 : memref<1000000x32xf32, #tpu.memory_space<hbm>>) target(%dma_start3A_471 : memref<128x32xf32, #tpu.memory_space<vmem>>) offsets(%dma_start3A_478 : memref<128xi32, #tpu.memory_space<vmem>>) semaphore(%arg13 : memref<!tpu.dma_semaphore, #tpu.memory_space<semaphore_mem>>)
    %dma_start3A_482 = arith.constant 2 : i32
    %dma_start3A_483 = arith.constant 4 : i32
    %dma_start3A_484 = arith.constant 2 : i32
    %dma_start3A_485 = arith.constant 4 : i32
    %dma_start3A_486 = arith.constant 0 : i32
    %dma_start3A_487 = arith.constant 0 : i32
    %dma_start3A_488 = arith.constant 0 : i32
    %dma_start3A_489 = tpu.memref_slice %arg6[%dma_start3A_484, %dma_start3A_486, %dma_start3A_487, %dma_start3A_488] : memref<4x5x128x32xf32, #tpu.memory_space<vmem>> -> memref<1x5x128x32xf32, #tpu.memory_space<vmem>>
    %dma_start3A_490 = tpu.memref_squeeze %dma_start3A_489 : memref<1x5x128x32xf32, #tpu.memory_space<vmem>> -> memref<5x128x32xf32, #tpu.memory_space<vmem>>
    %dma_start3A_491 = arith.constant 0 : i32
    %dma_start3A_492 = arith.constant 0 : i32
    %dma_start3A_493 = tpu.memref_slice %dma_start3A_490[%dma_start3A_485, %dma_start3A_491, %dma_start3A_492] : memref<5x128x32xf32, #tpu.memory_space<vmem>> -> memref<1x128x32xf32, #tpu.memory_space<vmem>>
    %dma_start3A_494 = tpu.memref_squeeze %dma_start3A_493 : memref<1x128x32xf32, #tpu.memory_space<vmem>> -> memref<128x32xf32, #tpu.memory_space<vmem>>
    %dma_start3A_495 = arith.constant 0 : i32
    %dma_start3A_496 = arith.constant 0 : i32
    %dma_start3A_497 = tpu.memref_slice %arg5[%dma_start3A_482, %dma_start3A_495, %dma_start3A_496] : memref<4x5x128xi32, #tpu.memory_space<vmem>> -> memref<1x5x128xi32, #tpu.memory_space<vmem>>
    %dma_start3A_498 = tpu.memref_squeeze %dma_start3A_497 : memref<1x5x128xi32, #tpu.memory_space<vmem>> -> memref<5x128xi32, #tpu.memory_space<vmem>>
    %dma_start3A_499 = arith.constant 0 : i32
    %dma_start3A_500 = tpu.memref_slice %dma_start3A_498[%dma_start3A_483, %dma_start3A_499] : memref<5x128xi32, #tpu.memory_space<vmem>> -> memref<1x128xi32, #tpu.memory_space<vmem>>
    %dma_start3A_501 = tpu.memref_squeeze %dma_start3A_500 : memref<1x128xi32, #tpu.memory_space<vmem>> -> memref<128xi32, #tpu.memory_space<vmem>>
    %dma_start3A_502 = arith.constant 0 : i32
    %dma_start3A_503 = arith.constant 0 : i32
    %dma_start3A_504 = tpu.memref_slice %arg3[%dma_start3A_502, %dma_start3A_503] : memref<1000000x32xf32, #tpu.memory_space<hbm>> -> memref<1000000x32xf32, #tpu.memory_space<hbm>>
    tpu.enqueue_indirect_dma source(%dma_start3A_504 : memref<1000000x32xf32, #tpu.memory_space<hbm>>) target(%dma_start3A_494 : memref<128x32xf32, #tpu.memory_space<vmem>>) offsets(%dma_start3A_501 : memref<128xi32, #tpu.memory_space<vmem>>) semaphore(%arg13 : memref<!tpu.dma_semaphore, #tpu.memory_space<semaphore_mem>>)
    %dma_wait3A_505 = arith.constant 3 : i32
    %dma_wait3A_506 = arith.constant 0 : i32
    %dma_wait3A_507 = arith.constant 0 : i32
    %dma_wait3A_508 = tpu.memref_slice %arg5[%dma_wait3A_505, %dma_wait3A_506, %dma_wait3A_507] : memref<4x5x128xi32, #tpu.memory_space<vmem>> -> memref<1x5x128xi32, #tpu.memory_space<vmem>>
    %dma_wait3A_509 = tpu.memref_squeeze %dma_wait3A_508 : memref<1x5x128xi32, #tpu.memory_space<vmem>> -> memref<5x128xi32, #tpu.memory_space<vmem>>
    %dma_wait3A_510 = arith.constant 0 : i32
    %dma_wait3A_511 = arith.constant 0 : i32
    %dma_wait3A_512 = tpu.memref_slice %arg2[%add3A, %dma_wait3A_510, %dma_wait3A_511] : memref<32x200x128xi32, #tpu.memory_space<hbm>> -> memref<1x200x128xi32, #tpu.memory_space<hbm>>
    %dma_wait3A_513 = tpu.memref_squeeze %dma_wait3A_512 : memref<1x200x128xi32, #tpu.memory_space<hbm>> -> memref<200x128xi32, #tpu.memory_space<hbm>>
    %dma_wait3A_514 = arith.constant 15 : i32
    %dma_wait3A_515 = arith.constant 0 : i32
    %dma_wait3A_516 = tpu.memref_slice %dma_wait3A_513[%dma_wait3A_514, %dma_wait3A_515] : memref<200x128xi32, #tpu.memory_space<hbm>> -> memref<5x128xi32, #tpu.memory_space<hbm>>
    %dma_wait3A_517 = arith.constant 0 : i32
    %dma_wait3A_518 = arith.constant 0 : i32
    %dma_wait3A_519 = tpu.memref_slice %arg5[%dma_wait3A_505, %dma_wait3A_517, %dma_wait3A_518] : memref<4x5x128xi32, #tpu.memory_space<vmem>> -> memref<1x5x128xi32, #tpu.memory_space<vmem>>
    %dma_wait3A_520 = tpu.memref_squeeze %dma_wait3A_519 : memref<1x5x128xi32, #tpu.memory_space<vmem>> -> memref<5x128xi32, #tpu.memory_space<vmem>>
    %dma_wait3A_521 = arith.constant 0 : i32
    %dma_wait3A_522 = arith.constant 0 : i32
    %dma_wait3A_523 = tpu.memref_slice %arg2[%add3A, %dma_wait3A_521, %dma_wait3A_522] : memref<32x200x128xi32, #tpu.memory_space<hbm>> -> memref<1x200x128xi32, #tpu.memory_space<hbm>>
    %dma_wait3A_524 = tpu.memref_squeeze %dma_wait3A_523 : memref<1x200x128xi32, #tpu.memory_space<hbm>> -> memref<200x128xi32, #tpu.memory_space<hbm>>
    %dma_wait3A_525 = arith.constant 15 : i32
    %dma_wait3A_526 = arith.constant 0 : i32
    %dma_wait3A_527 = tpu.memref_slice %dma_wait3A_524[%dma_wait3A_525, %dma_wait3A_526] : memref<200x128xi32, #tpu.memory_space<hbm>> -> memref<5x128xi32, #tpu.memory_space<hbm>>
    tpu.wait_dma2 semaphore(%arg10 : memref<!tpu.dma_semaphore, #tpu.memory_space<semaphore_mem>>) src(%dma_wait3A_527 : memref<5x128xi32, #tpu.memory_space<hbm>>) dst(%dma_wait3A_520 : memref<5x128xi32, #tpu.memory_space<vmem>>)
    %dma_start3A_528 = arith.constant 3 : i32
    %dma_start3A_529 = arith.constant 0 : i32
    %dma_start3A_530 = arith.constant 3 : i32
    %dma_start3A_531 = arith.constant 0 : i32
    %dma_start3A_532 = arith.constant 0 : i32
    %dma_start3A_533 = arith.constant 0 : i32
    %dma_start3A_534 = arith.constant 0 : i32
    %dma_start3A_535 = tpu.memref_slice %arg6[%dma_start3A_530, %dma_start3A_532, %dma_start3A_533, %dma_start3A_534] : memref<4x5x128x32xf32, #tpu.memory_space<vmem>> -> memref<1x5x128x32xf32, #tpu.memory_space<vmem>>
    %dma_start3A_536 = tpu.memref_squeeze %dma_start3A_535 : memref<1x5x128x32xf32, #tpu.memory_space<vmem>> -> memref<5x128x32xf32, #tpu.memory_space<vmem>>
    %dma_start3A_537 = arith.constant 0 : i32
    %dma_start3A_538 = arith.constant 0 : i32
    %dma_start3A_539 = tpu.memref_slice %dma_start3A_536[%dma_start3A_531, %dma_start3A_537, %dma_start3A_538] : memref<5x128x32xf32, #tpu.memory_space<vmem>> -> memref<1x128x32xf32, #tpu.memory_space<vmem>>
    %dma_start3A_540 = tpu.memref_squeeze %dma_start3A_539 : memref<1x128x32xf32, #tpu.memory_space<vmem>> -> memref<128x32xf32, #tpu.memory_space<vmem>>
    %dma_start3A_541 = arith.constant 0 : i32
    %dma_start3A_542 = arith.constant 0 : i32
    %dma_start3A_543 = tpu.memref_slice %arg5[%dma_start3A_528, %dma_start3A_541, %dma_start3A_542] : memref<4x5x128xi32, #tpu.memory_space<vmem>> -> memref<1x5x128xi32, #tpu.memory_space<vmem>>
    %dma_start3A_544 = tpu.memref_squeeze %dma_start3A_543 : memref<1x5x128xi32, #tpu.memory_space<vmem>> -> memref<5x128xi32, #tpu.memory_space<vmem>>
    %dma_start3A_545 = arith.constant 0 : i32
    %dma_start3A_546 = tpu.memref_slice %dma_start3A_544[%dma_start3A_529, %dma_start3A_545] : memref<5x128xi32, #tpu.memory_space<vmem>> -> memref<1x128xi32, #tpu.memory_space<vmem>>
    %dma_start3A_547 = tpu.memref_squeeze %dma_start3A_546 : memref<1x128xi32, #tpu.memory_space<vmem>> -> memref<128xi32, #tpu.memory_space<vmem>>
    %dma_start3A_548 = arith.constant 0 : i32
    %dma_start3A_549 = arith.constant 0 : i32
    %dma_start3A_550 = tpu.memref_slice %arg3[%dma_start3A_548, %dma_start3A_549] : memref<1000000x32xf32, #tpu.memory_space<hbm>> -> memref<1000000x32xf32, #tpu.memory_space<hbm>>
    tpu.enqueue_indirect_dma source(%dma_start3A_550 : memref<1000000x32xf32, #tpu.memory_space<hbm>>) target(%dma_start3A_540 : memref<128x32xf32, #tpu.memory_space<vmem>>) offsets(%dma_start3A_547 : memref<128xi32, #tpu.memory_space<vmem>>) semaphore(%arg14 : memref<!tpu.dma_semaphore, #tpu.memory_space<semaphore_mem>>)
    %dma_start3A_551 = arith.constant 3 : i32
    %dma_start3A_552 = arith.constant 1 : i32
    %dma_start3A_553 = arith.constant 3 : i32
    %dma_start3A_554 = arith.constant 1 : i32
    %dma_start3A_555 = arith.constant 0 : i32
    %dma_start3A_556 = arith.constant 0 : i32
    %dma_start3A_557 = arith.constant 0 : i32
    %dma_start3A_558 = tpu.memref_slice %arg6[%dma_start3A_553, %dma_start3A_555, %dma_start3A_556, %dma_start3A_557] : memref<4x5x128x32xf32, #tpu.memory_space<vmem>> -> memref<1x5x128x32xf32, #tpu.memory_space<vmem>>
    %dma_start3A_559 = tpu.memref_squeeze %dma_start3A_558 : memref<1x5x128x32xf32, #tpu.memory_space<vmem>> -> memref<5x128x32xf32, #tpu.memory_space<vmem>>
    %dma_start3A_560 = arith.constant 0 : i32
    %dma_start3A_561 = arith.constant 0 : i32
    %dma_start3A_562 = tpu.memref_slice %dma_start3A_559[%dma_start3A_554, %dma_start3A_560, %dma_start3A_561] : memref<5x128x32xf32, #tpu.memory_space<vmem>> -> memref<1x128x32xf32, #tpu.memory_space<vmem>>
    %dma_start3A_563 = tpu.memref_squeeze %dma_start3A_562 : memref<1x128x32xf32, #tpu.memory_space<vmem>> -> memref<128x32xf32, #tpu.memory_space<vmem>>
    %dma_start3A_564 = arith.constant 0 : i32
    %dma_start3A_565 = arith.constant 0 : i32
    %dma_start3A_566 = tpu.memref_slice %arg5[%dma_start3A_551, %dma_start3A_564, %dma_start3A_565] : memref<4x5x128xi32, #tpu.memory_space<vmem>> -> memref<1x5x128xi32, #tpu.memory_space<vmem>>
    %dma_start3A_567 = tpu.memref_squeeze %dma_start3A_566 : memref<1x5x128xi32, #tpu.memory_space<vmem>> -> memref<5x128xi32, #tpu.memory_space<vmem>>
    %dma_start3A_568 = arith.constant 0 : i32
    %dma_start3A_569 = tpu.memref_slice %dma_start3A_567[%dma_start3A_552, %dma_start3A_568] : memref<5x128xi32, #tpu.memory_space<vmem>> -> memref<1x128xi32, #tpu.memory_space<vmem>>
    %dma_start3A_570 = tpu.memref_squeeze %dma_start3A_569 : memref<1x128xi32, #tpu.memory_space<vmem>> -> memref<128xi32, #tpu.memory_space<vmem>>
    %dma_start3A_571 = arith.constant 0 : i32
    %dma_start3A_572 = arith.constant 0 : i32
    %dma_start3A_573 = tpu.memref_slice %arg3[%dma_start3A_571, %dma_start3A_572] : memref<1000000x32xf32, #tpu.memory_space<hbm>> -> memref<1000000x32xf32, #tpu.memory_space<hbm>>
    tpu.enqueue_indirect_dma source(%dma_start3A_573 : memref<1000000x32xf32, #tpu.memory_space<hbm>>) target(%dma_start3A_563 : memref<128x32xf32, #tpu.memory_space<vmem>>) offsets(%dma_start3A_570 : memref<128xi32, #tpu.memory_space<vmem>>) semaphore(%arg14 : memref<!tpu.dma_semaphore, #tpu.memory_space<semaphore_mem>>)
    %dma_start3A_574 = arith.constant 3 : i32
    %dma_start3A_575 = arith.constant 2 : i32
    %dma_start3A_576 = arith.constant 3 : i32
    %dma_start3A_577 = arith.constant 2 : i32
    %dma_start3A_578 = arith.constant 0 : i32
    %dma_start3A_579 = arith.constant 0 : i32
    %dma_start3A_580 = arith.constant 0 : i32
    %dma_start3A_581 = tpu.memref_slice %arg6[%dma_start3A_576, %dma_start3A_578, %dma_start3A_579, %dma_start3A_580] : memref<4x5x128x32xf32, #tpu.memory_space<vmem>> -> memref<1x5x128x32xf32, #tpu.memory_space<vmem>>
    %dma_start3A_582 = tpu.memref_squeeze %dma_start3A_581 : memref<1x5x128x32xf32, #tpu.memory_space<vmem>> -> memref<5x128x32xf32, #tpu.memory_space<vmem>>
    %dma_start3A_583 = arith.constant 0 : i32
    %dma_start3A_584 = arith.constant 0 : i32
    %dma_start3A_585 = tpu.memref_slice %dma_start3A_582[%dma_start3A_577, %dma_start3A_583, %dma_start3A_584] : memref<5x128x32xf32, #tpu.memory_space<vmem>> -> memref<1x128x32xf32, #tpu.memory_space<vmem>>
    %dma_start3A_586 = tpu.memref_squeeze %dma_start3A_585 : memref<1x128x32xf32, #tpu.memory_space<vmem>> -> memref<128x32xf32, #tpu.memory_space<vmem>>
    %dma_start3A_587 = arith.constant 0 : i32
    %dma_start3A_588 = arith.constant 0 : i32
    %dma_start3A_589 = tpu.memref_slice %arg5[%dma_start3A_574, %dma_start3A_587, %dma_start3A_588] : memref<4x5x128xi32, #tpu.memory_space<vmem>> -> memref<1x5x128xi32, #tpu.memory_space<vmem>>
    %dma_start3A_590 = tpu.memref_squeeze %dma_start3A_589 : memref<1x5x128xi32, #tpu.memory_space<vmem>> -> memref<5x128xi32, #tpu.memory_space<vmem>>
    %dma_start3A_591 = arith.constant 0 : i32
    %dma_start3A_592 = tpu.memref_slice %dma_start3A_590[%dma_start3A_575, %dma_start3A_591] : memref<5x128xi32, #tpu.memory_space<vmem>> -> memref<1x128xi32, #tpu.memory_space<vmem>>
    %dma_start3A_593 = tpu.memref_squeeze %dma_start3A_592 : memref<1x128xi32, #tpu.memory_space<vmem>> -> memref<128xi32, #tpu.memory_space<vmem>>
    %dma_start3A_594 = arith.constant 0 : i32
    %dma_start3A_595 = arith.constant 0 : i32
    %dma_start3A_596 = tpu.memref_slice %arg3[%dma_start3A_594, %dma_start3A_595] : memref<1000000x32xf32, #tpu.memory_space<hbm>> -> memref<1000000x32xf32, #tpu.memory_space<hbm>>
    tpu.enqueue_indirect_dma source(%dma_start3A_596 : memref<1000000x32xf32, #tpu.memory_space<hbm>>) target(%dma_start3A_586 : memref<128x32xf32, #tpu.memory_space<vmem>>) offsets(%dma_start3A_593 : memref<128xi32, #tpu.memory_space<vmem>>) semaphore(%arg14 : memref<!tpu.dma_semaphore, #tpu.memory_space<semaphore_mem>>)
    %dma_start3A_597 = arith.constant 3 : i32
    %dma_start3A_598 = arith.constant 3 : i32
    %dma_start3A_599 = arith.constant 3 : i32
    %dma_start3A_600 = arith.constant 3 : i32
    %dma_start3A_601 = arith.constant 0 : i32
    %dma_start3A_602 = arith.constant 0 : i32
    %dma_start3A_603 = arith.constant 0 : i32
    %dma_start3A_604 = tpu.memref_slice %arg6[%dma_start3A_599, %dma_start3A_601, %dma_start3A_602, %dma_start3A_603] : memref<4x5x128x32xf32, #tpu.memory_space<vmem>> -> memref<1x5x128x32xf32, #tpu.memory_space<vmem>>
    %dma_start3A_605 = tpu.memref_squeeze %dma_start3A_604 : memref<1x5x128x32xf32, #tpu.memory_space<vmem>> -> memref<5x128x32xf32, #tpu.memory_space<vmem>>
    %dma_start3A_606 = arith.constant 0 : i32
    %dma_start3A_607 = arith.constant 0 : i32
    %dma_start3A_608 = tpu.memref_slice %dma_start3A_605[%dma_start3A_600, %dma_start3A_606, %dma_start3A_607] : memref<5x128x32xf32, #tpu.memory_space<vmem>> -> memref<1x128x32xf32, #tpu.memory_space<vmem>>
    %dma_start3A_609 = tpu.memref_squeeze %dma_start3A_608 : memref<1x128x32xf32, #tpu.memory_space<vmem>> -> memref<128x32xf32, #tpu.memory_space<vmem>>
    %dma_start3A_610 = arith.constant 0 : i32
    %dma_start3A_611 = arith.constant 0 : i32
    %dma_start3A_612 = tpu.memref_slice %arg5[%dma_start3A_597, %dma_start3A_610, %dma_start3A_611] : memref<4x5x128xi32, #tpu.memory_space<vmem>> -> memref<1x5x128xi32, #tpu.memory_space<vmem>>
    %dma_start3A_613 = tpu.memref_squeeze %dma_start3A_612 : memref<1x5x128xi32, #tpu.memory_space<vmem>> -> memref<5x128xi32, #tpu.memory_space<vmem>>
    %dma_start3A_614 = arith.constant 0 : i32
    %dma_start3A_615 = tpu.memref_slice %dma_start3A_613[%dma_start3A_598, %dma_start3A_614] : memref<5x128xi32, #tpu.memory_space<vmem>> -> memref<1x128xi32, #tpu.memory_space<vmem>>
    %dma_start3A_616 = tpu.memref_squeeze %dma_start3A_615 : memref<1x128xi32, #tpu.memory_space<vmem>> -> memref<128xi32, #tpu.memory_space<vmem>>
    %dma_start3A_617 = arith.constant 0 : i32
    %dma_start3A_618 = arith.constant 0 : i32
    %dma_start3A_619 = tpu.memref_slice %arg3[%dma_start3A_617, %dma_start3A_618] : memref<1000000x32xf32, #tpu.memory_space<hbm>> -> memref<1000000x32xf32, #tpu.memory_space<hbm>>
    tpu.enqueue_indirect_dma source(%dma_start3A_619 : memref<1000000x32xf32, #tpu.memory_space<hbm>>) target(%dma_start3A_609 : memref<128x32xf32, #tpu.memory_space<vmem>>) offsets(%dma_start3A_616 : memref<128xi32, #tpu.memory_space<vmem>>) semaphore(%arg14 : memref<!tpu.dma_semaphore, #tpu.memory_space<semaphore_mem>>)
    %dma_start3A_620 = arith.constant 3 : i32
    %dma_start3A_621 = arith.constant 4 : i32
    %dma_start3A_622 = arith.constant 3 : i32
    %dma_start3A_623 = arith.constant 4 : i32
    %dma_start3A_624 = arith.constant 0 : i32
    %dma_start3A_625 = arith.constant 0 : i32
    %dma_start3A_626 = arith.constant 0 : i32
    %dma_start3A_627 = tpu.memref_slice %arg6[%dma_start3A_622, %dma_start3A_624, %dma_start3A_625, %dma_start3A_626] : memref<4x5x128x32xf32, #tpu.memory_space<vmem>> -> memref<1x5x128x32xf32, #tpu.memory_space<vmem>>
    %dma_start3A_628 = tpu.memref_squeeze %dma_start3A_627 : memref<1x5x128x32xf32, #tpu.memory_space<vmem>> -> memref<5x128x32xf32, #tpu.memory_space<vmem>>
    %dma_start3A_629 = arith.constant 0 : i32
    %dma_start3A_630 = arith.constant 0 : i32
    %dma_start3A_631 = tpu.memref_slice %dma_start3A_628[%dma_start3A_623, %dma_start3A_629, %dma_start3A_630] : memref<5x128x32xf32, #tpu.memory_space<vmem>> -> memref<1x128x32xf32, #tpu.memory_space<vmem>>
    %dma_start3A_632 = tpu.memref_squeeze %dma_start3A_631 : memref<1x128x32xf32, #tpu.memory_space<vmem>> -> memref<128x32xf32, #tpu.memory_space<vmem>>
    %dma_start3A_633 = arith.constant 0 : i32
    %dma_start3A_634 = arith.constant 0 : i32
    %dma_start3A_635 = tpu.memref_slice %arg5[%dma_start3A_620, %dma_start3A_633, %dma_start3A_634] : memref<4x5x128xi32, #tpu.memory_space<vmem>> -> memref<1x5x128xi32, #tpu.memory_space<vmem>>
    %dma_start3A_636 = tpu.memref_squeeze %dma_start3A_635 : memref<1x5x128xi32, #tpu.memory_space<vmem>> -> memref<5x128xi32, #tpu.memory_space<vmem>>
    %dma_start3A_637 = arith.constant 0 : i32
    %dma_start3A_638 = tpu.memref_slice %dma_start3A_636[%dma_start3A_621, %dma_start3A_637] : memref<5x128xi32, #tpu.memory_space<vmem>> -> memref<1x128xi32, #tpu.memory_space<vmem>>
    %dma_start3A_639 = tpu.memref_squeeze %dma_start3A_638 : memref<1x128xi32, #tpu.memory_space<vmem>> -> memref<128xi32, #tpu.memory_space<vmem>>
    %dma_start3A_640 = arith.constant 0 : i32
    %dma_start3A_641 = arith.constant 0 : i32
    %dma_start3A_642 = tpu.memref_slice %arg3[%dma_start3A_640, %dma_start3A_641] : memref<1000000x32xf32, #tpu.memory_space<hbm>> -> memref<1000000x32xf32, #tpu.memory_space<hbm>>
    tpu.enqueue_indirect_dma source(%dma_start3A_642 : memref<1000000x32xf32, #tpu.memory_space<hbm>>) target(%dma_start3A_632 : memref<128x32xf32, #tpu.memory_space<vmem>>) offsets(%dma_start3A_639 : memref<128xi32, #tpu.memory_space<vmem>>) semaphore(%arg14 : memref<!tpu.dma_semaphore, #tpu.memory_space<semaphore_mem>>)
    %dma_wait3A_643 = arith.constant 0 : i32
    %dma_wait3A_644 = arith.constant 0 : i32
    %dma_wait3A_645 = arith.constant 0 : i32
    %dma_wait3A_646 = arith.constant 0 : i32
    %dma_wait3A_647 = arith.constant 0 : i32
    %dma_wait3A_648 = arith.constant 0 : i32
    %dma_wait3A_649 = arith.constant 0 : i32
    %dma_wait3A_650 = tpu.memref_slice %arg6[%dma_wait3A_645, %dma_wait3A_647, %dma_wait3A_648, %dma_wait3A_649] : memref<4x5x128x32xf32, #tpu.memory_space<vmem>> -> memref<1x5x128x32xf32, #tpu.memory_space<vmem>>
    %dma_wait3A_651 = tpu.memref_squeeze %dma_wait3A_650 : memref<1x5x128x32xf32, #tpu.memory_space<vmem>> -> memref<5x128x32xf32, #tpu.memory_space<vmem>>
    %dma_wait3A_652 = arith.constant 0 : i32
    %dma_wait3A_653 = arith.constant 0 : i32
    %dma_wait3A_654 = tpu.memref_slice %dma_wait3A_651[%dma_wait3A_646, %dma_wait3A_652, %dma_wait3A_653] : memref<5x128x32xf32, #tpu.memory_space<vmem>> -> memref<1x128x32xf32, #tpu.memory_space<vmem>>
    %dma_wait3A_655 = tpu.memref_squeeze %dma_wait3A_654 : memref<1x128x32xf32, #tpu.memory_space<vmem>> -> memref<128x32xf32, #tpu.memory_space<vmem>>
    %dma_wait3A_656 = arith.constant 0 : i32
    %dma_wait3A_657 = arith.constant 0 : i32
    %dma_wait3A_658 = tpu.memref_slice %arg5[%dma_wait3A_643, %dma_wait3A_656, %dma_wait3A_657] : memref<4x5x128xi32, #tpu.memory_space<vmem>> -> memref<1x5x128xi32, #tpu.memory_space<vmem>>
    %dma_wait3A_659 = tpu.memref_squeeze %dma_wait3A_658 : memref<1x5x128xi32, #tpu.memory_space<vmem>> -> memref<5x128xi32, #tpu.memory_space<vmem>>
    %dma_wait3A_660 = arith.constant 0 : i32
    %dma_wait3A_661 = tpu.memref_slice %dma_wait3A_659[%dma_wait3A_644, %dma_wait3A_660] : memref<5x128xi32, #tpu.memory_space<vmem>> -> memref<1x128xi32, #tpu.memory_space<vmem>>
    %dma_wait3A_662 = tpu.memref_squeeze %dma_wait3A_661 : memref<1x128xi32, #tpu.memory_space<vmem>> -> memref<128xi32, #tpu.memory_space<vmem>>
    %dma_wait3A_663 = arith.constant 0 : i32
    %dma_wait3A_664 = arith.constant 0 : i32
    %dma_wait3A_665 = tpu.memref_slice %arg3[%dma_wait3A_663, %dma_wait3A_664] : memref<1000000x32xf32, #tpu.memory_space<hbm>> -> memref<1000000x32xf32, #tpu.memory_space<hbm>>
    tpu.wait_indirect_dma semaphore(%arg11 : memref<!tpu.dma_semaphore, #tpu.memory_space<semaphore_mem>>) src(%dma_wait3A_665 : memref<1000000x32xf32, #tpu.memory_space<hbm>>) dst(%dma_wait3A_655 : memref<128x32xf32, #tpu.memory_space<vmem>>)
    %dma_wait3A_666 = arith.constant 0 : i32
    %dma_wait3A_667 = arith.constant 1 : i32
    %dma_wait3A_668 = arith.constant 0 : i32
    %dma_wait3A_669 = arith.constant 1 : i32
    %dma_wait3A_670 = arith.constant 0 : i32
    %dma_wait3A_671 = arith.constant 0 : i32
    %dma_wait3A_672 = arith.constant 0 : i32
    %dma_wait3A_673 = tpu.memref_slice %arg6[%dma_wait3A_668, %dma_wait3A_670, %dma_wait3A_671, %dma_wait3A_672] : memref<4x5x128x32xf32, #tpu.memory_space<vmem>> -> memref<1x5x128x32xf32, #tpu.memory_space<vmem>>
    %dma_wait3A_674 = tpu.memref_squeeze %dma_wait3A_673 : memref<1x5x128x32xf32, #tpu.memory_space<vmem>> -> memref<5x128x32xf32, #tpu.memory_space<vmem>>
    %dma_wait3A_675 = arith.constant 0 : i32
    %dma_wait3A_676 = arith.constant 0 : i32
    %dma_wait3A_677 = tpu.memref_slice %dma_wait3A_674[%dma_wait3A_669, %dma_wait3A_675, %dma_wait3A_676] : memref<5x128x32xf32, #tpu.memory_space<vmem>> -> memref<1x128x32xf32, #tpu.memory_space<vmem>>
    %dma_wait3A_678 = tpu.memref_squeeze %dma_wait3A_677 : memref<1x128x32xf32, #tpu.memory_space<vmem>> -> memref<128x32xf32, #tpu.memory_space<vmem>>
    %dma_wait3A_679 = arith.constant 0 : i32
    %dma_wait3A_680 = arith.constant 0 : i32
    %dma_wait3A_681 = tpu.memref_slice %arg5[%dma_wait3A_666, %dma_wait3A_679, %dma_wait3A_680] : memref<4x5x128xi32, #tpu.memory_space<vmem>> -> memref<1x5x128xi32, #tpu.memory_space<vmem>>
    %dma_wait3A_682 = tpu.memref_squeeze %dma_wait3A_681 : memref<1x5x128xi32, #tpu.memory_space<vmem>> -> memref<5x128xi32, #tpu.memory_space<vmem>>
    %dma_wait3A_683 = arith.constant 0 : i32
    %dma_wait3A_684 = tpu.memref_slice %dma_wait3A_682[%dma_wait3A_667, %dma_wait3A_683] : memref<5x128xi32, #tpu.memory_space<vmem>> -> memref<1x128xi32, #tpu.memory_space<vmem>>
    %dma_wait3A_685 = tpu.memref_squeeze %dma_wait3A_684 : memref<1x128xi32, #tpu.memory_space<vmem>> -> memref<128xi32, #tpu.memory_space<vmem>>
    %dma_wait3A_686 = arith.constant 0 : i32
    %dma_wait3A_687 = arith.constant 0 : i32
    %dma_wait3A_688 = tpu.memref_slice %arg3[%dma_wait3A_686, %dma_wait3A_687] : memref<1000000x32xf32, #tpu.memory_space<hbm>> -> memref<1000000x32xf32, #tpu.memory_space<hbm>>
    tpu.wait_indirect_dma semaphore(%arg11 : memref<!tpu.dma_semaphore, #tpu.memory_space<semaphore_mem>>) src(%dma_wait3A_688 : memref<1000000x32xf32, #tpu.memory_space<hbm>>) dst(%dma_wait3A_678 : memref<128x32xf32, #tpu.memory_space<vmem>>)
    %dma_wait3A_689 = arith.constant 0 : i32
    %dma_wait3A_690 = arith.constant 2 : i32
    %dma_wait3A_691 = arith.constant 0 : i32
    %dma_wait3A_692 = arith.constant 2 : i32
    %dma_wait3A_693 = arith.constant 0 : i32
    %dma_wait3A_694 = arith.constant 0 : i32
    %dma_wait3A_695 = arith.constant 0 : i32
    %dma_wait3A_696 = tpu.memref_slice %arg6[%dma_wait3A_691, %dma_wait3A_693, %dma_wait3A_694, %dma_wait3A_695] : memref<4x5x128x32xf32, #tpu.memory_space<vmem>> -> memref<1x5x128x32xf32, #tpu.memory_space<vmem>>
    %dma_wait3A_697 = tpu.memref_squeeze %dma_wait3A_696 : memref<1x5x128x32xf32, #tpu.memory_space<vmem>> -> memref<5x128x32xf32, #tpu.memory_space<vmem>>
    %dma_wait3A_698 = arith.constant 0 : i32
    %dma_wait3A_699 = arith.constant 0 : i32
    %dma_wait3A_700 = tpu.memref_slice %dma_wait3A_697[%dma_wait3A_692, %dma_wait3A_698, %dma_wait3A_699] : memref<5x128x32xf32, #tpu.memory_space<vmem>> -> memref<1x128x32xf32, #tpu.memory_space<vmem>>
    %dma_wait3A_701 = tpu.memref_squeeze %dma_wait3A_700 : memref<1x128x32xf32, #tpu.memory_space<vmem>> -> memref<128x32xf32, #tpu.memory_space<vmem>>
    %dma_wait3A_702 = arith.constant 0 : i32
    %dma_wait3A_703 = arith.constant 0 : i32
    %dma_wait3A_704 = tpu.memref_slice %arg5[%dma_wait3A_689, %dma_wait3A_702, %dma_wait3A_703] : memref<4x5x128xi32, #tpu.memory_space<vmem>> -> memref<1x5x128xi32, #tpu.memory_space<vmem>>
    %dma_wait3A_705 = tpu.memref_squeeze %dma_wait3A_704 : memref<1x5x128xi32, #tpu.memory_space<vmem>> -> memref<5x128xi32, #tpu.memory_space<vmem>>
    %dma_wait3A_706 = arith.constant 0 : i32
    %dma_wait3A_707 = tpu.memref_slice %dma_wait3A_705[%dma_wait3A_690, %dma_wait3A_706] : memref<5x128xi32, #tpu.memory_space<vmem>> -> memref<1x128xi32, #tpu.memory_space<vmem>>
    %dma_wait3A_708 = tpu.memref_squeeze %dma_wait3A_707 : memref<1x128xi32, #tpu.memory_space<vmem>> -> memref<128xi32, #tpu.memory_space<vmem>>
    %dma_wait3A_709 = arith.constant 0 : i32
    %dma_wait3A_710 = arith.constant 0 : i32
    %dma_wait3A_711 = tpu.memref_slice %arg3[%dma_wait3A_709, %dma_wait3A_710] : memref<1000000x32xf32, #tpu.memory_space<hbm>> -> memref<1000000x32xf32, #tpu.memory_space<hbm>>
    tpu.wait_indirect_dma semaphore(%arg11 : memref<!tpu.dma_semaphore, #tpu.memory_space<semaphore_mem>>) src(%dma_wait3A_711 : memref<1000000x32xf32, #tpu.memory_space<hbm>>) dst(%dma_wait3A_701 : memref<128x32xf32, #tpu.memory_space<vmem>>)
    %dma_wait3A_712 = arith.constant 0 : i32
    %dma_wait3A_713 = arith.constant 3 : i32
    %dma_wait3A_714 = arith.constant 0 : i32
    %dma_wait3A_715 = arith.constant 3 : i32
    %dma_wait3A_716 = arith.constant 0 : i32
    %dma_wait3A_717 = arith.constant 0 : i32
    %dma_wait3A_718 = arith.constant 0 : i32
    %dma_wait3A_719 = tpu.memref_slice %arg6[%dma_wait3A_714, %dma_wait3A_716, %dma_wait3A_717, %dma_wait3A_718] : memref<4x5x128x32xf32, #tpu.memory_space<vmem>> -> memref<1x5x128x32xf32, #tpu.memory_space<vmem>>
    %dma_wait3A_720 = tpu.memref_squeeze %dma_wait3A_719 : memref<1x5x128x32xf32, #tpu.memory_space<vmem>> -> memref<5x128x32xf32, #tpu.memory_space<vmem>>
    %dma_wait3A_721 = arith.constant 0 : i32
    %dma_wait3A_722 = arith.constant 0 : i32
    %dma_wait3A_723 = tpu.memref_slice %dma_wait3A_720[%dma_wait3A_715, %dma_wait3A_721, %dma_wait3A_722] : memref<5x128x32xf32, #tpu.memory_space<vmem>> -> memref<1x128x32xf32, #tpu.memory_space<vmem>>
    %dma_wait3A_724 = tpu.memref_squeeze %dma_wait3A_723 : memref<1x128x32xf32, #tpu.memory_space<vmem>> -> memref<128x32xf32, #tpu.memory_space<vmem>>
    %dma_wait3A_725 = arith.constant 0 : i32
    %dma_wait3A_726 = arith.constant 0 : i32
    %dma_wait3A_727 = tpu.memref_slice %arg5[%dma_wait3A_712, %dma_wait3A_725, %dma_wait3A_726] : memref<4x5x128xi32, #tpu.memory_space<vmem>> -> memref<1x5x128xi32, #tpu.memory_space<vmem>>
    %dma_wait3A_728 = tpu.memref_squeeze %dma_wait3A_727 : memref<1x5x128xi32, #tpu.memory_space<vmem>> -> memref<5x128xi32, #tpu.memory_space<vmem>>
    %dma_wait3A_729 = arith.constant 0 : i32
    %dma_wait3A_730 = tpu.memref_slice %dma_wait3A_728[%dma_wait3A_713, %dma_wait3A_729] : memref<5x128xi32, #tpu.memory_space<vmem>> -> memref<1x128xi32, #tpu.memory_space<vmem>>
    %dma_wait3A_731 = tpu.memref_squeeze %dma_wait3A_730 : memref<1x128xi32, #tpu.memory_space<vmem>> -> memref<128xi32, #tpu.memory_space<vmem>>
    %dma_wait3A_732 = arith.constant 0 : i32
    %dma_wait3A_733 = arith.constant 0 : i32
    %dma_wait3A_734 = tpu.memref_slice %arg3[%dma_wait3A_732, %dma_wait3A_733] : memref<1000000x32xf32, #tpu.memory_space<hbm>> -> memref<1000000x32xf32, #tpu.memory_space<hbm>>
    tpu.wait_indirect_dma semaphore(%arg11 : memref<!tpu.dma_semaphore, #tpu.memory_space<semaphore_mem>>) src(%dma_wait3A_734 : memref<1000000x32xf32, #tpu.memory_space<hbm>>) dst(%dma_wait3A_724 : memref<128x32xf32, #tpu.memory_space<vmem>>)
    %dma_wait3A_735 = arith.constant 0 : i32
    %dma_wait3A_736 = arith.constant 4 : i32
    %dma_wait3A_737 = arith.constant 0 : i32
    %dma_wait3A_738 = arith.constant 4 : i32
    %dma_wait3A_739 = arith.constant 0 : i32
    %dma_wait3A_740 = arith.constant 0 : i32
    %dma_wait3A_741 = arith.constant 0 : i32
    %dma_wait3A_742 = tpu.memref_slice %arg6[%dma_wait3A_737, %dma_wait3A_739, %dma_wait3A_740, %dma_wait3A_741] : memref<4x5x128x32xf32, #tpu.memory_space<vmem>> -> memref<1x5x128x32xf32, #tpu.memory_space<vmem>>
    %dma_wait3A_743 = tpu.memref_squeeze %dma_wait3A_742 : memref<1x5x128x32xf32, #tpu.memory_space<vmem>> -> memref<5x128x32xf32, #tpu.memory_space<vmem>>
    %dma_wait3A_744 = arith.constant 0 : i32
    %dma_wait3A_745 = arith.constant 0 : i32
    %dma_wait3A_746 = tpu.memref_slice %dma_wait3A_743[%dma_wait3A_738, %dma_wait3A_744, %dma_wait3A_745] : memref<5x128x32xf32, #tpu.memory_space<vmem>> -> memref<1x128x32xf32, #tpu.memory_space<vmem>>
    %dma_wait3A_747 = tpu.memref_squeeze %dma_wait3A_746 : memref<1x128x32xf32, #tpu.memory_space<vmem>> -> memref<128x32xf32, #tpu.memory_space<vmem>>
    %dma_wait3A_748 = arith.constant 0 : i32
    %dma_wait3A_749 = arith.constant 0 : i32
    %dma_wait3A_750 = tpu.memref_slice %arg5[%dma_wait3A_735, %dma_wait3A_748, %dma_wait3A_749] : memref<4x5x128xi32, #tpu.memory_space<vmem>> -> memref<1x5x128xi32, #tpu.memory_space<vmem>>
    %dma_wait3A_751 = tpu.memref_squeeze %dma_wait3A_750 : memref<1x5x128xi32, #tpu.memory_space<vmem>> -> memref<5x128xi32, #tpu.memory_space<vmem>>
    %dma_wait3A_752 = arith.constant 0 : i32
    %dma_wait3A_753 = tpu.memref_slice %dma_wait3A_751[%dma_wait3A_736, %dma_wait3A_752] : memref<5x128xi32, #tpu.memory_space<vmem>> -> memref<1x128xi32, #tpu.memory_space<vmem>>
    %dma_wait3A_754 = tpu.memref_squeeze %dma_wait3A_753 : memref<1x128xi32, #tpu.memory_space<vmem>> -> memref<128xi32, #tpu.memory_space<vmem>>
    %dma_wait3A_755 = arith.constant 0 : i32
    %dma_wait3A_756 = arith.constant 0 : i32
    %dma_wait3A_757 = tpu.memref_slice %arg3[%dma_wait3A_755, %dma_wait3A_756] : memref<1000000x32xf32, #tpu.memory_space<hbm>> -> memref<1000000x32xf32, #tpu.memory_space<hbm>>
    tpu.wait_indirect_dma semaphore(%arg11 : memref<!tpu.dma_semaphore, #tpu.memory_space<semaphore_mem>>) src(%dma_wait3A_757 : memref<1000000x32xf32, #tpu.memory_space<hbm>>) dst(%dma_wait3A_747 : memref<128x32xf32, #tpu.memory_space<vmem>>)
    %dma_start3A_758 = arith.constant 0 : i32
    %dma_start3A_759 = arith.constant 0 : i32
    %dma_start3A_760 = arith.constant 0 : i32
    %dma_start3A_761 = arith.constant 0 : i32
    %dma_start3A_762 = tpu.memref_slice %arg6[%dma_start3A_758, %dma_start3A_759, %dma_start3A_760, %dma_start3A_761] : memref<4x5x128x32xf32, #tpu.memory_space<vmem>> -> memref<1x5x128x32xf32, #tpu.memory_space<vmem>>
    %dma_start3A_763 = tpu.memref_squeeze %dma_start3A_762 : memref<1x5x128x32xf32, #tpu.memory_space<vmem>> -> memref<5x128x32xf32, #tpu.memory_space<vmem>>
    %dma_start3A_764 = arith.constant 0 : i32
    %dma_start3A_765 = arith.constant 0 : i32
    %dma_start3A_766 = arith.constant 0 : i32
    %dma_start3A_767 = tpu.memref_slice %arg4[%add3A, %dma_start3A_764, %dma_start3A_765, %dma_start3A_766] : memref<32x200x128x32xf32, #tpu.memory_space<hbm>> -> memref<1x200x128x32xf32, #tpu.memory_space<hbm>>
    %dma_start3A_768 = tpu.memref_squeeze %dma_start3A_767 : memref<1x200x128x32xf32, #tpu.memory_space<hbm>> -> memref<200x128x32xf32, #tpu.memory_space<hbm>>
    %dma_start3A_769 = arith.constant 0 : i32
    %dma_start3A_770 = arith.constant 0 : i32
    %dma_start3A_771 = arith.constant 0 : i32
    %dma_start3A_772 = tpu.memref_slice %dma_start3A_768[%dma_start3A_769, %dma_start3A_770, %dma_start3A_771] : memref<200x128x32xf32, #tpu.memory_space<hbm>> -> memref<5x128x32xf32, #tpu.memory_space<hbm>>
    %dma_start3A_773 = arith.constant 0 : i32
    %dma_start3A_774 = arith.constant 0 : i32
    %dma_start3A_775 = arith.constant 0 : i32
    %dma_start3A_776 = tpu.memref_slice %arg4[%add3A, %dma_start3A_773, %dma_start3A_774, %dma_start3A_775] : memref<32x200x128x32xf32, #tpu.memory_space<hbm>> -> memref<1x200x128x32xf32, #tpu.memory_space<hbm>>
    %dma_start3A_777 = tpu.memref_squeeze %dma_start3A_776 : memref<1x200x128x32xf32, #tpu.memory_space<hbm>> -> memref<200x128x32xf32, #tpu.memory_space<hbm>>
    %dma_start3A_778 = arith.constant 0 : i32
    %dma_start3A_779 = arith.constant 0 : i32
    %dma_start3A_780 = arith.constant 0 : i32
    %dma_start3A_781 = tpu.memref_slice %dma_start3A_777[%dma_start3A_778, %dma_start3A_779, %dma_start3A_780] : memref<200x128x32xf32, #tpu.memory_space<hbm>> -> memref<5x128x32xf32, #tpu.memory_space<hbm>>
    %dma_start3A_782 = arith.constant 0 : i32
    %dma_start3A_783 = arith.constant 0 : i32
    %dma_start3A_784 = arith.constant 0 : i32
    %dma_start3A_785 = tpu.memref_slice %arg6[%dma_start3A_758, %dma_start3A_782, %dma_start3A_783, %dma_start3A_784] : memref<4x5x128x32xf32, #tpu.memory_space<vmem>> -> memref<1x5x128x32xf32, #tpu.memory_space<vmem>>
    %dma_start3A_786 = tpu.memref_squeeze %dma_start3A_785 : memref<1x5x128x32xf32, #tpu.memory_space<vmem>> -> memref<5x128x32xf32, #tpu.memory_space<vmem>>
    tpu.enqueue_dma source(%dma_start3A_786 : memref<5x128x32xf32, #tpu.memory_space<vmem>>) target(%dma_start3A_781 : memref<5x128x32xf32, #tpu.memory_space<hbm>>) target_semaphore(%arg15 : memref<!tpu.dma_semaphore, #tpu.memory_space<semaphore_mem>>)
    %dma_wait3A_787 = arith.constant 1 : i32
    %dma_wait3A_788 = arith.constant 0 : i32
    %dma_wait3A_789 = arith.constant 1 : i32
    %dma_wait3A_790 = arith.constant 0 : i32
    %dma_wait3A_791 = arith.constant 0 : i32
    %dma_wait3A_792 = arith.constant 0 : i32
    %dma_wait3A_793 = arith.constant 0 : i32
    %dma_wait3A_794 = tpu.memref_slice %arg6[%dma_wait3A_789, %dma_wait3A_791, %dma_wait3A_792, %dma_wait3A_793] : memref<4x5x128x32xf32, #tpu.memory_space<vmem>> -> memref<1x5x128x32xf32, #tpu.memory_space<vmem>>
    %dma_wait3A_795 = tpu.memref_squeeze %dma_wait3A_794 : memref<1x5x128x32xf32, #tpu.memory_space<vmem>> -> memref<5x128x32xf32, #tpu.memory_space<vmem>>
    %dma_wait3A_796 = arith.constant 0 : i32
    %dma_wait3A_797 = arith.constant 0 : i32
    %dma_wait3A_798 = tpu.memref_slice %dma_wait3A_795[%dma_wait3A_790, %dma_wait3A_796, %dma_wait3A_797] : memref<5x128x32xf32, #tpu.memory_space<vmem>> -> memref<1x128x32xf32, #tpu.memory_space<vmem>>
    %dma_wait3A_799 = tpu.memref_squeeze %dma_wait3A_798 : memref<1x128x32xf32, #tpu.memory_space<vmem>> -> memref<128x32xf32, #tpu.memory_space<vmem>>
    %dma_wait3A_800 = arith.constant 0 : i32
    %dma_wait3A_801 = arith.constant 0 : i32
    %dma_wait3A_802 = tpu.memref_slice %arg5[%dma_wait3A_787, %dma_wait3A_800, %dma_wait3A_801] : memref<4x5x128xi32, #tpu.memory_space<vmem>> -> memref<1x5x128xi32, #tpu.memory_space<vmem>>
    %dma_wait3A_803 = tpu.memref_squeeze %dma_wait3A_802 : memref<1x5x128xi32, #tpu.memory_space<vmem>> -> memref<5x128xi32, #tpu.memory_space<vmem>>
    %dma_wait3A_804 = arith.constant 0 : i32
    %dma_wait3A_805 = tpu.memref_slice %dma_wait3A_803[%dma_wait3A_788, %dma_wait3A_804] : memref<5x128xi32, #tpu.memory_space<vmem>> -> memref<1x128xi32, #tpu.memory_space<vmem>>
    %dma_wait3A_806 = tpu.memref_squeeze %dma_wait3A_805 : memref<1x128xi32, #tpu.memory_space<vmem>> -> memref<128xi32, #tpu.memory_space<vmem>>
    %dma_wait3A_807 = arith.constant 0 : i32
    %dma_wait3A_808 = arith.constant 0 : i32
    %dma_wait3A_809 = tpu.memref_slice %arg3[%dma_wait3A_807, %dma_wait3A_808] : memref<1000000x32xf32, #tpu.memory_space<hbm>> -> memref<1000000x32xf32, #tpu.memory_space<hbm>>
    tpu.wait_indirect_dma semaphore(%arg12 : memref<!tpu.dma_semaphore, #tpu.memory_space<semaphore_mem>>) src(%dma_wait3A_809 : memref<1000000x32xf32, #tpu.memory_space<hbm>>) dst(%dma_wait3A_799 : memref<128x32xf32, #tpu.memory_space<vmem>>)
    %dma_wait3A_810 = arith.constant 1 : i32
    %dma_wait3A_811 = arith.constant 1 : i32
    %dma_wait3A_812 = arith.constant 1 : i32
    %dma_wait3A_813 = arith.constant 1 : i32
    %dma_wait3A_814 = arith.constant 0 : i32
    %dma_wait3A_815 = arith.constant 0 : i32
    %dma_wait3A_816 = arith.constant 0 : i32
    %dma_wait3A_817 = tpu.memref_slice %arg6[%dma_wait3A_812, %dma_wait3A_814, %dma_wait3A_815, %dma_wait3A_816] : memref<4x5x128x32xf32, #tpu.memory_space<vmem>> -> memref<1x5x128x32xf32, #tpu.memory_space<vmem>>
    %dma_wait3A_818 = tpu.memref_squeeze %dma_wait3A_817 : memref<1x5x128x32xf32, #tpu.memory_space<vmem>> -> memref<5x128x32xf32, #tpu.memory_space<vmem>>
    %dma_wait3A_819 = arith.constant 0 : i32
    %dma_wait3A_820 = arith.constant 0 : i32
    %dma_wait3A_821 = tpu.memref_slice %dma_wait3A_818[%dma_wait3A_813, %dma_wait3A_819, %dma_wait3A_820] : memref<5x128x32xf32, #tpu.memory_space<vmem>> -> memref<1x128x32xf32, #tpu.memory_space<vmem>>
    %dma_wait3A_822 = tpu.memref_squeeze %dma_wait3A_821 : memref<1x128x32xf32, #tpu.memory_space<vmem>> -> memref<128x32xf32, #tpu.memory_space<vmem>>
    %dma_wait3A_823 = arith.constant 0 : i32
    %dma_wait3A_824 = arith.constant 0 : i32
    %dma_wait3A_825 = tpu.memref_slice %arg5[%dma_wait3A_810, %dma_wait3A_823, %dma_wait3A_824] : memref<4x5x128xi32, #tpu.memory_space<vmem>> -> memref<1x5x128xi32, #tpu.memory_space<vmem>>
    %dma_wait3A_826 = tpu.memref_squeeze %dma_wait3A_825 : memref<1x5x128xi32, #tpu.memory_space<vmem>> -> memref<5x128xi32, #tpu.memory_space<vmem>>
    %dma_wait3A_827 = arith.constant 0 : i32
    %dma_wait3A_828 = tpu.memref_slice %dma_wait3A_826[%dma_wait3A_811, %dma_wait3A_827] : memref<5x128xi32, #tpu.memory_space<vmem>> -> memref<1x128xi32, #tpu.memory_space<vmem>>
    %dma_wait3A_829 = tpu.memref_squeeze %dma_wait3A_828 : memref<1x128xi32, #tpu.memory_space<vmem>> -> memref<128xi32, #tpu.memory_space<vmem>>
    %dma_wait3A_830 = arith.constant 0 : i32
    %dma_wait3A_831 = arith.constant 0 : i32
    %dma_wait3A_832 = tpu.memref_slice %arg3[%dma_wait3A_830, %dma_wait3A_831] : memref<1000000x32xf32, #tpu.memory_space<hbm>> -> memref<1000000x32xf32, #tpu.memory_space<hbm>>
    tpu.wait_indirect_dma semaphore(%arg12 : memref<!tpu.dma_semaphore, #tpu.memory_space<semaphore_mem>>) src(%dma_wait3A_832 : memref<1000000x32xf32, #tpu.memory_space<hbm>>) dst(%dma_wait3A_822 : memref<128x32xf32, #tpu.memory_space<vmem>>)
    %dma_wait3A_833 = arith.constant 1 : i32
    %dma_wait3A_834 = arith.constant 2 : i32
    %dma_wait3A_835 = arith.constant 1 : i32
    %dma_wait3A_836 = arith.constant 2 : i32
    %dma_wait3A_837 = arith.constant 0 : i32
    %dma_wait3A_838 = arith.constant 0 : i32
    %dma_wait3A_839 = arith.constant 0 : i32
    %dma_wait3A_840 = tpu.memref_slice %arg6[%dma_wait3A_835, %dma_wait3A_837, %dma_wait3A_838, %dma_wait3A_839] : memref<4x5x128x32xf32, #tpu.memory_space<vmem>> -> memref<1x5x128x32xf32, #tpu.memory_space<vmem>>
    %dma_wait3A_841 = tpu.memref_squeeze %dma_wait3A_840 : memref<1x5x128x32xf32, #tpu.memory_space<vmem>> -> memref<5x128x32xf32, #tpu.memory_space<vmem>>
    %dma_wait3A_842 = arith.constant 0 : i32
    %dma_wait3A_843 = arith.constant 0 : i32
    %dma_wait3A_844 = tpu.memref_slice %dma_wait3A_841[%dma_wait3A_836, %dma_wait3A_842, %dma_wait3A_843] : memref<5x128x32xf32, #tpu.memory_space<vmem>> -> memref<1x128x32xf32, #tpu.memory_space<vmem>>
    %dma_wait3A_845 = tpu.memref_squeeze %dma_wait3A_844 : memref<1x128x32xf32, #tpu.memory_space<vmem>> -> memref<128x32xf32, #tpu.memory_space<vmem>>
    %dma_wait3A_846 = arith.constant 0 : i32
    %dma_wait3A_847 = arith.constant 0 : i32
    %dma_wait3A_848 = tpu.memref_slice %arg5[%dma_wait3A_833, %dma_wait3A_846, %dma_wait3A_847] : memref<4x5x128xi32, #tpu.memory_space<vmem>> -> memref<1x5x128xi32, #tpu.memory_space<vmem>>
    %dma_wait3A_849 = tpu.memref_squeeze %dma_wait3A_848 : memref<1x5x128xi32, #tpu.memory_space<vmem>> -> memref<5x128xi32, #tpu.memory_space<vmem>>
    %dma_wait3A_850 = arith.constant 0 : i32
    %dma_wait3A_851 = tpu.memref_slice %dma_wait3A_849[%dma_wait3A_834, %dma_wait3A_850] : memref<5x128xi32, #tpu.memory_space<vmem>> -> memref<1x128xi32, #tpu.memory_space<vmem>>
    %dma_wait3A_852 = tpu.memref_squeeze %dma_wait3A_851 : memref<1x128xi32, #tpu.memory_space<vmem>> -> memref<128xi32, #tpu.memory_space<vmem>>
    %dma_wait3A_853 = arith.constant 0 : i32
    %dma_wait3A_854 = arith.constant 0 : i32
    %dma_wait3A_855 = tpu.memref_slice %arg3[%dma_wait3A_853, %dma_wait3A_854] : memref<1000000x32xf32, #tpu.memory_space<hbm>> -> memref<1000000x32xf32, #tpu.memory_space<hbm>>
    tpu.wait_indirect_dma semaphore(%arg12 : memref<!tpu.dma_semaphore, #tpu.memory_space<semaphore_mem>>) src(%dma_wait3A_855 : memref<1000000x32xf32, #tpu.memory_space<hbm>>) dst(%dma_wait3A_845 : memref<128x32xf32, #tpu.memory_space<vmem>>)
    %dma_wait3A_856 = arith.constant 1 : i32
    %dma_wait3A_857 = arith.constant 3 : i32
    %dma_wait3A_858 = arith.constant 1 : i32
    %dma_wait3A_859 = arith.constant 3 : i32
    %dma_wait3A_860 = arith.constant 0 : i32
    %dma_wait3A_861 = arith.constant 0 : i32
    %dma_wait3A_862 = arith.constant 0 : i32
    %dma_wait3A_863 = tpu.memref_slice %arg6[%dma_wait3A_858, %dma_wait3A_860, %dma_wait3A_861, %dma_wait3A_862] : memref<4x5x128x32xf32, #tpu.memory_space<vmem>> -> memref<1x5x128x32xf32, #tpu.memory_space<vmem>>
    %dma_wait3A_864 = tpu.memref_squeeze %dma_wait3A_863 : memref<1x5x128x32xf32, #tpu.memory_space<vmem>> -> memref<5x128x32xf32, #tpu.memory_space<vmem>>
    %dma_wait3A_865 = arith.constant 0 : i32
    %dma_wait3A_866 = arith.constant 0 : i32
    %dma_wait3A_867 = tpu.memref_slice %dma_wait3A_864[%dma_wait3A_859, %dma_wait3A_865, %dma_wait3A_866] : memref<5x128x32xf32, #tpu.memory_space<vmem>> -> memref<1x128x32xf32, #tpu.memory_space<vmem>>
    %dma_wait3A_868 = tpu.memref_squeeze %dma_wait3A_867 : memref<1x128x32xf32, #tpu.memory_space<vmem>> -> memref<128x32xf32, #tpu.memory_space<vmem>>
    %dma_wait3A_869 = arith.constant 0 : i32
    %dma_wait3A_870 = arith.constant 0 : i32
    %dma_wait3A_871 = tpu.memref_slice %arg5[%dma_wait3A_856, %dma_wait3A_869, %dma_wait3A_870] : memref<4x5x128xi32, #tpu.memory_space<vmem>> -> memref<1x5x128xi32, #tpu.memory_space<vmem>>
    %dma_wait3A_872 = tpu.memref_squeeze %dma_wait3A_871 : memref<1x5x128xi32, #tpu.memory_space<vmem>> -> memref<5x128xi32, #tpu.memory_space<vmem>>
    %dma_wait3A_873 = arith.constant 0 : i32
    %dma_wait3A_874 = tpu.memref_slice %dma_wait3A_872[%dma_wait3A_857, %dma_wait3A_873] : memref<5x128xi32, #tpu.memory_space<vmem>> -> memref<1x128xi32, #tpu.memory_space<vmem>>
    %dma_wait3A_875 = tpu.memref_squeeze %dma_wait3A_874 : memref<1x128xi32, #tpu.memory_space<vmem>> -> memref<128xi32, #tpu.memory_space<vmem>>
    %dma_wait3A_876 = arith.constant 0 : i32
    %dma_wait3A_877 = arith.constant 0 : i32
    %dma_wait3A_878 = tpu.memref_slice %arg3[%dma_wait3A_876, %dma_wait3A_877] : memref<1000000x32xf32, #tpu.memory_space<hbm>> -> memref<1000000x32xf32, #tpu.memory_space<hbm>>
    tpu.wait_indirect_dma semaphore(%arg12 : memref<!tpu.dma_semaphore, #tpu.memory_space<semaphore_mem>>) src(%dma_wait3A_878 : memref<1000000x32xf32, #tpu.memory_space<hbm>>) dst(%dma_wait3A_868 : memref<128x32xf32, #tpu.memory_space<vmem>>)
    %dma_wait3A_879 = arith.constant 1 : i32
    %dma_wait3A_880 = arith.constant 4 : i32
    %dma_wait3A_881 = arith.constant 1 : i32
    %dma_wait3A_882 = arith.constant 4 : i32
    %dma_wait3A_883 = arith.constant 0 : i32
    %dma_wait3A_884 = arith.constant 0 : i32
    %dma_wait3A_885 = arith.constant 0 : i32
    %dma_wait3A_886 = tpu.memref_slice %arg6[%dma_wait3A_881, %dma_wait3A_883, %dma_wait3A_884, %dma_wait3A_885] : memref<4x5x128x32xf32, #tpu.memory_space<vmem>> -> memref<1x5x128x32xf32, #tpu.memory_space<vmem>>
    %dma_wait3A_887 = tpu.memref_squeeze %dma_wait3A_886 : memref<1x5x128x32xf32, #tpu.memory_space<vmem>> -> memref<5x128x32xf32, #tpu.memory_space<vmem>>
    %dma_wait3A_888 = arith.constant 0 : i32
    %dma_wait3A_889 = arith.constant 0 : i32
    %dma_wait3A_890 = tpu.memref_slice %dma_wait3A_887[%dma_wait3A_882, %dma_wait3A_888, %dma_wait3A_889] : memref<5x128x32xf32, #tpu.memory_space<vmem>> -> memref<1x128x32xf32, #tpu.memory_space<vmem>>
    %dma_wait3A_891 = tpu.memref_squeeze %dma_wait3A_890 : memref<1x128x32xf32, #tpu.memory_space<vmem>> -> memref<128x32xf32, #tpu.memory_space<vmem>>
    %dma_wait3A_892 = arith.constant 0 : i32
    %dma_wait3A_893 = arith.constant 0 : i32
    %dma_wait3A_894 = tpu.memref_slice %arg5[%dma_wait3A_879, %dma_wait3A_892, %dma_wait3A_893] : memref<4x5x128xi32, #tpu.memory_space<vmem>> -> memref<1x5x128xi32, #tpu.memory_space<vmem>>
    %dma_wait3A_895 = tpu.memref_squeeze %dma_wait3A_894 : memref<1x5x128xi32, #tpu.memory_space<vmem>> -> memref<5x128xi32, #tpu.memory_space<vmem>>
    %dma_wait3A_896 = arith.constant 0 : i32
    %dma_wait3A_897 = tpu.memref_slice %dma_wait3A_895[%dma_wait3A_880, %dma_wait3A_896] : memref<5x128xi32, #tpu.memory_space<vmem>> -> memref<1x128xi32, #tpu.memory_space<vmem>>
    %dma_wait3A_898 = tpu.memref_squeeze %dma_wait3A_897 : memref<1x128xi32, #tpu.memory_space<vmem>> -> memref<128xi32, #tpu.memory_space<vmem>>
    %dma_wait3A_899 = arith.constant 0 : i32
    %dma_wait3A_900 = arith.constant 0 : i32
    %dma_wait3A_901 = tpu.memref_slice %arg3[%dma_wait3A_899, %dma_wait3A_900] : memref<1000000x32xf32, #tpu.memory_space<hbm>> -> memref<1000000x32xf32, #tpu.memory_space<hbm>>
    tpu.wait_indirect_dma semaphore(%arg12 : memref<!tpu.dma_semaphore, #tpu.memory_space<semaphore_mem>>) src(%dma_wait3A_901 : memref<1000000x32xf32, #tpu.memory_space<hbm>>) dst(%dma_wait3A_891 : memref<128x32xf32, #tpu.memory_space<vmem>>)
    %dma_start3A_902 = arith.constant 1 : i32
    %dma_start3A_903 = arith.constant 0 : i32
    %dma_start3A_904 = arith.constant 0 : i32
    %dma_start3A_905 = arith.constant 0 : i32
    %dma_start3A_906 = tpu.memref_slice %arg6[%dma_start3A_902, %dma_start3A_903, %dma_start3A_904, %dma_start3A_905] : memref<4x5x128x32xf32, #tpu.memory_space<vmem>> -> memref<1x5x128x32xf32, #tpu.memory_space<vmem>>
    %dma_start3A_907 = tpu.memref_squeeze %dma_start3A_906 : memref<1x5x128x32xf32, #tpu.memory_space<vmem>> -> memref<5x128x32xf32, #tpu.memory_space<vmem>>
    %dma_start3A_908 = arith.constant 0 : i32
    %dma_start3A_909 = arith.constant 0 : i32
    %dma_start3A_910 = arith.constant 0 : i32
    %dma_start3A_911 = tpu.memref_slice %arg4[%add3A, %dma_start3A_908, %dma_start3A_909, %dma_start3A_910] : memref<32x200x128x32xf32, #tpu.memory_space<hbm>> -> memref<1x200x128x32xf32, #tpu.memory_space<hbm>>
    %dma_start3A_912 = tpu.memref_squeeze %dma_start3A_911 : memref<1x200x128x32xf32, #tpu.memory_space<hbm>> -> memref<200x128x32xf32, #tpu.memory_space<hbm>>
    %dma_start3A_913 = arith.constant 5 : i32
    %dma_start3A_914 = arith.constant 0 : i32
    %dma_start3A_915 = arith.constant 0 : i32
    %dma_start3A_916 = tpu.memref_slice %dma_start3A_912[%dma_start3A_913, %dma_start3A_914, %dma_start3A_915] : memref<200x128x32xf32, #tpu.memory_space<hbm>> -> memref<5x128x32xf32, #tpu.memory_space<hbm>>
    %dma_start3A_917 = arith.constant 0 : i32
    %dma_start3A_918 = arith.constant 0 : i32
    %dma_start3A_919 = arith.constant 0 : i32
    %dma_start3A_920 = tpu.memref_slice %arg4[%add3A, %dma_start3A_917, %dma_start3A_918, %dma_start3A_919] : memref<32x200x128x32xf32, #tpu.memory_space<hbm>> -> memref<1x200x128x32xf32, #tpu.memory_space<hbm>>
    %dma_start3A_921 = tpu.memref_squeeze %dma_start3A_920 : memref<1x200x128x32xf32, #tpu.memory_space<hbm>> -> memref<200x128x32xf32, #tpu.memory_space<hbm>>
    %dma_start3A_922 = arith.constant 5 : i32
    %dma_start3A_923 = arith.constant 0 : i32
    %dma_start3A_924 = arith.constant 0 : i32
    %dma_start3A_925 = tpu.memref_slice %dma_start3A_921[%dma_start3A_922, %dma_start3A_923, %dma_start3A_924] : memref<200x128x32xf32, #tpu.memory_space<hbm>> -> memref<5x128x32xf32, #tpu.memory_space<hbm>>
    %dma_start3A_926 = arith.constant 0 : i32
    %dma_start3A_927 = arith.constant 0 : i32
    %dma_start3A_928 = arith.constant 0 : i32
    %dma_start3A_929 = tpu.memref_slice %arg6[%dma_start3A_902, %dma_start3A_926, %dma_start3A_927, %dma_start3A_928] : memref<4x5x128x32xf32, #tpu.memory_space<vmem>> -> memref<1x5x128x32xf32, #tpu.memory_space<vmem>>
    %dma_start3A_930 = tpu.memref_squeeze %dma_start3A_929 : memref<1x5x128x32xf32, #tpu.memory_space<vmem>> -> memref<5x128x32xf32, #tpu.memory_space<vmem>>
    tpu.enqueue_dma source(%dma_start3A_930 : memref<5x128x32xf32, #tpu.memory_space<vmem>>) target(%dma_start3A_925 : memref<5x128x32xf32, #tpu.memory_space<hbm>>) target_semaphore(%arg16 : memref<!tpu.dma_semaphore, #tpu.memory_space<semaphore_mem>>)
    %dma_wait3A_931 = arith.constant 2 : i32
    %dma_wait3A_932 = arith.constant 0 : i32
    %dma_wait3A_933 = arith.constant 2 : i32
    %dma_wait3A_934 = arith.constant 0 : i32
    %dma_wait3A_935 = arith.constant 0 : i32
    %dma_wait3A_936 = arith.constant 0 : i32
    %dma_wait3A_937 = arith.constant 0 : i32
    %dma_wait3A_938 = tpu.memref_slice %arg6[%dma_wait3A_933, %dma_wait3A_935, %dma_wait3A_936, %dma_wait3A_937] : memref<4x5x128x32xf32, #tpu.memory_space<vmem>> -> memref<1x5x128x32xf32, #tpu.memory_space<vmem>>
    %dma_wait3A_939 = tpu.memref_squeeze %dma_wait3A_938 : memref<1x5x128x32xf32, #tpu.memory_space<vmem>> -> memref<5x128x32xf32, #tpu.memory_space<vmem>>
    %dma_wait3A_940 = arith.constant 0 : i32
    %dma_wait3A_941 = arith.constant 0 : i32
    %dma_wait3A_942 = tpu.memref_slice %dma_wait3A_939[%dma_wait3A_934, %dma_wait3A_940, %dma_wait3A_941] : memref<5x128x32xf32, #tpu.memory_space<vmem>> -> memref<1x128x32xf32, #tpu.memory_space<vmem>>
    %dma_wait3A_943 = tpu.memref_squeeze %dma_wait3A_942 : memref<1x128x32xf32, #tpu.memory_space<vmem>> -> memref<128x32xf32, #tpu.memory_space<vmem>>
    %dma_wait3A_944 = arith.constant 0 : i32
    %dma_wait3A_945 = arith.constant 0 : i32
    %dma_wait3A_946 = tpu.memref_slice %arg5[%dma_wait3A_931, %dma_wait3A_944, %dma_wait3A_945] : memref<4x5x128xi32, #tpu.memory_space<vmem>> -> memref<1x5x128xi32, #tpu.memory_space<vmem>>
    %dma_wait3A_947 = tpu.memref_squeeze %dma_wait3A_946 : memref<1x5x128xi32, #tpu.memory_space<vmem>> -> memref<5x128xi32, #tpu.memory_space<vmem>>
    %dma_wait3A_948 = arith.constant 0 : i32
    %dma_wait3A_949 = tpu.memref_slice %dma_wait3A_947[%dma_wait3A_932, %dma_wait3A_948] : memref<5x128xi32, #tpu.memory_space<vmem>> -> memref<1x128xi32, #tpu.memory_space<vmem>>
    %dma_wait3A_950 = tpu.memref_squeeze %dma_wait3A_949 : memref<1x128xi32, #tpu.memory_space<vmem>> -> memref<128xi32, #tpu.memory_space<vmem>>
    %dma_wait3A_951 = arith.constant 0 : i32
    %dma_wait3A_952 = arith.constant 0 : i32
    %dma_wait3A_953 = tpu.memref_slice %arg3[%dma_wait3A_951, %dma_wait3A_952] : memref<1000000x32xf32, #tpu.memory_space<hbm>> -> memref<1000000x32xf32, #tpu.memory_space<hbm>>
    tpu.wait_indirect_dma semaphore(%arg13 : memref<!tpu.dma_semaphore, #tpu.memory_space<semaphore_mem>>) src(%dma_wait3A_953 : memref<1000000x32xf32, #tpu.memory_space<hbm>>) dst(%dma_wait3A_943 : memref<128x32xf32, #tpu.memory_space<vmem>>)
    %dma_wait3A_954 = arith.constant 2 : i32
    %dma_wait3A_955 = arith.constant 1 : i32
    %dma_wait3A_956 = arith.constant 2 : i32
    %dma_wait3A_957 = arith.constant 1 : i32
    %dma_wait3A_958 = arith.constant 0 : i32
    %dma_wait3A_959 = arith.constant 0 : i32
    %dma_wait3A_960 = arith.constant 0 : i32
    %dma_wait3A_961 = tpu.memref_slice %arg6[%dma_wait3A_956, %dma_wait3A_958, %dma_wait3A_959, %dma_wait3A_960] : memref<4x5x128x32xf32, #tpu.memory_space<vmem>> -> memref<1x5x128x32xf32, #tpu.memory_space<vmem>>
    %dma_wait3A_962 = tpu.memref_squeeze %dma_wait3A_961 : memref<1x5x128x32xf32, #tpu.memory_space<vmem>> -> memref<5x128x32xf32, #tpu.memory_space<vmem>>
    %dma_wait3A_963 = arith.constant 0 : i32
    %dma_wait3A_964 = arith.constant 0 : i32
    %dma_wait3A_965 = tpu.memref_slice %dma_wait3A_962[%dma_wait3A_957, %dma_wait3A_963, %dma_wait3A_964] : memref<5x128x32xf32, #tpu.memory_space<vmem>> -> memref<1x128x32xf32, #tpu.memory_space<vmem>>
    %dma_wait3A_966 = tpu.memref_squeeze %dma_wait3A_965 : memref<1x128x32xf32, #tpu.memory_space<vmem>> -> memref<128x32xf32, #tpu.memory_space<vmem>>
    %dma_wait3A_967 = arith.constant 0 : i32
    %dma_wait3A_968 = arith.constant 0 : i32
    %dma_wait3A_969 = tpu.memref_slice %arg5[%dma_wait3A_954, %dma_wait3A_967, %dma_wait3A_968] : memref<4x5x128xi32, #tpu.memory_space<vmem>> -> memref<1x5x128xi32, #tpu.memory_space<vmem>>
    %dma_wait3A_970 = tpu.memref_squeeze %dma_wait3A_969 : memref<1x5x128xi32, #tpu.memory_space<vmem>> -> memref<5x128xi32, #tpu.memory_space<vmem>>
    %dma_wait3A_971 = arith.constant 0 : i32
    %dma_wait3A_972 = tpu.memref_slice %dma_wait3A_970[%dma_wait3A_955, %dma_wait3A_971] : memref<5x128xi32, #tpu.memory_space<vmem>> -> memref<1x128xi32, #tpu.memory_space<vmem>>
    %dma_wait3A_973 = tpu.memref_squeeze %dma_wait3A_972 : memref<1x128xi32, #tpu.memory_space<vmem>> -> memref<128xi32, #tpu.memory_space<vmem>>
    %dma_wait3A_974 = arith.constant 0 : i32
    %dma_wait3A_975 = arith.constant 0 : i32
    %dma_wait3A_976 = tpu.memref_slice %arg3[%dma_wait3A_974, %dma_wait3A_975] : memref<1000000x32xf32, #tpu.memory_space<hbm>> -> memref<1000000x32xf32, #tpu.memory_space<hbm>>
    tpu.wait_indirect_dma semaphore(%arg13 : memref<!tpu.dma_semaphore, #tpu.memory_space<semaphore_mem>>) src(%dma_wait3A_976 : memref<1000000x32xf32, #tpu.memory_space<hbm>>) dst(%dma_wait3A_966 : memref<128x32xf32, #tpu.memory_space<vmem>>)
    %dma_wait3A_977 = arith.constant 2 : i32
    %dma_wait3A_978 = arith.constant 2 : i32
    %dma_wait3A_979 = arith.constant 2 : i32
    %dma_wait3A_980 = arith.constant 2 : i32
    %dma_wait3A_981 = arith.constant 0 : i32
    %dma_wait3A_982 = arith.constant 0 : i32
    %dma_wait3A_983 = arith.constant 0 : i32
    %dma_wait3A_984 = tpu.memref_slice %arg6[%dma_wait3A_979, %dma_wait3A_981, %dma_wait3A_982, %dma_wait3A_983] : memref<4x5x128x32xf32, #tpu.memory_space<vmem>> -> memref<1x5x128x32xf32, #tpu.memory_space<vmem>>
    %dma_wait3A_985 = tpu.memref_squeeze %dma_wait3A_984 : memref<1x5x128x32xf32, #tpu.memory_space<vmem>> -> memref<5x128x32xf32, #tpu.memory_space<vmem>>
    %dma_wait3A_986 = arith.constant 0 : i32
    %dma_wait3A_987 = arith.constant 0 : i32
    %dma_wait3A_988 = tpu.memref_slice %dma_wait3A_985[%dma_wait3A_980, %dma_wait3A_986, %dma_wait3A_987] : memref<5x128x32xf32, #tpu.memory_space<vmem>> -> memref<1x128x32xf32, #tpu.memory_space<vmem>>
    %dma_wait3A_989 = tpu.memref_squeeze %dma_wait3A_988 : memref<1x128x32xf32, #tpu.memory_space<vmem>> -> memref<128x32xf32, #tpu.memory_space<vmem>>
    %dma_wait3A_990 = arith.constant 0 : i32
    %dma_wait3A_991 = arith.constant 0 : i32
    %dma_wait3A_992 = tpu.memref_slice %arg5[%dma_wait3A_977, %dma_wait3A_990, %dma_wait3A_991] : memref<4x5x128xi32, #tpu.memory_space<vmem>> -> memref<1x5x128xi32, #tpu.memory_space<vmem>>
    %dma_wait3A_993 = tpu.memref_squeeze %dma_wait3A_992 : memref<1x5x128xi32, #tpu.memory_space<vmem>> -> memref<5x128xi32, #tpu.memory_space<vmem>>
    %dma_wait3A_994 = arith.constant 0 : i32
    %dma_wait3A_995 = tpu.memref_slice %dma_wait3A_993[%dma_wait3A_978, %dma_wait3A_994] : memref<5x128xi32, #tpu.memory_space<vmem>> -> memref<1x128xi32, #tpu.memory_space<vmem>>
    %dma_wait3A_996 = tpu.memref_squeeze %dma_wait3A_995 : memref<1x128xi32, #tpu.memory_space<vmem>> -> memref<128xi32, #tpu.memory_space<vmem>>
    %dma_wait3A_997 = arith.constant 0 : i32
    %dma_wait3A_998 = arith.constant 0 : i32
    %dma_wait3A_999 = tpu.memref_slice %arg3[%dma_wait3A_997, %dma_wait3A_998] : memref<1000000x32xf32, #tpu.memory_space<hbm>> -> memref<1000000x32xf32, #tpu.memory_space<hbm>>
    tpu.wait_indirect_dma semaphore(%arg13 : memref<!tpu.dma_semaphore, #tpu.memory_space<semaphore_mem>>) src(%dma_wait3A_999 : memref<1000000x32xf32, #tpu.memory_space<hbm>>) dst(%dma_wait3A_989 : memref<128x32xf32, #tpu.memory_space<vmem>>)
    %dma_wait3A_1000 = arith.constant 2 : i32
    %dma_wait3A_1001 = arith.constant 3 : i32
    %dma_wait3A_1002 = arith.constant 2 : i32
    %dma_wait3A_1003 = arith.constant 3 : i32
    %dma_wait3A_1004 = arith.constant 0 : i32
    %dma_wait3A_1005 = arith.constant 0 : i32
    %dma_wait3A_1006 = arith.constant 0 : i32
    %dma_wait3A_1007 = tpu.memref_slice %arg6[%dma_wait3A_1002, %dma_wait3A_1004, %dma_wait3A_1005, %dma_wait3A_1006] : memref<4x5x128x32xf32, #tpu.memory_space<vmem>> -> memref<1x5x128x32xf32, #tpu.memory_space<vmem>>
    %dma_wait3A_1008 = tpu.memref_squeeze %dma_wait3A_1007 : memref<1x5x128x32xf32, #tpu.memory_space<vmem>> -> memref<5x128x32xf32, #tpu.memory_space<vmem>>
    %dma_wait3A_1009 = arith.constant 0 : i32
    %dma_wait3A_1010 = arith.constant 0 : i32
    %dma_wait3A_1011 = tpu.memref_slice %dma_wait3A_1008[%dma_wait3A_1003, %dma_wait3A_1009, %dma_wait3A_1010] : memref<5x128x32xf32, #tpu.memory_space<vmem>> -> memref<1x128x32xf32, #tpu.memory_space<vmem>>
    %dma_wait3A_1012 = tpu.memref_squeeze %dma_wait3A_1011 : memref<1x128x32xf32, #tpu.memory_space<vmem>> -> memref<128x32xf32, #tpu.memory_space<vmem>>
    %dma_wait3A_1013 = arith.constant 0 : i32
    %dma_wait3A_1014 = arith.constant 0 : i32
    %dma_wait3A_1015 = tpu.memref_slice %arg5[%dma_wait3A_1000, %dma_wait3A_1013, %dma_wait3A_1014] : memref<4x5x128xi32, #tpu.memory_space<vmem>> -> memref<1x5x128xi32, #tpu.memory_space<vmem>>
    %dma_wait3A_1016 = tpu.memref_squeeze %dma_wait3A_1015 : memref<1x5x128xi32, #tpu.memory_space<vmem>> -> memref<5x128xi32, #tpu.memory_space<vmem>>
    %dma_wait3A_1017 = arith.constant 0 : i32
    %dma_wait3A_1018 = tpu.memref_slice %dma_wait3A_1016[%dma_wait3A_1001, %dma_wait3A_1017] : memref<5x128xi32, #tpu.memory_space<vmem>> -> memref<1x128xi32, #tpu.memory_space<vmem>>
    %dma_wait3A_1019 = tpu.memref_squeeze %dma_wait3A_1018 : memref<1x128xi32, #tpu.memory_space<vmem>> -> memref<128xi32, #tpu.memory_space<vmem>>
    %dma_wait3A_1020 = arith.constant 0 : i32
    %dma_wait3A_1021 = arith.constant 0 : i32
    %dma_wait3A_1022 = tpu.memref_slice %arg3[%dma_wait3A_1020, %dma_wait3A_1021] : memref<1000000x32xf32, #tpu.memory_space<hbm>> -> memref<1000000x32xf32, #tpu.memory_space<hbm>>
    tpu.wait_indirect_dma semaphore(%arg13 : memref<!tpu.dma_semaphore, #tpu.memory_space<semaphore_mem>>) src(%dma_wait3A_1022 : memref<1000000x32xf32, #tpu.memory_space<hbm>>) dst(%dma_wait3A_1012 : memref<128x32xf32, #tpu.memory_space<vmem>>)
    %dma_wait3A_1023 = arith.constant 2 : i32
    %dma_wait3A_1024 = arith.constant 4 : i32
    %dma_wait3A_1025 = arith.constant 2 : i32
    %dma_wait3A_1026 = arith.constant 4 : i32
    %dma_wait3A_1027 = arith.constant 0 : i32
    %dma_wait3A_1028 = arith.constant 0 : i32
    %dma_wait3A_1029 = arith.constant 0 : i32
    %dma_wait3A_1030 = tpu.memref_slice %arg6[%dma_wait3A_1025, %dma_wait3A_1027, %dma_wait3A_1028, %dma_wait3A_1029] : memref<4x5x128x32xf32, #tpu.memory_space<vmem>> -> memref<1x5x128x32xf32, #tpu.memory_space<vmem>>
    %dma_wait3A_1031 = tpu.memref_squeeze %dma_wait3A_1030 : memref<1x5x128x32xf32, #tpu.memory_space<vmem>> -> memref<5x128x32xf32, #tpu.memory_space<vmem>>
    %dma_wait3A_1032 = arith.constant 0 : i32
    %dma_wait3A_1033 = arith.constant 0 : i32
    %dma_wait3A_1034 = tpu.memref_slice %dma_wait3A_1031[%dma_wait3A_1026, %dma_wait3A_1032, %dma_wait3A_1033] : memref<5x128x32xf32, #tpu.memory_space<vmem>> -> memref<1x128x32xf32, #tpu.memory_space<vmem>>
    %dma_wait3A_1035 = tpu.memref_squeeze %dma_wait3A_1034 : memref<1x128x32xf32, #tpu.memory_space<vmem>> -> memref<128x32xf32, #tpu.memory_space<vmem>>
    %dma_wait3A_1036 = arith.constant 0 : i32
    %dma_wait3A_1037 = arith.constant 0 : i32
    %dma_wait3A_1038 = tpu.memref_slice %arg5[%dma_wait3A_1023, %dma_wait3A_1036, %dma_wait3A_1037] : memref<4x5x128xi32, #tpu.memory_space<vmem>> -> memref<1x5x128xi32, #tpu.memory_space<vmem>>
    %dma_wait3A_1039 = tpu.memref_squeeze %dma_wait3A_1038 : memref<1x5x128xi32, #tpu.memory_space<vmem>> -> memref<5x128xi32, #tpu.memory_space<vmem>>
    %dma_wait3A_1040 = arith.constant 0 : i32
    %dma_wait3A_1041 = tpu.memref_slice %dma_wait3A_1039[%dma_wait3A_1024, %dma_wait3A_1040] : memref<5x128xi32, #tpu.memory_space<vmem>> -> memref<1x128xi32, #tpu.memory_space<vmem>>
    %dma_wait3A_1042 = tpu.memref_squeeze %dma_wait3A_1041 : memref<1x128xi32, #tpu.memory_space<vmem>> -> memref<128xi32, #tpu.memory_space<vmem>>
    %dma_wait3A_1043 = arith.constant 0 : i32
    %dma_wait3A_1044 = arith.constant 0 : i32
    %dma_wait3A_1045 = tpu.memref_slice %arg3[%dma_wait3A_1043, %dma_wait3A_1044] : memref<1000000x32xf32, #tpu.memory_space<hbm>> -> memref<1000000x32xf32, #tpu.memory_space<hbm>>
    tpu.wait_indirect_dma semaphore(%arg13 : memref<!tpu.dma_semaphore, #tpu.memory_space<semaphore_mem>>) src(%dma_wait3A_1045 : memref<1000000x32xf32, #tpu.memory_space<hbm>>) dst(%dma_wait3A_1035 : memref<128x32xf32, #tpu.memory_space<vmem>>)
    %dma_start3A_1046 = arith.constant 2 : i32
    %dma_start3A_1047 = arith.constant 0 : i32
    %dma_start3A_1048 = arith.constant 0 : i32
    %dma_start3A_1049 = arith.constant 0 : i32
    %dma_start3A_1050 = tpu.memref_slice %arg6[%dma_start3A_1046, %dma_start3A_1047, %dma_start3A_1048, %dma_start3A_1049] : memref<4x5x128x32xf32, #tpu.memory_space<vmem>> -> memref<1x5x128x32xf32, #tpu.memory_space<vmem>>
    %dma_start3A_1051 = tpu.memref_squeeze %dma_start3A_1050 : memref<1x5x128x32xf32, #tpu.memory_space<vmem>> -> memref<5x128x32xf32, #tpu.memory_space<vmem>>
    %dma_start3A_1052 = arith.constant 0 : i32
    %dma_start3A_1053 = arith.constant 0 : i32
    %dma_start3A_1054 = arith.constant 0 : i32
    %dma_start3A_1055 = tpu.memref_slice %arg4[%add3A, %dma_start3A_1052, %dma_start3A_1053, %dma_start3A_1054] : memref<32x200x128x32xf32, #tpu.memory_space<hbm>> -> memref<1x200x128x32xf32, #tpu.memory_space<hbm>>
    %dma_start3A_1056 = tpu.memref_squeeze %dma_start3A_1055 : memref<1x200x128x32xf32, #tpu.memory_space<hbm>> -> memref<200x128x32xf32, #tpu.memory_space<hbm>>
    %dma_start3A_1057 = arith.constant 10 : i32
    %dma_start3A_1058 = arith.constant 0 : i32
    %dma_start3A_1059 = arith.constant 0 : i32
    %dma_start3A_1060 = tpu.memref_slice %dma_start3A_1056[%dma_start3A_1057, %dma_start3A_1058, %dma_start3A_1059] : memref<200x128x32xf32, #tpu.memory_space<hbm>> -> memref<5x128x32xf32, #tpu.memory_space<hbm>>
    %dma_start3A_1061 = arith.constant 0 : i32
    %dma_start3A_1062 = arith.constant 0 : i32
    %dma_start3A_1063 = arith.constant 0 : i32
    %dma_start3A_1064 = tpu.memref_slice %arg4[%add3A, %dma_start3A_1061, %dma_start3A_1062, %dma_start3A_1063] : memref<32x200x128x32xf32, #tpu.memory_space<hbm>> -> memref<1x200x128x32xf32, #tpu.memory_space<hbm>>
    %dma_start3A_1065 = tpu.memref_squeeze %dma_start3A_1064 : memref<1x200x128x32xf32, #tpu.memory_space<hbm>> -> memref<200x128x32xf32, #tpu.memory_space<hbm>>
    %dma_start3A_1066 = arith.constant 10 : i32
    %dma_start3A_1067 = arith.constant 0 : i32
    %dma_start3A_1068 = arith.constant 0 : i32
    %dma_start3A_1069 = tpu.memref_slice %dma_start3A_1065[%dma_start3A_1066, %dma_start3A_1067, %dma_start3A_1068] : memref<200x128x32xf32, #tpu.memory_space<hbm>> -> memref<5x128x32xf32, #tpu.memory_space<hbm>>
    %dma_start3A_1070 = arith.constant 0 : i32
    %dma_start3A_1071 = arith.constant 0 : i32
    %dma_start3A_1072 = arith.constant 0 : i32
    %dma_start3A_1073 = tpu.memref_slice %arg6[%dma_start3A_1046, %dma_start3A_1070, %dma_start3A_1071, %dma_start3A_1072] : memref<4x5x128x32xf32, #tpu.memory_space<vmem>> -> memref<1x5x128x32xf32, #tpu.memory_space<vmem>>
    %dma_start3A_1074 = tpu.memref_squeeze %dma_start3A_1073 : memref<1x5x128x32xf32, #tpu.memory_space<vmem>> -> memref<5x128x32xf32, #tpu.memory_space<vmem>>
    tpu.enqueue_dma source(%dma_start3A_1074 : memref<5x128x32xf32, #tpu.memory_space<vmem>>) target(%dma_start3A_1069 : memref<5x128x32xf32, #tpu.memory_space<hbm>>) target_semaphore(%arg17 : memref<!tpu.dma_semaphore, #tpu.memory_space<semaphore_mem>>)
    %dma_wait3A_1075 = arith.constant 3 : i32
    %dma_wait3A_1076 = arith.constant 0 : i32
    %dma_wait3A_1077 = arith.constant 3 : i32
    %dma_wait3A_1078 = arith.constant 0 : i32
    %dma_wait3A_1079 = arith.constant 0 : i32
    %dma_wait3A_1080 = arith.constant 0 : i32
    %dma_wait3A_1081 = arith.constant 0 : i32
    %dma_wait3A_1082 = tpu.memref_slice %arg6[%dma_wait3A_1077, %dma_wait3A_1079, %dma_wait3A_1080, %dma_wait3A_1081] : memref<4x5x128x32xf32, #tpu.memory_space<vmem>> -> memref<1x5x128x32xf32, #tpu.memory_space<vmem>>
    %dma_wait3A_1083 = tpu.memref_squeeze %dma_wait3A_1082 : memref<1x5x128x32xf32, #tpu.memory_space<vmem>> -> memref<5x128x32xf32, #tpu.memory_space<vmem>>
    %dma_wait3A_1084 = arith.constant 0 : i32
    %dma_wait3A_1085 = arith.constant 0 : i32
    %dma_wait3A_1086 = tpu.memref_slice %dma_wait3A_1083[%dma_wait3A_1078, %dma_wait3A_1084, %dma_wait3A_1085] : memref<5x128x32xf32, #tpu.memory_space<vmem>> -> memref<1x128x32xf32, #tpu.memory_space<vmem>>
    %dma_wait3A_1087 = tpu.memref_squeeze %dma_wait3A_1086 : memref<1x128x32xf32, #tpu.memory_space<vmem>> -> memref<128x32xf32, #tpu.memory_space<vmem>>
    %dma_wait3A_1088 = arith.constant 0 : i32
    %dma_wait3A_1089 = arith.constant 0 : i32
    %dma_wait3A_1090 = tpu.memref_slice %arg5[%dma_wait3A_1075, %dma_wait3A_1088, %dma_wait3A_1089] : memref<4x5x128xi32, #tpu.memory_space<vmem>> -> memref<1x5x128xi32, #tpu.memory_space<vmem>>
    %dma_wait3A_1091 = tpu.memref_squeeze %dma_wait3A_1090 : memref<1x5x128xi32, #tpu.memory_space<vmem>> -> memref<5x128xi32, #tpu.memory_space<vmem>>
    %dma_wait3A_1092 = arith.constant 0 : i32
    %dma_wait3A_1093 = tpu.memref_slice %dma_wait3A_1091[%dma_wait3A_1076, %dma_wait3A_1092] : memref<5x128xi32, #tpu.memory_space<vmem>> -> memref<1x128xi32, #tpu.memory_space<vmem>>
    %dma_wait3A_1094 = tpu.memref_squeeze %dma_wait3A_1093 : memref<1x128xi32, #tpu.memory_space<vmem>> -> memref<128xi32, #tpu.memory_space<vmem>>
    %dma_wait3A_1095 = arith.constant 0 : i32
    %dma_wait3A_1096 = arith.constant 0 : i32
    %dma_wait3A_1097 = tpu.memref_slice %arg3[%dma_wait3A_1095, %dma_wait3A_1096] : memref<1000000x32xf32, #tpu.memory_space<hbm>> -> memref<1000000x32xf32, #tpu.memory_space<hbm>>
    tpu.wait_indirect_dma semaphore(%arg14 : memref<!tpu.dma_semaphore, #tpu.memory_space<semaphore_mem>>) src(%dma_wait3A_1097 : memref<1000000x32xf32, #tpu.memory_space<hbm>>) dst(%dma_wait3A_1087 : memref<128x32xf32, #tpu.memory_space<vmem>>)
    %dma_wait3A_1098 = arith.constant 3 : i32
    %dma_wait3A_1099 = arith.constant 1 : i32
    %dma_wait3A_1100 = arith.constant 3 : i32
    %dma_wait3A_1101 = arith.constant 1 : i32
    %dma_wait3A_1102 = arith.constant 0 : i32
    %dma_wait3A_1103 = arith.constant 0 : i32
    %dma_wait3A_1104 = arith.constant 0 : i32
    %dma_wait3A_1105 = tpu.memref_slice %arg6[%dma_wait3A_1100, %dma_wait3A_1102, %dma_wait3A_1103, %dma_wait3A_1104] : memref<4x5x128x32xf32, #tpu.memory_space<vmem>> -> memref<1x5x128x32xf32, #tpu.memory_space<vmem>>
    %dma_wait3A_1106 = tpu.memref_squeeze %dma_wait3A_1105 : memref<1x5x128x32xf32, #tpu.memory_space<vmem>> -> memref<5x128x32xf32, #tpu.memory_space<vmem>>
    %dma_wait3A_1107 = arith.constant 0 : i32
    %dma_wait3A_1108 = arith.constant 0 : i32
    %dma_wait3A_1109 = tpu.memref_slice %dma_wait3A_1106[%dma_wait3A_1101, %dma_wait3A_1107, %dma_wait3A_1108] : memref<5x128x32xf32, #tpu.memory_space<vmem>> -> memref<1x128x32xf32, #tpu.memory_space<vmem>>
    %dma_wait3A_1110 = tpu.memref_squeeze %dma_wait3A_1109 : memref<1x128x32xf32, #tpu.memory_space<vmem>> -> memref<128x32xf32, #tpu.memory_space<vmem>>
    %dma_wait3A_1111 = arith.constant 0 : i32
    %dma_wait3A_1112 = arith.constant 0 : i32
    %dma_wait3A_1113 = tpu.memref_slice %arg5[%dma_wait3A_1098, %dma_wait3A_1111, %dma_wait3A_1112] : memref<4x5x128xi32, #tpu.memory_space<vmem>> -> memref<1x5x128xi32, #tpu.memory_space<vmem>>
    %dma_wait3A_1114 = tpu.memref_squeeze %dma_wait3A_1113 : memref<1x5x128xi32, #tpu.memory_space<vmem>> -> memref<5x128xi32, #tpu.memory_space<vmem>>
    %dma_wait3A_1115 = arith.constant 0 : i32
    %dma_wait3A_1116 = tpu.memref_slice %dma_wait3A_1114[%dma_wait3A_1099, %dma_wait3A_1115] : memref<5x128xi32, #tpu.memory_space<vmem>> -> memref<1x128xi32, #tpu.memory_space<vmem>>
    %dma_wait3A_1117 = tpu.memref_squeeze %dma_wait3A_1116 : memref<1x128xi32, #tpu.memory_space<vmem>> -> memref<128xi32, #tpu.memory_space<vmem>>
    %dma_wait3A_1118 = arith.constant 0 : i32
    %dma_wait3A_1119 = arith.constant 0 : i32
    %dma_wait3A_1120 = tpu.memref_slice %arg3[%dma_wait3A_1118, %dma_wait3A_1119] : memref<1000000x32xf32, #tpu.memory_space<hbm>> -> memref<1000000x32xf32, #tpu.memory_space<hbm>>
    tpu.wait_indirect_dma semaphore(%arg14 : memref<!tpu.dma_semaphore, #tpu.memory_space<semaphore_mem>>) src(%dma_wait3A_1120 : memref<1000000x32xf32, #tpu.memory_space<hbm>>) dst(%dma_wait3A_1110 : memref<128x32xf32, #tpu.memory_space<vmem>>)
    %dma_wait3A_1121 = arith.constant 3 : i32
    %dma_wait3A_1122 = arith.constant 2 : i32
    %dma_wait3A_1123 = arith.constant 3 : i32
    %dma_wait3A_1124 = arith.constant 2 : i32
    %dma_wait3A_1125 = arith.constant 0 : i32
    %dma_wait3A_1126 = arith.constant 0 : i32
    %dma_wait3A_1127 = arith.constant 0 : i32
    %dma_wait3A_1128 = tpu.memref_slice %arg6[%dma_wait3A_1123, %dma_wait3A_1125, %dma_wait3A_1126, %dma_wait3A_1127] : memref<4x5x128x32xf32, #tpu.memory_space<vmem>> -> memref<1x5x128x32xf32, #tpu.memory_space<vmem>>
    %dma_wait3A_1129 = tpu.memref_squeeze %dma_wait3A_1128 : memref<1x5x128x32xf32, #tpu.memory_space<vmem>> -> memref<5x128x32xf32, #tpu.memory_space<vmem>>
    %dma_wait3A_1130 = arith.constant 0 : i32
    %dma_wait3A_1131 = arith.constant 0 : i32
    %dma_wait3A_1132 = tpu.memref_slice %dma_wait3A_1129[%dma_wait3A_1124, %dma_wait3A_1130, %dma_wait3A_1131] : memref<5x128x32xf32, #tpu.memory_space<vmem>> -> memref<1x128x32xf32, #tpu.memory_space<vmem>>
    %dma_wait3A_1133 = tpu.memref_squeeze %dma_wait3A_1132 : memref<1x128x32xf32, #tpu.memory_space<vmem>> -> memref<128x32xf32, #tpu.memory_space<vmem>>
    %dma_wait3A_1134 = arith.constant 0 : i32
    %dma_wait3A_1135 = arith.constant 0 : i32
    %dma_wait3A_1136 = tpu.memref_slice %arg5[%dma_wait3A_1121, %dma_wait3A_1134, %dma_wait3A_1135] : memref<4x5x128xi32, #tpu.memory_space<vmem>> -> memref<1x5x128xi32, #tpu.memory_space<vmem>>
    %dma_wait3A_1137 = tpu.memref_squeeze %dma_wait3A_1136 : memref<1x5x128xi32, #tpu.memory_space<vmem>> -> memref<5x128xi32, #tpu.memory_space<vmem>>
    %dma_wait3A_1138 = arith.constant 0 : i32
    %dma_wait3A_1139 = tpu.memref_slice %dma_wait3A_1137[%dma_wait3A_1122, %dma_wait3A_1138] : memref<5x128xi32, #tpu.memory_space<vmem>> -> memref<1x128xi32, #tpu.memory_space<vmem>>
    %dma_wait3A_1140 = tpu.memref_squeeze %dma_wait3A_1139 : memref<1x128xi32, #tpu.memory_space<vmem>> -> memref<128xi32, #tpu.memory_space<vmem>>
    %dma_wait3A_1141 = arith.constant 0 : i32
    %dma_wait3A_1142 = arith.constant 0 : i32
    %dma_wait3A_1143 = tpu.memref_slice %arg3[%dma_wait3A_1141, %dma_wait3A_1142] : memref<1000000x32xf32, #tpu.memory_space<hbm>> -> memref<1000000x32xf32, #tpu.memory_space<hbm>>
    tpu.wait_indirect_dma semaphore(%arg14 : memref<!tpu.dma_semaphore, #tpu.memory_space<semaphore_mem>>) src(%dma_wait3A_1143 : memref<1000000x32xf32, #tpu.memory_space<hbm>>) dst(%dma_wait3A_1133 : memref<128x32xf32, #tpu.memory_space<vmem>>)
    %dma_wait3A_1144 = arith.constant 3 : i32
    %dma_wait3A_1145 = arith.constant 3 : i32
    %dma_wait3A_1146 = arith.constant 3 : i32
    %dma_wait3A_1147 = arith.constant 3 : i32
    %dma_wait3A_1148 = arith.constant 0 : i32
    %dma_wait3A_1149 = arith.constant 0 : i32
    %dma_wait3A_1150 = arith.constant 0 : i32
    %dma_wait3A_1151 = tpu.memref_slice %arg6[%dma_wait3A_1146, %dma_wait3A_1148, %dma_wait3A_1149, %dma_wait3A_1150] : memref<4x5x128x32xf32, #tpu.memory_space<vmem>> -> memref<1x5x128x32xf32, #tpu.memory_space<vmem>>
    %dma_wait3A_1152 = tpu.memref_squeeze %dma_wait3A_1151 : memref<1x5x128x32xf32, #tpu.memory_space<vmem>> -> memref<5x128x32xf32, #tpu.memory_space<vmem>>
    %dma_wait3A_1153 = arith.constant 0 : i32
    %dma_wait3A_1154 = arith.constant 0 : i32
    %dma_wait3A_1155 = tpu.memref_slice %dma_wait3A_1152[%dma_wait3A_1147, %dma_wait3A_1153, %dma_wait3A_1154] : memref<5x128x32xf32, #tpu.memory_space<vmem>> -> memref<1x128x32xf32, #tpu.memory_space<vmem>>
    %dma_wait3A_1156 = tpu.memref_squeeze %dma_wait3A_1155 : memref<1x128x32xf32, #tpu.memory_space<vmem>> -> memref<128x32xf32, #tpu.memory_space<vmem>>
    %dma_wait3A_1157 = arith.constant 0 : i32
    %dma_wait3A_1158 = arith.constant 0 : i32
    %dma_wait3A_1159 = tpu.memref_slice %arg5[%dma_wait3A_1144, %dma_wait3A_1157, %dma_wait3A_1158] : memref<4x5x128xi32, #tpu.memory_space<vmem>> -> memref<1x5x128xi32, #tpu.memory_space<vmem>>
    %dma_wait3A_1160 = tpu.memref_squeeze %dma_wait3A_1159 : memref<1x5x128xi32, #tpu.memory_space<vmem>> -> memref<5x128xi32, #tpu.memory_space<vmem>>
    %dma_wait3A_1161 = arith.constant 0 : i32
    %dma_wait3A_1162 = tpu.memref_slice %dma_wait3A_1160[%dma_wait3A_1145, %dma_wait3A_1161] : memref<5x128xi32, #tpu.memory_space<vmem>> -> memref<1x128xi32, #tpu.memory_space<vmem>>
    %dma_wait3A_1163 = tpu.memref_squeeze %dma_wait3A_1162 : memref<1x128xi32, #tpu.memory_space<vmem>> -> memref<128xi32, #tpu.memory_space<vmem>>
    %dma_wait3A_1164 = arith.constant 0 : i32
    %dma_wait3A_1165 = arith.constant 0 : i32
    %dma_wait3A_1166 = tpu.memref_slice %arg3[%dma_wait3A_1164, %dma_wait3A_1165] : memref<1000000x32xf32, #tpu.memory_space<hbm>> -> memref<1000000x32xf32, #tpu.memory_space<hbm>>
    tpu.wait_indirect_dma semaphore(%arg14 : memref<!tpu.dma_semaphore, #tpu.memory_space<semaphore_mem>>) src(%dma_wait3A_1166 : memref<1000000x32xf32, #tpu.memory_space<hbm>>) dst(%dma_wait3A_1156 : memref<128x32xf32, #tpu.memory_space<vmem>>)
    %dma_wait3A_1167 = arith.constant 3 : i32
    %dma_wait3A_1168 = arith.constant 4 : i32
    %dma_wait3A_1169 = arith.constant 3 : i32
    %dma_wait3A_1170 = arith.constant 4 : i32
    %dma_wait3A_1171 = arith.constant 0 : i32
    %dma_wait3A_1172 = arith.constant 0 : i32
    %dma_wait3A_1173 = arith.constant 0 : i32
    %dma_wait3A_1174 = tpu.memref_slice %arg6[%dma_wait3A_1169, %dma_wait3A_1171, %dma_wait3A_1172, %dma_wait3A_1173] : memref<4x5x128x32xf32, #tpu.memory_space<vmem>> -> memref<1x5x128x32xf32, #tpu.memory_space<vmem>>
    %dma_wait3A_1175 = tpu.memref_squeeze %dma_wait3A_1174 : memref<1x5x128x32xf32, #tpu.memory_space<vmem>> -> memref<5x128x32xf32, #tpu.memory_space<vmem>>
    %dma_wait3A_1176 = arith.constant 0 : i32
    %dma_wait3A_1177 = arith.constant 0 : i32
    %dma_wait3A_1178 = tpu.memref_slice %dma_wait3A_1175[%dma_wait3A_1170, %dma_wait3A_1176, %dma_wait3A_1177] : memref<5x128x32xf32, #tpu.memory_space<vmem>> -> memref<1x128x32xf32, #tpu.memory_space<vmem>>
    %dma_wait3A_1179 = tpu.memref_squeeze %dma_wait3A_1178 : memref<1x128x32xf32, #tpu.memory_space<vmem>> -> memref<128x32xf32, #tpu.memory_space<vmem>>
    %dma_wait3A_1180 = arith.constant 0 : i32
    %dma_wait3A_1181 = arith.constant 0 : i32
    %dma_wait3A_1182 = tpu.memref_slice %arg5[%dma_wait3A_1167, %dma_wait3A_1180, %dma_wait3A_1181] : memref<4x5x128xi32, #tpu.memory_space<vmem>> -> memref<1x5x128xi32, #tpu.memory_space<vmem>>
    %dma_wait3A_1183 = tpu.memref_squeeze %dma_wait3A_1182 : memref<1x5x128xi32, #tpu.memory_space<vmem>> -> memref<5x128xi32, #tpu.memory_space<vmem>>
    %dma_wait3A_1184 = arith.constant 0 : i32
    %dma_wait3A_1185 = tpu.memref_slice %dma_wait3A_1183[%dma_wait3A_1168, %dma_wait3A_1184] : memref<5x128xi32, #tpu.memory_space<vmem>> -> memref<1x128xi32, #tpu.memory_space<vmem>>
    %dma_wait3A_1186 = tpu.memref_squeeze %dma_wait3A_1185 : memref<1x128xi32, #tpu.memory_space<vmem>> -> memref<128xi32, #tpu.memory_space<vmem>>
    %dma_wait3A_1187 = arith.constant 0 : i32
    %dma_wait3A_1188 = arith.constant 0 : i32
    %dma_wait3A_1189 = tpu.memref_slice %arg3[%dma_wait3A_1187, %dma_wait3A_1188] : memref<1000000x32xf32, #tpu.memory_space<hbm>> -> memref<1000000x32xf32, #tpu.memory_space<hbm>>
    tpu.wait_indirect_dma semaphore(%arg14 : memref<!tpu.dma_semaphore, #tpu.memory_space<semaphore_mem>>) src(%dma_wait3A_1189 : memref<1000000x32xf32, #tpu.memory_space<hbm>>) dst(%dma_wait3A_1179 : memref<128x32xf32, #tpu.memory_space<vmem>>)
    %dma_start3A_1190 = arith.constant 3 : i32
    %dma_start3A_1191 = arith.constant 0 : i32
    %dma_start3A_1192 = arith.constant 0 : i32
    %dma_start3A_1193 = arith.constant 0 : i32
    %dma_start3A_1194 = tpu.memref_slice %arg6[%dma_start3A_1190, %dma_start3A_1191, %dma_start3A_1192, %dma_start3A_1193] : memref<4x5x128x32xf32, #tpu.memory_space<vmem>> -> memref<1x5x128x32xf32, #tpu.memory_space<vmem>>
    %dma_start3A_1195 = tpu.memref_squeeze %dma_start3A_1194 : memref<1x5x128x32xf32, #tpu.memory_space<vmem>> -> memref<5x128x32xf32, #tpu.memory_space<vmem>>
    %dma_start3A_1196 = arith.constant 0 : i32
    %dma_start3A_1197 = arith.constant 0 : i32
    %dma_start3A_1198 = arith.constant 0 : i32
    %dma_start3A_1199 = tpu.memref_slice %arg4[%add3A, %dma_start3A_1196, %dma_start3A_1197, %dma_start3A_1198] : memref<32x200x128x32xf32, #tpu.memory_space<hbm>> -> memref<1x200x128x32xf32, #tpu.memory_space<hbm>>
    %dma_start3A_1200 = tpu.memref_squeeze %dma_start3A_1199 : memref<1x200x128x32xf32, #tpu.memory_space<hbm>> -> memref<200x128x32xf32, #tpu.memory_space<hbm>>
    %dma_start3A_1201 = arith.constant 15 : i32
    %dma_start3A_1202 = arith.constant 0 : i32
    %dma_start3A_1203 = arith.constant 0 : i32
    %dma_start3A_1204 = tpu.memref_slice %dma_start3A_1200[%dma_start3A_1201, %dma_start3A_1202, %dma_start3A_1203] : memref<200x128x32xf32, #tpu.memory_space<hbm>> -> memref<5x128x32xf32, #tpu.memory_space<hbm>>
    %dma_start3A_1205 = arith.constant 0 : i32
    %dma_start3A_1206 = arith.constant 0 : i32
    %dma_start3A_1207 = arith.constant 0 : i32
    %dma_start3A_1208 = tpu.memref_slice %arg4[%add3A, %dma_start3A_1205, %dma_start3A_1206, %dma_start3A_1207] : memref<32x200x128x32xf32, #tpu.memory_space<hbm>> -> memref<1x200x128x32xf32, #tpu.memory_space<hbm>>
    %dma_start3A_1209 = tpu.memref_squeeze %dma_start3A_1208 : memref<1x200x128x32xf32, #tpu.memory_space<hbm>> -> memref<200x128x32xf32, #tpu.memory_space<hbm>>
    %dma_start3A_1210 = arith.constant 15 : i32
    %dma_start3A_1211 = arith.constant 0 : i32
    %dma_start3A_1212 = arith.constant 0 : i32
    %dma_start3A_1213 = tpu.memref_slice %dma_start3A_1209[%dma_start3A_1210, %dma_start3A_1211, %dma_start3A_1212] : memref<200x128x32xf32, #tpu.memory_space<hbm>> -> memref<5x128x32xf32, #tpu.memory_space<hbm>>
    %dma_start3A_1214 = arith.constant 0 : i32
    %dma_start3A_1215 = arith.constant 0 : i32
    %dma_start3A_1216 = arith.constant 0 : i32
    %dma_start3A_1217 = tpu.memref_slice %arg6[%dma_start3A_1190, %dma_start3A_1214, %dma_start3A_1215, %dma_start3A_1216] : memref<4x5x128x32xf32, #tpu.memory_space<vmem>> -> memref<1x5x128x32xf32, #tpu.memory_space<vmem>>
    %dma_start3A_1218 = tpu.memref_squeeze %dma_start3A_1217 : memref<1x5x128x32xf32, #tpu.memory_space<vmem>> -> memref<5x128x32xf32, #tpu.memory_space<vmem>>
    tpu.enqueue_dma source(%dma_start3A_1218 : memref<5x128x32xf32, #tpu.memory_space<vmem>>) target(%dma_start3A_1213 : memref<5x128x32xf32, #tpu.memory_space<hbm>>) target_semaphore(%arg18 : memref<!tpu.dma_semaphore, #tpu.memory_space<semaphore_mem>>)
    %scan3A = arith.constant 0 : i32
    %scan3A_1219 = arith.constant 1 : i32
    %scan3A_1220 = arith.constant 9 : i32
    %scan3A_1221 = arith.addi %scan3A_1219, %scan3A_1220 : i32
    %scan3A_1222 = arith.constant 1 : i32
    scf.for %scan3A_1340 = %scan3A_1219 to %scan3A_1221 step %scan3A_1222  : i32 {
      %mul3A_1341 = arith.constant 4 : i32
      %mul3A_1342 = arith.muli %scan3A_1340, %mul3A_1341 : i32
      %add3A_1343 = arith.constant 0 : i32
      %add3A_1344 = arith.addi %mul3A_1342, %add3A_1343 : i32
      %mul3A_1345 = arith.constant 5 : i32
      %mul3A_1346 = arith.muli %add3A_1344, %mul3A_1345 : i32
      %dma_start3A_1347 = arith.constant 0 : i32
      %dma_start3A_1348 = arith.constant 0 : i32
      %dma_start3A_1349 = arith.constant 0 : i32
      %dma_start3A_1350 = tpu.memref_slice %arg5[%dma_start3A_1347, %dma_start3A_1348, %dma_start3A_1349] : memref<4x5x128xi32, #tpu.memory_space<vmem>> -> memref<1x5x128xi32, #tpu.memory_space<vmem>>
      %dma_start3A_1351 = tpu.memref_squeeze %dma_start3A_1350 : memref<1x5x128xi32, #tpu.memory_space<vmem>> -> memref<5x128xi32, #tpu.memory_space<vmem>>
      %dma_start3A_1352 = arith.constant 0 : i32
      %dma_start3A_1353 = arith.constant 0 : i32
      %dma_start3A_1354 = tpu.memref_slice %arg2[%add3A, %dma_start3A_1352, %dma_start3A_1353] : memref<32x200x128xi32, #tpu.memory_space<hbm>> -> memref<1x200x128xi32, #tpu.memory_space<hbm>>
      %dma_start3A_1355 = tpu.memref_squeeze %dma_start3A_1354 : memref<1x200x128xi32, #tpu.memory_space<hbm>> -> memref<200x128xi32, #tpu.memory_space<hbm>>
      %dma_start3A_1356 = arith.constant 0 : i32
      %dma_start3A_1357 = tpu.memref_slice %dma_start3A_1355[%mul3A_1346, %dma_start3A_1356] : memref<200x128xi32, #tpu.memory_space<hbm>> -> memref<5x128xi32, #tpu.memory_space<hbm>>
      %dma_start3A_1358 = arith.constant 0 : i32
      %dma_start3A_1359 = arith.constant 0 : i32
      %dma_start3A_1360 = tpu.memref_slice %arg5[%dma_start3A_1347, %dma_start3A_1358, %dma_start3A_1359] : memref<4x5x128xi32, #tpu.memory_space<vmem>> -> memref<1x5x128xi32, #tpu.memory_space<vmem>>
      %dma_start3A_1361 = tpu.memref_squeeze %dma_start3A_1360 : memref<1x5x128xi32, #tpu.memory_space<vmem>> -> memref<5x128xi32, #tpu.memory_space<vmem>>
      %dma_start3A_1362 = arith.constant 0 : i32
      %dma_start3A_1363 = arith.constant 0 : i32
      %dma_start3A_1364 = tpu.memref_slice %arg2[%add3A, %dma_start3A_1362, %dma_start3A_1363] : memref<32x200x128xi32, #tpu.memory_space<hbm>> -> memref<1x200x128xi32, #tpu.memory_space<hbm>>
      %dma_start3A_1365 = tpu.memref_squeeze %dma_start3A_1364 : memref<1x200x128xi32, #tpu.memory_space<hbm>> -> memref<200x128xi32, #tpu.memory_space<hbm>>
      %dma_start3A_1366 = arith.constant 0 : i32
      %dma_start3A_1367 = tpu.memref_slice %dma_start3A_1365[%mul3A_1346, %dma_start3A_1366] : memref<200x128xi32, #tpu.memory_space<hbm>> -> memref<5x128xi32, #tpu.memory_space<hbm>>
      tpu.enqueue_dma source(%dma_start3A_1367 : memref<5x128xi32, #tpu.memory_space<hbm>>) target(%dma_start3A_1361 : memref<5x128xi32, #tpu.memory_space<vmem>>) target_semaphore(%arg7 : memref<!tpu.dma_semaphore, #tpu.memory_space<semaphore_mem>>)
      %add3A_1368 = arith.constant 1 : i32
      %add3A_1369 = arith.addi %mul3A_1342, %add3A_1368 : i32
      %mul3A_1370 = arith.constant 5 : i32
      %mul3A_1371 = arith.muli %add3A_1369, %mul3A_1370 : i32
      %dma_start3A_1372 = arith.constant 1 : i32
      %dma_start3A_1373 = arith.constant 0 : i32
      %dma_start3A_1374 = arith.constant 0 : i32
      %dma_start3A_1375 = tpu.memref_slice %arg5[%dma_start3A_1372, %dma_start3A_1373, %dma_start3A_1374] : memref<4x5x128xi32, #tpu.memory_space<vmem>> -> memref<1x5x128xi32, #tpu.memory_space<vmem>>
      %dma_start3A_1376 = tpu.memref_squeeze %dma_start3A_1375 : memref<1x5x128xi32, #tpu.memory_space<vmem>> -> memref<5x128xi32, #tpu.memory_space<vmem>>
      %dma_start3A_1377 = arith.constant 0 : i32
      %dma_start3A_1378 = arith.constant 0 : i32
      %dma_start3A_1379 = tpu.memref_slice %arg2[%add3A, %dma_start3A_1377, %dma_start3A_1378] : memref<32x200x128xi32, #tpu.memory_space<hbm>> -> memref<1x200x128xi32, #tpu.memory_space<hbm>>
      %dma_start3A_1380 = tpu.memref_squeeze %dma_start3A_1379 : memref<1x200x128xi32, #tpu.memory_space<hbm>> -> memref<200x128xi32, #tpu.memory_space<hbm>>
      %dma_start3A_1381 = arith.constant 0 : i32
      %dma_start3A_1382 = tpu.memref_slice %dma_start3A_1380[%mul3A_1371, %dma_start3A_1381] : memref<200x128xi32, #tpu.memory_space<hbm>> -> memref<5x128xi32, #tpu.memory_space<hbm>>
      %dma_start3A_1383 = arith.constant 0 : i32
      %dma_start3A_1384 = arith.constant 0 : i32
      %dma_start3A_1385 = tpu.memref_slice %arg5[%dma_start3A_1372, %dma_start3A_1383, %dma_start3A_1384] : memref<4x5x128xi32, #tpu.memory_space<vmem>> -> memref<1x5x128xi32, #tpu.memory_space<vmem>>
      %dma_start3A_1386 = tpu.memref_squeeze %dma_start3A_1385 : memref<1x5x128xi32, #tpu.memory_space<vmem>> -> memref<5x128xi32, #tpu.memory_space<vmem>>
      %dma_start3A_1387 = arith.constant 0 : i32
      %dma_start3A_1388 = arith.constant 0 : i32
      %dma_start3A_1389 = tpu.memref_slice %arg2[%add3A, %dma_start3A_1387, %dma_start3A_1388] : memref<32x200x128xi32, #tpu.memory_space<hbm>> -> memref<1x200x128xi32, #tpu.memory_space<hbm>>
      %dma_start3A_1390 = tpu.memref_squeeze %dma_start3A_1389 : memref<1x200x128xi32, #tpu.memory_space<hbm>> -> memref<200x128xi32, #tpu.memory_space<hbm>>
      %dma_start3A_1391 = arith.constant 0 : i32
      %dma_start3A_1392 = tpu.memref_slice %dma_start3A_1390[%mul3A_1371, %dma_start3A_1391] : memref<200x128xi32, #tpu.memory_space<hbm>> -> memref<5x128xi32, #tpu.memory_space<hbm>>
      tpu.enqueue_dma source(%dma_start3A_1392 : memref<5x128xi32, #tpu.memory_space<hbm>>) target(%dma_start3A_1386 : memref<5x128xi32, #tpu.memory_space<vmem>>) target_semaphore(%arg8 : memref<!tpu.dma_semaphore, #tpu.memory_space<semaphore_mem>>)
      %add3A_1393 = arith.constant 2 : i32
      %add3A_1394 = arith.addi %mul3A_1342, %add3A_1393 : i32
      %mul3A_1395 = arith.constant 5 : i32
      %mul3A_1396 = arith.muli %add3A_1394, %mul3A_1395 : i32
      %dma_start3A_1397 = arith.constant 2 : i32
      %dma_start3A_1398 = arith.constant 0 : i32
      %dma_start3A_1399 = arith.constant 0 : i32
      %dma_start3A_1400 = tpu.memref_slice %arg5[%dma_start3A_1397, %dma_start3A_1398, %dma_start3A_1399] : memref<4x5x128xi32, #tpu.memory_space<vmem>> -> memref<1x5x128xi32, #tpu.memory_space<vmem>>
      %dma_start3A_1401 = tpu.memref_squeeze %dma_start3A_1400 : memref<1x5x128xi32, #tpu.memory_space<vmem>> -> memref<5x128xi32, #tpu.memory_space<vmem>>
      %dma_start3A_1402 = arith.constant 0 : i32
      %dma_start3A_1403 = arith.constant 0 : i32
      %dma_start3A_1404 = tpu.memref_slice %arg2[%add3A, %dma_start3A_1402, %dma_start3A_1403] : memref<32x200x128xi32, #tpu.memory_space<hbm>> -> memref<1x200x128xi32, #tpu.memory_space<hbm>>
      %dma_start3A_1405 = tpu.memref_squeeze %dma_start3A_1404 : memref<1x200x128xi32, #tpu.memory_space<hbm>> -> memref<200x128xi32, #tpu.memory_space<hbm>>
      %dma_start3A_1406 = arith.constant 0 : i32
      %dma_start3A_1407 = tpu.memref_slice %dma_start3A_1405[%mul3A_1396, %dma_start3A_1406] : memref<200x128xi32, #tpu.memory_space<hbm>> -> memref<5x128xi32, #tpu.memory_space<hbm>>
      %dma_start3A_1408 = arith.constant 0 : i32
      %dma_start3A_1409 = arith.constant 0 : i32
      %dma_start3A_1410 = tpu.memref_slice %arg5[%dma_start3A_1397, %dma_start3A_1408, %dma_start3A_1409] : memref<4x5x128xi32, #tpu.memory_space<vmem>> -> memref<1x5x128xi32, #tpu.memory_space<vmem>>
      %dma_start3A_1411 = tpu.memref_squeeze %dma_start3A_1410 : memref<1x5x128xi32, #tpu.memory_space<vmem>> -> memref<5x128xi32, #tpu.memory_space<vmem>>
      %dma_start3A_1412 = arith.constant 0 : i32
      %dma_start3A_1413 = arith.constant 0 : i32
      %dma_start3A_1414 = tpu.memref_slice %arg2[%add3A, %dma_start3A_1412, %dma_start3A_1413] : memref<32x200x128xi32, #tpu.memory_space<hbm>> -> memref<1x200x128xi32, #tpu.memory_space<hbm>>
      %dma_start3A_1415 = tpu.memref_squeeze %dma_start3A_1414 : memref<1x200x128xi32, #tpu.memory_space<hbm>> -> memref<200x128xi32, #tpu.memory_space<hbm>>
      %dma_start3A_1416 = arith.constant 0 : i32
      %dma_start3A_1417 = tpu.memref_slice %dma_start3A_1415[%mul3A_1396, %dma_start3A_1416] : memref<200x128xi32, #tpu.memory_space<hbm>> -> memref<5x128xi32, #tpu.memory_space<hbm>>
      tpu.enqueue_dma source(%dma_start3A_1417 : memref<5x128xi32, #tpu.memory_space<hbm>>) target(%dma_start3A_1411 : memref<5x128xi32, #tpu.memory_space<vmem>>) target_semaphore(%arg9 : memref<!tpu.dma_semaphore, #tpu.memory_space<semaphore_mem>>)
      %add3A_1418 = arith.constant 3 : i32
      %add3A_1419 = arith.addi %mul3A_1342, %add3A_1418 : i32
      %mul3A_1420 = arith.constant 5 : i32
      %mul3A_1421 = arith.muli %add3A_1419, %mul3A_1420 : i32
      %dma_start3A_1422 = arith.constant 3 : i32
      %dma_start3A_1423 = arith.constant 0 : i32
      %dma_start3A_1424 = arith.constant 0 : i32
      %dma_start3A_1425 = tpu.memref_slice %arg5[%dma_start3A_1422, %dma_start3A_1423, %dma_start3A_1424] : memref<4x5x128xi32, #tpu.memory_space<vmem>> -> memref<1x5x128xi32, #tpu.memory_space<vmem>>
      %dma_start3A_1426 = tpu.memref_squeeze %dma_start3A_1425 : memref<1x5x128xi32, #tpu.memory_space<vmem>> -> memref<5x128xi32, #tpu.memory_space<vmem>>
      %dma_start3A_1427 = arith.constant 0 : i32
      %dma_start3A_1428 = arith.constant 0 : i32
      %dma_start3A_1429 = tpu.memref_slice %arg2[%add3A, %dma_start3A_1427, %dma_start3A_1428] : memref<32x200x128xi32, #tpu.memory_space<hbm>> -> memref<1x200x128xi32, #tpu.memory_space<hbm>>
      %dma_start3A_1430 = tpu.memref_squeeze %dma_start3A_1429 : memref<1x200x128xi32, #tpu.memory_space<hbm>> -> memref<200x128xi32, #tpu.memory_space<hbm>>
      %dma_start3A_1431 = arith.constant 0 : i32
      %dma_start3A_1432 = tpu.memref_slice %dma_start3A_1430[%mul3A_1421, %dma_start3A_1431] : memref<200x128xi32, #tpu.memory_space<hbm>> -> memref<5x128xi32, #tpu.memory_space<hbm>>
      %dma_start3A_1433 = arith.constant 0 : i32
      %dma_start3A_1434 = arith.constant 0 : i32
      %dma_start3A_1435 = tpu.memref_slice %arg5[%dma_start3A_1422, %dma_start3A_1433, %dma_start3A_1434] : memref<4x5x128xi32, #tpu.memory_space<vmem>> -> memref<1x5x128xi32, #tpu.memory_space<vmem>>
      %dma_start3A_1436 = tpu.memref_squeeze %dma_start3A_1435 : memref<1x5x128xi32, #tpu.memory_space<vmem>> -> memref<5x128xi32, #tpu.memory_space<vmem>>
      %dma_start3A_1437 = arith.constant 0 : i32
      %dma_start3A_1438 = arith.constant 0 : i32
      %dma_start3A_1439 = tpu.memref_slice %arg2[%add3A, %dma_start3A_1437, %dma_start3A_1438] : memref<32x200x128xi32, #tpu.memory_space<hbm>> -> memref<1x200x128xi32, #tpu.memory_space<hbm>>
      %dma_start3A_1440 = tpu.memref_squeeze %dma_start3A_1439 : memref<1x200x128xi32, #tpu.memory_space<hbm>> -> memref<200x128xi32, #tpu.memory_space<hbm>>
      %dma_start3A_1441 = arith.constant 0 : i32
      %dma_start3A_1442 = tpu.memref_slice %dma_start3A_1440[%mul3A_1421, %dma_start3A_1441] : memref<200x128xi32, #tpu.memory_space<hbm>> -> memref<5x128xi32, #tpu.memory_space<hbm>>
      tpu.enqueue_dma source(%dma_start3A_1442 : memref<5x128xi32, #tpu.memory_space<hbm>>) target(%dma_start3A_1436 : memref<5x128xi32, #tpu.memory_space<vmem>>) target_semaphore(%arg10 : memref<!tpu.dma_semaphore, #tpu.memory_space<semaphore_mem>>)
      %add3A_1443 = arith.constant 0 : i32
      %add3A_1444 = arith.addi %mul3A_1342, %add3A_1443 : i32
      %sub3A = arith.constant 4 : i32
      %sub3A_1445 = arith.subi %add3A_1444, %sub3A : i32
      %mul3A_1446 = arith.constant 5 : i32
      %mul3A_1447 = arith.muli %sub3A_1445, %mul3A_1446 : i32
      %dma_wait3A_1448 = arith.constant 0 : i32
      %dma_wait3A_1449 = arith.constant 0 : i32
      %dma_wait3A_1450 = arith.constant 0 : i32
      %dma_wait3A_1451 = arith.constant 0 : i32
      %dma_wait3A_1452 = tpu.memref_slice %arg6[%dma_wait3A_1448, %dma_wait3A_1449, %dma_wait3A_1450, %dma_wait3A_1451] : memref<4x5x128x32xf32, #tpu.memory_space<vmem>> -> memref<1x5x128x32xf32, #tpu.memory_space<vmem>>
      %dma_wait3A_1453 = tpu.memref_squeeze %dma_wait3A_1452 : memref<1x5x128x32xf32, #tpu.memory_space<vmem>> -> memref<5x128x32xf32, #tpu.memory_space<vmem>>
      %dma_wait3A_1454 = arith.constant 0 : i32
      %dma_wait3A_1455 = arith.constant 0 : i32
      %dma_wait3A_1456 = arith.constant 0 : i32
      %dma_wait3A_1457 = tpu.memref_slice %arg4[%add3A, %dma_wait3A_1454, %dma_wait3A_1455, %dma_wait3A_1456] : memref<32x200x128x32xf32, #tpu.memory_space<hbm>> -> memref<1x200x128x32xf32, #tpu.memory_space<hbm>>
      %dma_wait3A_1458 = tpu.memref_squeeze %dma_wait3A_1457 : memref<1x200x128x32xf32, #tpu.memory_space<hbm>> -> memref<200x128x32xf32, #tpu.memory_space<hbm>>
      %dma_wait3A_1459 = arith.constant 0 : i32
      %dma_wait3A_1460 = arith.constant 0 : i32
      %dma_wait3A_1461 = tpu.memref_slice %dma_wait3A_1458[%mul3A_1447, %dma_wait3A_1459, %dma_wait3A_1460] : memref<200x128x32xf32, #tpu.memory_space<hbm>> -> memref<5x128x32xf32, #tpu.memory_space<hbm>>
      %dma_wait3A_1462 = arith.constant 0 : i32
      %dma_wait3A_1463 = arith.constant 0 : i32
      %dma_wait3A_1464 = arith.constant 0 : i32
      %dma_wait3A_1465 = tpu.memref_slice %arg4[%add3A, %dma_wait3A_1462, %dma_wait3A_1463, %dma_wait3A_1464] : memref<32x200x128x32xf32, #tpu.memory_space<hbm>> -> memref<1x200x128x32xf32, #tpu.memory_space<hbm>>
      %dma_wait3A_1466 = tpu.memref_squeeze %dma_wait3A_1465 : memref<1x200x128x32xf32, #tpu.memory_space<hbm>> -> memref<200x128x32xf32, #tpu.memory_space<hbm>>
      %dma_wait3A_1467 = arith.constant 0 : i32
      %dma_wait3A_1468 = arith.constant 0 : i32
      %dma_wait3A_1469 = tpu.memref_slice %dma_wait3A_1466[%mul3A_1447, %dma_wait3A_1467, %dma_wait3A_1468] : memref<200x128x32xf32, #tpu.memory_space<hbm>> -> memref<5x128x32xf32, #tpu.memory_space<hbm>>
      %dma_wait3A_1470 = arith.constant 0 : i32
      %dma_wait3A_1471 = arith.constant 0 : i32
      %dma_wait3A_1472 = arith.constant 0 : i32
      %dma_wait3A_1473 = tpu.memref_slice %arg6[%dma_wait3A_1448, %dma_wait3A_1470, %dma_wait3A_1471, %dma_wait3A_1472] : memref<4x5x128x32xf32, #tpu.memory_space<vmem>> -> memref<1x5x128x32xf32, #tpu.memory_space<vmem>>
      %dma_wait3A_1474 = tpu.memref_squeeze %dma_wait3A_1473 : memref<1x5x128x32xf32, #tpu.memory_space<vmem>> -> memref<5x128x32xf32, #tpu.memory_space<vmem>>
      tpu.wait_dma2 semaphore(%arg15 : memref<!tpu.dma_semaphore, #tpu.memory_space<semaphore_mem>>) src(%dma_wait3A_1474 : memref<5x128x32xf32, #tpu.memory_space<vmem>>) dst(%dma_wait3A_1469 : memref<5x128x32xf32, #tpu.memory_space<hbm>>)
      %dma_wait3A_1475 = arith.constant 0 : i32
      %dma_wait3A_1476 = arith.constant 0 : i32
      %dma_wait3A_1477 = arith.constant 0 : i32
      %dma_wait3A_1478 = tpu.memref_slice %arg5[%dma_wait3A_1475, %dma_wait3A_1476, %dma_wait3A_1477] : memref<4x5x128xi32, #tpu.memory_space<vmem>> -> memref<1x5x128xi32, #tpu.memory_space<vmem>>
      %dma_wait3A_1479 = tpu.memref_squeeze %dma_wait3A_1478 : memref<1x5x128xi32, #tpu.memory_space<vmem>> -> memref<5x128xi32, #tpu.memory_space<vmem>>
      %dma_wait3A_1480 = arith.constant 0 : i32
      %dma_wait3A_1481 = arith.constant 0 : i32
      %dma_wait3A_1482 = tpu.memref_slice %arg2[%add3A, %dma_wait3A_1480, %dma_wait3A_1481] : memref<32x200x128xi32, #tpu.memory_space<hbm>> -> memref<1x200x128xi32, #tpu.memory_space<hbm>>
      %dma_wait3A_1483 = tpu.memref_squeeze %dma_wait3A_1482 : memref<1x200x128xi32, #tpu.memory_space<hbm>> -> memref<200x128xi32, #tpu.memory_space<hbm>>
      %dma_wait3A_1484 = arith.constant 0 : i32
      %dma_wait3A_1485 = tpu.memref_slice %dma_wait3A_1483[%mul3A_1346, %dma_wait3A_1484] : memref<200x128xi32, #tpu.memory_space<hbm>> -> memref<5x128xi32, #tpu.memory_space<hbm>>
      %dma_wait3A_1486 = arith.constant 0 : i32
      %dma_wait3A_1487 = arith.constant 0 : i32
      %dma_wait3A_1488 = tpu.memref_slice %arg5[%dma_wait3A_1475, %dma_wait3A_1486, %dma_wait3A_1487] : memref<4x5x128xi32, #tpu.memory_space<vmem>> -> memref<1x5x128xi32, #tpu.memory_space<vmem>>
      %dma_wait3A_1489 = tpu.memref_squeeze %dma_wait3A_1488 : memref<1x5x128xi32, #tpu.memory_space<vmem>> -> memref<5x128xi32, #tpu.memory_space<vmem>>
      %dma_wait3A_1490 = arith.constant 0 : i32
      %dma_wait3A_1491 = arith.constant 0 : i32
      %dma_wait3A_1492 = tpu.memref_slice %arg2[%add3A, %dma_wait3A_1490, %dma_wait3A_1491] : memref<32x200x128xi32, #tpu.memory_space<hbm>> -> memref<1x200x128xi32, #tpu.memory_space<hbm>>
      %dma_wait3A_1493 = tpu.memref_squeeze %dma_wait3A_1492 : memref<1x200x128xi32, #tpu.memory_space<hbm>> -> memref<200x128xi32, #tpu.memory_space<hbm>>
      %dma_wait3A_1494 = arith.constant 0 : i32
      %dma_wait3A_1495 = tpu.memref_slice %dma_wait3A_1493[%mul3A_1346, %dma_wait3A_1494] : memref<200x128xi32, #tpu.memory_space<hbm>> -> memref<5x128xi32, #tpu.memory_space<hbm>>
      tpu.wait_dma2 semaphore(%arg7 : memref<!tpu.dma_semaphore, #tpu.memory_space<semaphore_mem>>) src(%dma_wait3A_1495 : memref<5x128xi32, #tpu.memory_space<hbm>>) dst(%dma_wait3A_1489 : memref<5x128xi32, #tpu.memory_space<vmem>>)
      %dma_start3A_1496 = arith.constant 0 : i32
      %dma_start3A_1497 = arith.constant 0 : i32
      %dma_start3A_1498 = arith.constant 0 : i32
      %dma_start3A_1499 = arith.constant 0 : i32
      %dma_start3A_1500 = arith.constant 0 : i32
      %dma_start3A_1501 = arith.constant 0 : i32
      %dma_start3A_1502 = arith.constant 0 : i32
      %dma_start3A_1503 = tpu.memref_slice %arg6[%dma_start3A_1498, %dma_start3A_1500, %dma_start3A_1501, %dma_start3A_1502] : memref<4x5x128x32xf32, #tpu.memory_space<vmem>> -> memref<1x5x128x32xf32, #tpu.memory_space<vmem>>
      %dma_start3A_1504 = tpu.memref_squeeze %dma_start3A_1503 : memref<1x5x128x32xf32, #tpu.memory_space<vmem>> -> memref<5x128x32xf32, #tpu.memory_space<vmem>>
      %dma_start3A_1505 = arith.constant 0 : i32
      %dma_start3A_1506 = arith.constant 0 : i32
      %dma_start3A_1507 = tpu.memref_slice %dma_start3A_1504[%dma_start3A_1499, %dma_start3A_1505, %dma_start3A_1506] : memref<5x128x32xf32, #tpu.memory_space<vmem>> -> memref<1x128x32xf32, #tpu.memory_space<vmem>>
      %dma_start3A_1508 = tpu.memref_squeeze %dma_start3A_1507 : memref<1x128x32xf32, #tpu.memory_space<vmem>> -> memref<128x32xf32, #tpu.memory_space<vmem>>
      %dma_start3A_1509 = arith.constant 0 : i32
      %dma_start3A_1510 = arith.constant 0 : i32
      %dma_start3A_1511 = tpu.memref_slice %arg5[%dma_start3A_1496, %dma_start3A_1509, %dma_start3A_1510] : memref<4x5x128xi32, #tpu.memory_space<vmem>> -> memref<1x5x128xi32, #tpu.memory_space<vmem>>
      %dma_start3A_1512 = tpu.memref_squeeze %dma_start3A_1511 : memref<1x5x128xi32, #tpu.memory_space<vmem>> -> memref<5x128xi32, #tpu.memory_space<vmem>>
      %dma_start3A_1513 = arith.constant 0 : i32
      %dma_start3A_1514 = tpu.memref_slice %dma_start3A_1512[%dma_start3A_1497, %dma_start3A_1513] : memref<5x128xi32, #tpu.memory_space<vmem>> -> memref<1x128xi32, #tpu.memory_space<vmem>>
      %dma_start3A_1515 = tpu.memref_squeeze %dma_start3A_1514 : memref<1x128xi32, #tpu.memory_space<vmem>> -> memref<128xi32, #tpu.memory_space<vmem>>
      %dma_start3A_1516 = arith.constant 0 : i32
      %dma_start3A_1517 = arith.constant 0 : i32
      %dma_start3A_1518 = tpu.memref_slice %arg3[%dma_start3A_1516, %dma_start3A_1517] : memref<1000000x32xf32, #tpu.memory_space<hbm>> -> memref<1000000x32xf32, #tpu.memory_space<hbm>>
      tpu.enqueue_indirect_dma source(%dma_start3A_1518 : memref<1000000x32xf32, #tpu.memory_space<hbm>>) target(%dma_start3A_1508 : memref<128x32xf32, #tpu.memory_space<vmem>>) offsets(%dma_start3A_1515 : memref<128xi32, #tpu.memory_space<vmem>>) semaphore(%arg11 : memref<!tpu.dma_semaphore, #tpu.memory_space<semaphore_mem>>)
      %dma_start3A_1519 = arith.constant 0 : i32
      %dma_start3A_1520 = arith.constant 1 : i32
      %dma_start3A_1521 = arith.constant 0 : i32
      %dma_start3A_1522 = arith.constant 1 : i32
      %dma_start3A_1523 = arith.constant 0 : i32
      %dma_start3A_1524 = arith.constant 0 : i32
      %dma_start3A_1525 = arith.constant 0 : i32
      %dma_start3A_1526 = tpu.memref_slice %arg6[%dma_start3A_1521, %dma_start3A_1523, %dma_start3A_1524, %dma_start3A_1525] : memref<4x5x128x32xf32, #tpu.memory_space<vmem>> -> memref<1x5x128x32xf32, #tpu.memory_space<vmem>>
      %dma_start3A_1527 = tpu.memref_squeeze %dma_start3A_1526 : memref<1x5x128x32xf32, #tpu.memory_space<vmem>> -> memref<5x128x32xf32, #tpu.memory_space<vmem>>
      %dma_start3A_1528 = arith.constant 0 : i32
      %dma_start3A_1529 = arith.constant 0 : i32
      %dma_start3A_1530 = tpu.memref_slice %dma_start3A_1527[%dma_start3A_1522, %dma_start3A_1528, %dma_start3A_1529] : memref<5x128x32xf32, #tpu.memory_space<vmem>> -> memref<1x128x32xf32, #tpu.memory_space<vmem>>
      %dma_start3A_1531 = tpu.memref_squeeze %dma_start3A_1530 : memref<1x128x32xf32, #tpu.memory_space<vmem>> -> memref<128x32xf32, #tpu.memory_space<vmem>>
      %dma_start3A_1532 = arith.constant 0 : i32
      %dma_start3A_1533 = arith.constant 0 : i32
      %dma_start3A_1534 = tpu.memref_slice %arg5[%dma_start3A_1519, %dma_start3A_1532, %dma_start3A_1533] : memref<4x5x128xi32, #tpu.memory_space<vmem>> -> memref<1x5x128xi32, #tpu.memory_space<vmem>>
      %dma_start3A_1535 = tpu.memref_squeeze %dma_start3A_1534 : memref<1x5x128xi32, #tpu.memory_space<vmem>> -> memref<5x128xi32, #tpu.memory_space<vmem>>
      %dma_start3A_1536 = arith.constant 0 : i32
      %dma_start3A_1537 = tpu.memref_slice %dma_start3A_1535[%dma_start3A_1520, %dma_start3A_1536] : memref<5x128xi32, #tpu.memory_space<vmem>> -> memref<1x128xi32, #tpu.memory_space<vmem>>
      %dma_start3A_1538 = tpu.memref_squeeze %dma_start3A_1537 : memref<1x128xi32, #tpu.memory_space<vmem>> -> memref<128xi32, #tpu.memory_space<vmem>>
      %dma_start3A_1539 = arith.constant 0 : i32
      %dma_start3A_1540 = arith.constant 0 : i32
      %dma_start3A_1541 = tpu.memref_slice %arg3[%dma_start3A_1539, %dma_start3A_1540] : memref<1000000x32xf32, #tpu.memory_space<hbm>> -> memref<1000000x32xf32, #tpu.memory_space<hbm>>
      tpu.enqueue_indirect_dma source(%dma_start3A_1541 : memref<1000000x32xf32, #tpu.memory_space<hbm>>) target(%dma_start3A_1531 : memref<128x32xf32, #tpu.memory_space<vmem>>) offsets(%dma_start3A_1538 : memref<128xi32, #tpu.memory_space<vmem>>) semaphore(%arg11 : memref<!tpu.dma_semaphore, #tpu.memory_space<semaphore_mem>>)
      %dma_start3A_1542 = arith.constant 0 : i32
      %dma_start3A_1543 = arith.constant 2 : i32
      %dma_start3A_1544 = arith.constant 0 : i32
      %dma_start3A_1545 = arith.constant 2 : i32
      %dma_start3A_1546 = arith.constant 0 : i32
      %dma_start3A_1547 = arith.constant 0 : i32
      %dma_start3A_1548 = arith.constant 0 : i32
      %dma_start3A_1549 = tpu.memref_slice %arg6[%dma_start3A_1544, %dma_start3A_1546, %dma_start3A_1547, %dma_start3A_1548] : memref<4x5x128x32xf32, #tpu.memory_space<vmem>> -> memref<1x5x128x32xf32, #tpu.memory_space<vmem>>
      %dma_start3A_1550 = tpu.memref_squeeze %dma_start3A_1549 : memref<1x5x128x32xf32, #tpu.memory_space<vmem>> -> memref<5x128x32xf32, #tpu.memory_space<vmem>>
      %dma_start3A_1551 = arith.constant 0 : i32
      %dma_start3A_1552 = arith.constant 0 : i32
      %dma_start3A_1553 = tpu.memref_slice %dma_start3A_1550[%dma_start3A_1545, %dma_start3A_1551, %dma_start3A_1552] : memref<5x128x32xf32, #tpu.memory_space<vmem>> -> memref<1x128x32xf32, #tpu.memory_space<vmem>>
      %dma_start3A_1554 = tpu.memref_squeeze %dma_start3A_1553 : memref<1x128x32xf32, #tpu.memory_space<vmem>> -> memref<128x32xf32, #tpu.memory_space<vmem>>
      %dma_start3A_1555 = arith.constant 0 : i32
      %dma_start3A_1556 = arith.constant 0 : i32
      %dma_start3A_1557 = tpu.memref_slice %arg5[%dma_start3A_1542, %dma_start3A_1555, %dma_start3A_1556] : memref<4x5x128xi32, #tpu.memory_space<vmem>> -> memref<1x5x128xi32, #tpu.memory_space<vmem>>
      %dma_start3A_1558 = tpu.memref_squeeze %dma_start3A_1557 : memref<1x5x128xi32, #tpu.memory_space<vmem>> -> memref<5x128xi32, #tpu.memory_space<vmem>>
      %dma_start3A_1559 = arith.constant 0 : i32
      %dma_start3A_1560 = tpu.memref_slice %dma_start3A_1558[%dma_start3A_1543, %dma_start3A_1559] : memref<5x128xi32, #tpu.memory_space<vmem>> -> memref<1x128xi32, #tpu.memory_space<vmem>>
      %dma_start3A_1561 = tpu.memref_squeeze %dma_start3A_1560 : memref<1x128xi32, #tpu.memory_space<vmem>> -> memref<128xi32, #tpu.memory_space<vmem>>
      %dma_start3A_1562 = arith.constant 0 : i32
      %dma_start3A_1563 = arith.constant 0 : i32
      %dma_start3A_1564 = tpu.memref_slice %arg3[%dma_start3A_1562, %dma_start3A_1563] : memref<1000000x32xf32, #tpu.memory_space<hbm>> -> memref<1000000x32xf32, #tpu.memory_space<hbm>>
      tpu.enqueue_indirect_dma source(%dma_start3A_1564 : memref<1000000x32xf32, #tpu.memory_space<hbm>>) target(%dma_start3A_1554 : memref<128x32xf32, #tpu.memory_space<vmem>>) offsets(%dma_start3A_1561 : memref<128xi32, #tpu.memory_space<vmem>>) semaphore(%arg11 : memref<!tpu.dma_semaphore, #tpu.memory_space<semaphore_mem>>)
      %dma_start3A_1565 = arith.constant 0 : i32
      %dma_start3A_1566 = arith.constant 3 : i32
      %dma_start3A_1567 = arith.constant 0 : i32
      %dma_start3A_1568 = arith.constant 3 : i32
      %dma_start3A_1569 = arith.constant 0 : i32
      %dma_start3A_1570 = arith.constant 0 : i32
      %dma_start3A_1571 = arith.constant 0 : i32
      %dma_start3A_1572 = tpu.memref_slice %arg6[%dma_start3A_1567, %dma_start3A_1569, %dma_start3A_1570, %dma_start3A_1571] : memref<4x5x128x32xf32, #tpu.memory_space<vmem>> -> memref<1x5x128x32xf32, #tpu.memory_space<vmem>>
      %dma_start3A_1573 = tpu.memref_squeeze %dma_start3A_1572 : memref<1x5x128x32xf32, #tpu.memory_space<vmem>> -> memref<5x128x32xf32, #tpu.memory_space<vmem>>
      %dma_start3A_1574 = arith.constant 0 : i32
      %dma_start3A_1575 = arith.constant 0 : i32
      %dma_start3A_1576 = tpu.memref_slice %dma_start3A_1573[%dma_start3A_1568, %dma_start3A_1574, %dma_start3A_1575] : memref<5x128x32xf32, #tpu.memory_space<vmem>> -> memref<1x128x32xf32, #tpu.memory_space<vmem>>
      %dma_start3A_1577 = tpu.memref_squeeze %dma_start3A_1576 : memref<1x128x32xf32, #tpu.memory_space<vmem>> -> memref<128x32xf32, #tpu.memory_space<vmem>>
      %dma_start3A_1578 = arith.constant 0 : i32
      %dma_start3A_1579 = arith.constant 0 : i32
      %dma_start3A_1580 = tpu.memref_slice %arg5[%dma_start3A_1565, %dma_start3A_1578, %dma_start3A_1579] : memref<4x5x128xi32, #tpu.memory_space<vmem>> -> memref<1x5x128xi32, #tpu.memory_space<vmem>>
      %dma_start3A_1581 = tpu.memref_squeeze %dma_start3A_1580 : memref<1x5x128xi32, #tpu.memory_space<vmem>> -> memref<5x128xi32, #tpu.memory_space<vmem>>
      %dma_start3A_1582 = arith.constant 0 : i32
      %dma_start3A_1583 = tpu.memref_slice %dma_start3A_1581[%dma_start3A_1566, %dma_start3A_1582] : memref<5x128xi32, #tpu.memory_space<vmem>> -> memref<1x128xi32, #tpu.memory_space<vmem>>
      %dma_start3A_1584 = tpu.memref_squeeze %dma_start3A_1583 : memref<1x128xi32, #tpu.memory_space<vmem>> -> memref<128xi32, #tpu.memory_space<vmem>>
      %dma_start3A_1585 = arith.constant 0 : i32
      %dma_start3A_1586 = arith.constant 0 : i32
      %dma_start3A_1587 = tpu.memref_slice %arg3[%dma_start3A_1585, %dma_start3A_1586] : memref<1000000x32xf32, #tpu.memory_space<hbm>> -> memref<1000000x32xf32, #tpu.memory_space<hbm>>
      tpu.enqueue_indirect_dma source(%dma_start3A_1587 : memref<1000000x32xf32, #tpu.memory_space<hbm>>) target(%dma_start3A_1577 : memref<128x32xf32, #tpu.memory_space<vmem>>) offsets(%dma_start3A_1584 : memref<128xi32, #tpu.memory_space<vmem>>) semaphore(%arg11 : memref<!tpu.dma_semaphore, #tpu.memory_space<semaphore_mem>>)
      %dma_start3A_1588 = arith.constant 0 : i32
      %dma_start3A_1589 = arith.constant 4 : i32
      %dma_start3A_1590 = arith.constant 0 : i32
      %dma_start3A_1591 = arith.constant 4 : i32
      %dma_start3A_1592 = arith.constant 0 : i32
      %dma_start3A_1593 = arith.constant 0 : i32
      %dma_start3A_1594 = arith.constant 0 : i32
      %dma_start3A_1595 = tpu.memref_slice %arg6[%dma_start3A_1590, %dma_start3A_1592, %dma_start3A_1593, %dma_start3A_1594] : memref<4x5x128x32xf32, #tpu.memory_space<vmem>> -> memref<1x5x128x32xf32, #tpu.memory_space<vmem>>
      %dma_start3A_1596 = tpu.memref_squeeze %dma_start3A_1595 : memref<1x5x128x32xf32, #tpu.memory_space<vmem>> -> memref<5x128x32xf32, #tpu.memory_space<vmem>>
      %dma_start3A_1597 = arith.constant 0 : i32
      %dma_start3A_1598 = arith.constant 0 : i32
      %dma_start3A_1599 = tpu.memref_slice %dma_start3A_1596[%dma_start3A_1591, %dma_start3A_1597, %dma_start3A_1598] : memref<5x128x32xf32, #tpu.memory_space<vmem>> -> memref<1x128x32xf32, #tpu.memory_space<vmem>>
      %dma_start3A_1600 = tpu.memref_squeeze %dma_start3A_1599 : memref<1x128x32xf32, #tpu.memory_space<vmem>> -> memref<128x32xf32, #tpu.memory_space<vmem>>
      %dma_start3A_1601 = arith.constant 0 : i32
      %dma_start3A_1602 = arith.constant 0 : i32
      %dma_start3A_1603 = tpu.memref_slice %arg5[%dma_start3A_1588, %dma_start3A_1601, %dma_start3A_1602] : memref<4x5x128xi32, #tpu.memory_space<vmem>> -> memref<1x5x128xi32, #tpu.memory_space<vmem>>
      %dma_start3A_1604 = tpu.memref_squeeze %dma_start3A_1603 : memref<1x5x128xi32, #tpu.memory_space<vmem>> -> memref<5x128xi32, #tpu.memory_space<vmem>>
      %dma_start3A_1605 = arith.constant 0 : i32
      %dma_start3A_1606 = tpu.memref_slice %dma_start3A_1604[%dma_start3A_1589, %dma_start3A_1605] : memref<5x128xi32, #tpu.memory_space<vmem>> -> memref<1x128xi32, #tpu.memory_space<vmem>>
      %dma_start3A_1607 = tpu.memref_squeeze %dma_start3A_1606 : memref<1x128xi32, #tpu.memory_space<vmem>> -> memref<128xi32, #tpu.memory_space<vmem>>
      %dma_start3A_1608 = arith.constant 0 : i32
      %dma_start3A_1609 = arith.constant 0 : i32
      %dma_start3A_1610 = tpu.memref_slice %arg3[%dma_start3A_1608, %dma_start3A_1609] : memref<1000000x32xf32, #tpu.memory_space<hbm>> -> memref<1000000x32xf32, #tpu.memory_space<hbm>>
      tpu.enqueue_indirect_dma source(%dma_start3A_1610 : memref<1000000x32xf32, #tpu.memory_space<hbm>>) target(%dma_start3A_1600 : memref<128x32xf32, #tpu.memory_space<vmem>>) offsets(%dma_start3A_1607 : memref<128xi32, #tpu.memory_space<vmem>>) semaphore(%arg11 : memref<!tpu.dma_semaphore, #tpu.memory_space<semaphore_mem>>)
      %add3A_1611 = arith.constant 1 : i32
      %add3A_1612 = arith.addi %mul3A_1342, %add3A_1611 : i32
      %sub3A_1613 = arith.constant 4 : i32
      %sub3A_1614 = arith.subi %add3A_1612, %sub3A_1613 : i32
      %mul3A_1615 = arith.constant 5 : i32
      %mul3A_1616 = arith.muli %sub3A_1614, %mul3A_1615 : i32
      %dma_wait3A_1617 = arith.constant 1 : i32
      %dma_wait3A_1618 = arith.constant 0 : i32
      %dma_wait3A_1619 = arith.constant 0 : i32
      %dma_wait3A_1620 = arith.constant 0 : i32
      %dma_wait3A_1621 = tpu.memref_slice %arg6[%dma_wait3A_1617, %dma_wait3A_1618, %dma_wait3A_1619, %dma_wait3A_1620] : memref<4x5x128x32xf32, #tpu.memory_space<vmem>> -> memref<1x5x128x32xf32, #tpu.memory_space<vmem>>
      %dma_wait3A_1622 = tpu.memref_squeeze %dma_wait3A_1621 : memref<1x5x128x32xf32, #tpu.memory_space<vmem>> -> memref<5x128x32xf32, #tpu.memory_space<vmem>>
      %dma_wait3A_1623 = arith.constant 0 : i32
      %dma_wait3A_1624 = arith.constant 0 : i32
      %dma_wait3A_1625 = arith.constant 0 : i32
      %dma_wait3A_1626 = tpu.memref_slice %arg4[%add3A, %dma_wait3A_1623, %dma_wait3A_1624, %dma_wait3A_1625] : memref<32x200x128x32xf32, #tpu.memory_space<hbm>> -> memref<1x200x128x32xf32, #tpu.memory_space<hbm>>
      %dma_wait3A_1627 = tpu.memref_squeeze %dma_wait3A_1626 : memref<1x200x128x32xf32, #tpu.memory_space<hbm>> -> memref<200x128x32xf32, #tpu.memory_space<hbm>>
      %dma_wait3A_1628 = arith.constant 0 : i32
      %dma_wait3A_1629 = arith.constant 0 : i32
      %dma_wait3A_1630 = tpu.memref_slice %dma_wait3A_1627[%mul3A_1616, %dma_wait3A_1628, %dma_wait3A_1629] : memref<200x128x32xf32, #tpu.memory_space<hbm>> -> memref<5x128x32xf32, #tpu.memory_space<hbm>>
      %dma_wait3A_1631 = arith.constant 0 : i32
      %dma_wait3A_1632 = arith.constant 0 : i32
      %dma_wait3A_1633 = arith.constant 0 : i32
      %dma_wait3A_1634 = tpu.memref_slice %arg4[%add3A, %dma_wait3A_1631, %dma_wait3A_1632, %dma_wait3A_1633] : memref<32x200x128x32xf32, #tpu.memory_space<hbm>> -> memref<1x200x128x32xf32, #tpu.memory_space<hbm>>
      %dma_wait3A_1635 = tpu.memref_squeeze %dma_wait3A_1634 : memref<1x200x128x32xf32, #tpu.memory_space<hbm>> -> memref<200x128x32xf32, #tpu.memory_space<hbm>>
      %dma_wait3A_1636 = arith.constant 0 : i32
      %dma_wait3A_1637 = arith.constant 0 : i32
      %dma_wait3A_1638 = tpu.memref_slice %dma_wait3A_1635[%mul3A_1616, %dma_wait3A_1636, %dma_wait3A_1637] : memref<200x128x32xf32, #tpu.memory_space<hbm>> -> memref<5x128x32xf32, #tpu.memory_space<hbm>>
      %dma_wait3A_1639 = arith.constant 0 : i32
      %dma_wait3A_1640 = arith.constant 0 : i32
      %dma_wait3A_1641 = arith.constant 0 : i32
      %dma_wait3A_1642 = tpu.memref_slice %arg6[%dma_wait3A_1617, %dma_wait3A_1639, %dma_wait3A_1640, %dma_wait3A_1641] : memref<4x5x128x32xf32, #tpu.memory_space<vmem>> -> memref<1x5x128x32xf32, #tpu.memory_space<vmem>>
      %dma_wait3A_1643 = tpu.memref_squeeze %dma_wait3A_1642 : memref<1x5x128x32xf32, #tpu.memory_space<vmem>> -> memref<5x128x32xf32, #tpu.memory_space<vmem>>
      tpu.wait_dma2 semaphore(%arg16 : memref<!tpu.dma_semaphore, #tpu.memory_space<semaphore_mem>>) src(%dma_wait3A_1643 : memref<5x128x32xf32, #tpu.memory_space<vmem>>) dst(%dma_wait3A_1638 : memref<5x128x32xf32, #tpu.memory_space<hbm>>)
      %dma_wait3A_1644 = arith.constant 1 : i32
      %dma_wait3A_1645 = arith.constant 0 : i32
      %dma_wait3A_1646 = arith.constant 0 : i32
      %dma_wait3A_1647 = tpu.memref_slice %arg5[%dma_wait3A_1644, %dma_wait3A_1645, %dma_wait3A_1646] : memref<4x5x128xi32, #tpu.memory_space<vmem>> -> memref<1x5x128xi32, #tpu.memory_space<vmem>>
      %dma_wait3A_1648 = tpu.memref_squeeze %dma_wait3A_1647 : memref<1x5x128xi32, #tpu.memory_space<vmem>> -> memref<5x128xi32, #tpu.memory_space<vmem>>
      %dma_wait3A_1649 = arith.constant 0 : i32
      %dma_wait3A_1650 = arith.constant 0 : i32
      %dma_wait3A_1651 = tpu.memref_slice %arg2[%add3A, %dma_wait3A_1649, %dma_wait3A_1650] : memref<32x200x128xi32, #tpu.memory_space<hbm>> -> memref<1x200x128xi32, #tpu.memory_space<hbm>>
      %dma_wait3A_1652 = tpu.memref_squeeze %dma_wait3A_1651 : memref<1x200x128xi32, #tpu.memory_space<hbm>> -> memref<200x128xi32, #tpu.memory_space<hbm>>
      %dma_wait3A_1653 = arith.constant 0 : i32
      %dma_wait3A_1654 = tpu.memref_slice %dma_wait3A_1652[%mul3A_1371, %dma_wait3A_1653] : memref<200x128xi32, #tpu.memory_space<hbm>> -> memref<5x128xi32, #tpu.memory_space<hbm>>
      %dma_wait3A_1655 = arith.constant 0 : i32
      %dma_wait3A_1656 = arith.constant 0 : i32
      %dma_wait3A_1657 = tpu.memref_slice %arg5[%dma_wait3A_1644, %dma_wait3A_1655, %dma_wait3A_1656] : memref<4x5x128xi32, #tpu.memory_space<vmem>> -> memref<1x5x128xi32, #tpu.memory_space<vmem>>
      %dma_wait3A_1658 = tpu.memref_squeeze %dma_wait3A_1657 : memref<1x5x128xi32, #tpu.memory_space<vmem>> -> memref<5x128xi32, #tpu.memory_space<vmem>>
      %dma_wait3A_1659 = arith.constant 0 : i32
      %dma_wait3A_1660 = arith.constant 0 : i32
      %dma_wait3A_1661 = tpu.memref_slice %arg2[%add3A, %dma_wait3A_1659, %dma_wait3A_1660] : memref<32x200x128xi32, #tpu.memory_space<hbm>> -> memref<1x200x128xi32, #tpu.memory_space<hbm>>
      %dma_wait3A_1662 = tpu.memref_squeeze %dma_wait3A_1661 : memref<1x200x128xi32, #tpu.memory_space<hbm>> -> memref<200x128xi32, #tpu.memory_space<hbm>>
      %dma_wait3A_1663 = arith.constant 0 : i32
      %dma_wait3A_1664 = tpu.memref_slice %dma_wait3A_1662[%mul3A_1371, %dma_wait3A_1663] : memref<200x128xi32, #tpu.memory_space<hbm>> -> memref<5x128xi32, #tpu.memory_space<hbm>>
      tpu.wait_dma2 semaphore(%arg8 : memref<!tpu.dma_semaphore, #tpu.memory_space<semaphore_mem>>) src(%dma_wait3A_1664 : memref<5x128xi32, #tpu.memory_space<hbm>>) dst(%dma_wait3A_1658 : memref<5x128xi32, #tpu.memory_space<vmem>>)
      %dma_start3A_1665 = arith.constant 1 : i32
      %dma_start3A_1666 = arith.constant 0 : i32
      %dma_start3A_1667 = arith.constant 1 : i32
      %dma_start3A_1668 = arith.constant 0 : i32
      %dma_start3A_1669 = arith.constant 0 : i32
      %dma_start3A_1670 = arith.constant 0 : i32
      %dma_start3A_1671 = arith.constant 0 : i32
      %dma_start3A_1672 = tpu.memref_slice %arg6[%dma_start3A_1667, %dma_start3A_1669, %dma_start3A_1670, %dma_start3A_1671] : memref<4x5x128x32xf32, #tpu.memory_space<vmem>> -> memref<1x5x128x32xf32, #tpu.memory_space<vmem>>
      %dma_start3A_1673 = tpu.memref_squeeze %dma_start3A_1672 : memref<1x5x128x32xf32, #tpu.memory_space<vmem>> -> memref<5x128x32xf32, #tpu.memory_space<vmem>>
      %dma_start3A_1674 = arith.constant 0 : i32
      %dma_start3A_1675 = arith.constant 0 : i32
      %dma_start3A_1676 = tpu.memref_slice %dma_start3A_1673[%dma_start3A_1668, %dma_start3A_1674, %dma_start3A_1675] : memref<5x128x32xf32, #tpu.memory_space<vmem>> -> memref<1x128x32xf32, #tpu.memory_space<vmem>>
      %dma_start3A_1677 = tpu.memref_squeeze %dma_start3A_1676 : memref<1x128x32xf32, #tpu.memory_space<vmem>> -> memref<128x32xf32, #tpu.memory_space<vmem>>
      %dma_start3A_1678 = arith.constant 0 : i32
      %dma_start3A_1679 = arith.constant 0 : i32
      %dma_start3A_1680 = tpu.memref_slice %arg5[%dma_start3A_1665, %dma_start3A_1678, %dma_start3A_1679] : memref<4x5x128xi32, #tpu.memory_space<vmem>> -> memref<1x5x128xi32, #tpu.memory_space<vmem>>
      %dma_start3A_1681 = tpu.memref_squeeze %dma_start3A_1680 : memref<1x5x128xi32, #tpu.memory_space<vmem>> -> memref<5x128xi32, #tpu.memory_space<vmem>>
      %dma_start3A_1682 = arith.constant 0 : i32
      %dma_start3A_1683 = tpu.memref_slice %dma_start3A_1681[%dma_start3A_1666, %dma_start3A_1682] : memref<5x128xi32, #tpu.memory_space<vmem>> -> memref<1x128xi32, #tpu.memory_space<vmem>>
      %dma_start3A_1684 = tpu.memref_squeeze %dma_start3A_1683 : memref<1x128xi32, #tpu.memory_space<vmem>> -> memref<128xi32, #tpu.memory_space<vmem>>
      %dma_start3A_1685 = arith.constant 0 : i32
      %dma_start3A_1686 = arith.constant 0 : i32
      %dma_start3A_1687 = tpu.memref_slice %arg3[%dma_start3A_1685, %dma_start3A_1686] : memref<1000000x32xf32, #tpu.memory_space<hbm>> -> memref<1000000x32xf32, #tpu.memory_space<hbm>>
      tpu.enqueue_indirect_dma source(%dma_start3A_1687 : memref<1000000x32xf32, #tpu.memory_space<hbm>>) target(%dma_start3A_1677 : memref<128x32xf32, #tpu.memory_space<vmem>>) offsets(%dma_start3A_1684 : memref<128xi32, #tpu.memory_space<vmem>>) semaphore(%arg12 : memref<!tpu.dma_semaphore, #tpu.memory_space<semaphore_mem>>)
      %dma_start3A_1688 = arith.constant 1 : i32
      %dma_start3A_1689 = arith.constant 1 : i32
      %dma_start3A_1690 = arith.constant 1 : i32
      %dma_start3A_1691 = arith.constant 1 : i32
      %dma_start3A_1692 = arith.constant 0 : i32
      %dma_start3A_1693 = arith.constant 0 : i32
      %dma_start3A_1694 = arith.constant 0 : i32
      %dma_start3A_1695 = tpu.memref_slice %arg6[%dma_start3A_1690, %dma_start3A_1692, %dma_start3A_1693, %dma_start3A_1694] : memref<4x5x128x32xf32, #tpu.memory_space<vmem>> -> memref<1x5x128x32xf32, #tpu.memory_space<vmem>>
      %dma_start3A_1696 = tpu.memref_squeeze %dma_start3A_1695 : memref<1x5x128x32xf32, #tpu.memory_space<vmem>> -> memref<5x128x32xf32, #tpu.memory_space<vmem>>
      %dma_start3A_1697 = arith.constant 0 : i32
      %dma_start3A_1698 = arith.constant 0 : i32
      %dma_start3A_1699 = tpu.memref_slice %dma_start3A_1696[%dma_start3A_1691, %dma_start3A_1697, %dma_start3A_1698] : memref<5x128x32xf32, #tpu.memory_space<vmem>> -> memref<1x128x32xf32, #tpu.memory_space<vmem>>
      %dma_start3A_1700 = tpu.memref_squeeze %dma_start3A_1699 : memref<1x128x32xf32, #tpu.memory_space<vmem>> -> memref<128x32xf32, #tpu.memory_space<vmem>>
      %dma_start3A_1701 = arith.constant 0 : i32
      %dma_start3A_1702 = arith.constant 0 : i32
      %dma_start3A_1703 = tpu.memref_slice %arg5[%dma_start3A_1688, %dma_start3A_1701, %dma_start3A_1702] : memref<4x5x128xi32, #tpu.memory_space<vmem>> -> memref<1x5x128xi32, #tpu.memory_space<vmem>>
      %dma_start3A_1704 = tpu.memref_squeeze %dma_start3A_1703 : memref<1x5x128xi32, #tpu.memory_space<vmem>> -> memref<5x128xi32, #tpu.memory_space<vmem>>
      %dma_start3A_1705 = arith.constant 0 : i32
      %dma_start3A_1706 = tpu.memref_slice %dma_start3A_1704[%dma_start3A_1689, %dma_start3A_1705] : memref<5x128xi32, #tpu.memory_space<vmem>> -> memref<1x128xi32, #tpu.memory_space<vmem>>
      %dma_start3A_1707 = tpu.memref_squeeze %dma_start3A_1706 : memref<1x128xi32, #tpu.memory_space<vmem>> -> memref<128xi32, #tpu.memory_space<vmem>>
      %dma_start3A_1708 = arith.constant 0 : i32
      %dma_start3A_1709 = arith.constant 0 : i32
      %dma_start3A_1710 = tpu.memref_slice %arg3[%dma_start3A_1708, %dma_start3A_1709] : memref<1000000x32xf32, #tpu.memory_space<hbm>> -> memref<1000000x32xf32, #tpu.memory_space<hbm>>
      tpu.enqueue_indirect_dma source(%dma_start3A_1710 : memref<1000000x32xf32, #tpu.memory_space<hbm>>) target(%dma_start3A_1700 : memref<128x32xf32, #tpu.memory_space<vmem>>) offsets(%dma_start3A_1707 : memref<128xi32, #tpu.memory_space<vmem>>) semaphore(%arg12 : memref<!tpu.dma_semaphore, #tpu.memory_space<semaphore_mem>>)
      %dma_start3A_1711 = arith.constant 1 : i32
      %dma_start3A_1712 = arith.constant 2 : i32
      %dma_start3A_1713 = arith.constant 1 : i32
      %dma_start3A_1714 = arith.constant 2 : i32
      %dma_start3A_1715 = arith.constant 0 : i32
      %dma_start3A_1716 = arith.constant 0 : i32
      %dma_start3A_1717 = arith.constant 0 : i32
      %dma_start3A_1718 = tpu.memref_slice %arg6[%dma_start3A_1713, %dma_start3A_1715, %dma_start3A_1716, %dma_start3A_1717] : memref<4x5x128x32xf32, #tpu.memory_space<vmem>> -> memref<1x5x128x32xf32, #tpu.memory_space<vmem>>
      %dma_start3A_1719 = tpu.memref_squeeze %dma_start3A_1718 : memref<1x5x128x32xf32, #tpu.memory_space<vmem>> -> memref<5x128x32xf32, #tpu.memory_space<vmem>>
      %dma_start3A_1720 = arith.constant 0 : i32
      %dma_start3A_1721 = arith.constant 0 : i32
      %dma_start3A_1722 = tpu.memref_slice %dma_start3A_1719[%dma_start3A_1714, %dma_start3A_1720, %dma_start3A_1721] : memref<5x128x32xf32, #tpu.memory_space<vmem>> -> memref<1x128x32xf32, #tpu.memory_space<vmem>>
      %dma_start3A_1723 = tpu.memref_squeeze %dma_start3A_1722 : memref<1x128x32xf32, #tpu.memory_space<vmem>> -> memref<128x32xf32, #tpu.memory_space<vmem>>
      %dma_start3A_1724 = arith.constant 0 : i32
      %dma_start3A_1725 = arith.constant 0 : i32
      %dma_start3A_1726 = tpu.memref_slice %arg5[%dma_start3A_1711, %dma_start3A_1724, %dma_start3A_1725] : memref<4x5x128xi32, #tpu.memory_space<vmem>> -> memref<1x5x128xi32, #tpu.memory_space<vmem>>
      %dma_start3A_1727 = tpu.memref_squeeze %dma_start3A_1726 : memref<1x5x128xi32, #tpu.memory_space<vmem>> -> memref<5x128xi32, #tpu.memory_space<vmem>>
      %dma_start3A_1728 = arith.constant 0 : i32
      %dma_start3A_1729 = tpu.memref_slice %dma_start3A_1727[%dma_start3A_1712, %dma_start3A_1728] : memref<5x128xi32, #tpu.memory_space<vmem>> -> memref<1x128xi32, #tpu.memory_space<vmem>>
      %dma_start3A_1730 = tpu.memref_squeeze %dma_start3A_1729 : memref<1x128xi32, #tpu.memory_space<vmem>> -> memref<128xi32, #tpu.memory_space<vmem>>
      %dma_start3A_1731 = arith.constant 0 : i32
      %dma_start3A_1732 = arith.constant 0 : i32
      %dma_start3A_1733 = tpu.memref_slice %arg3[%dma_start3A_1731, %dma_start3A_1732] : memref<1000000x32xf32, #tpu.memory_space<hbm>> -> memref<1000000x32xf32, #tpu.memory_space<hbm>>
      tpu.enqueue_indirect_dma source(%dma_start3A_1733 : memref<1000000x32xf32, #tpu.memory_space<hbm>>) target(%dma_start3A_1723 : memref<128x32xf32, #tpu.memory_space<vmem>>) offsets(%dma_start3A_1730 : memref<128xi32, #tpu.memory_space<vmem>>) semaphore(%arg12 : memref<!tpu.dma_semaphore, #tpu.memory_space<semaphore_mem>>)
      %dma_start3A_1734 = arith.constant 1 : i32
      %dma_start3A_1735 = arith.constant 3 : i32
      %dma_start3A_1736 = arith.constant 1 : i32
      %dma_start3A_1737 = arith.constant 3 : i32
      %dma_start3A_1738 = arith.constant 0 : i32
      %dma_start3A_1739 = arith.constant 0 : i32
      %dma_start3A_1740 = arith.constant 0 : i32
      %dma_start3A_1741 = tpu.memref_slice %arg6[%dma_start3A_1736, %dma_start3A_1738, %dma_start3A_1739, %dma_start3A_1740] : memref<4x5x128x32xf32, #tpu.memory_space<vmem>> -> memref<1x5x128x32xf32, #tpu.memory_space<vmem>>
      %dma_start3A_1742 = tpu.memref_squeeze %dma_start3A_1741 : memref<1x5x128x32xf32, #tpu.memory_space<vmem>> -> memref<5x128x32xf32, #tpu.memory_space<vmem>>
      %dma_start3A_1743 = arith.constant 0 : i32
      %dma_start3A_1744 = arith.constant 0 : i32
      %dma_start3A_1745 = tpu.memref_slice %dma_start3A_1742[%dma_start3A_1737, %dma_start3A_1743, %dma_start3A_1744] : memref<5x128x32xf32, #tpu.memory_space<vmem>> -> memref<1x128x32xf32, #tpu.memory_space<vmem>>
      %dma_start3A_1746 = tpu.memref_squeeze %dma_start3A_1745 : memref<1x128x32xf32, #tpu.memory_space<vmem>> -> memref<128x32xf32, #tpu.memory_space<vmem>>
      %dma_start3A_1747 = arith.constant 0 : i32
      %dma_start3A_1748 = arith.constant 0 : i32
      %dma_start3A_1749 = tpu.memref_slice %arg5[%dma_start3A_1734, %dma_start3A_1747, %dma_start3A_1748] : memref<4x5x128xi32, #tpu.memory_space<vmem>> -> memref<1x5x128xi32, #tpu.memory_space<vmem>>
      %dma_start3A_1750 = tpu.memref_squeeze %dma_start3A_1749 : memref<1x5x128xi32, #tpu.memory_space<vmem>> -> memref<5x128xi32, #tpu.memory_space<vmem>>
      %dma_start3A_1751 = arith.constant 0 : i32
      %dma_start3A_1752 = tpu.memref_slice %dma_start3A_1750[%dma_start3A_1735, %dma_start3A_1751] : memref<5x128xi32, #tpu.memory_space<vmem>> -> memref<1x128xi32, #tpu.memory_space<vmem>>
      %dma_start3A_1753 = tpu.memref_squeeze %dma_start3A_1752 : memref<1x128xi32, #tpu.memory_space<vmem>> -> memref<128xi32, #tpu.memory_space<vmem>>
      %dma_start3A_1754 = arith.constant 0 : i32
      %dma_start3A_1755 = arith.constant 0 : i32
      %dma_start3A_1756 = tpu.memref_slice %arg3[%dma_start3A_1754, %dma_start3A_1755] : memref<1000000x32xf32, #tpu.memory_space<hbm>> -> memref<1000000x32xf32, #tpu.memory_space<hbm>>
      tpu.enqueue_indirect_dma source(%dma_start3A_1756 : memref<1000000x32xf32, #tpu.memory_space<hbm>>) target(%dma_start3A_1746 : memref<128x32xf32, #tpu.memory_space<vmem>>) offsets(%dma_start3A_1753 : memref<128xi32, #tpu.memory_space<vmem>>) semaphore(%arg12 : memref<!tpu.dma_semaphore, #tpu.memory_space<semaphore_mem>>)
      %dma_start3A_1757 = arith.constant 1 : i32
      %dma_start3A_1758 = arith.constant 4 : i32
      %dma_start3A_1759 = arith.constant 1 : i32
      %dma_start3A_1760 = arith.constant 4 : i32
      %dma_start3A_1761 = arith.constant 0 : i32
      %dma_start3A_1762 = arith.constant 0 : i32
      %dma_start3A_1763 = arith.constant 0 : i32
      %dma_start3A_1764 = tpu.memref_slice %arg6[%dma_start3A_1759, %dma_start3A_1761, %dma_start3A_1762, %dma_start3A_1763] : memref<4x5x128x32xf32, #tpu.memory_space<vmem>> -> memref<1x5x128x32xf32, #tpu.memory_space<vmem>>
      %dma_start3A_1765 = tpu.memref_squeeze %dma_start3A_1764 : memref<1x5x128x32xf32, #tpu.memory_space<vmem>> -> memref<5x128x32xf32, #tpu.memory_space<vmem>>
      %dma_start3A_1766 = arith.constant 0 : i32
      %dma_start3A_1767 = arith.constant 0 : i32
      %dma_start3A_1768 = tpu.memref_slice %dma_start3A_1765[%dma_start3A_1760, %dma_start3A_1766, %dma_start3A_1767] : memref<5x128x32xf32, #tpu.memory_space<vmem>> -> memref<1x128x32xf32, #tpu.memory_space<vmem>>
      %dma_start3A_1769 = tpu.memref_squeeze %dma_start3A_1768 : memref<1x128x32xf32, #tpu.memory_space<vmem>> -> memref<128x32xf32, #tpu.memory_space<vmem>>
      %dma_start3A_1770 = arith.constant 0 : i32
      %dma_start3A_1771 = arith.constant 0 : i32
      %dma_start3A_1772 = tpu.memref_slice %arg5[%dma_start3A_1757, %dma_start3A_1770, %dma_start3A_1771] : memref<4x5x128xi32, #tpu.memory_space<vmem>> -> memref<1x5x128xi32, #tpu.memory_space<vmem>>
      %dma_start3A_1773 = tpu.memref_squeeze %dma_start3A_1772 : memref<1x5x128xi32, #tpu.memory_space<vmem>> -> memref<5x128xi32, #tpu.memory_space<vmem>>
      %dma_start3A_1774 = arith.constant 0 : i32
      %dma_start3A_1775 = tpu.memref_slice %dma_start3A_1773[%dma_start3A_1758, %dma_start3A_1774] : memref<5x128xi32, #tpu.memory_space<vmem>> -> memref<1x128xi32, #tpu.memory_space<vmem>>
      %dma_start3A_1776 = tpu.memref_squeeze %dma_start3A_1775 : memref<1x128xi32, #tpu.memory_space<vmem>> -> memref<128xi32, #tpu.memory_space<vmem>>
      %dma_start3A_1777 = arith.constant 0 : i32
      %dma_start3A_1778 = arith.constant 0 : i32
      %dma_start3A_1779 = tpu.memref_slice %arg3[%dma_start3A_1777, %dma_start3A_1778] : memref<1000000x32xf32, #tpu.memory_space<hbm>> -> memref<1000000x32xf32, #tpu.memory_space<hbm>>
      tpu.enqueue_indirect_dma source(%dma_start3A_1779 : memref<1000000x32xf32, #tpu.memory_space<hbm>>) target(%dma_start3A_1769 : memref<128x32xf32, #tpu.memory_space<vmem>>) offsets(%dma_start3A_1776 : memref<128xi32, #tpu.memory_space<vmem>>) semaphore(%arg12 : memref<!tpu.dma_semaphore, #tpu.memory_space<semaphore_mem>>)
      %add3A_1780 = arith.constant 2 : i32
      %add3A_1781 = arith.addi %mul3A_1342, %add3A_1780 : i32
      %sub3A_1782 = arith.constant 4 : i32
      %sub3A_1783 = arith.subi %add3A_1781, %sub3A_1782 : i32
      %mul3A_1784 = arith.constant 5 : i32
      %mul3A_1785 = arith.muli %sub3A_1783, %mul3A_1784 : i32
      %dma_wait3A_1786 = arith.constant 2 : i32
      %dma_wait3A_1787 = arith.constant 0 : i32
      %dma_wait3A_1788 = arith.constant 0 : i32
      %dma_wait3A_1789 = arith.constant 0 : i32
      %dma_wait3A_1790 = tpu.memref_slice %arg6[%dma_wait3A_1786, %dma_wait3A_1787, %dma_wait3A_1788, %dma_wait3A_1789] : memref<4x5x128x32xf32, #tpu.memory_space<vmem>> -> memref<1x5x128x32xf32, #tpu.memory_space<vmem>>
      %dma_wait3A_1791 = tpu.memref_squeeze %dma_wait3A_1790 : memref<1x5x128x32xf32, #tpu.memory_space<vmem>> -> memref<5x128x32xf32, #tpu.memory_space<vmem>>
      %dma_wait3A_1792 = arith.constant 0 : i32
      %dma_wait3A_1793 = arith.constant 0 : i32
      %dma_wait3A_1794 = arith.constant 0 : i32
      %dma_wait3A_1795 = tpu.memref_slice %arg4[%add3A, %dma_wait3A_1792, %dma_wait3A_1793, %dma_wait3A_1794] : memref<32x200x128x32xf32, #tpu.memory_space<hbm>> -> memref<1x200x128x32xf32, #tpu.memory_space<hbm>>
      %dma_wait3A_1796 = tpu.memref_squeeze %dma_wait3A_1795 : memref<1x200x128x32xf32, #tpu.memory_space<hbm>> -> memref<200x128x32xf32, #tpu.memory_space<hbm>>
      %dma_wait3A_1797 = arith.constant 0 : i32
      %dma_wait3A_1798 = arith.constant 0 : i32
      %dma_wait3A_1799 = tpu.memref_slice %dma_wait3A_1796[%mul3A_1785, %dma_wait3A_1797, %dma_wait3A_1798] : memref<200x128x32xf32, #tpu.memory_space<hbm>> -> memref<5x128x32xf32, #tpu.memory_space<hbm>>
      %dma_wait3A_1800 = arith.constant 0 : i32
      %dma_wait3A_1801 = arith.constant 0 : i32
      %dma_wait3A_1802 = arith.constant 0 : i32
      %dma_wait3A_1803 = tpu.memref_slice %arg4[%add3A, %dma_wait3A_1800, %dma_wait3A_1801, %dma_wait3A_1802] : memref<32x200x128x32xf32, #tpu.memory_space<hbm>> -> memref<1x200x128x32xf32, #tpu.memory_space<hbm>>
      %dma_wait3A_1804 = tpu.memref_squeeze %dma_wait3A_1803 : memref<1x200x128x32xf32, #tpu.memory_space<hbm>> -> memref<200x128x32xf32, #tpu.memory_space<hbm>>
      %dma_wait3A_1805 = arith.constant 0 : i32
      %dma_wait3A_1806 = arith.constant 0 : i32
      %dma_wait3A_1807 = tpu.memref_slice %dma_wait3A_1804[%mul3A_1785, %dma_wait3A_1805, %dma_wait3A_1806] : memref<200x128x32xf32, #tpu.memory_space<hbm>> -> memref<5x128x32xf32, #tpu.memory_space<hbm>>
      %dma_wait3A_1808 = arith.constant 0 : i32
      %dma_wait3A_1809 = arith.constant 0 : i32
      %dma_wait3A_1810 = arith.constant 0 : i32
      %dma_wait3A_1811 = tpu.memref_slice %arg6[%dma_wait3A_1786, %dma_wait3A_1808, %dma_wait3A_1809, %dma_wait3A_1810] : memref<4x5x128x32xf32, #tpu.memory_space<vmem>> -> memref<1x5x128x32xf32, #tpu.memory_space<vmem>>
      %dma_wait3A_1812 = tpu.memref_squeeze %dma_wait3A_1811 : memref<1x5x128x32xf32, #tpu.memory_space<vmem>> -> memref<5x128x32xf32, #tpu.memory_space<vmem>>
      tpu.wait_dma2 semaphore(%arg17 : memref<!tpu.dma_semaphore, #tpu.memory_space<semaphore_mem>>) src(%dma_wait3A_1812 : memref<5x128x32xf32, #tpu.memory_space<vmem>>) dst(%dma_wait3A_1807 : memref<5x128x32xf32, #tpu.memory_space<hbm>>)
      %dma_wait3A_1813 = arith.constant 2 : i32
      %dma_wait3A_1814 = arith.constant 0 : i32
      %dma_wait3A_1815 = arith.constant 0 : i32
      %dma_wait3A_1816 = tpu.memref_slice %arg5[%dma_wait3A_1813, %dma_wait3A_1814, %dma_wait3A_1815] : memref<4x5x128xi32, #tpu.memory_space<vmem>> -> memref<1x5x128xi32, #tpu.memory_space<vmem>>
      %dma_wait3A_1817 = tpu.memref_squeeze %dma_wait3A_1816 : memref<1x5x128xi32, #tpu.memory_space<vmem>> -> memref<5x128xi32, #tpu.memory_space<vmem>>
      %dma_wait3A_1818 = arith.constant 0 : i32
      %dma_wait3A_1819 = arith.constant 0 : i32
      %dma_wait3A_1820 = tpu.memref_slice %arg2[%add3A, %dma_wait3A_1818, %dma_wait3A_1819] : memref<32x200x128xi32, #tpu.memory_space<hbm>> -> memref<1x200x128xi32, #tpu.memory_space<hbm>>
      %dma_wait3A_1821 = tpu.memref_squeeze %dma_wait3A_1820 : memref<1x200x128xi32, #tpu.memory_space<hbm>> -> memref<200x128xi32, #tpu.memory_space<hbm>>
      %dma_wait3A_1822 = arith.constant 0 : i32
      %dma_wait3A_1823 = tpu.memref_slice %dma_wait3A_1821[%mul3A_1396, %dma_wait3A_1822] : memref<200x128xi32, #tpu.memory_space<hbm>> -> memref<5x128xi32, #tpu.memory_space<hbm>>
      %dma_wait3A_1824 = arith.constant 0 : i32
      %dma_wait3A_1825 = arith.constant 0 : i32
      %dma_wait3A_1826 = tpu.memref_slice %arg5[%dma_wait3A_1813, %dma_wait3A_1824, %dma_wait3A_1825] : memref<4x5x128xi32, #tpu.memory_space<vmem>> -> memref<1x5x128xi32, #tpu.memory_space<vmem>>
      %dma_wait3A_1827 = tpu.memref_squeeze %dma_wait3A_1826 : memref<1x5x128xi32, #tpu.memory_space<vmem>> -> memref<5x128xi32, #tpu.memory_space<vmem>>
      %dma_wait3A_1828 = arith.constant 0 : i32
      %dma_wait3A_1829 = arith.constant 0 : i32
      %dma_wait3A_1830 = tpu.memref_slice %arg2[%add3A, %dma_wait3A_1828, %dma_wait3A_1829] : memref<32x200x128xi32, #tpu.memory_space<hbm>> -> memref<1x200x128xi32, #tpu.memory_space<hbm>>
      %dma_wait3A_1831 = tpu.memref_squeeze %dma_wait3A_1830 : memref<1x200x128xi32, #tpu.memory_space<hbm>> -> memref<200x128xi32, #tpu.memory_space<hbm>>
      %dma_wait3A_1832 = arith.constant 0 : i32
      %dma_wait3A_1833 = tpu.memref_slice %dma_wait3A_1831[%mul3A_1396, %dma_wait3A_1832] : memref<200x128xi32, #tpu.memory_space<hbm>> -> memref<5x128xi32, #tpu.memory_space<hbm>>
      tpu.wait_dma2 semaphore(%arg9 : memref<!tpu.dma_semaphore, #tpu.memory_space<semaphore_mem>>) src(%dma_wait3A_1833 : memref<5x128xi32, #tpu.memory_space<hbm>>) dst(%dma_wait3A_1827 : memref<5x128xi32, #tpu.memory_space<vmem>>)
      %dma_start3A_1834 = arith.constant 2 : i32
      %dma_start3A_1835 = arith.constant 0 : i32
      %dma_start3A_1836 = arith.constant 2 : i32
      %dma_start3A_1837 = arith.constant 0 : i32
      %dma_start3A_1838 = arith.constant 0 : i32
      %dma_start3A_1839 = arith.constant 0 : i32
      %dma_start3A_1840 = arith.constant 0 : i32
      %dma_start3A_1841 = tpu.memref_slice %arg6[%dma_start3A_1836, %dma_start3A_1838, %dma_start3A_1839, %dma_start3A_1840] : memref<4x5x128x32xf32, #tpu.memory_space<vmem>> -> memref<1x5x128x32xf32, #tpu.memory_space<vmem>>
      %dma_start3A_1842 = tpu.memref_squeeze %dma_start3A_1841 : memref<1x5x128x32xf32, #tpu.memory_space<vmem>> -> memref<5x128x32xf32, #tpu.memory_space<vmem>>
      %dma_start3A_1843 = arith.constant 0 : i32
      %dma_start3A_1844 = arith.constant 0 : i32
      %dma_start3A_1845 = tpu.memref_slice %dma_start3A_1842[%dma_start3A_1837, %dma_start3A_1843, %dma_start3A_1844] : memref<5x128x32xf32, #tpu.memory_space<vmem>> -> memref<1x128x32xf32, #tpu.memory_space<vmem>>
      %dma_start3A_1846 = tpu.memref_squeeze %dma_start3A_1845 : memref<1x128x32xf32, #tpu.memory_space<vmem>> -> memref<128x32xf32, #tpu.memory_space<vmem>>
      %dma_start3A_1847 = arith.constant 0 : i32
      %dma_start3A_1848 = arith.constant 0 : i32
      %dma_start3A_1849 = tpu.memref_slice %arg5[%dma_start3A_1834, %dma_start3A_1847, %dma_start3A_1848] : memref<4x5x128xi32, #tpu.memory_space<vmem>> -> memref<1x5x128xi32, #tpu.memory_space<vmem>>
      %dma_start3A_1850 = tpu.memref_squeeze %dma_start3A_1849 : memref<1x5x128xi32, #tpu.memory_space<vmem>> -> memref<5x128xi32, #tpu.memory_space<vmem>>
      %dma_start3A_1851 = arith.constant 0 : i32
      %dma_start3A_1852 = tpu.memref_slice %dma_start3A_1850[%dma_start3A_1835, %dma_start3A_1851] : memref<5x128xi32, #tpu.memory_space<vmem>> -> memref<1x128xi32, #tpu.memory_space<vmem>>
      %dma_start3A_1853 = tpu.memref_squeeze %dma_start3A_1852 : memref<1x128xi32, #tpu.memory_space<vmem>> -> memref<128xi32, #tpu.memory_space<vmem>>
      %dma_start3A_1854 = arith.constant 0 : i32
      %dma_start3A_1855 = arith.constant 0 : i32
      %dma_start3A_1856 = tpu.memref_slice %arg3[%dma_start3A_1854, %dma_start3A_1855] : memref<1000000x32xf32, #tpu.memory_space<hbm>> -> memref<1000000x32xf32, #tpu.memory_space<hbm>>
      tpu.enqueue_indirect_dma source(%dma_start3A_1856 : memref<1000000x32xf32, #tpu.memory_space<hbm>>) target(%dma_start3A_1846 : memref<128x32xf32, #tpu.memory_space<vmem>>) offsets(%dma_start3A_1853 : memref<128xi32, #tpu.memory_space<vmem>>) semaphore(%arg13 : memref<!tpu.dma_semaphore, #tpu.memory_space<semaphore_mem>>)
      %dma_start3A_1857 = arith.constant 2 : i32
      %dma_start3A_1858 = arith.constant 1 : i32
      %dma_start3A_1859 = arith.constant 2 : i32
      %dma_start3A_1860 = arith.constant 1 : i32
      %dma_start3A_1861 = arith.constant 0 : i32
      %dma_start3A_1862 = arith.constant 0 : i32
      %dma_start3A_1863 = arith.constant 0 : i32
      %dma_start3A_1864 = tpu.memref_slice %arg6[%dma_start3A_1859, %dma_start3A_1861, %dma_start3A_1862, %dma_start3A_1863] : memref<4x5x128x32xf32, #tpu.memory_space<vmem>> -> memref<1x5x128x32xf32, #tpu.memory_space<vmem>>
      %dma_start3A_1865 = tpu.memref_squeeze %dma_start3A_1864 : memref<1x5x128x32xf32, #tpu.memory_space<vmem>> -> memref<5x128x32xf32, #tpu.memory_space<vmem>>
      %dma_start3A_1866 = arith.constant 0 : i32
      %dma_start3A_1867 = arith.constant 0 : i32
      %dma_start3A_1868 = tpu.memref_slice %dma_start3A_1865[%dma_start3A_1860, %dma_start3A_1866, %dma_start3A_1867] : memref<5x128x32xf32, #tpu.memory_space<vmem>> -> memref<1x128x32xf32, #tpu.memory_space<vmem>>
      %dma_start3A_1869 = tpu.memref_squeeze %dma_start3A_1868 : memref<1x128x32xf32, #tpu.memory_space<vmem>> -> memref<128x32xf32, #tpu.memory_space<vmem>>
      %dma_start3A_1870 = arith.constant 0 : i32
      %dma_start3A_1871 = arith.constant 0 : i32
      %dma_start3A_1872 = tpu.memref_slice %arg5[%dma_start3A_1857, %dma_start3A_1870, %dma_start3A_1871] : memref<4x5x128xi32, #tpu.memory_space<vmem>> -> memref<1x5x128xi32, #tpu.memory_space<vmem>>
      %dma_start3A_1873 = tpu.memref_squeeze %dma_start3A_1872 : memref<1x5x128xi32, #tpu.memory_space<vmem>> -> memref<5x128xi32, #tpu.memory_space<vmem>>
      %dma_start3A_1874 = arith.constant 0 : i32
      %dma_start3A_1875 = tpu.memref_slice %dma_start3A_1873[%dma_start3A_1858, %dma_start3A_1874] : memref<5x128xi32, #tpu.memory_space<vmem>> -> memref<1x128xi32, #tpu.memory_space<vmem>>
      %dma_start3A_1876 = tpu.memref_squeeze %dma_start3A_1875 : memref<1x128xi32, #tpu.memory_space<vmem>> -> memref<128xi32, #tpu.memory_space<vmem>>
      %dma_start3A_1877 = arith.constant 0 : i32
      %dma_start3A_1878 = arith.constant 0 : i32
      %dma_start3A_1879 = tpu.memref_slice %arg3[%dma_start3A_1877, %dma_start3A_1878] : memref<1000000x32xf32, #tpu.memory_space<hbm>> -> memref<1000000x32xf32, #tpu.memory_space<hbm>>
      tpu.enqueue_indirect_dma source(%dma_start3A_1879 : memref<1000000x32xf32, #tpu.memory_space<hbm>>) target(%dma_start3A_1869 : memref<128x32xf32, #tpu.memory_space<vmem>>) offsets(%dma_start3A_1876 : memref<128xi32, #tpu.memory_space<vmem>>) semaphore(%arg13 : memref<!tpu.dma_semaphore, #tpu.memory_space<semaphore_mem>>)
      %dma_start3A_1880 = arith.constant 2 : i32
      %dma_start3A_1881 = arith.constant 2 : i32
      %dma_start3A_1882 = arith.constant 2 : i32
      %dma_start3A_1883 = arith.constant 2 : i32
      %dma_start3A_1884 = arith.constant 0 : i32
      %dma_start3A_1885 = arith.constant 0 : i32
      %dma_start3A_1886 = arith.constant 0 : i32
      %dma_start3A_1887 = tpu.memref_slice %arg6[%dma_start3A_1882, %dma_start3A_1884, %dma_start3A_1885, %dma_start3A_1886] : memref<4x5x128x32xf32, #tpu.memory_space<vmem>> -> memref<1x5x128x32xf32, #tpu.memory_space<vmem>>
      %dma_start3A_1888 = tpu.memref_squeeze %dma_start3A_1887 : memref<1x5x128x32xf32, #tpu.memory_space<vmem>> -> memref<5x128x32xf32, #tpu.memory_space<vmem>>
      %dma_start3A_1889 = arith.constant 0 : i32
      %dma_start3A_1890 = arith.constant 0 : i32
      %dma_start3A_1891 = tpu.memref_slice %dma_start3A_1888[%dma_start3A_1883, %dma_start3A_1889, %dma_start3A_1890] : memref<5x128x32xf32, #tpu.memory_space<vmem>> -> memref<1x128x32xf32, #tpu.memory_space<vmem>>
      %dma_start3A_1892 = tpu.memref_squeeze %dma_start3A_1891 : memref<1x128x32xf32, #tpu.memory_space<vmem>> -> memref<128x32xf32, #tpu.memory_space<vmem>>
      %dma_start3A_1893 = arith.constant 0 : i32
      %dma_start3A_1894 = arith.constant 0 : i32
      %dma_start3A_1895 = tpu.memref_slice %arg5[%dma_start3A_1880, %dma_start3A_1893, %dma_start3A_1894] : memref<4x5x128xi32, #tpu.memory_space<vmem>> -> memref<1x5x128xi32, #tpu.memory_space<vmem>>
      %dma_start3A_1896 = tpu.memref_squeeze %dma_start3A_1895 : memref<1x5x128xi32, #tpu.memory_space<vmem>> -> memref<5x128xi32, #tpu.memory_space<vmem>>
      %dma_start3A_1897 = arith.constant 0 : i32
      %dma_start3A_1898 = tpu.memref_slice %dma_start3A_1896[%dma_start3A_1881, %dma_start3A_1897] : memref<5x128xi32, #tpu.memory_space<vmem>> -> memref<1x128xi32, #tpu.memory_space<vmem>>
      %dma_start3A_1899 = tpu.memref_squeeze %dma_start3A_1898 : memref<1x128xi32, #tpu.memory_space<vmem>> -> memref<128xi32, #tpu.memory_space<vmem>>
      %dma_start3A_1900 = arith.constant 0 : i32
      %dma_start3A_1901 = arith.constant 0 : i32
      %dma_start3A_1902 = tpu.memref_slice %arg3[%dma_start3A_1900, %dma_start3A_1901] : memref<1000000x32xf32, #tpu.memory_space<hbm>> -> memref<1000000x32xf32, #tpu.memory_space<hbm>>
      tpu.enqueue_indirect_dma source(%dma_start3A_1902 : memref<1000000x32xf32, #tpu.memory_space<hbm>>) target(%dma_start3A_1892 : memref<128x32xf32, #tpu.memory_space<vmem>>) offsets(%dma_start3A_1899 : memref<128xi32, #tpu.memory_space<vmem>>) semaphore(%arg13 : memref<!tpu.dma_semaphore, #tpu.memory_space<semaphore_mem>>)
      %dma_start3A_1903 = arith.constant 2 : i32
      %dma_start3A_1904 = arith.constant 3 : i32
      %dma_start3A_1905 = arith.constant 2 : i32
      %dma_start3A_1906 = arith.constant 3 : i32
      %dma_start3A_1907 = arith.constant 0 : i32
      %dma_start3A_1908 = arith.constant 0 : i32
      %dma_start3A_1909 = arith.constant 0 : i32
      %dma_start3A_1910 = tpu.memref_slice %arg6[%dma_start3A_1905, %dma_start3A_1907, %dma_start3A_1908, %dma_start3A_1909] : memref<4x5x128x32xf32, #tpu.memory_space<vmem>> -> memref<1x5x128x32xf32, #tpu.memory_space<vmem>>
      %dma_start3A_1911 = tpu.memref_squeeze %dma_start3A_1910 : memref<1x5x128x32xf32, #tpu.memory_space<vmem>> -> memref<5x128x32xf32, #tpu.memory_space<vmem>>
      %dma_start3A_1912 = arith.constant 0 : i32
      %dma_start3A_1913 = arith.constant 0 : i32
      %dma_start3A_1914 = tpu.memref_slice %dma_start3A_1911[%dma_start3A_1906, %dma_start3A_1912, %dma_start3A_1913] : memref<5x128x32xf32, #tpu.memory_space<vmem>> -> memref<1x128x32xf32, #tpu.memory_space<vmem>>
      %dma_start3A_1915 = tpu.memref_squeeze %dma_start3A_1914 : memref<1x128x32xf32, #tpu.memory_space<vmem>> -> memref<128x32xf32, #tpu.memory_space<vmem>>
      %dma_start3A_1916 = arith.constant 0 : i32
      %dma_start3A_1917 = arith.constant 0 : i32
      %dma_start3A_1918 = tpu.memref_slice %arg5[%dma_start3A_1903, %dma_start3A_1916, %dma_start3A_1917] : memref<4x5x128xi32, #tpu.memory_space<vmem>> -> memref<1x5x128xi32, #tpu.memory_space<vmem>>
      %dma_start3A_1919 = tpu.memref_squeeze %dma_start3A_1918 : memref<1x5x128xi32, #tpu.memory_space<vmem>> -> memref<5x128xi32, #tpu.memory_space<vmem>>
      %dma_start3A_1920 = arith.constant 0 : i32
      %dma_start3A_1921 = tpu.memref_slice %dma_start3A_1919[%dma_start3A_1904, %dma_start3A_1920] : memref<5x128xi32, #tpu.memory_space<vmem>> -> memref<1x128xi32, #tpu.memory_space<vmem>>
      %dma_start3A_1922 = tpu.memref_squeeze %dma_start3A_1921 : memref<1x128xi32, #tpu.memory_space<vmem>> -> memref<128xi32, #tpu.memory_space<vmem>>
      %dma_start3A_1923 = arith.constant 0 : i32
      %dma_start3A_1924 = arith.constant 0 : i32
      %dma_start3A_1925 = tpu.memref_slice %arg3[%dma_start3A_1923, %dma_start3A_1924] : memref<1000000x32xf32, #tpu.memory_space<hbm>> -> memref<1000000x32xf32, #tpu.memory_space<hbm>>
      tpu.enqueue_indirect_dma source(%dma_start3A_1925 : memref<1000000x32xf32, #tpu.memory_space<hbm>>) target(%dma_start3A_1915 : memref<128x32xf32, #tpu.memory_space<vmem>>) offsets(%dma_start3A_1922 : memref<128xi32, #tpu.memory_space<vmem>>) semaphore(%arg13 : memref<!tpu.dma_semaphore, #tpu.memory_space<semaphore_mem>>)
      %dma_start3A_1926 = arith.constant 2 : i32
      %dma_start3A_1927 = arith.constant 4 : i32
      %dma_start3A_1928 = arith.constant 2 : i32
      %dma_start3A_1929 = arith.constant 4 : i32
      %dma_start3A_1930 = arith.constant 0 : i32
      %dma_start3A_1931 = arith.constant 0 : i32
      %dma_start3A_1932 = arith.constant 0 : i32
      %dma_start3A_1933 = tpu.memref_slice %arg6[%dma_start3A_1928, %dma_start3A_1930, %dma_start3A_1931, %dma_start3A_1932] : memref<4x5x128x32xf32, #tpu.memory_space<vmem>> -> memref<1x5x128x32xf32, #tpu.memory_space<vmem>>
      %dma_start3A_1934 = tpu.memref_squeeze %dma_start3A_1933 : memref<1x5x128x32xf32, #tpu.memory_space<vmem>> -> memref<5x128x32xf32, #tpu.memory_space<vmem>>
      %dma_start3A_1935 = arith.constant 0 : i32
      %dma_start3A_1936 = arith.constant 0 : i32
      %dma_start3A_1937 = tpu.memref_slice %dma_start3A_1934[%dma_start3A_1929, %dma_start3A_1935, %dma_start3A_1936] : memref<5x128x32xf32, #tpu.memory_space<vmem>> -> memref<1x128x32xf32, #tpu.memory_space<vmem>>
      %dma_start3A_1938 = tpu.memref_squeeze %dma_start3A_1937 : memref<1x128x32xf32, #tpu.memory_space<vmem>> -> memref<128x32xf32, #tpu.memory_space<vmem>>
      %dma_start3A_1939 = arith.constant 0 : i32
      %dma_start3A_1940 = arith.constant 0 : i32
      %dma_start3A_1941 = tpu.memref_slice %arg5[%dma_start3A_1926, %dma_start3A_1939, %dma_start3A_1940] : memref<4x5x128xi32, #tpu.memory_space<vmem>> -> memref<1x5x128xi32, #tpu.memory_space<vmem>>
      %dma_start3A_1942 = tpu.memref_squeeze %dma_start3A_1941 : memref<1x5x128xi32, #tpu.memory_space<vmem>> -> memref<5x128xi32, #tpu.memory_space<vmem>>
      %dma_start3A_1943 = arith.constant 0 : i32
      %dma_start3A_1944 = tpu.memref_slice %dma_start3A_1942[%dma_start3A_1927, %dma_start3A_1943] : memref<5x128xi32, #tpu.memory_space<vmem>> -> memref<1x128xi32, #tpu.memory_space<vmem>>
      %dma_start3A_1945 = tpu.memref_squeeze %dma_start3A_1944 : memref<1x128xi32, #tpu.memory_space<vmem>> -> memref<128xi32, #tpu.memory_space<vmem>>
      %dma_start3A_1946 = arith.constant 0 : i32
      %dma_start3A_1947 = arith.constant 0 : i32
      %dma_start3A_1948 = tpu.memref_slice %arg3[%dma_start3A_1946, %dma_start3A_1947] : memref<1000000x32xf32, #tpu.memory_space<hbm>> -> memref<1000000x32xf32, #tpu.memory_space<hbm>>
      tpu.enqueue_indirect_dma source(%dma_start3A_1948 : memref<1000000x32xf32, #tpu.memory_space<hbm>>) target(%dma_start3A_1938 : memref<128x32xf32, #tpu.memory_space<vmem>>) offsets(%dma_start3A_1945 : memref<128xi32, #tpu.memory_space<vmem>>) semaphore(%arg13 : memref<!tpu.dma_semaphore, #tpu.memory_space<semaphore_mem>>)
      %add3A_1949 = arith.constant 3 : i32
      %add3A_1950 = arith.addi %mul3A_1342, %add3A_1949 : i32
      %sub3A_1951 = arith.constant 4 : i32
      %sub3A_1952 = arith.subi %add3A_1950, %sub3A_1951 : i32
      %mul3A_1953 = arith.constant 5 : i32
      %mul3A_1954 = arith.muli %sub3A_1952, %mul3A_1953 : i32
      %dma_wait3A_1955 = arith.constant 3 : i32
      %dma_wait3A_1956 = arith.constant 0 : i32
      %dma_wait3A_1957 = arith.constant 0 : i32
      %dma_wait3A_1958 = arith.constant 0 : i32
      %dma_wait3A_1959 = tpu.memref_slice %arg6[%dma_wait3A_1955, %dma_wait3A_1956, %dma_wait3A_1957, %dma_wait3A_1958] : memref<4x5x128x32xf32, #tpu.memory_space<vmem>> -> memref<1x5x128x32xf32, #tpu.memory_space<vmem>>
      %dma_wait3A_1960 = tpu.memref_squeeze %dma_wait3A_1959 : memref<1x5x128x32xf32, #tpu.memory_space<vmem>> -> memref<5x128x32xf32, #tpu.memory_space<vmem>>
      %dma_wait3A_1961 = arith.constant 0 : i32
      %dma_wait3A_1962 = arith.constant 0 : i32
      %dma_wait3A_1963 = arith.constant 0 : i32
      %dma_wait3A_1964 = tpu.memref_slice %arg4[%add3A, %dma_wait3A_1961, %dma_wait3A_1962, %dma_wait3A_1963] : memref<32x200x128x32xf32, #tpu.memory_space<hbm>> -> memref<1x200x128x32xf32, #tpu.memory_space<hbm>>
      %dma_wait3A_1965 = tpu.memref_squeeze %dma_wait3A_1964 : memref<1x200x128x32xf32, #tpu.memory_space<hbm>> -> memref<200x128x32xf32, #tpu.memory_space<hbm>>
      %dma_wait3A_1966 = arith.constant 0 : i32
      %dma_wait3A_1967 = arith.constant 0 : i32
      %dma_wait3A_1968 = tpu.memref_slice %dma_wait3A_1965[%mul3A_1954, %dma_wait3A_1966, %dma_wait3A_1967] : memref<200x128x32xf32, #tpu.memory_space<hbm>> -> memref<5x128x32xf32, #tpu.memory_space<hbm>>
      %dma_wait3A_1969 = arith.constant 0 : i32
      %dma_wait3A_1970 = arith.constant 0 : i32
      %dma_wait3A_1971 = arith.constant 0 : i32
      %dma_wait3A_1972 = tpu.memref_slice %arg4[%add3A, %dma_wait3A_1969, %dma_wait3A_1970, %dma_wait3A_1971] : memref<32x200x128x32xf32, #tpu.memory_space<hbm>> -> memref<1x200x128x32xf32, #tpu.memory_space<hbm>>
      %dma_wait3A_1973 = tpu.memref_squeeze %dma_wait3A_1972 : memref<1x200x128x32xf32, #tpu.memory_space<hbm>> -> memref<200x128x32xf32, #tpu.memory_space<hbm>>
      %dma_wait3A_1974 = arith.constant 0 : i32
      %dma_wait3A_1975 = arith.constant 0 : i32
      %dma_wait3A_1976 = tpu.memref_slice %dma_wait3A_1973[%mul3A_1954, %dma_wait3A_1974, %dma_wait3A_1975] : memref<200x128x32xf32, #tpu.memory_space<hbm>> -> memref<5x128x32xf32, #tpu.memory_space<hbm>>
      %dma_wait3A_1977 = arith.constant 0 : i32
      %dma_wait3A_1978 = arith.constant 0 : i32
      %dma_wait3A_1979 = arith.constant 0 : i32
      %dma_wait3A_1980 = tpu.memref_slice %arg6[%dma_wait3A_1955, %dma_wait3A_1977, %dma_wait3A_1978, %dma_wait3A_1979] : memref<4x5x128x32xf32, #tpu.memory_space<vmem>> -> memref<1x5x128x32xf32, #tpu.memory_space<vmem>>
      %dma_wait3A_1981 = tpu.memref_squeeze %dma_wait3A_1980 : memref<1x5x128x32xf32, #tpu.memory_space<vmem>> -> memref<5x128x32xf32, #tpu.memory_space<vmem>>
      tpu.wait_dma2 semaphore(%arg18 : memref<!tpu.dma_semaphore, #tpu.memory_space<semaphore_mem>>) src(%dma_wait3A_1981 : memref<5x128x32xf32, #tpu.memory_space<vmem>>) dst(%dma_wait3A_1976 : memref<5x128x32xf32, #tpu.memory_space<hbm>>)
      %dma_wait3A_1982 = arith.constant 3 : i32
      %dma_wait3A_1983 = arith.constant 0 : i32
      %dma_wait3A_1984 = arith.constant 0 : i32
      %dma_wait3A_1985 = tpu.memref_slice %arg5[%dma_wait3A_1982, %dma_wait3A_1983, %dma_wait3A_1984] : memref<4x5x128xi32, #tpu.memory_space<vmem>> -> memref<1x5x128xi32, #tpu.memory_space<vmem>>
      %dma_wait3A_1986 = tpu.memref_squeeze %dma_wait3A_1985 : memref<1x5x128xi32, #tpu.memory_space<vmem>> -> memref<5x128xi32, #tpu.memory_space<vmem>>
      %dma_wait3A_1987 = arith.constant 0 : i32
      %dma_wait3A_1988 = arith.constant 0 : i32
      %dma_wait3A_1989 = tpu.memref_slice %arg2[%add3A, %dma_wait3A_1987, %dma_wait3A_1988] : memref<32x200x128xi32, #tpu.memory_space<hbm>> -> memref<1x200x128xi32, #tpu.memory_space<hbm>>
      %dma_wait3A_1990 = tpu.memref_squeeze %dma_wait3A_1989 : memref<1x200x128xi32, #tpu.memory_space<hbm>> -> memref<200x128xi32, #tpu.memory_space<hbm>>
      %dma_wait3A_1991 = arith.constant 0 : i32
      %dma_wait3A_1992 = tpu.memref_slice %dma_wait3A_1990[%mul3A_1421, %dma_wait3A_1991] : memref<200x128xi32, #tpu.memory_space<hbm>> -> memref<5x128xi32, #tpu.memory_space<hbm>>
      %dma_wait3A_1993 = arith.constant 0 : i32
      %dma_wait3A_1994 = arith.constant 0 : i32
      %dma_wait3A_1995 = tpu.memref_slice %arg5[%dma_wait3A_1982, %dma_wait3A_1993, %dma_wait3A_1994] : memref<4x5x128xi32, #tpu.memory_space<vmem>> -> memref<1x5x128xi32, #tpu.memory_space<vmem>>
      %dma_wait3A_1996 = tpu.memref_squeeze %dma_wait3A_1995 : memref<1x5x128xi32, #tpu.memory_space<vmem>> -> memref<5x128xi32, #tpu.memory_space<vmem>>
      %dma_wait3A_1997 = arith.constant 0 : i32
      %dma_wait3A_1998 = arith.constant 0 : i32
      %dma_wait3A_1999 = tpu.memref_slice %arg2[%add3A, %dma_wait3A_1997, %dma_wait3A_1998] : memref<32x200x128xi32, #tpu.memory_space<hbm>> -> memref<1x200x128xi32, #tpu.memory_space<hbm>>
      %dma_wait3A_2000 = tpu.memref_squeeze %dma_wait3A_1999 : memref<1x200x128xi32, #tpu.memory_space<hbm>> -> memref<200x128xi32, #tpu.memory_space<hbm>>
      %dma_wait3A_2001 = arith.constant 0 : i32
      %dma_wait3A_2002 = tpu.memref_slice %dma_wait3A_2000[%mul3A_1421, %dma_wait3A_2001] : memref<200x128xi32, #tpu.memory_space<hbm>> -> memref<5x128xi32, #tpu.memory_space<hbm>>
      tpu.wait_dma2 semaphore(%arg10 : memref<!tpu.dma_semaphore, #tpu.memory_space<semaphore_mem>>) src(%dma_wait3A_2002 : memref<5x128xi32, #tpu.memory_space<hbm>>) dst(%dma_wait3A_1996 : memref<5x128xi32, #tpu.memory_space<vmem>>)
      %dma_start3A_2003 = arith.constant 3 : i32
      %dma_start3A_2004 = arith.constant 0 : i32
      %dma_start3A_2005 = arith.constant 3 : i32
      %dma_start3A_2006 = arith.constant 0 : i32
      %dma_start3A_2007 = arith.constant 0 : i32
      %dma_start3A_2008 = arith.constant 0 : i32
      %dma_start3A_2009 = arith.constant 0 : i32
      %dma_start3A_2010 = tpu.memref_slice %arg6[%dma_start3A_2005, %dma_start3A_2007, %dma_start3A_2008, %dma_start3A_2009] : memref<4x5x128x32xf32, #tpu.memory_space<vmem>> -> memref<1x5x128x32xf32, #tpu.memory_space<vmem>>
      %dma_start3A_2011 = tpu.memref_squeeze %dma_start3A_2010 : memref<1x5x128x32xf32, #tpu.memory_space<vmem>> -> memref<5x128x32xf32, #tpu.memory_space<vmem>>
      %dma_start3A_2012 = arith.constant 0 : i32
      %dma_start3A_2013 = arith.constant 0 : i32
      %dma_start3A_2014 = tpu.memref_slice %dma_start3A_2011[%dma_start3A_2006, %dma_start3A_2012, %dma_start3A_2013] : memref<5x128x32xf32, #tpu.memory_space<vmem>> -> memref<1x128x32xf32, #tpu.memory_space<vmem>>
      %dma_start3A_2015 = tpu.memref_squeeze %dma_start3A_2014 : memref<1x128x32xf32, #tpu.memory_space<vmem>> -> memref<128x32xf32, #tpu.memory_space<vmem>>
      %dma_start3A_2016 = arith.constant 0 : i32
      %dma_start3A_2017 = arith.constant 0 : i32
      %dma_start3A_2018 = tpu.memref_slice %arg5[%dma_start3A_2003, %dma_start3A_2016, %dma_start3A_2017] : memref<4x5x128xi32, #tpu.memory_space<vmem>> -> memref<1x5x128xi32, #tpu.memory_space<vmem>>
      %dma_start3A_2019 = tpu.memref_squeeze %dma_start3A_2018 : memref<1x5x128xi32, #tpu.memory_space<vmem>> -> memref<5x128xi32, #tpu.memory_space<vmem>>
      %dma_start3A_2020 = arith.constant 0 : i32
      %dma_start3A_2021 = tpu.memref_slice %dma_start3A_2019[%dma_start3A_2004, %dma_start3A_2020] : memref<5x128xi32, #tpu.memory_space<vmem>> -> memref<1x128xi32, #tpu.memory_space<vmem>>
      %dma_start3A_2022 = tpu.memref_squeeze %dma_start3A_2021 : memref<1x128xi32, #tpu.memory_space<vmem>> -> memref<128xi32, #tpu.memory_space<vmem>>
      %dma_start3A_2023 = arith.constant 0 : i32
      %dma_start3A_2024 = arith.constant 0 : i32
      %dma_start3A_2025 = tpu.memref_slice %arg3[%dma_start3A_2023, %dma_start3A_2024] : memref<1000000x32xf32, #tpu.memory_space<hbm>> -> memref<1000000x32xf32, #tpu.memory_space<hbm>>
      tpu.enqueue_indirect_dma source(%dma_start3A_2025 : memref<1000000x32xf32, #tpu.memory_space<hbm>>) target(%dma_start3A_2015 : memref<128x32xf32, #tpu.memory_space<vmem>>) offsets(%dma_start3A_2022 : memref<128xi32, #tpu.memory_space<vmem>>) semaphore(%arg14 : memref<!tpu.dma_semaphore, #tpu.memory_space<semaphore_mem>>)
      %dma_start3A_2026 = arith.constant 3 : i32
      %dma_start3A_2027 = arith.constant 1 : i32
      %dma_start3A_2028 = arith.constant 3 : i32
      %dma_start3A_2029 = arith.constant 1 : i32
      %dma_start3A_2030 = arith.constant 0 : i32
      %dma_start3A_2031 = arith.constant 0 : i32
      %dma_start3A_2032 = arith.constant 0 : i32
      %dma_start3A_2033 = tpu.memref_slice %arg6[%dma_start3A_2028, %dma_start3A_2030, %dma_start3A_2031, %dma_start3A_2032] : memref<4x5x128x32xf32, #tpu.memory_space<vmem>> -> memref<1x5x128x32xf32, #tpu.memory_space<vmem>>
      %dma_start3A_2034 = tpu.memref_squeeze %dma_start3A_2033 : memref<1x5x128x32xf32, #tpu.memory_space<vmem>> -> memref<5x128x32xf32, #tpu.memory_space<vmem>>
      %dma_start3A_2035 = arith.constant 0 : i32
      %dma_start3A_2036 = arith.constant 0 : i32
      %dma_start3A_2037 = tpu.memref_slice %dma_start3A_2034[%dma_start3A_2029, %dma_start3A_2035, %dma_start3A_2036] : memref<5x128x32xf32, #tpu.memory_space<vmem>> -> memref<1x128x32xf32, #tpu.memory_space<vmem>>
      %dma_start3A_2038 = tpu.memref_squeeze %dma_start3A_2037 : memref<1x128x32xf32, #tpu.memory_space<vmem>> -> memref<128x32xf32, #tpu.memory_space<vmem>>
      %dma_start3A_2039 = arith.constant 0 : i32
      %dma_start3A_2040 = arith.constant 0 : i32
      %dma_start3A_2041 = tpu.memref_slice %arg5[%dma_start3A_2026, %dma_start3A_2039, %dma_start3A_2040] : memref<4x5x128xi32, #tpu.memory_space<vmem>> -> memref<1x5x128xi32, #tpu.memory_space<vmem>>
      %dma_start3A_2042 = tpu.memref_squeeze %dma_start3A_2041 : memref<1x5x128xi32, #tpu.memory_space<vmem>> -> memref<5x128xi32, #tpu.memory_space<vmem>>
      %dma_start3A_2043 = arith.constant 0 : i32
      %dma_start3A_2044 = tpu.memref_slice %dma_start3A_2042[%dma_start3A_2027, %dma_start3A_2043] : memref<5x128xi32, #tpu.memory_space<vmem>> -> memref<1x128xi32, #tpu.memory_space<vmem>>
      %dma_start3A_2045 = tpu.memref_squeeze %dma_start3A_2044 : memref<1x128xi32, #tpu.memory_space<vmem>> -> memref<128xi32, #tpu.memory_space<vmem>>
      %dma_start3A_2046 = arith.constant 0 : i32
      %dma_start3A_2047 = arith.constant 0 : i32
      %dma_start3A_2048 = tpu.memref_slice %arg3[%dma_start3A_2046, %dma_start3A_2047] : memref<1000000x32xf32, #tpu.memory_space<hbm>> -> memref<1000000x32xf32, #tpu.memory_space<hbm>>
      tpu.enqueue_indirect_dma source(%dma_start3A_2048 : memref<1000000x32xf32, #tpu.memory_space<hbm>>) target(%dma_start3A_2038 : memref<128x32xf32, #tpu.memory_space<vmem>>) offsets(%dma_start3A_2045 : memref<128xi32, #tpu.memory_space<vmem>>) semaphore(%arg14 : memref<!tpu.dma_semaphore, #tpu.memory_space<semaphore_mem>>)
      %dma_start3A_2049 = arith.constant 3 : i32
      %dma_start3A_2050 = arith.constant 2 : i32
      %dma_start3A_2051 = arith.constant 3 : i32
      %dma_start3A_2052 = arith.constant 2 : i32
      %dma_start3A_2053 = arith.constant 0 : i32
      %dma_start3A_2054 = arith.constant 0 : i32
      %dma_start3A_2055 = arith.constant 0 : i32
      %dma_start3A_2056 = tpu.memref_slice %arg6[%dma_start3A_2051, %dma_start3A_2053, %dma_start3A_2054, %dma_start3A_2055] : memref<4x5x128x32xf32, #tpu.memory_space<vmem>> -> memref<1x5x128x32xf32, #tpu.memory_space<vmem>>
      %dma_start3A_2057 = tpu.memref_squeeze %dma_start3A_2056 : memref<1x5x128x32xf32, #tpu.memory_space<vmem>> -> memref<5x128x32xf32, #tpu.memory_space<vmem>>
      %dma_start3A_2058 = arith.constant 0 : i32
      %dma_start3A_2059 = arith.constant 0 : i32
      %dma_start3A_2060 = tpu.memref_slice %dma_start3A_2057[%dma_start3A_2052, %dma_start3A_2058, %dma_start3A_2059] : memref<5x128x32xf32, #tpu.memory_space<vmem>> -> memref<1x128x32xf32, #tpu.memory_space<vmem>>
      %dma_start3A_2061 = tpu.memref_squeeze %dma_start3A_2060 : memref<1x128x32xf32, #tpu.memory_space<vmem>> -> memref<128x32xf32, #tpu.memory_space<vmem>>
      %dma_start3A_2062 = arith.constant 0 : i32
      %dma_start3A_2063 = arith.constant 0 : i32
      %dma_start3A_2064 = tpu.memref_slice %arg5[%dma_start3A_2049, %dma_start3A_2062, %dma_start3A_2063] : memref<4x5x128xi32, #tpu.memory_space<vmem>> -> memref<1x5x128xi32, #tpu.memory_space<vmem>>
      %dma_start3A_2065 = tpu.memref_squeeze %dma_start3A_2064 : memref<1x5x128xi32, #tpu.memory_space<vmem>> -> memref<5x128xi32, #tpu.memory_space<vmem>>
      %dma_start3A_2066 = arith.constant 0 : i32
      %dma_start3A_2067 = tpu.memref_slice %dma_start3A_2065[%dma_start3A_2050, %dma_start3A_2066] : memref<5x128xi32, #tpu.memory_space<vmem>> -> memref<1x128xi32, #tpu.memory_space<vmem>>
      %dma_start3A_2068 = tpu.memref_squeeze %dma_start3A_2067 : memref<1x128xi32, #tpu.memory_space<vmem>> -> memref<128xi32, #tpu.memory_space<vmem>>
      %dma_start3A_2069 = arith.constant 0 : i32
      %dma_start3A_2070 = arith.constant 0 : i32
      %dma_start3A_2071 = tpu.memref_slice %arg3[%dma_start3A_2069, %dma_start3A_2070] : memref<1000000x32xf32, #tpu.memory_space<hbm>> -> memref<1000000x32xf32, #tpu.memory_space<hbm>>
      tpu.enqueue_indirect_dma source(%dma_start3A_2071 : memref<1000000x32xf32, #tpu.memory_space<hbm>>) target(%dma_start3A_2061 : memref<128x32xf32, #tpu.memory_space<vmem>>) offsets(%dma_start3A_2068 : memref<128xi32, #tpu.memory_space<vmem>>) semaphore(%arg14 : memref<!tpu.dma_semaphore, #tpu.memory_space<semaphore_mem>>)
      %dma_start3A_2072 = arith.constant 3 : i32
      %dma_start3A_2073 = arith.constant 3 : i32
      %dma_start3A_2074 = arith.constant 3 : i32
      %dma_start3A_2075 = arith.constant 3 : i32
      %dma_start3A_2076 = arith.constant 0 : i32
      %dma_start3A_2077 = arith.constant 0 : i32
      %dma_start3A_2078 = arith.constant 0 : i32
      %dma_start3A_2079 = tpu.memref_slice %arg6[%dma_start3A_2074, %dma_start3A_2076, %dma_start3A_2077, %dma_start3A_2078] : memref<4x5x128x32xf32, #tpu.memory_space<vmem>> -> memref<1x5x128x32xf32, #tpu.memory_space<vmem>>
      %dma_start3A_2080 = tpu.memref_squeeze %dma_start3A_2079 : memref<1x5x128x32xf32, #tpu.memory_space<vmem>> -> memref<5x128x32xf32, #tpu.memory_space<vmem>>
      %dma_start3A_2081 = arith.constant 0 : i32
      %dma_start3A_2082 = arith.constant 0 : i32
      %dma_start3A_2083 = tpu.memref_slice %dma_start3A_2080[%dma_start3A_2075, %dma_start3A_2081, %dma_start3A_2082] : memref<5x128x32xf32, #tpu.memory_space<vmem>> -> memref<1x128x32xf32, #tpu.memory_space<vmem>>
      %dma_start3A_2084 = tpu.memref_squeeze %dma_start3A_2083 : memref<1x128x32xf32, #tpu.memory_space<vmem>> -> memref<128x32xf32, #tpu.memory_space<vmem>>
      %dma_start3A_2085 = arith.constant 0 : i32
      %dma_start3A_2086 = arith.constant 0 : i32
      %dma_start3A_2087 = tpu.memref_slice %arg5[%dma_start3A_2072, %dma_start3A_2085, %dma_start3A_2086] : memref<4x5x128xi32, #tpu.memory_space<vmem>> -> memref<1x5x128xi32, #tpu.memory_space<vmem>>
      %dma_start3A_2088 = tpu.memref_squeeze %dma_start3A_2087 : memref<1x5x128xi32, #tpu.memory_space<vmem>> -> memref<5x128xi32, #tpu.memory_space<vmem>>
      %dma_start3A_2089 = arith.constant 0 : i32
      %dma_start3A_2090 = tpu.memref_slice %dma_start3A_2088[%dma_start3A_2073, %dma_start3A_2089] : memref<5x128xi32, #tpu.memory_space<vmem>> -> memref<1x128xi32, #tpu.memory_space<vmem>>
      %dma_start3A_2091 = tpu.memref_squeeze %dma_start3A_2090 : memref<1x128xi32, #tpu.memory_space<vmem>> -> memref<128xi32, #tpu.memory_space<vmem>>
      %dma_start3A_2092 = arith.constant 0 : i32
      %dma_start3A_2093 = arith.constant 0 : i32
      %dma_start3A_2094 = tpu.memref_slice %arg3[%dma_start3A_2092, %dma_start3A_2093] : memref<1000000x32xf32, #tpu.memory_space<hbm>> -> memref<1000000x32xf32, #tpu.memory_space<hbm>>
      tpu.enqueue_indirect_dma source(%dma_start3A_2094 : memref<1000000x32xf32, #tpu.memory_space<hbm>>) target(%dma_start3A_2084 : memref<128x32xf32, #tpu.memory_space<vmem>>) offsets(%dma_start3A_2091 : memref<128xi32, #tpu.memory_space<vmem>>) semaphore(%arg14 : memref<!tpu.dma_semaphore, #tpu.memory_space<semaphore_mem>>)
      %dma_start3A_2095 = arith.constant 3 : i32
      %dma_start3A_2096 = arith.constant 4 : i32
      %dma_start3A_2097 = arith.constant 3 : i32
      %dma_start3A_2098 = arith.constant 4 : i32
      %dma_start3A_2099 = arith.constant 0 : i32
      %dma_start3A_2100 = arith.constant 0 : i32
      %dma_start3A_2101 = arith.constant 0 : i32
      %dma_start3A_2102 = tpu.memref_slice %arg6[%dma_start3A_2097, %dma_start3A_2099, %dma_start3A_2100, %dma_start3A_2101] : memref<4x5x128x32xf32, #tpu.memory_space<vmem>> -> memref<1x5x128x32xf32, #tpu.memory_space<vmem>>
      %dma_start3A_2103 = tpu.memref_squeeze %dma_start3A_2102 : memref<1x5x128x32xf32, #tpu.memory_space<vmem>> -> memref<5x128x32xf32, #tpu.memory_space<vmem>>
      %dma_start3A_2104 = arith.constant 0 : i32
      %dma_start3A_2105 = arith.constant 0 : i32
      %dma_start3A_2106 = tpu.memref_slice %dma_start3A_2103[%dma_start3A_2098, %dma_start3A_2104, %dma_start3A_2105] : memref<5x128x32xf32, #tpu.memory_space<vmem>> -> memref<1x128x32xf32, #tpu.memory_space<vmem>>
      %dma_start3A_2107 = tpu.memref_squeeze %dma_start3A_2106 : memref<1x128x32xf32, #tpu.memory_space<vmem>> -> memref<128x32xf32, #tpu.memory_space<vmem>>
      %dma_start3A_2108 = arith.constant 0 : i32
      %dma_start3A_2109 = arith.constant 0 : i32
      %dma_start3A_2110 = tpu.memref_slice %arg5[%dma_start3A_2095, %dma_start3A_2108, %dma_start3A_2109] : memref<4x5x128xi32, #tpu.memory_space<vmem>> -> memref<1x5x128xi32, #tpu.memory_space<vmem>>
      %dma_start3A_2111 = tpu.memref_squeeze %dma_start3A_2110 : memref<1x5x128xi32, #tpu.memory_space<vmem>> -> memref<5x128xi32, #tpu.memory_space<vmem>>
      %dma_start3A_2112 = arith.constant 0 : i32
      %dma_start3A_2113 = tpu.memref_slice %dma_start3A_2111[%dma_start3A_2096, %dma_start3A_2112] : memref<5x128xi32, #tpu.memory_space<vmem>> -> memref<1x128xi32, #tpu.memory_space<vmem>>
      %dma_start3A_2114 = tpu.memref_squeeze %dma_start3A_2113 : memref<1x128xi32, #tpu.memory_space<vmem>> -> memref<128xi32, #tpu.memory_space<vmem>>
      %dma_start3A_2115 = arith.constant 0 : i32
      %dma_start3A_2116 = arith.constant 0 : i32
      %dma_start3A_2117 = tpu.memref_slice %arg3[%dma_start3A_2115, %dma_start3A_2116] : memref<1000000x32xf32, #tpu.memory_space<hbm>> -> memref<1000000x32xf32, #tpu.memory_space<hbm>>
      tpu.enqueue_indirect_dma source(%dma_start3A_2117 : memref<1000000x32xf32, #tpu.memory_space<hbm>>) target(%dma_start3A_2107 : memref<128x32xf32, #tpu.memory_space<vmem>>) offsets(%dma_start3A_2114 : memref<128xi32, #tpu.memory_space<vmem>>) semaphore(%arg14 : memref<!tpu.dma_semaphore, #tpu.memory_space<semaphore_mem>>)
      %dma_wait3A_2118 = arith.constant 0 : i32
      %dma_wait3A_2119 = arith.constant 0 : i32
      %dma_wait3A_2120 = arith.constant 0 : i32
      %dma_wait3A_2121 = arith.constant 0 : i32
      %dma_wait3A_2122 = arith.constant 0 : i32
      %dma_wait3A_2123 = arith.constant 0 : i32
      %dma_wait3A_2124 = arith.constant 0 : i32
      %dma_wait3A_2125 = tpu.memref_slice %arg6[%dma_wait3A_2120, %dma_wait3A_2122, %dma_wait3A_2123, %dma_wait3A_2124] : memref<4x5x128x32xf32, #tpu.memory_space<vmem>> -> memref<1x5x128x32xf32, #tpu.memory_space<vmem>>
      %dma_wait3A_2126 = tpu.memref_squeeze %dma_wait3A_2125 : memref<1x5x128x32xf32, #tpu.memory_space<vmem>> -> memref<5x128x32xf32, #tpu.memory_space<vmem>>
      %dma_wait3A_2127 = arith.constant 0 : i32
      %dma_wait3A_2128 = arith.constant 0 : i32
      %dma_wait3A_2129 = tpu.memref_slice %dma_wait3A_2126[%dma_wait3A_2121, %dma_wait3A_2127, %dma_wait3A_2128] : memref<5x128x32xf32, #tpu.memory_space<vmem>> -> memref<1x128x32xf32, #tpu.memory_space<vmem>>
      %dma_wait3A_2130 = tpu.memref_squeeze %dma_wait3A_2129 : memref<1x128x32xf32, #tpu.memory_space<vmem>> -> memref<128x32xf32, #tpu.memory_space<vmem>>
      %dma_wait3A_2131 = arith.constant 0 : i32
      %dma_wait3A_2132 = arith.constant 0 : i32
      %dma_wait3A_2133 = tpu.memref_slice %arg5[%dma_wait3A_2118, %dma_wait3A_2131, %dma_wait3A_2132] : memref<4x5x128xi32, #tpu.memory_space<vmem>> -> memref<1x5x128xi32, #tpu.memory_space<vmem>>
      %dma_wait3A_2134 = tpu.memref_squeeze %dma_wait3A_2133 : memref<1x5x128xi32, #tpu.memory_space<vmem>> -> memref<5x128xi32, #tpu.memory_space<vmem>>
      %dma_wait3A_2135 = arith.constant 0 : i32
      %dma_wait3A_2136 = tpu.memref_slice %dma_wait3A_2134[%dma_wait3A_2119, %dma_wait3A_2135] : memref<5x128xi32, #tpu.memory_space<vmem>> -> memref<1x128xi32, #tpu.memory_space<vmem>>
      %dma_wait3A_2137 = tpu.memref_squeeze %dma_wait3A_2136 : memref<1x128xi32, #tpu.memory_space<vmem>> -> memref<128xi32, #tpu.memory_space<vmem>>
      %dma_wait3A_2138 = arith.constant 0 : i32
      %dma_wait3A_2139 = arith.constant 0 : i32
      %dma_wait3A_2140 = tpu.memref_slice %arg3[%dma_wait3A_2138, %dma_wait3A_2139] : memref<1000000x32xf32, #tpu.memory_space<hbm>> -> memref<1000000x32xf32, #tpu.memory_space<hbm>>
      tpu.wait_indirect_dma semaphore(%arg11 : memref<!tpu.dma_semaphore, #tpu.memory_space<semaphore_mem>>) src(%dma_wait3A_2140 : memref<1000000x32xf32, #tpu.memory_space<hbm>>) dst(%dma_wait3A_2130 : memref<128x32xf32, #tpu.memory_space<vmem>>)
      %dma_wait3A_2141 = arith.constant 0 : i32
      %dma_wait3A_2142 = arith.constant 1 : i32
      %dma_wait3A_2143 = arith.constant 0 : i32
      %dma_wait3A_2144 = arith.constant 1 : i32
      %dma_wait3A_2145 = arith.constant 0 : i32
      %dma_wait3A_2146 = arith.constant 0 : i32
      %dma_wait3A_2147 = arith.constant 0 : i32
      %dma_wait3A_2148 = tpu.memref_slice %arg6[%dma_wait3A_2143, %dma_wait3A_2145, %dma_wait3A_2146, %dma_wait3A_2147] : memref<4x5x128x32xf32, #tpu.memory_space<vmem>> -> memref<1x5x128x32xf32, #tpu.memory_space<vmem>>
      %dma_wait3A_2149 = tpu.memref_squeeze %dma_wait3A_2148 : memref<1x5x128x32xf32, #tpu.memory_space<vmem>> -> memref<5x128x32xf32, #tpu.memory_space<vmem>>
      %dma_wait3A_2150 = arith.constant 0 : i32
      %dma_wait3A_2151 = arith.constant 0 : i32
      %dma_wait3A_2152 = tpu.memref_slice %dma_wait3A_2149[%dma_wait3A_2144, %dma_wait3A_2150, %dma_wait3A_2151] : memref<5x128x32xf32, #tpu.memory_space<vmem>> -> memref<1x128x32xf32, #tpu.memory_space<vmem>>
      %dma_wait3A_2153 = tpu.memref_squeeze %dma_wait3A_2152 : memref<1x128x32xf32, #tpu.memory_space<vmem>> -> memref<128x32xf32, #tpu.memory_space<vmem>>
      %dma_wait3A_2154 = arith.constant 0 : i32
      %dma_wait3A_2155 = arith.constant 0 : i32
      %dma_wait3A_2156 = tpu.memref_slice %arg5[%dma_wait3A_2141, %dma_wait3A_2154, %dma_wait3A_2155] : memref<4x5x128xi32, #tpu.memory_space<vmem>> -> memref<1x5x128xi32, #tpu.memory_space<vmem>>
      %dma_wait3A_2157 = tpu.memref_squeeze %dma_wait3A_2156 : memref<1x5x128xi32, #tpu.memory_space<vmem>> -> memref<5x128xi32, #tpu.memory_space<vmem>>
      %dma_wait3A_2158 = arith.constant 0 : i32
      %dma_wait3A_2159 = tpu.memref_slice %dma_wait3A_2157[%dma_wait3A_2142, %dma_wait3A_2158] : memref<5x128xi32, #tpu.memory_space<vmem>> -> memref<1x128xi32, #tpu.memory_space<vmem>>
      %dma_wait3A_2160 = tpu.memref_squeeze %dma_wait3A_2159 : memref<1x128xi32, #tpu.memory_space<vmem>> -> memref<128xi32, #tpu.memory_space<vmem>>
      %dma_wait3A_2161 = arith.constant 0 : i32
      %dma_wait3A_2162 = arith.constant 0 : i32
      %dma_wait3A_2163 = tpu.memref_slice %arg3[%dma_wait3A_2161, %dma_wait3A_2162] : memref<1000000x32xf32, #tpu.memory_space<hbm>> -> memref<1000000x32xf32, #tpu.memory_space<hbm>>
      tpu.wait_indirect_dma semaphore(%arg11 : memref<!tpu.dma_semaphore, #tpu.memory_space<semaphore_mem>>) src(%dma_wait3A_2163 : memref<1000000x32xf32, #tpu.memory_space<hbm>>) dst(%dma_wait3A_2153 : memref<128x32xf32, #tpu.memory_space<vmem>>)
      %dma_wait3A_2164 = arith.constant 0 : i32
      %dma_wait3A_2165 = arith.constant 2 : i32
      %dma_wait3A_2166 = arith.constant 0 : i32
      %dma_wait3A_2167 = arith.constant 2 : i32
      %dma_wait3A_2168 = arith.constant 0 : i32
      %dma_wait3A_2169 = arith.constant 0 : i32
      %dma_wait3A_2170 = arith.constant 0 : i32
      %dma_wait3A_2171 = tpu.memref_slice %arg6[%dma_wait3A_2166, %dma_wait3A_2168, %dma_wait3A_2169, %dma_wait3A_2170] : memref<4x5x128x32xf32, #tpu.memory_space<vmem>> -> memref<1x5x128x32xf32, #tpu.memory_space<vmem>>
      %dma_wait3A_2172 = tpu.memref_squeeze %dma_wait3A_2171 : memref<1x5x128x32xf32, #tpu.memory_space<vmem>> -> memref<5x128x32xf32, #tpu.memory_space<vmem>>
      %dma_wait3A_2173 = arith.constant 0 : i32
      %dma_wait3A_2174 = arith.constant 0 : i32
      %dma_wait3A_2175 = tpu.memref_slice %dma_wait3A_2172[%dma_wait3A_2167, %dma_wait3A_2173, %dma_wait3A_2174] : memref<5x128x32xf32, #tpu.memory_space<vmem>> -> memref<1x128x32xf32, #tpu.memory_space<vmem>>
      %dma_wait3A_2176 = tpu.memref_squeeze %dma_wait3A_2175 : memref<1x128x32xf32, #tpu.memory_space<vmem>> -> memref<128x32xf32, #tpu.memory_space<vmem>>
      %dma_wait3A_2177 = arith.constant 0 : i32
      %dma_wait3A_2178 = arith.constant 0 : i32
      %dma_wait3A_2179 = tpu.memref_slice %arg5[%dma_wait3A_2164, %dma_wait3A_2177, %dma_wait3A_2178] : memref<4x5x128xi32, #tpu.memory_space<vmem>> -> memref<1x5x128xi32, #tpu.memory_space<vmem>>
      %dma_wait3A_2180 = tpu.memref_squeeze %dma_wait3A_2179 : memref<1x5x128xi32, #tpu.memory_space<vmem>> -> memref<5x128xi32, #tpu.memory_space<vmem>>
      %dma_wait3A_2181 = arith.constant 0 : i32
      %dma_wait3A_2182 = tpu.memref_slice %dma_wait3A_2180[%dma_wait3A_2165, %dma_wait3A_2181] : memref<5x128xi32, #tpu.memory_space<vmem>> -> memref<1x128xi32, #tpu.memory_space<vmem>>
      %dma_wait3A_2183 = tpu.memref_squeeze %dma_wait3A_2182 : memref<1x128xi32, #tpu.memory_space<vmem>> -> memref<128xi32, #tpu.memory_space<vmem>>
      %dma_wait3A_2184 = arith.constant 0 : i32
      %dma_wait3A_2185 = arith.constant 0 : i32
      %dma_wait3A_2186 = tpu.memref_slice %arg3[%dma_wait3A_2184, %dma_wait3A_2185] : memref<1000000x32xf32, #tpu.memory_space<hbm>> -> memref<1000000x32xf32, #tpu.memory_space<hbm>>
      tpu.wait_indirect_dma semaphore(%arg11 : memref<!tpu.dma_semaphore, #tpu.memory_space<semaphore_mem>>) src(%dma_wait3A_2186 : memref<1000000x32xf32, #tpu.memory_space<hbm>>) dst(%dma_wait3A_2176 : memref<128x32xf32, #tpu.memory_space<vmem>>)
      %dma_wait3A_2187 = arith.constant 0 : i32
      %dma_wait3A_2188 = arith.constant 3 : i32
      %dma_wait3A_2189 = arith.constant 0 : i32
      %dma_wait3A_2190 = arith.constant 3 : i32
      %dma_wait3A_2191 = arith.constant 0 : i32
      %dma_wait3A_2192 = arith.constant 0 : i32
      %dma_wait3A_2193 = arith.constant 0 : i32
      %dma_wait3A_2194 = tpu.memref_slice %arg6[%dma_wait3A_2189, %dma_wait3A_2191, %dma_wait3A_2192, %dma_wait3A_2193] : memref<4x5x128x32xf32, #tpu.memory_space<vmem>> -> memref<1x5x128x32xf32, #tpu.memory_space<vmem>>
      %dma_wait3A_2195 = tpu.memref_squeeze %dma_wait3A_2194 : memref<1x5x128x32xf32, #tpu.memory_space<vmem>> -> memref<5x128x32xf32, #tpu.memory_space<vmem>>
      %dma_wait3A_2196 = arith.constant 0 : i32
      %dma_wait3A_2197 = arith.constant 0 : i32
      %dma_wait3A_2198 = tpu.memref_slice %dma_wait3A_2195[%dma_wait3A_2190, %dma_wait3A_2196, %dma_wait3A_2197] : memref<5x128x32xf32, #tpu.memory_space<vmem>> -> memref<1x128x32xf32, #tpu.memory_space<vmem>>
      %dma_wait3A_2199 = tpu.memref_squeeze %dma_wait3A_2198 : memref<1x128x32xf32, #tpu.memory_space<vmem>> -> memref<128x32xf32, #tpu.memory_space<vmem>>
      %dma_wait3A_2200 = arith.constant 0 : i32
      %dma_wait3A_2201 = arith.constant 0 : i32
      %dma_wait3A_2202 = tpu.memref_slice %arg5[%dma_wait3A_2187, %dma_wait3A_2200, %dma_wait3A_2201] : memref<4x5x128xi32, #tpu.memory_space<vmem>> -> memref<1x5x128xi32, #tpu.memory_space<vmem>>
      %dma_wait3A_2203 = tpu.memref_squeeze %dma_wait3A_2202 : memref<1x5x128xi32, #tpu.memory_space<vmem>> -> memref<5x128xi32, #tpu.memory_space<vmem>>
      %dma_wait3A_2204 = arith.constant 0 : i32
      %dma_wait3A_2205 = tpu.memref_slice %dma_wait3A_2203[%dma_wait3A_2188, %dma_wait3A_2204] : memref<5x128xi32, #tpu.memory_space<vmem>> -> memref<1x128xi32, #tpu.memory_space<vmem>>
      %dma_wait3A_2206 = tpu.memref_squeeze %dma_wait3A_2205 : memref<1x128xi32, #tpu.memory_space<vmem>> -> memref<128xi32, #tpu.memory_space<vmem>>
      %dma_wait3A_2207 = arith.constant 0 : i32
      %dma_wait3A_2208 = arith.constant 0 : i32
      %dma_wait3A_2209 = tpu.memref_slice %arg3[%dma_wait3A_2207, %dma_wait3A_2208] : memref<1000000x32xf32, #tpu.memory_space<hbm>> -> memref<1000000x32xf32, #tpu.memory_space<hbm>>
      tpu.wait_indirect_dma semaphore(%arg11 : memref<!tpu.dma_semaphore, #tpu.memory_space<semaphore_mem>>) src(%dma_wait3A_2209 : memref<1000000x32xf32, #tpu.memory_space<hbm>>) dst(%dma_wait3A_2199 : memref<128x32xf32, #tpu.memory_space<vmem>>)
      %dma_wait3A_2210 = arith.constant 0 : i32
      %dma_wait3A_2211 = arith.constant 4 : i32
      %dma_wait3A_2212 = arith.constant 0 : i32
      %dma_wait3A_2213 = arith.constant 4 : i32
      %dma_wait3A_2214 = arith.constant 0 : i32
      %dma_wait3A_2215 = arith.constant 0 : i32
      %dma_wait3A_2216 = arith.constant 0 : i32
      %dma_wait3A_2217 = tpu.memref_slice %arg6[%dma_wait3A_2212, %dma_wait3A_2214, %dma_wait3A_2215, %dma_wait3A_2216] : memref<4x5x128x32xf32, #tpu.memory_space<vmem>> -> memref<1x5x128x32xf32, #tpu.memory_space<vmem>>
      %dma_wait3A_2218 = tpu.memref_squeeze %dma_wait3A_2217 : memref<1x5x128x32xf32, #tpu.memory_space<vmem>> -> memref<5x128x32xf32, #tpu.memory_space<vmem>>
      %dma_wait3A_2219 = arith.constant 0 : i32
      %dma_wait3A_2220 = arith.constant 0 : i32
      %dma_wait3A_2221 = tpu.memref_slice %dma_wait3A_2218[%dma_wait3A_2213, %dma_wait3A_2219, %dma_wait3A_2220] : memref<5x128x32xf32, #tpu.memory_space<vmem>> -> memref<1x128x32xf32, #tpu.memory_space<vmem>>
      %dma_wait3A_2222 = tpu.memref_squeeze %dma_wait3A_2221 : memref<1x128x32xf32, #tpu.memory_space<vmem>> -> memref<128x32xf32, #tpu.memory_space<vmem>>
      %dma_wait3A_2223 = arith.constant 0 : i32
      %dma_wait3A_2224 = arith.constant 0 : i32
      %dma_wait3A_2225 = tpu.memref_slice %arg5[%dma_wait3A_2210, %dma_wait3A_2223, %dma_wait3A_2224] : memref<4x5x128xi32, #tpu.memory_space<vmem>> -> memref<1x5x128xi32, #tpu.memory_space<vmem>>
      %dma_wait3A_2226 = tpu.memref_squeeze %dma_wait3A_2225 : memref<1x5x128xi32, #tpu.memory_space<vmem>> -> memref<5x128xi32, #tpu.memory_space<vmem>>
      %dma_wait3A_2227 = arith.constant 0 : i32
      %dma_wait3A_2228 = tpu.memref_slice %dma_wait3A_2226[%dma_wait3A_2211, %dma_wait3A_2227] : memref<5x128xi32, #tpu.memory_space<vmem>> -> memref<1x128xi32, #tpu.memory_space<vmem>>
      %dma_wait3A_2229 = tpu.memref_squeeze %dma_wait3A_2228 : memref<1x128xi32, #tpu.memory_space<vmem>> -> memref<128xi32, #tpu.memory_space<vmem>>
      %dma_wait3A_2230 = arith.constant 0 : i32
      %dma_wait3A_2231 = arith.constant 0 : i32
      %dma_wait3A_2232 = tpu.memref_slice %arg3[%dma_wait3A_2230, %dma_wait3A_2231] : memref<1000000x32xf32, #tpu.memory_space<hbm>> -> memref<1000000x32xf32, #tpu.memory_space<hbm>>
      tpu.wait_indirect_dma semaphore(%arg11 : memref<!tpu.dma_semaphore, #tpu.memory_space<semaphore_mem>>) src(%dma_wait3A_2232 : memref<1000000x32xf32, #tpu.memory_space<hbm>>) dst(%dma_wait3A_2222 : memref<128x32xf32, #tpu.memory_space<vmem>>)
      %add3A_2233 = arith.constant 0 : i32
      %add3A_2234 = arith.addi %mul3A_1342, %add3A_2233 : i32
      %mul3A_2235 = arith.constant 5 : i32
      %mul3A_2236 = arith.muli %add3A_2234, %mul3A_2235 : i32
      %dma_start3A_2237 = arith.constant 0 : i32
      %dma_start3A_2238 = arith.constant 0 : i32
      %dma_start3A_2239 = arith.constant 0 : i32
      %dma_start3A_2240 = arith.constant 0 : i32
      %dma_start3A_2241 = tpu.memref_slice %arg6[%dma_start3A_2237, %dma_start3A_2238, %dma_start3A_2239, %dma_start3A_2240] : memref<4x5x128x32xf32, #tpu.memory_space<vmem>> -> memref<1x5x128x32xf32, #tpu.memory_space<vmem>>
      %dma_start3A_2242 = tpu.memref_squeeze %dma_start3A_2241 : memref<1x5x128x32xf32, #tpu.memory_space<vmem>> -> memref<5x128x32xf32, #tpu.memory_space<vmem>>
      %dma_start3A_2243 = arith.constant 0 : i32
      %dma_start3A_2244 = arith.constant 0 : i32
      %dma_start3A_2245 = arith.constant 0 : i32
      %dma_start3A_2246 = tpu.memref_slice %arg4[%add3A, %dma_start3A_2243, %dma_start3A_2244, %dma_start3A_2245] : memref<32x200x128x32xf32, #tpu.memory_space<hbm>> -> memref<1x200x128x32xf32, #tpu.memory_space<hbm>>
      %dma_start3A_2247 = tpu.memref_squeeze %dma_start3A_2246 : memref<1x200x128x32xf32, #tpu.memory_space<hbm>> -> memref<200x128x32xf32, #tpu.memory_space<hbm>>
      %dma_start3A_2248 = arith.constant 0 : i32
      %dma_start3A_2249 = arith.constant 0 : i32
      %dma_start3A_2250 = tpu.memref_slice %dma_start3A_2247[%mul3A_2236, %dma_start3A_2248, %dma_start3A_2249] : memref<200x128x32xf32, #tpu.memory_space<hbm>> -> memref<5x128x32xf32, #tpu.memory_space<hbm>>
      %dma_start3A_2251 = arith.constant 0 : i32
      %dma_start3A_2252 = arith.constant 0 : i32
      %dma_start3A_2253 = arith.constant 0 : i32
      %dma_start3A_2254 = tpu.memref_slice %arg4[%add3A, %dma_start3A_2251, %dma_start3A_2252, %dma_start3A_2253] : memref<32x200x128x32xf32, #tpu.memory_space<hbm>> -> memref<1x200x128x32xf32, #tpu.memory_space<hbm>>
      %dma_start3A_2255 = tpu.memref_squeeze %dma_start3A_2254 : memref<1x200x128x32xf32, #tpu.memory_space<hbm>> -> memref<200x128x32xf32, #tpu.memory_space<hbm>>
      %dma_start3A_2256 = arith.constant 0 : i32
      %dma_start3A_2257 = arith.constant 0 : i32
      %dma_start3A_2258 = tpu.memref_slice %dma_start3A_2255[%mul3A_2236, %dma_start3A_2256, %dma_start3A_2257] : memref<200x128x32xf32, #tpu.memory_space<hbm>> -> memref<5x128x32xf32, #tpu.memory_space<hbm>>
      %dma_start3A_2259 = arith.constant 0 : i32
      %dma_start3A_2260 = arith.constant 0 : i32
      %dma_start3A_2261 = arith.constant 0 : i32
      %dma_start3A_2262 = tpu.memref_slice %arg6[%dma_start3A_2237, %dma_start3A_2259, %dma_start3A_2260, %dma_start3A_2261] : memref<4x5x128x32xf32, #tpu.memory_space<vmem>> -> memref<1x5x128x32xf32, #tpu.memory_space<vmem>>
      %dma_start3A_2263 = tpu.memref_squeeze %dma_start3A_2262 : memref<1x5x128x32xf32, #tpu.memory_space<vmem>> -> memref<5x128x32xf32, #tpu.memory_space<vmem>>
      tpu.enqueue_dma source(%dma_start3A_2263 : memref<5x128x32xf32, #tpu.memory_space<vmem>>) target(%dma_start3A_2258 : memref<5x128x32xf32, #tpu.memory_space<hbm>>) target_semaphore(%arg15 : memref<!tpu.dma_semaphore, #tpu.memory_space<semaphore_mem>>)
      %dma_wait3A_2264 = arith.constant 1 : i32
      %dma_wait3A_2265 = arith.constant 0 : i32
      %dma_wait3A_2266 = arith.constant 1 : i32
      %dma_wait3A_2267 = arith.constant 0 : i32
      %dma_wait3A_2268 = arith.constant 0 : i32
      %dma_wait3A_2269 = arith.constant 0 : i32
      %dma_wait3A_2270 = arith.constant 0 : i32
      %dma_wait3A_2271 = tpu.memref_slice %arg6[%dma_wait3A_2266, %dma_wait3A_2268, %dma_wait3A_2269, %dma_wait3A_2270] : memref<4x5x128x32xf32, #tpu.memory_space<vmem>> -> memref<1x5x128x32xf32, #tpu.memory_space<vmem>>
      %dma_wait3A_2272 = tpu.memref_squeeze %dma_wait3A_2271 : memref<1x5x128x32xf32, #tpu.memory_space<vmem>> -> memref<5x128x32xf32, #tpu.memory_space<vmem>>
      %dma_wait3A_2273 = arith.constant 0 : i32
      %dma_wait3A_2274 = arith.constant 0 : i32
      %dma_wait3A_2275 = tpu.memref_slice %dma_wait3A_2272[%dma_wait3A_2267, %dma_wait3A_2273, %dma_wait3A_2274] : memref<5x128x32xf32, #tpu.memory_space<vmem>> -> memref<1x128x32xf32, #tpu.memory_space<vmem>>
      %dma_wait3A_2276 = tpu.memref_squeeze %dma_wait3A_2275 : memref<1x128x32xf32, #tpu.memory_space<vmem>> -> memref<128x32xf32, #tpu.memory_space<vmem>>
      %dma_wait3A_2277 = arith.constant 0 : i32
      %dma_wait3A_2278 = arith.constant 0 : i32
      %dma_wait3A_2279 = tpu.memref_slice %arg5[%dma_wait3A_2264, %dma_wait3A_2277, %dma_wait3A_2278] : memref<4x5x128xi32, #tpu.memory_space<vmem>> -> memref<1x5x128xi32, #tpu.memory_space<vmem>>
      %dma_wait3A_2280 = tpu.memref_squeeze %dma_wait3A_2279 : memref<1x5x128xi32, #tpu.memory_space<vmem>> -> memref<5x128xi32, #tpu.memory_space<vmem>>
      %dma_wait3A_2281 = arith.constant 0 : i32
      %dma_wait3A_2282 = tpu.memref_slice %dma_wait3A_2280[%dma_wait3A_2265, %dma_wait3A_2281] : memref<5x128xi32, #tpu.memory_space<vmem>> -> memref<1x128xi32, #tpu.memory_space<vmem>>
      %dma_wait3A_2283 = tpu.memref_squeeze %dma_wait3A_2282 : memref<1x128xi32, #tpu.memory_space<vmem>> -> memref<128xi32, #tpu.memory_space<vmem>>
      %dma_wait3A_2284 = arith.constant 0 : i32
      %dma_wait3A_2285 = arith.constant 0 : i32
      %dma_wait3A_2286 = tpu.memref_slice %arg3[%dma_wait3A_2284, %dma_wait3A_2285] : memref<1000000x32xf32, #tpu.memory_space<hbm>> -> memref<1000000x32xf32, #tpu.memory_space<hbm>>
      tpu.wait_indirect_dma semaphore(%arg12 : memref<!tpu.dma_semaphore, #tpu.memory_space<semaphore_mem>>) src(%dma_wait3A_2286 : memref<1000000x32xf32, #tpu.memory_space<hbm>>) dst(%dma_wait3A_2276 : memref<128x32xf32, #tpu.memory_space<vmem>>)
      %dma_wait3A_2287 = arith.constant 1 : i32
      %dma_wait3A_2288 = arith.constant 1 : i32
      %dma_wait3A_2289 = arith.constant 1 : i32
      %dma_wait3A_2290 = arith.constant 1 : i32
      %dma_wait3A_2291 = arith.constant 0 : i32
      %dma_wait3A_2292 = arith.constant 0 : i32
      %dma_wait3A_2293 = arith.constant 0 : i32
      %dma_wait3A_2294 = tpu.memref_slice %arg6[%dma_wait3A_2289, %dma_wait3A_2291, %dma_wait3A_2292, %dma_wait3A_2293] : memref<4x5x128x32xf32, #tpu.memory_space<vmem>> -> memref<1x5x128x32xf32, #tpu.memory_space<vmem>>
      %dma_wait3A_2295 = tpu.memref_squeeze %dma_wait3A_2294 : memref<1x5x128x32xf32, #tpu.memory_space<vmem>> -> memref<5x128x32xf32, #tpu.memory_space<vmem>>
      %dma_wait3A_2296 = arith.constant 0 : i32
      %dma_wait3A_2297 = arith.constant 0 : i32
      %dma_wait3A_2298 = tpu.memref_slice %dma_wait3A_2295[%dma_wait3A_2290, %dma_wait3A_2296, %dma_wait3A_2297] : memref<5x128x32xf32, #tpu.memory_space<vmem>> -> memref<1x128x32xf32, #tpu.memory_space<vmem>>
      %dma_wait3A_2299 = tpu.memref_squeeze %dma_wait3A_2298 : memref<1x128x32xf32, #tpu.memory_space<vmem>> -> memref<128x32xf32, #tpu.memory_space<vmem>>
      %dma_wait3A_2300 = arith.constant 0 : i32
      %dma_wait3A_2301 = arith.constant 0 : i32
      %dma_wait3A_2302 = tpu.memref_slice %arg5[%dma_wait3A_2287, %dma_wait3A_2300, %dma_wait3A_2301] : memref<4x5x128xi32, #tpu.memory_space<vmem>> -> memref<1x5x128xi32, #tpu.memory_space<vmem>>
      %dma_wait3A_2303 = tpu.memref_squeeze %dma_wait3A_2302 : memref<1x5x128xi32, #tpu.memory_space<vmem>> -> memref<5x128xi32, #tpu.memory_space<vmem>>
      %dma_wait3A_2304 = arith.constant 0 : i32
      %dma_wait3A_2305 = tpu.memref_slice %dma_wait3A_2303[%dma_wait3A_2288, %dma_wait3A_2304] : memref<5x128xi32, #tpu.memory_space<vmem>> -> memref<1x128xi32, #tpu.memory_space<vmem>>
      %dma_wait3A_2306 = tpu.memref_squeeze %dma_wait3A_2305 : memref<1x128xi32, #tpu.memory_space<vmem>> -> memref<128xi32, #tpu.memory_space<vmem>>
      %dma_wait3A_2307 = arith.constant 0 : i32
      %dma_wait3A_2308 = arith.constant 0 : i32
      %dma_wait3A_2309 = tpu.memref_slice %arg3[%dma_wait3A_2307, %dma_wait3A_2308] : memref<1000000x32xf32, #tpu.memory_space<hbm>> -> memref<1000000x32xf32, #tpu.memory_space<hbm>>
      tpu.wait_indirect_dma semaphore(%arg12 : memref<!tpu.dma_semaphore, #tpu.memory_space<semaphore_mem>>) src(%dma_wait3A_2309 : memref<1000000x32xf32, #tpu.memory_space<hbm>>) dst(%dma_wait3A_2299 : memref<128x32xf32, #tpu.memory_space<vmem>>)
      %dma_wait3A_2310 = arith.constant 1 : i32
      %dma_wait3A_2311 = arith.constant 2 : i32
      %dma_wait3A_2312 = arith.constant 1 : i32
      %dma_wait3A_2313 = arith.constant 2 : i32
      %dma_wait3A_2314 = arith.constant 0 : i32
      %dma_wait3A_2315 = arith.constant 0 : i32
      %dma_wait3A_2316 = arith.constant 0 : i32
      %dma_wait3A_2317 = tpu.memref_slice %arg6[%dma_wait3A_2312, %dma_wait3A_2314, %dma_wait3A_2315, %dma_wait3A_2316] : memref<4x5x128x32xf32, #tpu.memory_space<vmem>> -> memref<1x5x128x32xf32, #tpu.memory_space<vmem>>
      %dma_wait3A_2318 = tpu.memref_squeeze %dma_wait3A_2317 : memref<1x5x128x32xf32, #tpu.memory_space<vmem>> -> memref<5x128x32xf32, #tpu.memory_space<vmem>>
      %dma_wait3A_2319 = arith.constant 0 : i32
      %dma_wait3A_2320 = arith.constant 0 : i32
      %dma_wait3A_2321 = tpu.memref_slice %dma_wait3A_2318[%dma_wait3A_2313, %dma_wait3A_2319, %dma_wait3A_2320] : memref<5x128x32xf32, #tpu.memory_space<vmem>> -> memref<1x128x32xf32, #tpu.memory_space<vmem>>
      %dma_wait3A_2322 = tpu.memref_squeeze %dma_wait3A_2321 : memref<1x128x32xf32, #tpu.memory_space<vmem>> -> memref<128x32xf32, #tpu.memory_space<vmem>>
      %dma_wait3A_2323 = arith.constant 0 : i32
      %dma_wait3A_2324 = arith.constant 0 : i32
      %dma_wait3A_2325 = tpu.memref_slice %arg5[%dma_wait3A_2310, %dma_wait3A_2323, %dma_wait3A_2324] : memref<4x5x128xi32, #tpu.memory_space<vmem>> -> memref<1x5x128xi32, #tpu.memory_space<vmem>>
      %dma_wait3A_2326 = tpu.memref_squeeze %dma_wait3A_2325 : memref<1x5x128xi32, #tpu.memory_space<vmem>> -> memref<5x128xi32, #tpu.memory_space<vmem>>
      %dma_wait3A_2327 = arith.constant 0 : i32
      %dma_wait3A_2328 = tpu.memref_slice %dma_wait3A_2326[%dma_wait3A_2311, %dma_wait3A_2327] : memref<5x128xi32, #tpu.memory_space<vmem>> -> memref<1x128xi32, #tpu.memory_space<vmem>>
      %dma_wait3A_2329 = tpu.memref_squeeze %dma_wait3A_2328 : memref<1x128xi32, #tpu.memory_space<vmem>> -> memref<128xi32, #tpu.memory_space<vmem>>
      %dma_wait3A_2330 = arith.constant 0 : i32
      %dma_wait3A_2331 = arith.constant 0 : i32
      %dma_wait3A_2332 = tpu.memref_slice %arg3[%dma_wait3A_2330, %dma_wait3A_2331] : memref<1000000x32xf32, #tpu.memory_space<hbm>> -> memref<1000000x32xf32, #tpu.memory_space<hbm>>
      tpu.wait_indirect_dma semaphore(%arg12 : memref<!tpu.dma_semaphore, #tpu.memory_space<semaphore_mem>>) src(%dma_wait3A_2332 : memref<1000000x32xf32, #tpu.memory_space<hbm>>) dst(%dma_wait3A_2322 : memref<128x32xf32, #tpu.memory_space<vmem>>)
      %dma_wait3A_2333 = arith.constant 1 : i32
      %dma_wait3A_2334 = arith.constant 3 : i32
      %dma_wait3A_2335 = arith.constant 1 : i32
      %dma_wait3A_2336 = arith.constant 3 : i32
      %dma_wait3A_2337 = arith.constant 0 : i32
      %dma_wait3A_2338 = arith.constant 0 : i32
      %dma_wait3A_2339 = arith.constant 0 : i32
      %dma_wait3A_2340 = tpu.memref_slice %arg6[%dma_wait3A_2335, %dma_wait3A_2337, %dma_wait3A_2338, %dma_wait3A_2339] : memref<4x5x128x32xf32, #tpu.memory_space<vmem>> -> memref<1x5x128x32xf32, #tpu.memory_space<vmem>>
      %dma_wait3A_2341 = tpu.memref_squeeze %dma_wait3A_2340 : memref<1x5x128x32xf32, #tpu.memory_space<vmem>> -> memref<5x128x32xf32, #tpu.memory_space<vmem>>
      %dma_wait3A_2342 = arith.constant 0 : i32
      %dma_wait3A_2343 = arith.constant 0 : i32
      %dma_wait3A_2344 = tpu.memref_slice %dma_wait3A_2341[%dma_wait3A_2336, %dma_wait3A_2342, %dma_wait3A_2343] : memref<5x128x32xf32, #tpu.memory_space<vmem>> -> memref<1x128x32xf32, #tpu.memory_space<vmem>>
      %dma_wait3A_2345 = tpu.memref_squeeze %dma_wait3A_2344 : memref<1x128x32xf32, #tpu.memory_space<vmem>> -> memref<128x32xf32, #tpu.memory_space<vmem>>
      %dma_wait3A_2346 = arith.constant 0 : i32
      %dma_wait3A_2347 = arith.constant 0 : i32
      %dma_wait3A_2348 = tpu.memref_slice %arg5[%dma_wait3A_2333, %dma_wait3A_2346, %dma_wait3A_2347] : memref<4x5x128xi32, #tpu.memory_space<vmem>> -> memref<1x5x128xi32, #tpu.memory_space<vmem>>
      %dma_wait3A_2349 = tpu.memref_squeeze %dma_wait3A_2348 : memref<1x5x128xi32, #tpu.memory_space<vmem>> -> memref<5x128xi32, #tpu.memory_space<vmem>>
      %dma_wait3A_2350 = arith.constant 0 : i32
      %dma_wait3A_2351 = tpu.memref_slice %dma_wait3A_2349[%dma_wait3A_2334, %dma_wait3A_2350] : memref<5x128xi32, #tpu.memory_space<vmem>> -> memref<1x128xi32, #tpu.memory_space<vmem>>
      %dma_wait3A_2352 = tpu.memref_squeeze %dma_wait3A_2351 : memref<1x128xi32, #tpu.memory_space<vmem>> -> memref<128xi32, #tpu.memory_space<vmem>>
      %dma_wait3A_2353 = arith.constant 0 : i32
      %dma_wait3A_2354 = arith.constant 0 : i32
      %dma_wait3A_2355 = tpu.memref_slice %arg3[%dma_wait3A_2353, %dma_wait3A_2354] : memref<1000000x32xf32, #tpu.memory_space<hbm>> -> memref<1000000x32xf32, #tpu.memory_space<hbm>>
      tpu.wait_indirect_dma semaphore(%arg12 : memref<!tpu.dma_semaphore, #tpu.memory_space<semaphore_mem>>) src(%dma_wait3A_2355 : memref<1000000x32xf32, #tpu.memory_space<hbm>>) dst(%dma_wait3A_2345 : memref<128x32xf32, #tpu.memory_space<vmem>>)
      %dma_wait3A_2356 = arith.constant 1 : i32
      %dma_wait3A_2357 = arith.constant 4 : i32
      %dma_wait3A_2358 = arith.constant 1 : i32
      %dma_wait3A_2359 = arith.constant 4 : i32
      %dma_wait3A_2360 = arith.constant 0 : i32
      %dma_wait3A_2361 = arith.constant 0 : i32
      %dma_wait3A_2362 = arith.constant 0 : i32
      %dma_wait3A_2363 = tpu.memref_slice %arg6[%dma_wait3A_2358, %dma_wait3A_2360, %dma_wait3A_2361, %dma_wait3A_2362] : memref<4x5x128x32xf32, #tpu.memory_space<vmem>> -> memref<1x5x128x32xf32, #tpu.memory_space<vmem>>
      %dma_wait3A_2364 = tpu.memref_squeeze %dma_wait3A_2363 : memref<1x5x128x32xf32, #tpu.memory_space<vmem>> -> memref<5x128x32xf32, #tpu.memory_space<vmem>>
      %dma_wait3A_2365 = arith.constant 0 : i32
      %dma_wait3A_2366 = arith.constant 0 : i32
      %dma_wait3A_2367 = tpu.memref_slice %dma_wait3A_2364[%dma_wait3A_2359, %dma_wait3A_2365, %dma_wait3A_2366] : memref<5x128x32xf32, #tpu.memory_space<vmem>> -> memref<1x128x32xf32, #tpu.memory_space<vmem>>
      %dma_wait3A_2368 = tpu.memref_squeeze %dma_wait3A_2367 : memref<1x128x32xf32, #tpu.memory_space<vmem>> -> memref<128x32xf32, #tpu.memory_space<vmem>>
      %dma_wait3A_2369 = arith.constant 0 : i32
      %dma_wait3A_2370 = arith.constant 0 : i32
      %dma_wait3A_2371 = tpu.memref_slice %arg5[%dma_wait3A_2356, %dma_wait3A_2369, %dma_wait3A_2370] : memref<4x5x128xi32, #tpu.memory_space<vmem>> -> memref<1x5x128xi32, #tpu.memory_space<vmem>>
      %dma_wait3A_2372 = tpu.memref_squeeze %dma_wait3A_2371 : memref<1x5x128xi32, #tpu.memory_space<vmem>> -> memref<5x128xi32, #tpu.memory_space<vmem>>
      %dma_wait3A_2373 = arith.constant 0 : i32
      %dma_wait3A_2374 = tpu.memref_slice %dma_wait3A_2372[%dma_wait3A_2357, %dma_wait3A_2373] : memref<5x128xi32, #tpu.memory_space<vmem>> -> memref<1x128xi32, #tpu.memory_space<vmem>>
      %dma_wait3A_2375 = tpu.memref_squeeze %dma_wait3A_2374 : memref<1x128xi32, #tpu.memory_space<vmem>> -> memref<128xi32, #tpu.memory_space<vmem>>
      %dma_wait3A_2376 = arith.constant 0 : i32
      %dma_wait3A_2377 = arith.constant 0 : i32
      %dma_wait3A_2378 = tpu.memref_slice %arg3[%dma_wait3A_2376, %dma_wait3A_2377] : memref<1000000x32xf32, #tpu.memory_space<hbm>> -> memref<1000000x32xf32, #tpu.memory_space<hbm>>
      tpu.wait_indirect_dma semaphore(%arg12 : memref<!tpu.dma_semaphore, #tpu.memory_space<semaphore_mem>>) src(%dma_wait3A_2378 : memref<1000000x32xf32, #tpu.memory_space<hbm>>) dst(%dma_wait3A_2368 : memref<128x32xf32, #tpu.memory_space<vmem>>)
      %add3A_2379 = arith.constant 1 : i32
      %add3A_2380 = arith.addi %mul3A_1342, %add3A_2379 : i32
      %mul3A_2381 = arith.constant 5 : i32
      %mul3A_2382 = arith.muli %add3A_2380, %mul3A_2381 : i32
      %dma_start3A_2383 = arith.constant 1 : i32
      %dma_start3A_2384 = arith.constant 0 : i32
      %dma_start3A_2385 = arith.constant 0 : i32
      %dma_start3A_2386 = arith.constant 0 : i32
      %dma_start3A_2387 = tpu.memref_slice %arg6[%dma_start3A_2383, %dma_start3A_2384, %dma_start3A_2385, %dma_start3A_2386] : memref<4x5x128x32xf32, #tpu.memory_space<vmem>> -> memref<1x5x128x32xf32, #tpu.memory_space<vmem>>
      %dma_start3A_2388 = tpu.memref_squeeze %dma_start3A_2387 : memref<1x5x128x32xf32, #tpu.memory_space<vmem>> -> memref<5x128x32xf32, #tpu.memory_space<vmem>>
      %dma_start3A_2389 = arith.constant 0 : i32
      %dma_start3A_2390 = arith.constant 0 : i32
      %dma_start3A_2391 = arith.constant 0 : i32
      %dma_start3A_2392 = tpu.memref_slice %arg4[%add3A, %dma_start3A_2389, %dma_start3A_2390, %dma_start3A_2391] : memref<32x200x128x32xf32, #tpu.memory_space<hbm>> -> memref<1x200x128x32xf32, #tpu.memory_space<hbm>>
      %dma_start3A_2393 = tpu.memref_squeeze %dma_start3A_2392 : memref<1x200x128x32xf32, #tpu.memory_space<hbm>> -> memref<200x128x32xf32, #tpu.memory_space<hbm>>
      %dma_start3A_2394 = arith.constant 0 : i32
      %dma_start3A_2395 = arith.constant 0 : i32
      %dma_start3A_2396 = tpu.memref_slice %dma_start3A_2393[%mul3A_2382, %dma_start3A_2394, %dma_start3A_2395] : memref<200x128x32xf32, #tpu.memory_space<hbm>> -> memref<5x128x32xf32, #tpu.memory_space<hbm>>
      %dma_start3A_2397 = arith.constant 0 : i32
      %dma_start3A_2398 = arith.constant 0 : i32
      %dma_start3A_2399 = arith.constant 0 : i32
      %dma_start3A_2400 = tpu.memref_slice %arg4[%add3A, %dma_start3A_2397, %dma_start3A_2398, %dma_start3A_2399] : memref<32x200x128x32xf32, #tpu.memory_space<hbm>> -> memref<1x200x128x32xf32, #tpu.memory_space<hbm>>
      %dma_start3A_2401 = tpu.memref_squeeze %dma_start3A_2400 : memref<1x200x128x32xf32, #tpu.memory_space<hbm>> -> memref<200x128x32xf32, #tpu.memory_space<hbm>>
      %dma_start3A_2402 = arith.constant 0 : i32
      %dma_start3A_2403 = arith.constant 0 : i32
      %dma_start3A_2404 = tpu.memref_slice %dma_start3A_2401[%mul3A_2382, %dma_start3A_2402, %dma_start3A_2403] : memref<200x128x32xf32, #tpu.memory_space<hbm>> -> memref<5x128x32xf32, #tpu.memory_space<hbm>>
      %dma_start3A_2405 = arith.constant 0 : i32
      %dma_start3A_2406 = arith.constant 0 : i32
      %dma_start3A_2407 = arith.constant 0 : i32
      %dma_start3A_2408 = tpu.memref_slice %arg6[%dma_start3A_2383, %dma_start3A_2405, %dma_start3A_2406, %dma_start3A_2407] : memref<4x5x128x32xf32, #tpu.memory_space<vmem>> -> memref<1x5x128x32xf32, #tpu.memory_space<vmem>>
      %dma_start3A_2409 = tpu.memref_squeeze %dma_start3A_2408 : memref<1x5x128x32xf32, #tpu.memory_space<vmem>> -> memref<5x128x32xf32, #tpu.memory_space<vmem>>
      tpu.enqueue_dma source(%dma_start3A_2409 : memref<5x128x32xf32, #tpu.memory_space<vmem>>) target(%dma_start3A_2404 : memref<5x128x32xf32, #tpu.memory_space<hbm>>) target_semaphore(%arg16 : memref<!tpu.dma_semaphore, #tpu.memory_space<semaphore_mem>>)
      %dma_wait3A_2410 = arith.constant 2 : i32
      %dma_wait3A_2411 = arith.constant 0 : i32
      %dma_wait3A_2412 = arith.constant 2 : i32
      %dma_wait3A_2413 = arith.constant 0 : i32
      %dma_wait3A_2414 = arith.constant 0 : i32
      %dma_wait3A_2415 = arith.constant 0 : i32
      %dma_wait3A_2416 = arith.constant 0 : i32
      %dma_wait3A_2417 = tpu.memref_slice %arg6[%dma_wait3A_2412, %dma_wait3A_2414, %dma_wait3A_2415, %dma_wait3A_2416] : memref<4x5x128x32xf32, #tpu.memory_space<vmem>> -> memref<1x5x128x32xf32, #tpu.memory_space<vmem>>
      %dma_wait3A_2418 = tpu.memref_squeeze %dma_wait3A_2417 : memref<1x5x128x32xf32, #tpu.memory_space<vmem>> -> memref<5x128x32xf32, #tpu.memory_space<vmem>>
      %dma_wait3A_2419 = arith.constant 0 : i32
      %dma_wait3A_2420 = arith.constant 0 : i32
      %dma_wait3A_2421 = tpu.memref_slice %dma_wait3A_2418[%dma_wait3A_2413, %dma_wait3A_2419, %dma_wait3A_2420] : memref<5x128x32xf32, #tpu.memory_space<vmem>> -> memref<1x128x32xf32, #tpu.memory_space<vmem>>
      %dma_wait3A_2422 = tpu.memref_squeeze %dma_wait3A_2421 : memref<1x128x32xf32, #tpu.memory_space<vmem>> -> memref<128x32xf32, #tpu.memory_space<vmem>>
      %dma_wait3A_2423 = arith.constant 0 : i32
      %dma_wait3A_2424 = arith.constant 0 : i32
      %dma_wait3A_2425 = tpu.memref_slice %arg5[%dma_wait3A_2410, %dma_wait3A_2423, %dma_wait3A_2424] : memref<4x5x128xi32, #tpu.memory_space<vmem>> -> memref<1x5x128xi32, #tpu.memory_space<vmem>>
      %dma_wait3A_2426 = tpu.memref_squeeze %dma_wait3A_2425 : memref<1x5x128xi32, #tpu.memory_space<vmem>> -> memref<5x128xi32, #tpu.memory_space<vmem>>
      %dma_wait3A_2427 = arith.constant 0 : i32
      %dma_wait3A_2428 = tpu.memref_slice %dma_wait3A_2426[%dma_wait3A_2411, %dma_wait3A_2427] : memref<5x128xi32, #tpu.memory_space<vmem>> -> memref<1x128xi32, #tpu.memory_space<vmem>>
      %dma_wait3A_2429 = tpu.memref_squeeze %dma_wait3A_2428 : memref<1x128xi32, #tpu.memory_space<vmem>> -> memref<128xi32, #tpu.memory_space<vmem>>
      %dma_wait3A_2430 = arith.constant 0 : i32
      %dma_wait3A_2431 = arith.constant 0 : i32
      %dma_wait3A_2432 = tpu.memref_slice %arg3[%dma_wait3A_2430, %dma_wait3A_2431] : memref<1000000x32xf32, #tpu.memory_space<hbm>> -> memref<1000000x32xf32, #tpu.memory_space<hbm>>
      tpu.wait_indirect_dma semaphore(%arg13 : memref<!tpu.dma_semaphore, #tpu.memory_space<semaphore_mem>>) src(%dma_wait3A_2432 : memref<1000000x32xf32, #tpu.memory_space<hbm>>) dst(%dma_wait3A_2422 : memref<128x32xf32, #tpu.memory_space<vmem>>)
      %dma_wait3A_2433 = arith.constant 2 : i32
      %dma_wait3A_2434 = arith.constant 1 : i32
      %dma_wait3A_2435 = arith.constant 2 : i32
      %dma_wait3A_2436 = arith.constant 1 : i32
      %dma_wait3A_2437 = arith.constant 0 : i32
      %dma_wait3A_2438 = arith.constant 0 : i32
      %dma_wait3A_2439 = arith.constant 0 : i32
      %dma_wait3A_2440 = tpu.memref_slice %arg6[%dma_wait3A_2435, %dma_wait3A_2437, %dma_wait3A_2438, %dma_wait3A_2439] : memref<4x5x128x32xf32, #tpu.memory_space<vmem>> -> memref<1x5x128x32xf32, #tpu.memory_space<vmem>>
      %dma_wait3A_2441 = tpu.memref_squeeze %dma_wait3A_2440 : memref<1x5x128x32xf32, #tpu.memory_space<vmem>> -> memref<5x128x32xf32, #tpu.memory_space<vmem>>
      %dma_wait3A_2442 = arith.constant 0 : i32
      %dma_wait3A_2443 = arith.constant 0 : i32
      %dma_wait3A_2444 = tpu.memref_slice %dma_wait3A_2441[%dma_wait3A_2436, %dma_wait3A_2442, %dma_wait3A_2443] : memref<5x128x32xf32, #tpu.memory_space<vmem>> -> memref<1x128x32xf32, #tpu.memory_space<vmem>>
      %dma_wait3A_2445 = tpu.memref_squeeze %dma_wait3A_2444 : memref<1x128x32xf32, #tpu.memory_space<vmem>> -> memref<128x32xf32, #tpu.memory_space<vmem>>
      %dma_wait3A_2446 = arith.constant 0 : i32
      %dma_wait3A_2447 = arith.constant 0 : i32
      %dma_wait3A_2448 = tpu.memref_slice %arg5[%dma_wait3A_2433, %dma_wait3A_2446, %dma_wait3A_2447] : memref<4x5x128xi32, #tpu.memory_space<vmem>> -> memref<1x5x128xi32, #tpu.memory_space<vmem>>
      %dma_wait3A_2449 = tpu.memref_squeeze %dma_wait3A_2448 : memref<1x5x128xi32, #tpu.memory_space<vmem>> -> memref<5x128xi32, #tpu.memory_space<vmem>>
      %dma_wait3A_2450 = arith.constant 0 : i32
      %dma_wait3A_2451 = tpu.memref_slice %dma_wait3A_2449[%dma_wait3A_2434, %dma_wait3A_2450] : memref<5x128xi32, #tpu.memory_space<vmem>> -> memref<1x128xi32, #tpu.memory_space<vmem>>
      %dma_wait3A_2452 = tpu.memref_squeeze %dma_wait3A_2451 : memref<1x128xi32, #tpu.memory_space<vmem>> -> memref<128xi32, #tpu.memory_space<vmem>>
      %dma_wait3A_2453 = arith.constant 0 : i32
      %dma_wait3A_2454 = arith.constant 0 : i32
      %dma_wait3A_2455 = tpu.memref_slice %arg3[%dma_wait3A_2453, %dma_wait3A_2454] : memref<1000000x32xf32, #tpu.memory_space<hbm>> -> memref<1000000x32xf32, #tpu.memory_space<hbm>>
      tpu.wait_indirect_dma semaphore(%arg13 : memref<!tpu.dma_semaphore, #tpu.memory_space<semaphore_mem>>) src(%dma_wait3A_2455 : memref<1000000x32xf32, #tpu.memory_space<hbm>>) dst(%dma_wait3A_2445 : memref<128x32xf32, #tpu.memory_space<vmem>>)
      %dma_wait3A_2456 = arith.constant 2 : i32
      %dma_wait3A_2457 = arith.constant 2 : i32
      %dma_wait3A_2458 = arith.constant 2 : i32
      %dma_wait3A_2459 = arith.constant 2 : i32
      %dma_wait3A_2460 = arith.constant 0 : i32
      %dma_wait3A_2461 = arith.constant 0 : i32
      %dma_wait3A_2462 = arith.constant 0 : i32
      %dma_wait3A_2463 = tpu.memref_slice %arg6[%dma_wait3A_2458, %dma_wait3A_2460, %dma_wait3A_2461, %dma_wait3A_2462] : memref<4x5x128x32xf32, #tpu.memory_space<vmem>> -> memref<1x5x128x32xf32, #tpu.memory_space<vmem>>
      %dma_wait3A_2464 = tpu.memref_squeeze %dma_wait3A_2463 : memref<1x5x128x32xf32, #tpu.memory_space<vmem>> -> memref<5x128x32xf32, #tpu.memory_space<vmem>>
      %dma_wait3A_2465 = arith.constant 0 : i32
      %dma_wait3A_2466 = arith.constant 0 : i32
      %dma_wait3A_2467 = tpu.memref_slice %dma_wait3A_2464[%dma_wait3A_2459, %dma_wait3A_2465, %dma_wait3A_2466] : memref<5x128x32xf32, #tpu.memory_space<vmem>> -> memref<1x128x32xf32, #tpu.memory_space<vmem>>
      %dma_wait3A_2468 = tpu.memref_squeeze %dma_wait3A_2467 : memref<1x128x32xf32, #tpu.memory_space<vmem>> -> memref<128x32xf32, #tpu.memory_space<vmem>>
      %dma_wait3A_2469 = arith.constant 0 : i32
      %dma_wait3A_2470 = arith.constant 0 : i32
      %dma_wait3A_2471 = tpu.memref_slice %arg5[%dma_wait3A_2456, %dma_wait3A_2469, %dma_wait3A_2470] : memref<4x5x128xi32, #tpu.memory_space<vmem>> -> memref<1x5x128xi32, #tpu.memory_space<vmem>>
      %dma_wait3A_2472 = tpu.memref_squeeze %dma_wait3A_2471 : memref<1x5x128xi32, #tpu.memory_space<vmem>> -> memref<5x128xi32, #tpu.memory_space<vmem>>
      %dma_wait3A_2473 = arith.constant 0 : i32
      %dma_wait3A_2474 = tpu.memref_slice %dma_wait3A_2472[%dma_wait3A_2457, %dma_wait3A_2473] : memref<5x128xi32, #tpu.memory_space<vmem>> -> memref<1x128xi32, #tpu.memory_space<vmem>>
      %dma_wait3A_2475 = tpu.memref_squeeze %dma_wait3A_2474 : memref<1x128xi32, #tpu.memory_space<vmem>> -> memref<128xi32, #tpu.memory_space<vmem>>
      %dma_wait3A_2476 = arith.constant 0 : i32
      %dma_wait3A_2477 = arith.constant 0 : i32
      %dma_wait3A_2478 = tpu.memref_slice %arg3[%dma_wait3A_2476, %dma_wait3A_2477] : memref<1000000x32xf32, #tpu.memory_space<hbm>> -> memref<1000000x32xf32, #tpu.memory_space<hbm>>
      tpu.wait_indirect_dma semaphore(%arg13 : memref<!tpu.dma_semaphore, #tpu.memory_space<semaphore_mem>>) src(%dma_wait3A_2478 : memref<1000000x32xf32, #tpu.memory_space<hbm>>) dst(%dma_wait3A_2468 : memref<128x32xf32, #tpu.memory_space<vmem>>)
      %dma_wait3A_2479 = arith.constant 2 : i32
      %dma_wait3A_2480 = arith.constant 3 : i32
      %dma_wait3A_2481 = arith.constant 2 : i32
      %dma_wait3A_2482 = arith.constant 3 : i32
      %dma_wait3A_2483 = arith.constant 0 : i32
      %dma_wait3A_2484 = arith.constant 0 : i32
      %dma_wait3A_2485 = arith.constant 0 : i32
      %dma_wait3A_2486 = tpu.memref_slice %arg6[%dma_wait3A_2481, %dma_wait3A_2483, %dma_wait3A_2484, %dma_wait3A_2485] : memref<4x5x128x32xf32, #tpu.memory_space<vmem>> -> memref<1x5x128x32xf32, #tpu.memory_space<vmem>>
      %dma_wait3A_2487 = tpu.memref_squeeze %dma_wait3A_2486 : memref<1x5x128x32xf32, #tpu.memory_space<vmem>> -> memref<5x128x32xf32, #tpu.memory_space<vmem>>
      %dma_wait3A_2488 = arith.constant 0 : i32
      %dma_wait3A_2489 = arith.constant 0 : i32
      %dma_wait3A_2490 = tpu.memref_slice %dma_wait3A_2487[%dma_wait3A_2482, %dma_wait3A_2488, %dma_wait3A_2489] : memref<5x128x32xf32, #tpu.memory_space<vmem>> -> memref<1x128x32xf32, #tpu.memory_space<vmem>>
      %dma_wait3A_2491 = tpu.memref_squeeze %dma_wait3A_2490 : memref<1x128x32xf32, #tpu.memory_space<vmem>> -> memref<128x32xf32, #tpu.memory_space<vmem>>
      %dma_wait3A_2492 = arith.constant 0 : i32
      %dma_wait3A_2493 = arith.constant 0 : i32
      %dma_wait3A_2494 = tpu.memref_slice %arg5[%dma_wait3A_2479, %dma_wait3A_2492, %dma_wait3A_2493] : memref<4x5x128xi32, #tpu.memory_space<vmem>> -> memref<1x5x128xi32, #tpu.memory_space<vmem>>
      %dma_wait3A_2495 = tpu.memref_squeeze %dma_wait3A_2494 : memref<1x5x128xi32, #tpu.memory_space<vmem>> -> memref<5x128xi32, #tpu.memory_space<vmem>>
      %dma_wait3A_2496 = arith.constant 0 : i32
      %dma_wait3A_2497 = tpu.memref_slice %dma_wait3A_2495[%dma_wait3A_2480, %dma_wait3A_2496] : memref<5x128xi32, #tpu.memory_space<vmem>> -> memref<1x128xi32, #tpu.memory_space<vmem>>
      %dma_wait3A_2498 = tpu.memref_squeeze %dma_wait3A_2497 : memref<1x128xi32, #tpu.memory_space<vmem>> -> memref<128xi32, #tpu.memory_space<vmem>>
      %dma_wait3A_2499 = arith.constant 0 : i32
      %dma_wait3A_2500 = arith.constant 0 : i32
      %dma_wait3A_2501 = tpu.memref_slice %arg3[%dma_wait3A_2499, %dma_wait3A_2500] : memref<1000000x32xf32, #tpu.memory_space<hbm>> -> memref<1000000x32xf32, #tpu.memory_space<hbm>>
      tpu.wait_indirect_dma semaphore(%arg13 : memref<!tpu.dma_semaphore, #tpu.memory_space<semaphore_mem>>) src(%dma_wait3A_2501 : memref<1000000x32xf32, #tpu.memory_space<hbm>>) dst(%dma_wait3A_2491 : memref<128x32xf32, #tpu.memory_space<vmem>>)
      %dma_wait3A_2502 = arith.constant 2 : i32
      %dma_wait3A_2503 = arith.constant 4 : i32
      %dma_wait3A_2504 = arith.constant 2 : i32
      %dma_wait3A_2505 = arith.constant 4 : i32
      %dma_wait3A_2506 = arith.constant 0 : i32
      %dma_wait3A_2507 = arith.constant 0 : i32
      %dma_wait3A_2508 = arith.constant 0 : i32
      %dma_wait3A_2509 = tpu.memref_slice %arg6[%dma_wait3A_2504, %dma_wait3A_2506, %dma_wait3A_2507, %dma_wait3A_2508] : memref<4x5x128x32xf32, #tpu.memory_space<vmem>> -> memref<1x5x128x32xf32, #tpu.memory_space<vmem>>
      %dma_wait3A_2510 = tpu.memref_squeeze %dma_wait3A_2509 : memref<1x5x128x32xf32, #tpu.memory_space<vmem>> -> memref<5x128x32xf32, #tpu.memory_space<vmem>>
      %dma_wait3A_2511 = arith.constant 0 : i32
      %dma_wait3A_2512 = arith.constant 0 : i32
      %dma_wait3A_2513 = tpu.memref_slice %dma_wait3A_2510[%dma_wait3A_2505, %dma_wait3A_2511, %dma_wait3A_2512] : memref<5x128x32xf32, #tpu.memory_space<vmem>> -> memref<1x128x32xf32, #tpu.memory_space<vmem>>
      %dma_wait3A_2514 = tpu.memref_squeeze %dma_wait3A_2513 : memref<1x128x32xf32, #tpu.memory_space<vmem>> -> memref<128x32xf32, #tpu.memory_space<vmem>>
      %dma_wait3A_2515 = arith.constant 0 : i32
      %dma_wait3A_2516 = arith.constant 0 : i32
      %dma_wait3A_2517 = tpu.memref_slice %arg5[%dma_wait3A_2502, %dma_wait3A_2515, %dma_wait3A_2516] : memref<4x5x128xi32, #tpu.memory_space<vmem>> -> memref<1x5x128xi32, #tpu.memory_space<vmem>>
      %dma_wait3A_2518 = tpu.memref_squeeze %dma_wait3A_2517 : memref<1x5x128xi32, #tpu.memory_space<vmem>> -> memref<5x128xi32, #tpu.memory_space<vmem>>
      %dma_wait3A_2519 = arith.constant 0 : i32
      %dma_wait3A_2520 = tpu.memref_slice %dma_wait3A_2518[%dma_wait3A_2503, %dma_wait3A_2519] : memref<5x128xi32, #tpu.memory_space<vmem>> -> memref<1x128xi32, #tpu.memory_space<vmem>>
      %dma_wait3A_2521 = tpu.memref_squeeze %dma_wait3A_2520 : memref<1x128xi32, #tpu.memory_space<vmem>> -> memref<128xi32, #tpu.memory_space<vmem>>
      %dma_wait3A_2522 = arith.constant 0 : i32
      %dma_wait3A_2523 = arith.constant 0 : i32
      %dma_wait3A_2524 = tpu.memref_slice %arg3[%dma_wait3A_2522, %dma_wait3A_2523] : memref<1000000x32xf32, #tpu.memory_space<hbm>> -> memref<1000000x32xf32, #tpu.memory_space<hbm>>
      tpu.wait_indirect_dma semaphore(%arg13 : memref<!tpu.dma_semaphore, #tpu.memory_space<semaphore_mem>>) src(%dma_wait3A_2524 : memref<1000000x32xf32, #tpu.memory_space<hbm>>) dst(%dma_wait3A_2514 : memref<128x32xf32, #tpu.memory_space<vmem>>)
      %add3A_2525 = arith.constant 2 : i32
      %add3A_2526 = arith.addi %mul3A_1342, %add3A_2525 : i32
      %mul3A_2527 = arith.constant 5 : i32
      %mul3A_2528 = arith.muli %add3A_2526, %mul3A_2527 : i32
      %dma_start3A_2529 = arith.constant 2 : i32
      %dma_start3A_2530 = arith.constant 0 : i32
      %dma_start3A_2531 = arith.constant 0 : i32
      %dma_start3A_2532 = arith.constant 0 : i32
      %dma_start3A_2533 = tpu.memref_slice %arg6[%dma_start3A_2529, %dma_start3A_2530, %dma_start3A_2531, %dma_start3A_2532] : memref<4x5x128x32xf32, #tpu.memory_space<vmem>> -> memref<1x5x128x32xf32, #tpu.memory_space<vmem>>
      %dma_start3A_2534 = tpu.memref_squeeze %dma_start3A_2533 : memref<1x5x128x32xf32, #tpu.memory_space<vmem>> -> memref<5x128x32xf32, #tpu.memory_space<vmem>>
      %dma_start3A_2535 = arith.constant 0 : i32
      %dma_start3A_2536 = arith.constant 0 : i32
      %dma_start3A_2537 = arith.constant 0 : i32
      %dma_start3A_2538 = tpu.memref_slice %arg4[%add3A, %dma_start3A_2535, %dma_start3A_2536, %dma_start3A_2537] : memref<32x200x128x32xf32, #tpu.memory_space<hbm>> -> memref<1x200x128x32xf32, #tpu.memory_space<hbm>>
      %dma_start3A_2539 = tpu.memref_squeeze %dma_start3A_2538 : memref<1x200x128x32xf32, #tpu.memory_space<hbm>> -> memref<200x128x32xf32, #tpu.memory_space<hbm>>
      %dma_start3A_2540 = arith.constant 0 : i32
      %dma_start3A_2541 = arith.constant 0 : i32
      %dma_start3A_2542 = tpu.memref_slice %dma_start3A_2539[%mul3A_2528, %dma_start3A_2540, %dma_start3A_2541] : memref<200x128x32xf32, #tpu.memory_space<hbm>> -> memref<5x128x32xf32, #tpu.memory_space<hbm>>
      %dma_start3A_2543 = arith.constant 0 : i32
      %dma_start3A_2544 = arith.constant 0 : i32
      %dma_start3A_2545 = arith.constant 0 : i32
      %dma_start3A_2546 = tpu.memref_slice %arg4[%add3A, %dma_start3A_2543, %dma_start3A_2544, %dma_start3A_2545] : memref<32x200x128x32xf32, #tpu.memory_space<hbm>> -> memref<1x200x128x32xf32, #tpu.memory_space<hbm>>
      %dma_start3A_2547 = tpu.memref_squeeze %dma_start3A_2546 : memref<1x200x128x32xf32, #tpu.memory_space<hbm>> -> memref<200x128x32xf32, #tpu.memory_space<hbm>>
      %dma_start3A_2548 = arith.constant 0 : i32
      %dma_start3A_2549 = arith.constant 0 : i32
      %dma_start3A_2550 = tpu.memref_slice %dma_start3A_2547[%mul3A_2528, %dma_start3A_2548, %dma_start3A_2549] : memref<200x128x32xf32, #tpu.memory_space<hbm>> -> memref<5x128x32xf32, #tpu.memory_space<hbm>>
      %dma_start3A_2551 = arith.constant 0 : i32
      %dma_start3A_2552 = arith.constant 0 : i32
      %dma_start3A_2553 = arith.constant 0 : i32
      %dma_start3A_2554 = tpu.memref_slice %arg6[%dma_start3A_2529, %dma_start3A_2551, %dma_start3A_2552, %dma_start3A_2553] : memref<4x5x128x32xf32, #tpu.memory_space<vmem>> -> memref<1x5x128x32xf32, #tpu.memory_space<vmem>>
      %dma_start3A_2555 = tpu.memref_squeeze %dma_start3A_2554 : memref<1x5x128x32xf32, #tpu.memory_space<vmem>> -> memref<5x128x32xf32, #tpu.memory_space<vmem>>
      tpu.enqueue_dma source(%dma_start3A_2555 : memref<5x128x32xf32, #tpu.memory_space<vmem>>) target(%dma_start3A_2550 : memref<5x128x32xf32, #tpu.memory_space<hbm>>) target_semaphore(%arg17 : memref<!tpu.dma_semaphore, #tpu.memory_space<semaphore_mem>>)
      %dma_wait3A_2556 = arith.constant 3 : i32
      %dma_wait3A_2557 = arith.constant 0 : i32
      %dma_wait3A_2558 = arith.constant 3 : i32
      %dma_wait3A_2559 = arith.constant 0 : i32
      %dma_wait3A_2560 = arith.constant 0 : i32
      %dma_wait3A_2561 = arith.constant 0 : i32
      %dma_wait3A_2562 = arith.constant 0 : i32
      %dma_wait3A_2563 = tpu.memref_slice %arg6[%dma_wait3A_2558, %dma_wait3A_2560, %dma_wait3A_2561, %dma_wait3A_2562] : memref<4x5x128x32xf32, #tpu.memory_space<vmem>> -> memref<1x5x128x32xf32, #tpu.memory_space<vmem>>
      %dma_wait3A_2564 = tpu.memref_squeeze %dma_wait3A_2563 : memref<1x5x128x32xf32, #tpu.memory_space<vmem>> -> memref<5x128x32xf32, #tpu.memory_space<vmem>>
      %dma_wait3A_2565 = arith.constant 0 : i32
      %dma_wait3A_2566 = arith.constant 0 : i32
      %dma_wait3A_2567 = tpu.memref_slice %dma_wait3A_2564[%dma_wait3A_2559, %dma_wait3A_2565, %dma_wait3A_2566] : memref<5x128x32xf32, #tpu.memory_space<vmem>> -> memref<1x128x32xf32, #tpu.memory_space<vmem>>
      %dma_wait3A_2568 = tpu.memref_squeeze %dma_wait3A_2567 : memref<1x128x32xf32, #tpu.memory_space<vmem>> -> memref<128x32xf32, #tpu.memory_space<vmem>>
      %dma_wait3A_2569 = arith.constant 0 : i32
      %dma_wait3A_2570 = arith.constant 0 : i32
      %dma_wait3A_2571 = tpu.memref_slice %arg5[%dma_wait3A_2556, %dma_wait3A_2569, %dma_wait3A_2570] : memref<4x5x128xi32, #tpu.memory_space<vmem>> -> memref<1x5x128xi32, #tpu.memory_space<vmem>>
      %dma_wait3A_2572 = tpu.memref_squeeze %dma_wait3A_2571 : memref<1x5x128xi32, #tpu.memory_space<vmem>> -> memref<5x128xi32, #tpu.memory_space<vmem>>
      %dma_wait3A_2573 = arith.constant 0 : i32
      %dma_wait3A_2574 = tpu.memref_slice %dma_wait3A_2572[%dma_wait3A_2557, %dma_wait3A_2573] : memref<5x128xi32, #tpu.memory_space<vmem>> -> memref<1x128xi32, #tpu.memory_space<vmem>>
      %dma_wait3A_2575 = tpu.memref_squeeze %dma_wait3A_2574 : memref<1x128xi32, #tpu.memory_space<vmem>> -> memref<128xi32, #tpu.memory_space<vmem>>
      %dma_wait3A_2576 = arith.constant 0 : i32
      %dma_wait3A_2577 = arith.constant 0 : i32
      %dma_wait3A_2578 = tpu.memref_slice %arg3[%dma_wait3A_2576, %dma_wait3A_2577] : memref<1000000x32xf32, #tpu.memory_space<hbm>> -> memref<1000000x32xf32, #tpu.memory_space<hbm>>
      tpu.wait_indirect_dma semaphore(%arg14 : memref<!tpu.dma_semaphore, #tpu.memory_space<semaphore_mem>>) src(%dma_wait3A_2578 : memref<1000000x32xf32, #tpu.memory_space<hbm>>) dst(%dma_wait3A_2568 : memref<128x32xf32, #tpu.memory_space<vmem>>)
      %dma_wait3A_2579 = arith.constant 3 : i32
      %dma_wait3A_2580 = arith.constant 1 : i32
      %dma_wait3A_2581 = arith.constant 3 : i32
      %dma_wait3A_2582 = arith.constant 1 : i32
      %dma_wait3A_2583 = arith.constant 0 : i32
      %dma_wait3A_2584 = arith.constant 0 : i32
      %dma_wait3A_2585 = arith.constant 0 : i32
      %dma_wait3A_2586 = tpu.memref_slice %arg6[%dma_wait3A_2581, %dma_wait3A_2583, %dma_wait3A_2584, %dma_wait3A_2585] : memref<4x5x128x32xf32, #tpu.memory_space<vmem>> -> memref<1x5x128x32xf32, #tpu.memory_space<vmem>>
      %dma_wait3A_2587 = tpu.memref_squeeze %dma_wait3A_2586 : memref<1x5x128x32xf32, #tpu.memory_space<vmem>> -> memref<5x128x32xf32, #tpu.memory_space<vmem>>
      %dma_wait3A_2588 = arith.constant 0 : i32
      %dma_wait3A_2589 = arith.constant 0 : i32
      %dma_wait3A_2590 = tpu.memref_slice %dma_wait3A_2587[%dma_wait3A_2582, %dma_wait3A_2588, %dma_wait3A_2589] : memref<5x128x32xf32, #tpu.memory_space<vmem>> -> memref<1x128x32xf32, #tpu.memory_space<vmem>>
      %dma_wait3A_2591 = tpu.memref_squeeze %dma_wait3A_2590 : memref<1x128x32xf32, #tpu.memory_space<vmem>> -> memref<128x32xf32, #tpu.memory_space<vmem>>
      %dma_wait3A_2592 = arith.constant 0 : i32
      %dma_wait3A_2593 = arith.constant 0 : i32
      %dma_wait3A_2594 = tpu.memref_slice %arg5[%dma_wait3A_2579, %dma_wait3A_2592, %dma_wait3A_2593] : memref<4x5x128xi32, #tpu.memory_space<vmem>> -> memref<1x5x128xi32, #tpu.memory_space<vmem>>
      %dma_wait3A_2595 = tpu.memref_squeeze %dma_wait3A_2594 : memref<1x5x128xi32, #tpu.memory_space<vmem>> -> memref<5x128xi32, #tpu.memory_space<vmem>>
      %dma_wait3A_2596 = arith.constant 0 : i32
      %dma_wait3A_2597 = tpu.memref_slice %dma_wait3A_2595[%dma_wait3A_2580, %dma_wait3A_2596] : memref<5x128xi32, #tpu.memory_space<vmem>> -> memref<1x128xi32, #tpu.memory_space<vmem>>
      %dma_wait3A_2598 = tpu.memref_squeeze %dma_wait3A_2597 : memref<1x128xi32, #tpu.memory_space<vmem>> -> memref<128xi32, #tpu.memory_space<vmem>>
      %dma_wait3A_2599 = arith.constant 0 : i32
      %dma_wait3A_2600 = arith.constant 0 : i32
      %dma_wait3A_2601 = tpu.memref_slice %arg3[%dma_wait3A_2599, %dma_wait3A_2600] : memref<1000000x32xf32, #tpu.memory_space<hbm>> -> memref<1000000x32xf32, #tpu.memory_space<hbm>>
      tpu.wait_indirect_dma semaphore(%arg14 : memref<!tpu.dma_semaphore, #tpu.memory_space<semaphore_mem>>) src(%dma_wait3A_2601 : memref<1000000x32xf32, #tpu.memory_space<hbm>>) dst(%dma_wait3A_2591 : memref<128x32xf32, #tpu.memory_space<vmem>>)
      %dma_wait3A_2602 = arith.constant 3 : i32
      %dma_wait3A_2603 = arith.constant 2 : i32
      %dma_wait3A_2604 = arith.constant 3 : i32
      %dma_wait3A_2605 = arith.constant 2 : i32
      %dma_wait3A_2606 = arith.constant 0 : i32
      %dma_wait3A_2607 = arith.constant 0 : i32
      %dma_wait3A_2608 = arith.constant 0 : i32
      %dma_wait3A_2609 = tpu.memref_slice %arg6[%dma_wait3A_2604, %dma_wait3A_2606, %dma_wait3A_2607, %dma_wait3A_2608] : memref<4x5x128x32xf32, #tpu.memory_space<vmem>> -> memref<1x5x128x32xf32, #tpu.memory_space<vmem>>
      %dma_wait3A_2610 = tpu.memref_squeeze %dma_wait3A_2609 : memref<1x5x128x32xf32, #tpu.memory_space<vmem>> -> memref<5x128x32xf32, #tpu.memory_space<vmem>>
      %dma_wait3A_2611 = arith.constant 0 : i32
      %dma_wait3A_2612 = arith.constant 0 : i32
      %dma_wait3A_2613 = tpu.memref_slice %dma_wait3A_2610[%dma_wait3A_2605, %dma_wait3A_2611, %dma_wait3A_2612] : memref<5x128x32xf32, #tpu.memory_space<vmem>> -> memref<1x128x32xf32, #tpu.memory_space<vmem>>
      %dma_wait3A_2614 = tpu.memref_squeeze %dma_wait3A_2613 : memref<1x128x32xf32, #tpu.memory_space<vmem>> -> memref<128x32xf32, #tpu.memory_space<vmem>>
      %dma_wait3A_2615 = arith.constant 0 : i32
      %dma_wait3A_2616 = arith.constant 0 : i32
      %dma_wait3A_2617 = tpu.memref_slice %arg5[%dma_wait3A_2602, %dma_wait3A_2615, %dma_wait3A_2616] : memref<4x5x128xi32, #tpu.memory_space<vmem>> -> memref<1x5x128xi32, #tpu.memory_space<vmem>>
      %dma_wait3A_2618 = tpu.memref_squeeze %dma_wait3A_2617 : memref<1x5x128xi32, #tpu.memory_space<vmem>> -> memref<5x128xi32, #tpu.memory_space<vmem>>
      %dma_wait3A_2619 = arith.constant 0 : i32
      %dma_wait3A_2620 = tpu.memref_slice %dma_wait3A_2618[%dma_wait3A_2603, %dma_wait3A_2619] : memref<5x128xi32, #tpu.memory_space<vmem>> -> memref<1x128xi32, #tpu.memory_space<vmem>>
      %dma_wait3A_2621 = tpu.memref_squeeze %dma_wait3A_2620 : memref<1x128xi32, #tpu.memory_space<vmem>> -> memref<128xi32, #tpu.memory_space<vmem>>
      %dma_wait3A_2622 = arith.constant 0 : i32
      %dma_wait3A_2623 = arith.constant 0 : i32
      %dma_wait3A_2624 = tpu.memref_slice %arg3[%dma_wait3A_2622, %dma_wait3A_2623] : memref<1000000x32xf32, #tpu.memory_space<hbm>> -> memref<1000000x32xf32, #tpu.memory_space<hbm>>
      tpu.wait_indirect_dma semaphore(%arg14 : memref<!tpu.dma_semaphore, #tpu.memory_space<semaphore_mem>>) src(%dma_wait3A_2624 : memref<1000000x32xf32, #tpu.memory_space<hbm>>) dst(%dma_wait3A_2614 : memref<128x32xf32, #tpu.memory_space<vmem>>)
      %dma_wait3A_2625 = arith.constant 3 : i32
      %dma_wait3A_2626 = arith.constant 3 : i32
      %dma_wait3A_2627 = arith.constant 3 : i32
      %dma_wait3A_2628 = arith.constant 3 : i32
      %dma_wait3A_2629 = arith.constant 0 : i32
      %dma_wait3A_2630 = arith.constant 0 : i32
      %dma_wait3A_2631 = arith.constant 0 : i32
      %dma_wait3A_2632 = tpu.memref_slice %arg6[%dma_wait3A_2627, %dma_wait3A_2629, %dma_wait3A_2630, %dma_wait3A_2631] : memref<4x5x128x32xf32, #tpu.memory_space<vmem>> -> memref<1x5x128x32xf32, #tpu.memory_space<vmem>>
      %dma_wait3A_2633 = tpu.memref_squeeze %dma_wait3A_2632 : memref<1x5x128x32xf32, #tpu.memory_space<vmem>> -> memref<5x128x32xf32, #tpu.memory_space<vmem>>
      %dma_wait3A_2634 = arith.constant 0 : i32
      %dma_wait3A_2635 = arith.constant 0 : i32
      %dma_wait3A_2636 = tpu.memref_slice %dma_wait3A_2633[%dma_wait3A_2628, %dma_wait3A_2634, %dma_wait3A_2635] : memref<5x128x32xf32, #tpu.memory_space<vmem>> -> memref<1x128x32xf32, #tpu.memory_space<vmem>>
      %dma_wait3A_2637 = tpu.memref_squeeze %dma_wait3A_2636 : memref<1x128x32xf32, #tpu.memory_space<vmem>> -> memref<128x32xf32, #tpu.memory_space<vmem>>
      %dma_wait3A_2638 = arith.constant 0 : i32
      %dma_wait3A_2639 = arith.constant 0 : i32
      %dma_wait3A_2640 = tpu.memref_slice %arg5[%dma_wait3A_2625, %dma_wait3A_2638, %dma_wait3A_2639] : memref<4x5x128xi32, #tpu.memory_space<vmem>> -> memref<1x5x128xi32, #tpu.memory_space<vmem>>
      %dma_wait3A_2641 = tpu.memref_squeeze %dma_wait3A_2640 : memref<1x5x128xi32, #tpu.memory_space<vmem>> -> memref<5x128xi32, #tpu.memory_space<vmem>>
      %dma_wait3A_2642 = arith.constant 0 : i32
      %dma_wait3A_2643 = tpu.memref_slice %dma_wait3A_2641[%dma_wait3A_2626, %dma_wait3A_2642] : memref<5x128xi32, #tpu.memory_space<vmem>> -> memref<1x128xi32, #tpu.memory_space<vmem>>
      %dma_wait3A_2644 = tpu.memref_squeeze %dma_wait3A_2643 : memref<1x128xi32, #tpu.memory_space<vmem>> -> memref<128xi32, #tpu.memory_space<vmem>>
      %dma_wait3A_2645 = arith.constant 0 : i32
      %dma_wait3A_2646 = arith.constant 0 : i32
      %dma_wait3A_2647 = tpu.memref_slice %arg3[%dma_wait3A_2645, %dma_wait3A_2646] : memref<1000000x32xf32, #tpu.memory_space<hbm>> -> memref<1000000x32xf32, #tpu.memory_space<hbm>>
      tpu.wait_indirect_dma semaphore(%arg14 : memref<!tpu.dma_semaphore, #tpu.memory_space<semaphore_mem>>) src(%dma_wait3A_2647 : memref<1000000x32xf32, #tpu.memory_space<hbm>>) dst(%dma_wait3A_2637 : memref<128x32xf32, #tpu.memory_space<vmem>>)
      %dma_wait3A_2648 = arith.constant 3 : i32
      %dma_wait3A_2649 = arith.constant 4 : i32
      %dma_wait3A_2650 = arith.constant 3 : i32
      %dma_wait3A_2651 = arith.constant 4 : i32
      %dma_wait3A_2652 = arith.constant 0 : i32
      %dma_wait3A_2653 = arith.constant 0 : i32
      %dma_wait3A_2654 = arith.constant 0 : i32
      %dma_wait3A_2655 = tpu.memref_slice %arg6[%dma_wait3A_2650, %dma_wait3A_2652, %dma_wait3A_2653, %dma_wait3A_2654] : memref<4x5x128x32xf32, #tpu.memory_space<vmem>> -> memref<1x5x128x32xf32, #tpu.memory_space<vmem>>
      %dma_wait3A_2656 = tpu.memref_squeeze %dma_wait3A_2655 : memref<1x5x128x32xf32, #tpu.memory_space<vmem>> -> memref<5x128x32xf32, #tpu.memory_space<vmem>>
      %dma_wait3A_2657 = arith.constant 0 : i32
      %dma_wait3A_2658 = arith.constant 0 : i32
      %dma_wait3A_2659 = tpu.memref_slice %dma_wait3A_2656[%dma_wait3A_2651, %dma_wait3A_2657, %dma_wait3A_2658] : memref<5x128x32xf32, #tpu.memory_space<vmem>> -> memref<1x128x32xf32, #tpu.memory_space<vmem>>
      %dma_wait3A_2660 = tpu.memref_squeeze %dma_wait3A_2659 : memref<1x128x32xf32, #tpu.memory_space<vmem>> -> memref<128x32xf32, #tpu.memory_space<vmem>>
      %dma_wait3A_2661 = arith.constant 0 : i32
      %dma_wait3A_2662 = arith.constant 0 : i32
      %dma_wait3A_2663 = tpu.memref_slice %arg5[%dma_wait3A_2648, %dma_wait3A_2661, %dma_wait3A_2662] : memref<4x5x128xi32, #tpu.memory_space<vmem>> -> memref<1x5x128xi32, #tpu.memory_space<vmem>>
      %dma_wait3A_2664 = tpu.memref_squeeze %dma_wait3A_2663 : memref<1x5x128xi32, #tpu.memory_space<vmem>> -> memref<5x128xi32, #tpu.memory_space<vmem>>
      %dma_wait3A_2665 = arith.constant 0 : i32
      %dma_wait3A_2666 = tpu.memref_slice %dma_wait3A_2664[%dma_wait3A_2649, %dma_wait3A_2665] : memref<5x128xi32, #tpu.memory_space<vmem>> -> memref<1x128xi32, #tpu.memory_space<vmem>>
      %dma_wait3A_2667 = tpu.memref_squeeze %dma_wait3A_2666 : memref<1x128xi32, #tpu.memory_space<vmem>> -> memref<128xi32, #tpu.memory_space<vmem>>
      %dma_wait3A_2668 = arith.constant 0 : i32
      %dma_wait3A_2669 = arith.constant 0 : i32
      %dma_wait3A_2670 = tpu.memref_slice %arg3[%dma_wait3A_2668, %dma_wait3A_2669] : memref<1000000x32xf32, #tpu.memory_space<hbm>> -> memref<1000000x32xf32, #tpu.memory_space<hbm>>
      tpu.wait_indirect_dma semaphore(%arg14 : memref<!tpu.dma_semaphore, #tpu.memory_space<semaphore_mem>>) src(%dma_wait3A_2670 : memref<1000000x32xf32, #tpu.memory_space<hbm>>) dst(%dma_wait3A_2660 : memref<128x32xf32, #tpu.memory_space<vmem>>)
      %add3A_2671 = arith.constant 3 : i32
      %add3A_2672 = arith.addi %mul3A_1342, %add3A_2671 : i32
      %mul3A_2673 = arith.constant 5 : i32
      %mul3A_2674 = arith.muli %add3A_2672, %mul3A_2673 : i32
      %dma_start3A_2675 = arith.constant 3 : i32
      %dma_start3A_2676 = arith.constant 0 : i32
      %dma_start3A_2677 = arith.constant 0 : i32
      %dma_start3A_2678 = arith.constant 0 : i32
      %dma_start3A_2679 = tpu.memref_slice %arg6[%dma_start3A_2675, %dma_start3A_2676, %dma_start3A_2677, %dma_start3A_2678] : memref<4x5x128x32xf32, #tpu.memory_space<vmem>> -> memref<1x5x128x32xf32, #tpu.memory_space<vmem>>
      %dma_start3A_2680 = tpu.memref_squeeze %dma_start3A_2679 : memref<1x5x128x32xf32, #tpu.memory_space<vmem>> -> memref<5x128x32xf32, #tpu.memory_space<vmem>>
      %dma_start3A_2681 = arith.constant 0 : i32
      %dma_start3A_2682 = arith.constant 0 : i32
      %dma_start3A_2683 = arith.constant 0 : i32
      %dma_start3A_2684 = tpu.memref_slice %arg4[%add3A, %dma_start3A_2681, %dma_start3A_2682, %dma_start3A_2683] : memref<32x200x128x32xf32, #tpu.memory_space<hbm>> -> memref<1x200x128x32xf32, #tpu.memory_space<hbm>>
      %dma_start3A_2685 = tpu.memref_squeeze %dma_start3A_2684 : memref<1x200x128x32xf32, #tpu.memory_space<hbm>> -> memref<200x128x32xf32, #tpu.memory_space<hbm>>
      %dma_start3A_2686 = arith.constant 0 : i32
      %dma_start3A_2687 = arith.constant 0 : i32
      %dma_start3A_2688 = tpu.memref_slice %dma_start3A_2685[%mul3A_2674, %dma_start3A_2686, %dma_start3A_2687] : memref<200x128x32xf32, #tpu.memory_space<hbm>> -> memref<5x128x32xf32, #tpu.memory_space<hbm>>
      %dma_start3A_2689 = arith.constant 0 : i32
      %dma_start3A_2690 = arith.constant 0 : i32
      %dma_start3A_2691 = arith.constant 0 : i32
      %dma_start3A_2692 = tpu.memref_slice %arg4[%add3A, %dma_start3A_2689, %dma_start3A_2690, %dma_start3A_2691] : memref<32x200x128x32xf32, #tpu.memory_space<hbm>> -> memref<1x200x128x32xf32, #tpu.memory_space<hbm>>
      %dma_start3A_2693 = tpu.memref_squeeze %dma_start3A_2692 : memref<1x200x128x32xf32, #tpu.memory_space<hbm>> -> memref<200x128x32xf32, #tpu.memory_space<hbm>>
      %dma_start3A_2694 = arith.constant 0 : i32
      %dma_start3A_2695 = arith.constant 0 : i32
      %dma_start3A_2696 = tpu.memref_slice %dma_start3A_2693[%mul3A_2674, %dma_start3A_2694, %dma_start3A_2695] : memref<200x128x32xf32, #tpu.memory_space<hbm>> -> memref<5x128x32xf32, #tpu.memory_space<hbm>>
      %dma_start3A_2697 = arith.constant 0 : i32
      %dma_start3A_2698 = arith.constant 0 : i32
      %dma_start3A_2699 = arith.constant 0 : i32
      %dma_start3A_2700 = tpu.memref_slice %arg6[%dma_start3A_2675, %dma_start3A_2697, %dma_start3A_2698, %dma_start3A_2699] : memref<4x5x128x32xf32, #tpu.memory_space<vmem>> -> memref<1x5x128x32xf32, #tpu.memory_space<vmem>>
      %dma_start3A_2701 = tpu.memref_squeeze %dma_start3A_2700 : memref<1x5x128x32xf32, #tpu.memory_space<vmem>> -> memref<5x128x32xf32, #tpu.memory_space<vmem>>
      tpu.enqueue_dma source(%dma_start3A_2701 : memref<5x128x32xf32, #tpu.memory_space<vmem>>) target(%dma_start3A_2696 : memref<5x128x32xf32, #tpu.memory_space<hbm>>) target_semaphore(%arg18 : memref<!tpu.dma_semaphore, #tpu.memory_space<semaphore_mem>>)
    }
    %scan3A_1223 = arith.constant 9 : i32
    %dma_wait3A_1224 = arith.constant 0 : i32
    %dma_wait3A_1225 = arith.constant 0 : i32
    %dma_wait3A_1226 = arith.constant 0 : i32
    %dma_wait3A_1227 = arith.constant 0 : i32
    %dma_wait3A_1228 = tpu.memref_slice %arg6[%dma_wait3A_1224, %dma_wait3A_1225, %dma_wait3A_1226, %dma_wait3A_1227] : memref<4x5x128x32xf32, #tpu.memory_space<vmem>> -> memref<1x5x128x32xf32, #tpu.memory_space<vmem>>
    %dma_wait3A_1229 = tpu.memref_squeeze %dma_wait3A_1228 : memref<1x5x128x32xf32, #tpu.memory_space<vmem>> -> memref<5x128x32xf32, #tpu.memory_space<vmem>>
    %dma_wait3A_1230 = arith.constant 0 : i32
    %dma_wait3A_1231 = arith.constant 0 : i32
    %dma_wait3A_1232 = arith.constant 0 : i32
    %dma_wait3A_1233 = tpu.memref_slice %arg4[%add3A, %dma_wait3A_1230, %dma_wait3A_1231, %dma_wait3A_1232] : memref<32x200x128x32xf32, #tpu.memory_space<hbm>> -> memref<1x200x128x32xf32, #tpu.memory_space<hbm>>
    %dma_wait3A_1234 = tpu.memref_squeeze %dma_wait3A_1233 : memref<1x200x128x32xf32, #tpu.memory_space<hbm>> -> memref<200x128x32xf32, #tpu.memory_space<hbm>>
    %dma_wait3A_1235 = arith.constant 180 : i32
    %dma_wait3A_1236 = arith.constant 0 : i32
    %dma_wait3A_1237 = arith.constant 0 : i32
    %dma_wait3A_1238 = tpu.memref_slice %dma_wait3A_1234[%dma_wait3A_1235, %dma_wait3A_1236, %dma_wait3A_1237] : memref<200x128x32xf32, #tpu.memory_space<hbm>> -> memref<5x128x32xf32, #tpu.memory_space<hbm>>
    %dma_wait3A_1239 = arith.constant 0 : i32
    %dma_wait3A_1240 = arith.constant 0 : i32
    %dma_wait3A_1241 = arith.constant 0 : i32
    %dma_wait3A_1242 = tpu.memref_slice %arg4[%add3A, %dma_wait3A_1239, %dma_wait3A_1240, %dma_wait3A_1241] : memref<32x200x128x32xf32, #tpu.memory_space<hbm>> -> memref<1x200x128x32xf32, #tpu.memory_space<hbm>>
    %dma_wait3A_1243 = tpu.memref_squeeze %dma_wait3A_1242 : memref<1x200x128x32xf32, #tpu.memory_space<hbm>> -> memref<200x128x32xf32, #tpu.memory_space<hbm>>
    %dma_wait3A_1244 = arith.constant 180 : i32
    %dma_wait3A_1245 = arith.constant 0 : i32
    %dma_wait3A_1246 = arith.constant 0 : i32
    %dma_wait3A_1247 = tpu.memref_slice %dma_wait3A_1243[%dma_wait3A_1244, %dma_wait3A_1245, %dma_wait3A_1246] : memref<200x128x32xf32, #tpu.memory_space<hbm>> -> memref<5x128x32xf32, #tpu.memory_space<hbm>>
    %dma_wait3A_1248 = arith.constant 0 : i32
    %dma_wait3A_1249 = arith.constant 0 : i32
    %dma_wait3A_1250 = arith.constant 0 : i32
    %dma_wait3A_1251 = tpu.memref_slice %arg6[%dma_wait3A_1224, %dma_wait3A_1248, %dma_wait3A_1249, %dma_wait3A_1250] : memref<4x5x128x32xf32, #tpu.memory_space<vmem>> -> memref<1x5x128x32xf32, #tpu.memory_space<vmem>>
    %dma_wait3A_1252 = tpu.memref_squeeze %dma_wait3A_1251 : memref<1x5x128x32xf32, #tpu.memory_space<vmem>> -> memref<5x128x32xf32, #tpu.memory_space<vmem>>
    tpu.wait_dma2 semaphore(%arg15 : memref<!tpu.dma_semaphore, #tpu.memory_space<semaphore_mem>>) src(%dma_wait3A_1252 : memref<5x128x32xf32, #tpu.memory_space<vmem>>) dst(%dma_wait3A_1247 : memref<5x128x32xf32, #tpu.memory_space<hbm>>)
    %dma_wait3A_1253 = arith.constant 1 : i32
    %dma_wait3A_1254 = arith.constant 0 : i32
    %dma_wait3A_1255 = arith.constant 0 : i32
    %dma_wait3A_1256 = arith.constant 0 : i32
    %dma_wait3A_1257 = tpu.memref_slice %arg6[%dma_wait3A_1253, %dma_wait3A_1254, %dma_wait3A_1255, %dma_wait3A_1256] : memref<4x5x128x32xf32, #tpu.memory_space<vmem>> -> memref<1x5x128x32xf32, #tpu.memory_space<vmem>>
    %dma_wait3A_1258 = tpu.memref_squeeze %dma_wait3A_1257 : memref<1x5x128x32xf32, #tpu.memory_space<vmem>> -> memref<5x128x32xf32, #tpu.memory_space<vmem>>
    %dma_wait3A_1259 = arith.constant 0 : i32
    %dma_wait3A_1260 = arith.constant 0 : i32
    %dma_wait3A_1261 = arith.constant 0 : i32
    %dma_wait3A_1262 = tpu.memref_slice %arg4[%add3A, %dma_wait3A_1259, %dma_wait3A_1260, %dma_wait3A_1261] : memref<32x200x128x32xf32, #tpu.memory_space<hbm>> -> memref<1x200x128x32xf32, #tpu.memory_space<hbm>>
    %dma_wait3A_1263 = tpu.memref_squeeze %dma_wait3A_1262 : memref<1x200x128x32xf32, #tpu.memory_space<hbm>> -> memref<200x128x32xf32, #tpu.memory_space<hbm>>
    %dma_wait3A_1264 = arith.constant 185 : i32
    %dma_wait3A_1265 = arith.constant 0 : i32
    %dma_wait3A_1266 = arith.constant 0 : i32
    %dma_wait3A_1267 = tpu.memref_slice %dma_wait3A_1263[%dma_wait3A_1264, %dma_wait3A_1265, %dma_wait3A_1266] : memref<200x128x32xf32, #tpu.memory_space<hbm>> -> memref<5x128x32xf32, #tpu.memory_space<hbm>>
    %dma_wait3A_1268 = arith.constant 0 : i32
    %dma_wait3A_1269 = arith.constant 0 : i32
    %dma_wait3A_1270 = arith.constant 0 : i32
    %dma_wait3A_1271 = tpu.memref_slice %arg4[%add3A, %dma_wait3A_1268, %dma_wait3A_1269, %dma_wait3A_1270] : memref<32x200x128x32xf32, #tpu.memory_space<hbm>> -> memref<1x200x128x32xf32, #tpu.memory_space<hbm>>
    %dma_wait3A_1272 = tpu.memref_squeeze %dma_wait3A_1271 : memref<1x200x128x32xf32, #tpu.memory_space<hbm>> -> memref<200x128x32xf32, #tpu.memory_space<hbm>>
    %dma_wait3A_1273 = arith.constant 185 : i32
    %dma_wait3A_1274 = arith.constant 0 : i32
    %dma_wait3A_1275 = arith.constant 0 : i32
    %dma_wait3A_1276 = tpu.memref_slice %dma_wait3A_1272[%dma_wait3A_1273, %dma_wait3A_1274, %dma_wait3A_1275] : memref<200x128x32xf32, #tpu.memory_space<hbm>> -> memref<5x128x32xf32, #tpu.memory_space<hbm>>
    %dma_wait3A_1277 = arith.constant 0 : i32
    %dma_wait3A_1278 = arith.constant 0 : i32
    %dma_wait3A_1279 = arith.constant 0 : i32
    %dma_wait3A_1280 = tpu.memref_slice %arg6[%dma_wait3A_1253, %dma_wait3A_1277, %dma_wait3A_1278, %dma_wait3A_1279] : memref<4x5x128x32xf32, #tpu.memory_space<vmem>> -> memref<1x5x128x32xf32, #tpu.memory_space<vmem>>
    %dma_wait3A_1281 = tpu.memref_squeeze %dma_wait3A_1280 : memref<1x5x128x32xf32, #tpu.memory_space<vmem>> -> memref<5x128x32xf32, #tpu.memory_space<vmem>>
    tpu.wait_dma2 semaphore(%arg16 : memref<!tpu.dma_semaphore, #tpu.memory_space<semaphore_mem>>) src(%dma_wait3A_1281 : memref<5x128x32xf32, #tpu.memory_space<vmem>>) dst(%dma_wait3A_1276 : memref<5x128x32xf32, #tpu.memory_space<hbm>>)
    %dma_wait3A_1282 = arith.constant 2 : i32
    %dma_wait3A_1283 = arith.constant 0 : i32
    %dma_wait3A_1284 = arith.constant 0 : i32
    %dma_wait3A_1285 = arith.constant 0 : i32
    %dma_wait3A_1286 = tpu.memref_slice %arg6[%dma_wait3A_1282, %dma_wait3A_1283, %dma_wait3A_1284, %dma_wait3A_1285] : memref<4x5x128x32xf32, #tpu.memory_space<vmem>> -> memref<1x5x128x32xf32, #tpu.memory_space<vmem>>
    %dma_wait3A_1287 = tpu.memref_squeeze %dma_wait3A_1286 : memref<1x5x128x32xf32, #tpu.memory_space<vmem>> -> memref<5x128x32xf32, #tpu.memory_space<vmem>>
    %dma_wait3A_1288 = arith.constant 0 : i32
    %dma_wait3A_1289 = arith.constant 0 : i32
    %dma_wait3A_1290 = arith.constant 0 : i32
    %dma_wait3A_1291 = tpu.memref_slice %arg4[%add3A, %dma_wait3A_1288, %dma_wait3A_1289, %dma_wait3A_1290] : memref<32x200x128x32xf32, #tpu.memory_space<hbm>> -> memref<1x200x128x32xf32, #tpu.memory_space<hbm>>
    %dma_wait3A_1292 = tpu.memref_squeeze %dma_wait3A_1291 : memref<1x200x128x32xf32, #tpu.memory_space<hbm>> -> memref<200x128x32xf32, #tpu.memory_space<hbm>>
    %dma_wait3A_1293 = arith.constant 190 : i32
    %dma_wait3A_1294 = arith.constant 0 : i32
    %dma_wait3A_1295 = arith.constant 0 : i32
    %dma_wait3A_1296 = tpu.memref_slice %dma_wait3A_1292[%dma_wait3A_1293, %dma_wait3A_1294, %dma_wait3A_1295] : memref<200x128x32xf32, #tpu.memory_space<hbm>> -> memref<5x128x32xf32, #tpu.memory_space<hbm>>
    %dma_wait3A_1297 = arith.constant 0 : i32
    %dma_wait3A_1298 = arith.constant 0 : i32
    %dma_wait3A_1299 = arith.constant 0 : i32
    %dma_wait3A_1300 = tpu.memref_slice %arg4[%add3A, %dma_wait3A_1297, %dma_wait3A_1298, %dma_wait3A_1299] : memref<32x200x128x32xf32, #tpu.memory_space<hbm>> -> memref<1x200x128x32xf32, #tpu.memory_space<hbm>>
    %dma_wait3A_1301 = tpu.memref_squeeze %dma_wait3A_1300 : memref<1x200x128x32xf32, #tpu.memory_space<hbm>> -> memref<200x128x32xf32, #tpu.memory_space<hbm>>
    %dma_wait3A_1302 = arith.constant 190 : i32
    %dma_wait3A_1303 = arith.constant 0 : i32
    %dma_wait3A_1304 = arith.constant 0 : i32
    %dma_wait3A_1305 = tpu.memref_slice %dma_wait3A_1301[%dma_wait3A_1302, %dma_wait3A_1303, %dma_wait3A_1304] : memref<200x128x32xf32, #tpu.memory_space<hbm>> -> memref<5x128x32xf32, #tpu.memory_space<hbm>>
    %dma_wait3A_1306 = arith.constant 0 : i32
    %dma_wait3A_1307 = arith.constant 0 : i32
    %dma_wait3A_1308 = arith.constant 0 : i32
    %dma_wait3A_1309 = tpu.memref_slice %arg6[%dma_wait3A_1282, %dma_wait3A_1306, %dma_wait3A_1307, %dma_wait3A_1308] : memref<4x5x128x32xf32, #tpu.memory_space<vmem>> -> memref<1x5x128x32xf32, #tpu.memory_space<vmem>>
    %dma_wait3A_1310 = tpu.memref_squeeze %dma_wait3A_1309 : memref<1x5x128x32xf32, #tpu.memory_space<vmem>> -> memref<5x128x32xf32, #tpu.memory_space<vmem>>
    tpu.wait_dma2 semaphore(%arg17 : memref<!tpu.dma_semaphore, #tpu.memory_space<semaphore_mem>>) src(%dma_wait3A_1310 : memref<5x128x32xf32, #tpu.memory_space<vmem>>) dst(%dma_wait3A_1305 : memref<5x128x32xf32, #tpu.memory_space<hbm>>)
    %dma_wait3A_1311 = arith.constant 3 : i32
    %dma_wait3A_1312 = arith.constant 0 : i32
    %dma_wait3A_1313 = arith.constant 0 : i32
    %dma_wait3A_1314 = arith.constant 0 : i32
    %dma_wait3A_1315 = tpu.memref_slice %arg6[%dma_wait3A_1311, %dma_wait3A_1312, %dma_wait3A_1313, %dma_wait3A_1314] : memref<4x5x128x32xf32, #tpu.memory_space<vmem>> -> memref<1x5x128x32xf32, #tpu.memory_space<vmem>>
    %dma_wait3A_1316 = tpu.memref_squeeze %dma_wait3A_1315 : memref<1x5x128x32xf32, #tpu.memory_space<vmem>> -> memref<5x128x32xf32, #tpu.memory_space<vmem>>
    %dma_wait3A_1317 = arith.constant 0 : i32
    %dma_wait3A_1318 = arith.constant 0 : i32
    %dma_wait3A_1319 = arith.constant 0 : i32
    %dma_wait3A_1320 = tpu.memref_slice %arg4[%add3A, %dma_wait3A_1317, %dma_wait3A_1318, %dma_wait3A_1319] : memref<32x200x128x32xf32, #tpu.memory_space<hbm>> -> memref<1x200x128x32xf32, #tpu.memory_space<hbm>>
    %dma_wait3A_1321 = tpu.memref_squeeze %dma_wait3A_1320 : memref<1x200x128x32xf32, #tpu.memory_space<hbm>> -> memref<200x128x32xf32, #tpu.memory_space<hbm>>
    %dma_wait3A_1322 = arith.constant 195 : i32
    %dma_wait3A_1323 = arith.constant 0 : i32
    %dma_wait3A_1324 = arith.constant 0 : i32
    %dma_wait3A_1325 = tpu.memref_slice %dma_wait3A_1321[%dma_wait3A_1322, %dma_wait3A_1323, %dma_wait3A_1324] : memref<200x128x32xf32, #tpu.memory_space<hbm>> -> memref<5x128x32xf32, #tpu.memory_space<hbm>>
    %dma_wait3A_1326 = arith.constant 0 : i32
    %dma_wait3A_1327 = arith.constant 0 : i32
    %dma_wait3A_1328 = arith.constant 0 : i32
    %dma_wait3A_1329 = tpu.memref_slice %arg4[%add3A, %dma_wait3A_1326, %dma_wait3A_1327, %dma_wait3A_1328] : memref<32x200x128x32xf32, #tpu.memory_space<hbm>> -> memref<1x200x128x32xf32, #tpu.memory_space<hbm>>
    %dma_wait3A_1330 = tpu.memref_squeeze %dma_wait3A_1329 : memref<1x200x128x32xf32, #tpu.memory_space<hbm>> -> memref<200x128x32xf32, #tpu.memory_space<hbm>>
    %dma_wait3A_1331 = arith.constant 195 : i32
    %dma_wait3A_1332 = arith.constant 0 : i32
    %dma_wait3A_1333 = arith.constant 0 : i32
    %dma_wait3A_1334 = tpu.memref_slice %dma_wait3A_1330[%dma_wait3A_1331, %dma_wait3A_1332, %dma_wait3A_1333] : memref<200x128x32xf32, #tpu.memory_space<hbm>> -> memref<5x128x32xf32, #tpu.memory_space<hbm>>
    %dma_wait3A_1335 = arith.constant 0 : i32
    %dma_wait3A_1336 = arith.constant 0 : i32
    %dma_wait3A_1337 = arith.constant 0 : i32
    %dma_wait3A_1338 = tpu.memref_slice %arg6[%dma_wait3A_1311, %dma_wait3A_1335, %dma_wait3A_1336, %dma_wait3A_1337] : memref<4x5x128x32xf32, #tpu.memory_space<vmem>> -> memref<1x5x128x32xf32, #tpu.memory_space<vmem>>
    %dma_wait3A_1339 = tpu.memref_squeeze %dma_wait3A_1338 : memref<1x5x128x32xf32, #tpu.memory_space<vmem>> -> memref<5x128x32xf32, #tpu.memory_space<vmem>>
    tpu.wait_dma2 semaphore(%arg18 : memref<!tpu.dma_semaphore, #tpu.memory_space<semaphore_mem>>) src(%dma_wait3A_1339 : memref<5x128x32xf32, #tpu.memory_space<vmem>>) dst(%dma_wait3A_1334 : memref<5x128x32xf32, #tpu.memory_space<hbm>>)
    return
  }
}

</mosaic_0001>

<sc_bundles>
// kernel: kernel.3.cloned.1.call-start
scs
__scs_entry_jumppad:
0x0: {  	(pc) =	sbr.rel $0x88, $3  }
0x1: {  	(tag) =	ssettag $0x0;
	lr =	simm.s32 $0x1  }
0x2: {  	[smem:$0x3F9F] =	sst lr;
	_ =	strace $0xD0000000  }
0x3: {  	_ = 	snop  }
0x4: {  	_ = 	snop  }
0x5: {  	_ = 	snop  }
0x6: {  	_ = 	snop  }
0x7: {  	_ = 	snop  }
__scs_overlays_trampoline_lowered:
0x8: {  	[smem:$0x3FAE] =	sst s0  }
0x9: {  	[smem:$0x3FAF] =	sst s1  }
0xa: {  	[smem:$0x3FB0] =	sst s2  }
0xb: {  	[smem:$0x3FB1] =	sst s3  }
0xc: {  	[smem:$0x3FB2] =	sst s4  }
0xd: {  	[smem:$0x3FB3] =	sst s5  }
0xe: {  	[smem:$0x3FB4] =	sst s6  }
0xf: {  	[smem:$0x3FB5] =	sst s7  }
0x10: {  	[smem:$0x3FB6] =	sst s8  }
0x11: {  	[smem:$0x3FB7] =	sst s9;
	s0 =	simm.s32 @!p0 $0x0  }
0x12: {  	s1 =	sld [smem:$0x3F9D];
	s0 =	simm.s32 @p0 $0x1  }
0x13: {  	[smem:$0x3FB8] =	sst s0;
	s0 =	simm.s32 @!p1 $0x0  }
0x14: {  	s2 =	sld [smem:$0x3F9C];
	s0 =	simm.s32 @p1 $0x1  }
0x15: {  	[smem:$0x3FB9] =	sst s0;
	s0 =	simm.s32 @!p2 $0x0  }
0x16: {  	s3 =	sld [smem:$0x3FDB];
	s0 =	simm.s32 @p2 $0x1  }
0x17: {  	s4 =	simm.s32 $0x1BF5;
	[smem:$0x3FBB] =	sst s0  }
0x18: {  	s0 =	sld [smem:$0x3F9E];
	_ =	swait.ge [sflag:s4], $0x0  }
0x19: {  	s7 =	sld [smem:$0x3F9F]  }
0x1a: {  	s8 =	sadd.s32 $0xFFFFE003, lr  }
0x1b: {  	s9 =	sadd.s32 $0xFFFFFEF7, lr;
	s5 =	simm.s32 $0xFFFFFFFF;
	p2 =	slt.u32 s8, $0xFFFFF086  }
0x1c: {  	p1 =	slt.u32 s9, $0xF7A;
	s5 =	simm.s32 @!p2 $0x0  }
0x1d: {  	s5 =	simm.s32 @p1 $0x1;
	p0 =	seq.s32 s7, s2  }
0x1e: {  	s7 =	smul.u32 @!p0 $0xF7A, s2;
	p2 =	seq.s32 @!p0 s5, $0x0  }
0x1f: {  	s9 =	smul.u32 $0xF7A, s1;
	s8 =	simm.s32 @!p0 $0x1BF5;
	p2 =	por !p2, p0  }
0x20: {  	[sflag:s8] =	ssyncset.s32 @!p0 $0xFFFFF086;
	s6 =	sadd.s32 @!p0 s3, s7;
	s7 =	simm.s32 @!p0 $0x108  }
0x21: {  	s3 =	sadd.s32 s3, s9;
	s6 =	sadd.s32 @!p0 $0x88, s6;
	s7 =	simm.s32 @p2 $0x1082  }
0x22: {  	[simem:s7], [sflag:s8] =	dma.local @!p0 [hbm:s6], $0xF7A  }
0x23: {  	s9 =	sor.u32 $0xD0000000, s2;
	s6 =	simm.s32 $0x108;
	_ =	swait.ge @!p0 [sflag:s8], $0x0  }
0x24: {  	s3 =	sadd.s32 $0x88, s3;
	s6 =	simm.s32 @!p1 $0x1082;
	[sflag:s4] =	ssyncset.s32 $0xFFFFF086  }
0x25: {  	[simem:s6], [sflag:s4] =	dma.local [hbm:s3], $0xF7A  }
0x26: {  	[smem:$0x3F9F] =	sst s1;
	(tag) =	ssettag s2;
	_ =	strace s9  }
0x27: {  	s1 =	sld [smem:$0x3FAF]  }
0x28: {  	s2 =	sld [smem:$0x3FB0]  }
0x29: {  	s4 =	sld [smem:$0x3FB2]  }
0x2a: {  	p0 =	seq.s32 s5, $0x0;
	s5 =	sld [smem:$0x3FB3]  }
0x2b: {  	s6 =	sld [smem:$0x3FB4]  }
0x2c: {  	s7 =	sld [smem:$0x3FB5]  }
0x2d: {  	s3 =	simm.s32 $0x108;
	s8 =	sld [smem:$0x3FB6]  }
0x2e: {  	s3 =	simm.s32 @!p0 $0x1082;
	s9 =	sld [smem:$0x3FB7]  }
0x2f: {  	lr =	sadd.s32 s0, s3;
	s0 =	sld [smem:$0x3FAE]  }
0x30: {  	s3 =	sld [smem:$0x3FB1]  }
0x31: {  	[smem:$0x3FBA] =	sst s10  }
0x32: {  	s10 =	sld [smem:$0x3FB8];
	_ =	sdelay $0x3  }
0x33: {  	p0 =	seq.s32 s10, $0x1;
	s10 =	sld [smem:$0x3FBA];
	_ =	sdelay $0x3  }
0x34: {  	[smem:$0x3FBA] =	sst s10  }
0x35: {  	s10 =	sld [smem:$0x3FB9];
	_ =	sdelay $0x3  }
0x36: {  	p1 =	seq.s32 s10, $0x1;
	s10 =	sld [smem:$0x3FBA];
	_ =	sdelay $0x3  }
0x37: {  	[smem:$0x3FBA] =	sst s10  }
0x38: {  	s10 =	sld [smem:$0x3FBB]  }
0x39: {  	_ = 	snop;
	(pc) =	sbr.ind lr, $3  }
0x3a: {  	_ = 	snop  }
0x3b: {  	_ = 	snop  }
0x3c: {  	p2 =	seq.s32 s10, $0x1;
	s10 =	sld [smem:$0x3FBA]  }
0x3d: {  	_ =	shalt  }
0x3e: {  	_ =	shalt  }
0x3f: {  	_ =	shalt  }
0x40: {  	_ =	shalt  }
0x41: {  	_ =	shalt  }
0x42: {  	_ =	shalt  }
0x43: {  	_ =	shalt  }
0x44: {  	_ =	shalt  }
0x45: {  	_ =	shalt  }
0x46: {  	_ =	shalt  }
0x47: {  	_ =	shalt  }
0x48: {  	_ =	shalt  }
0x49: {  	_ =	shalt  }
0x4a: {  	_ =	shalt  }
0x4b: {  	_ =	shalt  }
0x4c: {  	_ =	shalt  }
0x4d: {  	_ =	shalt  }
0x4e: {  	_ =	shalt  }
0x4f: {  	_ =	shalt  }
0x50: {  	_ =	shalt  }
0x51: {  	_ =	shalt  }
0x52: {  	_ =	shalt  }
0x53: {  	_ =	shalt  }
0x54: {  	_ =	shalt  }
0x55: {  	_ =	shalt  }
0x56: {  	_ =	shalt  }
0x57: {  	_ =	shalt  }
0x58: {  	_ =	shalt  }
0x59: {  	_ =	shalt  }
0x5a: {  	_ =	shalt  }
0x5b: {  	_ =	shalt  }
0x5c: {  	_ =	shalt  }
0x5d: {  	_ =	shalt  }
0x5e: {  	_ =	shalt  }
0x5f: {  	_ =	shalt  }
0x60: {  	_ =	shalt  }
0x61: {  	_ =	shalt  }
0x62: {  	_ =	shalt  }
0x63: {  	_ =	shalt  }
0x64: {  	_ =	shalt  }
0x65: {  	_ =	shalt  }
0x66: {  	_ =	shalt  }
0x67: {  	_ =	shalt  }
0x68: {  	_ =	shalt  }
0x69: {  	_ =	shalt  }
0x6a: {  	_ =	shalt  }
0x6b: {  	_ =	shalt  }
0x6c: {  	_ =	shalt  }
0x6d: {  	_ =	shalt  }
0x6e: {  	_ =	shalt  }
0x6f: {  	_ =	shalt  }
0x70: {  	_ =	shalt  }
0x71: {  	_ =	shalt  }
0x72: {  	_ =	shalt  }
0x73: {  	_ =	shalt  }
0x74: {  	_ =	shalt  }
0x75: {  	_ =	shalt  }
0x76: {  	_ =	shalt  }
0x77: {  	_ =	shalt  }
0x78: {  	_ =	shalt  }
0x79: {  	_ =	shalt  }
0x7a: {  	_ =	shalt  }
0x7b: {  	_ =	shalt  }
0x7c: {  	_ =	shalt  }
0x7d: {  	_ =	shalt  }
0x7e: {  	_ =	shalt  }
0x7f: {  	_ =	shalt  }
0x80: {  	_ =	shalt  }
0x81: {  	_ =	shalt  }
0x82: {  	_ =	shalt  }
0x83: {  	_ =	shalt  }
0x84: {  	_ =	shalt  }
0x85: {  	_ =	shalt  }
0x86: {  	_ =	shalt  }
0x87: {  	_ =	shalt  }
.Lfunc_end0:
.L_simem_size_0:
called_computation.1_lowered:
.L_overlay_start_0:
0x88: {  	s2 =	sld [smem:$0x3FD9]  }
0x89: {  	s3 =	sld [smem:$0x3FFE];
	_ =	sdelay $0x1  }
0x8a: {  	s1 =	srdreg.scid  }
0x8b: {  	s0 =	sand.u32 $0x1, s1  }
0x8c: {  	s17 =	sshll.u32 s0, $0xA;
	s2 =	sadd.s32 s3, s2  }
0x8d: {  	s2 =	sadd.s32 s2, s17  }
0x8e: {  	[smem:$0x3FC6] =	sst s2  }
0x8f: {  	_ = 	snop  }
0x90: {  	s2 =	sld [smem:$0x3FD0];
	(tm) =	ssettm $0x1  }
0x91: {  	s18 =	sld [smem:$0x3FFB];
	_ =	sdelay $0x3  }
0x92: {  	_ =	strace s18  }
0x93: {  	s3 =	sld [smem:$0x3FFC];
	_ =	sdelay $0x3  }
0x94: {  	_ =	strace s3  }
0x95: {  	s3 =	sld [smem:$0x3FFD];
	_ =	sdelay $0x3  }
0x96: {  	_ =	strace s3  }
0x97: {  	_ =	strace $0x8FFFFFFF  }
0x98: {  	s19 =	sld [smem:$0x3FDB];
	_ =	sdelay $0x1  }
0x99: {  	s4 =	simm.s32 $_scs_section_size  }
0x9a: {  	s5 =	simm.s32 $_size__tile_overlayer_lowered;
	s6 =	simm.s32 $_tile_overlayer_lowered  }
0x9b: {  	s22 =	simm.s32 $0x1BFF;
	s21 =	sshll.u32 s6, $0x1;
	s3 =	sadd.s32 s4, s19  }
0x9c: {  	s7 =	simm.s32 $0x0;
	s20 =	sshll.u32 s5, $0x1;
	s5 =	sadd.s32 s21, s3  }
0x9d: {  	[timem:s7], [sflag:s22] =	dma.local [hbm:s5], s20  }
0x9e: {  	_ =	swait.ge [sflag:s22], s20  }
0x9f: {  	s4 =	ssub.s32 $0x0, s20;
	[sflag:s22] =	ssyncset.done $0x0  }
0xa0: {  	[sflag:s22] =	ssyncadd.s32 s4;
	_ =	sdelay $0x1  }
0xa1: {  	s23 =	simm.s32 $0x1B8B  }
0xa2: {  	_ =	swait.ge [sflag:s23], $0x1  }
0xa3: {  	[sflag:s23] =	ssyncset.done $0x0  }
0xa4: {  	s25 =	simm.s32 $0x1B8E;
	s24 =	sld [smem:$0x3FFE];
	[sflag:s23] =	ssyncadd.s32 $0xFFFFFFFF  }
0xa5: {  	s26 =	simm.s32 $execute0_lowered;
	[smem:$0x3FD2] =	sst s25  }
0xa6: {  	s5 =	sshll.u32 s26, $0x1;
	_ =	strace $0x80000046;
	[dreg:$0x1] =	wrdreg $0xFFFFFFFF  }
0xa7: {  	s28 =	simm.s32 $_size_execute0_lowered;
	s3 =	sadd.s32 s3, s5;
	[dreg:$0x0] =	wrdreg $0x0  }
0xa8: {  	s5 =	sshll.u32 s28, $0x1;
	[dreg:$0x2] =	wrdreg s3  }
0xa9: {  	[dreg:$0x3] =	wrdreg s5  }
0xaa: {  	[dreg:$0x4] =	wrdreg $0xC0  }
0xab: {  	_ =	task [dreg:s7], $0x5FFFF  }
0xac: {  	[dreg:$0x1] =	wrdreg $0xFFFFFFFF  }
0xad: {  	[dreg:$0x0] =	wrdreg $0x60  }
0xae: {  	[dreg:$0x2] =	wrdreg s24  }
0xaf: {  	[dreg:$0x3] =	wrdreg s2  }
0xb0: {  	[dreg:$0x4] =	wrdreg $0x9  }
0xb1: {  	_ =	task.clear_ibuf [dreg:s7], $0x5FFFF;
	_ =	strace $0x90000046  }
0xb2: {  	s29 =	simm.s32 $0x9;
	_ =	strace $0x80000048  }
0xb3: {  	_ =	swait.ge [sflag:s29], $0x1  }
0xb4: {  	[sflag:s29] =	ssyncadd.s32 $0xFFFFFFFF  }
0xb5: {  	_ =	strace $0x90000048  }
0xb6: {  	_ =	sfence  }
0xb7: {  	s30 =	sld [smem:$0x0];
	_ =	sdelay $0x2  }
0xb8: {  	s31 =	sshll.u32 s1, $0xD;
	s1 =	sshrl.u32 s1, $0x2  }
0xb9: {  	s3 =	sand.u32 $0x4000, s31;
	s1 =	sadd.s32 s1, s30  }
0xba: {  	s0 =	sor.u32 s3, s0;
	s1 =	sshll.u32 s1, $0x11  }
0xbb: {  	s0 =	sor.u32 s1, s0  }
0xbc: {  	s0 =	sadd.s32 $0x8F2B, s0  }
0xbd: {  	[sflag:s0] =	ssyncadd.remote.s32 $0x1  }
0xbe: {  	_ =	sfence.sel $0xFFFF  }
0xbf: {  	[dreg:$0x0] =	wrdreg $0xFFFFFFFF;
	(pc) =	sbr.abs _section_cstart, $3  }
0xc0: {  	[dreg:$0x1] =	wrdreg $0xFFFFFFFF  }
0xc1: {  	_ =	task.clear_ibuf [dreg:s7], $0x2FFFF;
	_ =	strace $0x9FFFFFFF  }
0xc2: {  	(tm) =	ssettm $0x7FFFFFFF  }
0xc3: {  	_ =	shalt  }
tec
execute0_lowered:
.L_overlay_start_1:
0x0: {  	(tag) =	ssettag $0x1  }
0x1: {  	s0 =	srdreg.scid;
	s1 =	rddreg [dreg:$0x0]  }
0x2: {  	s2 =	stileid.u32;
	s4 =	rddreg [dreg:$0x1];
	s11 =	simm.s32 $0x280  }
0x3: {  	s12 =	simm.s32 $0x500;
	s13 =	simm.s32 $0x780;
	s14 =	simm.s32 $0x1  }
0x4: {  	s15 =	simm.s32 $0x80;
	s16 =	simm.s32 $0xA00;
	s28 =	simm.s32 $0x1A00  }
0x5: {  	s29 =	simm.s32 $0x3A00;
	s8 =	simm.s32 $0x200;
	s30 =	simm.s32 $0x4A00  }
0x6: {  	s7 =	simm.s32 $0x5;
	s9 =	simm.s32 $0x6;
	s10 =	simm.s32 $0x7  }
0x7: {  	s17 =	simm.s32 $0x8;
	s18 =	simm.s32 $0x9;
	s19 =	simm.s32 $0xA  }
0x8: {  	s20 =	simm.s32 $0xB;
	s0 =	sand.u32 $0x1, s0;
	s2 =	sshll.u32 s2, $0x1  }
0x9: {  	s5 =	sor.u32 s0, s2;
	s2 =	simm.s32 $0x0;
	s0 =	ssub.s32 $0x2, s0  }
0xa: {  	s3 =	smul.u32 $0xC80, s5;
	[smem:$0x7FF] =	sst s2;
	s21 =	sshrl.u32 s0, $0x1  }
0xb: {  	s5 =	smul.u32 $0x19000, s5;
	_ =	strace $0x80000047;
	s0 =	ssub.s32 s0, s21  }
0xc: {  	s21 =	simm.s32 $0xC;
	s6 =	sadd.s32 s3, s1;
	s0 =	smax.u32 s0, $0x1  }
0xd: {  	s3 =	sadd.s32 $0xF42E00, s1;
	s22 =	sadd.s32 $0xA00, s6;
	[dreg:$0x7] =	wrdreg s0  }
0xe: {  	s31 =	sadd.s32 s4, s5;
	s23 =	sadd.s32 $0xA50, s6;
	[dreg:$0x3] =	wrdreg s22  }
0xf: {  	s1 =	simm.s32 $0x100;
	s24 =	sadd.s32 $0xAA0, s6;
	[dreg:$0x4] =	wrdreg s23  }
0x10: {  	s4 =	simm.s32 $0x180;
	s25 =	sadd.s32 $0xAF0, s6;
	[dreg:$0x5] =	wrdreg s24  }
0x11: {  	s5 =	simm.s32 $0x3;
	s26 =	sadd.s32 $0xC30, s6;
	[dreg:$0x6] =	wrdreg s25  }
0x12: {  	s0 =	simm.s32 $0x2A00;
	s6 =	simm.s32 $0xAA00;
	[dreg:$0x8] =	wrdreg s26  }
0x13: {  	s24 =	simm.s32 $0x2;
	s25 =	simm.s32 $0x5A00;
	s26 =	simm.s32 $0x0  }
0x14: {  	s22 =	simm.s32 $0x4;
	s23 =	simm.s32 $0xFA00;
	[dreg:$0x9] =	wrdreg s26  }
.LBB2_1:
0x15: {  	s26 =	rddreg [dreg:$0x3]  }
0x16: {  	[tilespmem:s2], [sflag:$0x1] =	stream.linear.gather [hbm4b:s26+s2], $0x280, $0x38;
	[tilespmem:$0x14A00] =	vst v63  }
0x17: {  	s26 =	rddreg [dreg:$0x4]  }
0x18: {  	[tilespmem:s11], [sflag:$0x2] =	stream.linear.gather [hbm4b:s26+s2], $0x280, $0x38;
	[tilespmem:$0x14A00] =	vst v63  }
0x19: {  	s26 =	rddreg [dreg:$0x5]  }
0x1a: {  	[tilespmem:s12], [sflag:$0x3] =	stream.linear.gather [hbm4b:s26+s2], $0x280, $0x38;
	[tilespmem:$0x14A00] =	vst v63  }
0x1b: {  	s26 =	rddreg [dreg:$0x6]  }
0x1c: {  	[tilespmem:s13], [sflag:$0x4] =	stream.linear.gather [hbm4b:s26+s2], $0x280, $0x38;
	[tilespmem:$0x14A00] =	vst v63  }
0x1d: {  	_ =	swait.ge [sflag:s14], $0x280  }
0x1e: {  	[sflag:s14] =	ssyncset.done $0x0  }
0x1f: {  	[sflag:s14] =	ssyncadd.s32 $0xFFFFFD80  }
0x20: {  	[tilespmem:s16], [sflag:$0x5] =	stream.indirect.gather [hbm4b:s3+s15], $0x20, s2, s15, $0xb8;
	[tilespmem:$0x14A00] =	vst v63  }
0x21: {  	_ = 	snop  }
0x22: {  	[tilespmem:s28], [sflag:$0x5] =	stream.indirect.gather [hbm4b:s3+s15], $0x20, s15, s15, $0xb8;
	[tilespmem:$0x14A00] =	vst v63  }
0x23: {  	_ = 	snop  }
0x24: {  	[tilespmem:s0], [sflag:$0x5] =	stream.indirect.gather [hbm4b:s3+s15], $0x20, s1, s15, $0xb8;
	[tilespmem:$0x14A00] =	vst v63  }
0x25: {  	_ = 	snop  }
0x26: {  	[tilespmem:s29], [sflag:$0x5] =	stream.indirect.gather [hbm4b:s3+s15], $0x20, s4, s15, $0xb8;
	[tilespmem:$0x14A00] =	vst v63  }
0x27: {  	_ = 	snop  }
0x28: {  	[tilespmem:s30], [sflag:$0x5] =	stream.indirect.gather [hbm4b:s3+s15], $0x20, s8, s15, $0xb8;
	[tilespmem:$0x14A00] =	vst v63  }
0x29: {  	_ =	swait.ge [sflag:s24], $0x280  }
0x2a: {  	[sflag:s24] =	ssyncset.done $0x0  }
0x2b: {  	[sflag:s24] =	ssyncadd.s32 $0xFFFFFD80  }
0x2c: {  	[tilespmem:s25], [sflag:$0x6] =	stream.indirect.gather [hbm4b:s3+s15], $0x20, s11, s15, $0xb8;
	[tilespmem:$0x14A00] =	vst v63  }
0x2d: {  	s26 =	simm.s32 $0x300;
	s30 =	simm.s32 $0x6A00  }
0x2e: {  	[tilespmem:s30], [sflag:$0x6] =	stream.indirect.gather [hbm4b:s3+s15], $0x20, s26, s15, $0xb8;
	[tilespmem:$0x14A00] =	vst v63  }
0x2f: {  	s26 =	simm.s32 $0x380;
	s30 =	simm.s32 $0x7A00  }
0x30: {  	[tilespmem:s30], [sflag:$0x6] =	stream.indirect.gather [hbm4b:s3+s15], $0x20, s26, s15, $0xb8;
	[tilespmem:$0x14A00] =	vst v63  }
0x31: {  	s26 =	simm.s32 $0x400;
	s30 =	simm.s32 $0x8A00  }
0x32: {  	[tilespmem:s30], [sflag:$0x6] =	stream.indirect.gather [hbm4b:s3+s15], $0x20, s26, s15, $0xb8;
	[tilespmem:$0x14A00] =	vst v63  }
0x33: {  	s26 =	simm.s32 $0x480;
	s30 =	simm.s32 $0x9A00  }
0x34: {  	[tilespmem:s30], [sflag:$0x6] =	stream.indirect.gather [hbm4b:s3+s15], $0x20, s26, s15, $0xb8;
	[tilespmem:$0x14A00] =	vst v63  }
0x35: {  	_ =	swait.ge [sflag:s5], $0x280  }
0x36: {  	[sflag:s5] =	ssyncset.done $0x0  }
0x37: {  	[sflag:s5] =	ssyncadd.s32 $0xFFFFFD80  }
0x38: {  	[tilespmem:s6], [sflag:$0x7] =	stream.indirect.gather [hbm4b:s3+s15], $0x20, s12, s15, $0xb8;
	[tilespmem:$0x14A00] =	vst v63  }
0x39: {  	s26 =	simm.s32 $0x580;
	s30 =	simm.s32 $0xBA00  }
0x3a: {  	[tilespmem:s30], [sflag:$0x7] =	stream.indirect.gather [hbm4b:s3+s15], $0x20, s26, s15, $0xb8;
	[tilespmem:$0x14A00] =	vst v63  }
0x3b: {  	s26 =	simm.s32 $0x600;
	s30 =	simm.s32 $0xCA00  }
0x3c: {  	[tilespmem:s30], [sflag:$0x7] =	stream.indirect.gather [hbm4b:s3+s15], $0x20, s26, s15, $0xb8;
	[tilespmem:$0x14A00] =	vst v63  }
0x3d: {  	s26 =	simm.s32 $0x680;
	s30 =	simm.s32 $0xDA00  }
0x3e: {  	[tilespmem:s30], [sflag:$0x7] =	stream.indirect.gather [hbm4b:s3+s15], $0x20, s26, s15, $0xb8;
	[tilespmem:$0x14A00] =	vst v63  }
0x3f: {  	s26 =	simm.s32 $0x700;
	s30 =	simm.s32 $0xEA00  }
0x40: {  	[tilespmem:s30], [sflag:$0x7] =	stream.indirect.gather [hbm4b:s3+s15], $0x20, s26, s15, $0xb8;
	[tilespmem:$0x14A00] =	vst v63  }
0x41: {  	_ =	swait.ge [sflag:s22], $0x280  }
0x42: {  	[sflag:s22] =	ssyncset.done $0x0  }
0x43: {  	[sflag:s22] =	ssyncadd.s32 $0xFFFFFD80  }
0x44: {  	[tilespmem:s23], [sflag:$0x8] =	stream.indirect.gather [hbm4b:s3+s15], $0x20, s13, s15, $0xb8;
	[tilespmem:$0x14A00] =	vst v63  }
0x45: {  	s26 =	simm.s32 $0x800;
	s30 =	simm.s32 $0x10A00  }
0x46: {  	[tilespmem:s30], [sflag:$0x8] =	stream.indirect.gather [hbm4b:s3+s15], $0x20, s26, s15, $0xb8;
	[tilespmem:$0x14A00] =	vst v63  }
0x47: {  	s26 =	simm.s32 $0x880;
	s30 =	simm.s32 $0x11A00  }
0x48: {  	[tilespmem:s30], [sflag:$0x8] =	stream.indirect.gather [hbm4b:s3+s15], $0x20, s26, s15, $0xb8;
	[tilespmem:$0x14A00] =	vst v63  }
0x49: {  	s26 =	simm.s32 $0x900;
	s30 =	simm.s32 $0x12A00  }
0x4a: {  	[tilespmem:s30], [sflag:$0x8] =	stream.indirect.gather [hbm4b:s3+s15], $0x20, s26, s15, $0xb8;
	[tilespmem:$0x14A00] =	vst v63  }
0x4b: {  	s26 =	simm.s32 $0x980;
	s30 =	simm.s32 $0x13A00  }
0x4c: {  	[tilespmem:s30], [sflag:$0x8] =	stream.indirect.gather [hbm4b:s3+s15], $0x20, s26, s15, $0xb8;
	[tilespmem:$0x14A00] =	vst v63  }
0x4d: {  	_ =	swait.ge [sflag:s7], $0x1000  }
0x4e: {  	[sflag:s7] =	ssyncset.done $0x0  }
0x4f: {  	[sflag:s7] =	ssyncadd.s32 $0xFFFFF000  }
0x50: {  	_ =	swait.ge [sflag:s7], $0x1000  }
0x51: {  	[sflag:s7] =	ssyncset.done $0x0  }
0x52: {  	[sflag:s7] =	ssyncadd.s32 $0xFFFFF000  }
0x53: {  	_ =	swait.ge [sflag:s7], $0x1000  }
0x54: {  	[sflag:s7] =	ssyncset.done $0x0  }
0x55: {  	[sflag:s7] =	ssyncadd.s32 $0xFFFFF000  }
0x56: {  	_ =	swait.ge [sflag:s7], $0x1000  }
0x57: {  	[sflag:s7] =	ssyncset.done $0x0  }
0x58: {  	[sflag:s7] =	ssyncadd.s32 $0xFFFFF000  }
0x59: {  	_ =	swait.ge [sflag:s7], $0x1000  }
0x5a: {  	[sflag:s7] =	ssyncset.done $0x0  }
0x5b: {  	[sflag:s7] =	ssyncadd.s32 $0xFFFFF000  }
0x5c: {  	[hbm4b:s31+s2] =	stream.linear.scatter [tilespmem:s16], [sflag:$0x9], $0x5000, $0x38;
	[tilespmem:$0x14A00] =	vst v63  }
0x5d: {  	_ =	swait.ge [sflag:s9], $0x1000  }
0x5e: {  	[sflag:s9] =	ssyncset.done $0x0  }
0x5f: {  	[sflag:s9] =	ssyncadd.s32 $0xFFFFF000  }
0x60: {  	_ =	swait.ge [sflag:s9], $0x1000  }
0x61: {  	[sflag:s9] =	ssyncset.done $0x0  }
0x62: {  	[sflag:s9] =	ssyncadd.s32 $0xFFFFF000  }
0x63: {  	_ =	swait.ge [sflag:s9], $0x1000  }
0x64: {  	[sflag:s9] =	ssyncset.done $0x0  }
0x65: {  	[sflag:s9] =	ssyncadd.s32 $0xFFFFF000  }
0x66: {  	_ =	swait.ge [sflag:s9], $0x1000  }
0x67: {  	[sflag:s9] =	ssyncset.done $0x0  }
0x68: {  	[sflag:s9] =	ssyncadd.s32 $0xFFFFF000  }
0x69: {  	_ =	swait.ge [sflag:s9], $0x1000  }
0x6a: {  	[sflag:s9] =	ssyncset.done $0x0  }
0x6b: {  	s30 =	sadd.s32 $0xA00, s31;
	[sflag:s9] =	ssyncadd.s32 $0xFFFFF000  }
0x6c: {  	[hbm4b:s30+s2] =	stream.linear.scatter [tilespmem:s25], [sflag:$0xA], $0x5000, $0x38;
	[tilespmem:$0x14A00] =	vst v63  }
0x6d: {  	_ =	swait.ge [sflag:s10], $0x1000  }
0x6e: {  	[sflag:s10] =	ssyncset.done $0x0  }
0x6f: {  	[sflag:s10] =	ssyncadd.s32 $0xFFFFF000  }
0x70: {  	_ =	swait.ge [sflag:s10], $0x1000  }
0x71: {  	[sflag:s10] =	ssyncset.done $0x0  }
0x72: {  	[sflag:s10] =	ssyncadd.s32 $0xFFFFF000  }
0x73: {  	_ =	swait.ge [sflag:s10], $0x1000  }
0x74: {  	[sflag:s10] =	ssyncset.done $0x0  }
0x75: {  	[sflag:s10] =	ssyncadd.s32 $0xFFFFF000  }
0x76: {  	_ =	swait.ge [sflag:s10], $0x1000  }
0x77: {  	[sflag:s10] =	ssyncset.done $0x0  }
0x78: {  	[sflag:s10] =	ssyncadd.s32 $0xFFFFF000  }
0x79: {  	_ =	swait.ge [sflag:s10], $0x1000  }
0x7a: {  	[sflag:s10] =	ssyncset.done $0x0  }
0x7b: {  	s30 =	sadd.s32 $0x1400, s31;
	[sflag:s10] =	ssyncadd.s32 $0xFFFFF000  }
0x7c: {  	[hbm4b:s30+s2] =	stream.linear.scatter [tilespmem:s6], [sflag:$0xB], $0x5000, $0x38;
	[tilespmem:$0x14A00] =	vst v63  }
0x7d: {  	_ =	swait.ge [sflag:s17], $0x1000  }
0x7e: {  	[sflag:s17] =	ssyncset.done $0x0  }
0x7f: {  	[sflag:s17] =	ssyncadd.s32 $0xFFFFF000  }
0x80: {  	_ =	swait.ge [sflag:s17], $0x1000  }
0x81: {  	[sflag:s17] =	ssyncset.done $0x0  }
0x82: {  	[sflag:s17] =	ssyncadd.s32 $0xFFFFF000  }
0x83: {  	_ =	swait.ge [sflag:s17], $0x1000  }
0x84: {  	[sflag:s17] =	ssyncset.done $0x0  }
0x85: {  	[sflag:s17] =	ssyncadd.s32 $0xFFFFF000  }
0x86: {  	_ =	swait.ge [sflag:s17], $0x1000  }
0x87: {  	[sflag:s17] =	ssyncset.done $0x0  }
0x88: {  	[sflag:s17] =	ssyncadd.s32 $0xFFFFF000  }
0x89: {  	_ =	swait.ge [sflag:s17], $0x1000  }
0x8a: {  	[sflag:s17] =	ssyncset.done $0x0  }
0x8b: {  	s30 =	sadd.s32 $0x1E00, s31;
	[sflag:s17] =	ssyncadd.s32 $0xFFFFF000  }
0x8c: {  	[hbm4b:s30+s2] =	stream.linear.scatter [tilespmem:s23], [sflag:$0xC], $0x5000, $0x38;
	[tilespmem:$0x14A00] =	vst v63  }
0x8d: {  	s30 =	rddreg [dreg:$0x8]  }
0x8e: {  	s26 =	sadd.s32 $0xFFFFFF10, s30  }
0x8f: {  	[tilespmem:s2], [sflag:$0x1] =	stream.linear.gather [hbm4b:s26+s2], $0x280, $0x38;
	[tilespmem:$0x14A00] =	vst v63  }
0x90: {  	s26 =	sadd.s32 $0xFFFFFF60, s30  }
0x91: {  	[tilespmem:s11], [sflag:$0x2] =	stream.linear.gather [hbm4b:s26+s2], $0x280, $0x38;
	[tilespmem:$0x14A00] =	vst v63  }
0x92: {  	s26 =	sadd.s32 $0xFFFFFFB0, s30  }
0x93: {  	[tilespmem:s12], [sflag:$0x3] =	stream.linear.gather [hbm4b:s26+s2], $0x280, $0x38;
	[tilespmem:$0x14A00] =	vst v63  }
0x94: {  	_ = 	snop  }
0x95: {  	[tilespmem:s13], [sflag:$0x4] =	stream.linear.gather [hbm4b:s30+s2], $0x280, $0x38;
	[tilespmem:$0x14A00] =	vst v63  }
0x96: {  	_ =	swait.ge [sflag:s18], $0x5000  }
0x97: {  	[sflag:s18] =	ssyncset.done $0x0  }
0x98: {  	[sflag:s18] =	ssyncadd.s32 $0xFFFFB000  }
0x99: {  	_ =	swait.ge [sflag:s14], $0x280  }
0x9a: {  	[sflag:s14] =	ssyncset.done $0x0  }
0x9b: {  	[sflag:s14] =	ssyncadd.s32 $0xFFFFFD80  }
0x9c: {  	[tilespmem:s16], [sflag:$0x5] =	stream.indirect.gather [hbm4b:s3+s15], $0x20, s2, s15, $0xb8;
	[tilespmem:$0x14A00] =	vst v63  }
0x9d: {  	_ = 	snop  }
0x9e: {  	[tilespmem:s28], [sflag:$0x5] =	stream.indirect.gather [hbm4b:s3+s15], $0x20, s15, s15, $0xb8;
	[tilespmem:$0x14A00] =	vst v63  }
0x9f: {  	_ = 	snop  }
0xa0: {  	[tilespmem:s0], [sflag:$0x5] =	stream.indirect.gather [hbm4b:s3+s15], $0x20, s1, s15, $0xb8;
	[tilespmem:$0x14A00] =	vst v63  }
0xa1: {  	_ = 	snop  }
0xa2: {  	[tilespmem:s29], [sflag:$0x5] =	stream.indirect.gather [hbm4b:s3+s15], $0x20, s4, s15, $0xb8;
	[tilespmem:$0x14A00] =	vst v63  }
0xa3: {  	s1 =	simm.s32 $0x4A00  }
0xa4: {  	[tilespmem:s1], [sflag:$0x5] =	stream.indirect.gather [hbm4b:s3+s15], $0x20, s8, s15, $0xb8;
	[tilespmem:$0x14A00] =	vst v63  }
0xa5: {  	_ =	swait.ge [sflag:s19], $0x5000  }
0xa6: {  	[sflag:s19] =	ssyncset.done $0x0  }
0xa7: {  	[sflag:s19] =	ssyncadd.s32 $0xFFFFB000  }
0xa8: {  	_ =	swait.ge [sflag:s24], $0x280  }
0xa9: {  	[sflag:s24] =	ssyncset.done $0x0  }
0xaa: {  	[sflag:s24] =	ssyncadd.s32 $0xFFFFFD80  }
0xab: {  	[tilespmem:s25], [sflag:$0x6] =	stream.indirect.gather [hbm4b:s3+s15], $0x20, s11, s15, $0xb8;
	[tilespmem:$0x14A00] =	vst v63  }
0xac: {  	s4 =	simm.s32 $0x300;
	s8 =	simm.s32 $0x6A00  }
0xad: {  	[tilespmem:s8], [sflag:$0x6] =	stream.indirect.gather [hbm4b:s3+s15], $0x20, s4, s15, $0xb8;
	[tilespmem:$0x14A00] =	vst v63  }
0xae: {  	s26 =	simm.s32 $0x7A00;
	s11 =	simm.s32 $0x380  }
0xaf: {  	[tilespmem:s26], [sflag:$0x6] =	stream.indirect.gather [hbm4b:s3+s15], $0x20, s11, s15, $0xb8;
	[tilespmem:$0x14A00] =	vst v63  }
0xb0: {  	s4 =	simm.s32 $0x400;
	s8 =	simm.s32 $0x8A00  }
0xb1: {  	[tilespmem:s8], [sflag:$0x6] =	stream.indirect.gather [hbm4b:s3+s15], $0x20, s4, s15, $0xb8;
	[tilespmem:$0x14A00] =	vst v63  }
0xb2: {  	s11 =	simm.s32 $0x480;
	s26 =	simm.s32 $0x9A00  }
0xb3: {  	[tilespmem:s26], [sflag:$0x6] =	stream.indirect.gather [hbm4b:s3+s15], $0x20, s11, s15, $0xb8;
	[tilespmem:$0x14A00] =	vst v63  }
0xb4: {  	_ =	swait.ge [sflag:s20], $0x5000  }
0xb5: {  	[sflag:s20] =	ssyncset.done $0x0  }
0xb6: {  	[sflag:s20] =	ssyncadd.s32 $0xFFFFB000  }
0xb7: {  	_ =	swait.ge [sflag:s5], $0x280  }
0xb8: {  	[sflag:s5] =	ssyncset.done $0x0  }
0xb9: {  	[sflag:s5] =	ssyncadd.s32 $0xFFFFFD80  }
0xba: {  	[tilespmem:s6], [sflag:$0x7] =	stream.indirect.gather [hbm4b:s3+s15], $0x20, s12, s15, $0xb8;
	[tilespmem:$0x14A00] =	vst v63  }
0xbb: {  	s1 =	simm.s32 $0x580;
	s4 =	simm.s32 $0xBA00  }
0xbc: {  	[tilespmem:s4], [sflag:$0x7] =	stream.indirect.gather [hbm4b:s3+s15], $0x20, s1, s15, $0xb8;
	[tilespmem:$0x14A00] =	vst v63  }
0xbd: {  	s8 =	simm.s32 $0x600;
	s11 =	simm.s32 $0xCA00  }
0xbe: {  	[tilespmem:s11], [sflag:$0x7] =	stream.indirect.gather [hbm4b:s3+s15], $0x20, s8, s15, $0xb8;
	[tilespmem:$0x14A00] =	vst v63  }
0xbf: {  	s26 =	simm.s32 $0xDA00;
	s12 =	simm.s32 $0x680  }
0xc0: {  	[tilespmem:s26], [sflag:$0x7] =	stream.indirect.gather [hbm4b:s3+s15], $0x20, s12, s15, $0xb8;
	[tilespmem:$0x14A00] =	vst v63  }
0xc1: {  	s4 =	simm.s32 $0x700;
	s8 =	simm.s32 $0xEA00  }
0xc2: {  	[tilespmem:s8], [sflag:$0x7] =	stream.indirect.gather [hbm4b:s3+s15], $0x20, s4, s15, $0xb8;
	[tilespmem:$0x14A00] =	vst v63  }
0xc3: {  	_ =	swait.ge [sflag:s21], $0x5000  }
0xc4: {  	[sflag:s21] =	ssyncset.done $0x0  }
0xc5: {  	[sflag:s21] =	ssyncadd.s32 $0xFFFFB000  }
0xc6: {  	_ =	swait.ge [sflag:s22], $0x280  }
0xc7: {  	[sflag:s22] =	ssyncset.done $0x0  }
0xc8: {  	[sflag:s22] =	ssyncadd.s32 $0xFFFFFD80  }
0xc9: {  	[tilespmem:s23], [sflag:$0x8] =	stream.indirect.gather [hbm4b:s3+s15], $0x20, s13, s15, $0xb8;
	[tilespmem:$0x14A00] =	vst v63  }
0xca: {  	s11 =	simm.s32 $0x800;
	s12 =	simm.s32 $0x10A00  }
0xcb: {  	[tilespmem:s12], [sflag:$0x8] =	stream.indirect.gather [hbm4b:s3+s15], $0x20, s11, s15, $0xb8;
	[tilespmem:$0x14A00] =	vst v63  }
0xcc: {  	s26 =	simm.s32 $0x11A00;
	s13 =	simm.s32 $0x880  }
0xcd: {  	[tilespmem:s26], [sflag:$0x8] =	stream.indirect.gather [hbm4b:s3+s15], $0x20, s13, s15, $0xb8;
	[tilespmem:$0x14A00] =	vst v63  }
0xce: {  	s1 =	simm.s32 $0x900;
	s4 =	simm.s32 $0x12A00  }
0xcf: {  	[tilespmem:s4], [sflag:$0x8] =	stream.indirect.gather [hbm4b:s3+s15], $0x20, s1, s15, $0xb8;
	[tilespmem:$0x14A00] =	vst v63  }
0xd0: {  	s8 =	simm.s32 $0x980;
	s11 =	simm.s32 $0x13A00  }
0xd1: {  	[tilespmem:s11], [sflag:$0x8] =	stream.indirect.gather [hbm4b:s3+s15], $0x20, s8, s15, $0xb8;
	[tilespmem:$0x14A00] =	vst v63  }
0xd2: {  	_ =	swait.ge [sflag:s7], $0x1000  }
0xd3: {  	[sflag:s7] =	ssyncset.done $0x0  }
0xd4: {  	[sflag:s7] =	ssyncadd.s32 $0xFFFFF000  }
0xd5: {  	_ =	swait.ge [sflag:s7], $0x1000  }
0xd6: {  	[sflag:s7] =	ssyncset.done $0x0  }
0xd7: {  	[sflag:s7] =	ssyncadd.s32 $0xFFFFF000  }
0xd8: {  	_ =	swait.ge [sflag:s7], $0x1000  }
0xd9: {  	[sflag:s7] =	ssyncset.done $0x0  }
0xda: {  	[sflag:s7] =	ssyncadd.s32 $0xFFFFF000  }
0xdb: {  	_ =	swait.ge [sflag:s7], $0x1000  }
0xdc: {  	[sflag:s7] =	ssyncset.done $0x0  }
0xdd: {  	[sflag:s7] =	ssyncadd.s32 $0xFFFFF000  }
0xde: {  	_ =	swait.ge [sflag:s7], $0x1000  }
0xdf: {  	s28 =	sadd.s32 $0x0, s31;
	[sflag:s7] =	ssyncset.done $0x0  }
0xe0: {  	s12 =	sadd.s32 $0x2800, s28;
	[sflag:s7] =	ssyncadd.s32 $0xFFFFF000  }
0xe1: {  	[hbm4b:s12+s2] =	stream.linear.scatter [tilespmem:s16], [sflag:$0x9], $0x5000, $0x38;
	[tilespmem:$0x14A00] =	vst v63  }
0xe2: {  	_ =	swait.ge [sflag:s9], $0x1000  }
0xe3: {  	[sflag:s9] =	ssyncset.done $0x0  }
0xe4: {  	[sflag:s9] =	ssyncadd.s32 $0xFFFFF000  }
0xe5: {  	_ =	swait.ge [sflag:s9], $0x1000  }
0xe6: {  	[sflag:s9] =	ssyncset.done $0x0  }
0xe7: {  	[sflag:s9] =	ssyncadd.s32 $0xFFFFF000  }
0xe8: {  	_ =	swait.ge [sflag:s9], $0x1000  }
0xe9: {  	[sflag:s9] =	ssyncset.done $0x0  }
0xea: {  	[sflag:s9] =	ssyncadd.s32 $0xFFFFF000  }
0xeb: {  	_ =	swait.ge [sflag:s9], $0x1000  }
0xec: {  	[sflag:s9] =	ssyncset.done $0x0  }
0xed: {  	[sflag:s9] =	ssyncadd.s32 $0xFFFFF000  }
0xee: {  	_ =	swait.ge [sflag:s9], $0x1000  }
0xef: {  	[sflag:s9] =	ssyncset.done $0x0  }
0xf0: {  	s13 =	sadd.s32 $0x3200, s28;
	[sflag:s9] =	ssyncadd.s32 $0xFFFFF000  }
0xf1: {  	[hbm4b:s13+s2] =	stream.linear.scatter [tilespmem:s25], [sflag:$0xA], $0x5000, $0x38;
	[tilespmem:$0x14A00] =	vst v63  }
0xf2: {  	_ =	swait.ge [sflag:s10], $0x1000  }
0xf3: {  	[sflag:s10] =	ssyncset.done $0x0  }
0xf4: {  	[sflag:s10] =	ssyncadd.s32 $0xFFFFF000  }
0xf5: {  	_ =	swait.ge [sflag:s10], $0x1000  }
0xf6: {  	[sflag:s10] =	ssyncset.done $0x0  }
0xf7: {  	[sflag:s10] =	ssyncadd.s32 $0xFFFFF000  }
0xf8: {  	_ =	swait.ge [sflag:s10], $0x1000  }
0xf9: {  	[sflag:s10] =	ssyncset.done $0x0  }
0xfa: {  	[sflag:s10] =	ssyncadd.s32 $0xFFFFF000  }
0xfb: {  	_ =	swait.ge [sflag:s10], $0x1000  }
0xfc: {  	[sflag:s10] =	ssyncset.done $0x0  }
0xfd: {  	[sflag:s10] =	ssyncadd.s32 $0xFFFFF000  }
0xfe: {  	_ =	swait.ge [sflag:s10], $0x1000  }
0xff: {  	[sflag:s10] =	ssyncset.done $0x0  }
0x100: {  	s16 =	sadd.s32 $0x3C00, s28;
	[sflag:s10] =	ssyncadd.s32 $0xFFFFF000  }
0x101: {  	[hbm4b:s16+s2] =	stream.linear.scatter [tilespmem:s6], [sflag:$0xB], $0x5000, $0x38;
	[tilespmem:$0x14A00] =	vst v63  }
0x102: {  	_ =	swait.ge [sflag:s17], $0x1000  }
0x103: {  	[sflag:s17] =	ssyncset.done $0x0  }
0x104: {  	[sflag:s17] =	ssyncadd.s32 $0xFFFFF000  }
0x105: {  	_ =	swait.ge [sflag:s17], $0x1000  }
0x106: {  	[sflag:s17] =	ssyncset.done $0x0  }
0x107: {  	[sflag:s17] =	ssyncadd.s32 $0xFFFFF000  }
0x108: {  	_ =	swait.ge [sflag:s17], $0x1000  }
0x109: {  	[sflag:s17] =	ssyncset.done $0x0  }
0x10a: {  	[sflag:s17] =	ssyncadd.s32 $0xFFFFF000  }
0x10b: {  	_ =	swait.ge [sflag:s17], $0x1000  }
0x10c: {  	s29 =	sadd.s32 $0x4600, s28;
	s26 =	simm.s32 $0x2800;
	[sflag:s17] =	ssyncset.done $0x0  }
0x10d: {  	s4 =	simm.s32 $0x180;
	s1 =	simm.s32 $0xA00;
	[sflag:s17] =	ssyncadd.s32 $0xFFFFF000  }
0x10e: {  	s8 =	simm.s32 $0x200;
	s11 =	simm.s32 $0x3A00;
	_ =	swait.ge [sflag:s17], $0x1000  }
0x10f: {  	s12 =	simm.s32 $0x280;
	s28 =	sadd.s32 $0x140, s30;
	[sflag:s17] =	ssyncset.done $0x0  }
0x110: {  	s13 =	simm.s32 $0x500;
	s16 =	simm.s32 $0x780;
	[sflag:s17] =	ssyncadd.s32 $0xFFFFF000  }
.LBB2_2:
0x111: {  	[hbm4b:s29+s2] =	stream.linear.scatter [tilespmem:s23], [sflag:$0xC], $0x5000, $0x38;
	[tilespmem:$0x14A00] =	vst v63  }
0x112: {  	s29 =	smov.u32 s26  }
0x113: {  	s30 =	sadd.s32 $0xFFFFFF10, s28;
	p0 =	sne.s32 s26, $0x14000;
	s26 =	sadd.s32 $0x2800, s26  }
0x114: {  	[tilespmem:s2], [sflag:$0x1] =	stream.linear.gather [hbm4b:s30+s2], $0x280, $0x38;
	[tilespmem:$0x14A00] =	vst v63  }
0x115: {  	s30 =	sadd.s32 $0xFFFFFF60, s28  }
0x116: {  	[tilespmem:s12], [sflag:$0x2] =	stream.linear.gather [hbm4b:s30+s2], $0x280, $0x38;
	[tilespmem:$0x14A00] =	vst v63  }
0x117: {  	s30 =	sadd.s32 $0xFFFFFFB0, s28  }
0x118: {  	[tilespmem:s13], [sflag:$0x3] =	stream.linear.gather [hbm4b:s30+s2], $0x280, $0x38;
	[tilespmem:$0x14A00] =	vst v63  }
0x119: {  	_ = 	snop  }
0x11a: {  	[tilespmem:s16], [sflag:$0x4] =	stream.linear.gather [hbm4b:s28+s2], $0x280, $0x38;
	[tilespmem:$0x14A00] =	vst v63  }
0x11b: {  	_ =	swait.ge [sflag:s18], $0x5000  }
0x11c: {  	[sflag:s18] =	ssyncset.done $0x0  }
0x11d: {  	[sflag:s18] =	ssyncadd.s32 $0xFFFFB000  }
0x11e: {  	_ =	swait.ge [sflag:s14], $0x280  }
0x11f: {  	[sflag:s14] =	ssyncset.done $0x0  }
0x120: {  	[sflag:s14] =	ssyncadd.s32 $0xFFFFFD80  }
0x121: {  	[tilespmem:s1], [sflag:$0x5] =	stream.indirect.gather [hbm4b:s3+s15], $0x20, s2, s15, $0xb8;
	[tilespmem:$0x14A00] =	vst v63  }
0x122: {  	s0 =	simm.s32 $0x1A00  }
0x123: {  	[tilespmem:s0], [sflag:$0x5] =	stream.indirect.gather [hbm4b:s3+s15], $0x20, s15, s15, $0xb8;
	[tilespmem:$0x14A00] =	vst v63  }
0x124: {  	s30 =	simm.s32 $0x2A00;
	s0 =	simm.s32 $0x100  }
0x125: {  	[tilespmem:s30], [sflag:$0x5] =	stream.indirect.gather [hbm4b:s3+s15], $0x20, s0, s15, $0xb8;
	[tilespmem:$0x14A00] =	vst v63  }
0x126: {  	_ = 	snop  }
0x127: {  	[tilespmem:s11], [sflag:$0x5] =	stream.indirect.gather [hbm4b:s3+s15], $0x20, s4, s15, $0xb8;
	[tilespmem:$0x14A00] =	vst v63  }
0x128: {  	s0 =	simm.s32 $0x4A00  }
0x129: {  	[tilespmem:s0], [sflag:$0x5] =	stream.indirect.gather [hbm4b:s3+s15], $0x20, s8, s15, $0xb8;
	[tilespmem:$0x14A00] =	vst v63  }
0x12a: {  	_ =	swait.ge [sflag:s19], $0x5000  }
0x12b: {  	[sflag:s19] =	ssyncset.done $0x0  }
0x12c: {  	[sflag:s19] =	ssyncadd.s32 $0xFFFFB000  }
0x12d: {  	_ =	swait.ge [sflag:s24], $0x280  }
0x12e: {  	[sflag:s24] =	ssyncset.done $0x0  }
0x12f: {  	[sflag:s24] =	ssyncadd.s32 $0xFFFFFD80  }
0x130: {  	[tilespmem:s25], [sflag:$0x6] =	stream.indirect.gather [hbm4b:s3+s15], $0x20, s12, s15, $0xb8;
	[tilespmem:$0x14A00] =	vst v63  }
0x131: {  	s30 =	simm.s32 $0x300;
	s0 =	simm.s32 $0x6A00  }
0x132: {  	[tilespmem:s0], [sflag:$0x6] =	stream.indirect.gather [hbm4b:s3+s15], $0x20, s30, s15, $0xb8;
	[tilespmem:$0x14A00] =	vst v63  }
0x133: {  	s0 =	simm.s32 $0x380;
	s30 =	simm.s32 $0x7A00  }
0x134: {  	[tilespmem:s30], [sflag:$0x6] =	stream.indirect.gather [hbm4b:s3+s15], $0x20, s0, s15, $0xb8;
	[tilespmem:$0x14A00] =	vst v63  }
0x135: {  	s0 =	simm.s32 $0x400;
	s30 =	simm.s32 $0x8A00  }
0x136: {  	[tilespmem:s30], [sflag:$0x6] =	stream.indirect.gather [hbm4b:s3+s15], $0x20, s0, s15, $0xb8;
	[tilespmem:$0x14A00] =	vst v63  }
0x137: {  	s0 =	simm.s32 $0x480;
	s30 =	simm.s32 $0x9A00  }
0x138: {  	[tilespmem:s30], [sflag:$0x6] =	stream.indirect.gather [hbm4b:s3+s15], $0x20, s0, s15, $0xb8;
	[tilespmem:$0x14A00] =	vst v63  }
0x139: {  	_ =	swait.ge [sflag:s20], $0x5000  }
0x13a: {  	[sflag:s20] =	ssyncset.done $0x0  }
0x13b: {  	[sflag:s20] =	ssyncadd.s32 $0xFFFFB000  }
0x13c: {  	_ =	swait.ge [sflag:s5], $0x280  }
0x13d: {  	[sflag:s5] =	ssyncset.done $0x0  }
0x13e: {  	[sflag:s5] =	ssyncadd.s32 $0xFFFFFD80  }
0x13f: {  	[tilespmem:s6], [sflag:$0x7] =	stream.indirect.gather [hbm4b:s3+s15], $0x20, s13, s15, $0xb8;
	[tilespmem:$0x14A00] =	vst v63  }
0x140: {  	s0 =	simm.s32 $0x580;
	s30 =	simm.s32 $0xBA00  }
0x141: {  	[tilespmem:s30], [sflag:$0x7] =	stream.indirect.gather [hbm4b:s3+s15], $0x20, s0, s15, $0xb8;
	[tilespmem:$0x14A00] =	vst v63  }
0x142: {  	s0 =	simm.s32 $0x600;
	s30 =	simm.s32 $0xCA00  }
0x143: {  	[tilespmem:s30], [sflag:$0x7] =	stream.indirect.gather [hbm4b:s3+s15], $0x20, s0, s15, $0xb8;
	[tilespmem:$0x14A00] =	vst v63  }
0x144: {  	s0 =	simm.s32 $0x680;
	s30 =	simm.s32 $0xDA00  }
0x145: {  	[tilespmem:s30], [sflag:$0x7] =	stream.indirect.gather [hbm4b:s3+s15], $0x20, s0, s15, $0xb8;
	[tilespmem:$0x14A00] =	vst v63  }
0x146: {  	s0 =	simm.s32 $0x700;
	s30 =	simm.s32 $0xEA00  }
0x147: {  	[tilespmem:s30], [sflag:$0x7] =	stream.indirect.gather [hbm4b:s3+s15], $0x20, s0, s15, $0xb8;
	[tilespmem:$0x14A00] =	vst v63  }
0x148: {  	_ =	swait.ge [sflag:s21], $0x5000  }
0x149: {  	[sflag:s21] =	ssyncset.done $0x0  }
0x14a: {  	[sflag:s21] =	ssyncadd.s32 $0xFFFFB000  }
0x14b: {  	_ =	swait.ge [sflag:s22], $0x280  }
0x14c: {  	[sflag:s22] =	ssyncset.done $0x0  }
0x14d: {  	[sflag:s22] =	ssyncadd.s32 $0xFFFFFD80  }
0x14e: {  	[tilespmem:s23], [sflag:$0x8] =	stream.indirect.gather [hbm4b:s3+s15], $0x20, s16, s15, $0xb8;
	[tilespmem:$0x14A00] =	vst v63  }
0x14f: {  	s0 =	simm.s32 $0x800;
	s30 =	simm.s32 $0x10A00  }
0x150: {  	[tilespmem:s30], [sflag:$0x8] =	stream.indirect.gather [hbm4b:s3+s15], $0x20, s0, s15, $0xb8;
	[tilespmem:$0x14A00] =	vst v63  }
0x151: {  	s0 =	simm.s32 $0x880;
	s30 =	simm.s32 $0x11A00  }
0x152: {  	[tilespmem:s30], [sflag:$0x8] =	stream.indirect.gather [hbm4b:s3+s15], $0x20, s0, s15, $0xb8;
	[tilespmem:$0x14A00] =	vst v63  }
0x153: {  	s0 =	simm.s32 $0x900;
	s30 =	simm.s32 $0x12A00  }
0x154: {  	[tilespmem:s30], [sflag:$0x8] =	stream.indirect.gather [hbm4b:s3+s15], $0x20, s0, s15, $0xb8;
	[tilespmem:$0x14A00] =	vst v63  }
0x155: {  	s0 =	simm.s32 $0x980;
	s30 =	simm.s32 $0x13A00  }
0x156: {  	[tilespmem:s30], [sflag:$0x8] =	stream.indirect.gather [hbm4b:s3+s15], $0x20, s0, s15, $0xb8;
	[tilespmem:$0x14A00] =	vst v63  }
0x157: {  	_ =	swait.ge [sflag:s7], $0x1000  }
0x158: {  	[sflag:s7] =	ssyncset.done $0x0  }
0x159: {  	[sflag:s7] =	ssyncadd.s32 $0xFFFFF000  }
0x15a: {  	_ =	swait.ge [sflag:s7], $0x1000  }
0x15b: {  	[sflag:s7] =	ssyncset.done $0x0  }
0x15c: {  	[sflag:s7] =	ssyncadd.s32 $0xFFFFF000  }
0x15d: {  	_ =	swait.ge [sflag:s7], $0x1000  }
0x15e: {  	[sflag:s7] =	ssyncset.done $0x0  }
0x15f: {  	[sflag:s7] =	ssyncadd.s32 $0xFFFFF000  }
0x160: {  	_ =	swait.ge [sflag:s7], $0x1000  }
0x161: {  	[sflag:s7] =	ssyncset.done $0x0  }
0x162: {  	[sflag:s7] =	ssyncadd.s32 $0xFFFFF000  }
0x163: {  	_ =	swait.ge [sflag:s7], $0x1000  }
0x164: {  	s29 =	sadd.s32 s29, s31;
	[sflag:s7] =	ssyncset.done $0x0  }
0x165: {  	s30 =	sadd.s32 $0x2800, s29;
	[sflag:s7] =	ssyncadd.s32 $0xFFFFF000  }
0x166: {  	[hbm4b:s30+s2] =	stream.linear.scatter [tilespmem:s1], [sflag:$0x9], $0x5000, $0x38;
	[tilespmem:$0x14A00] =	vst v63  }
0x167: {  	_ =	swait.ge [sflag:s9], $0x1000  }
0x168: {  	[sflag:s9] =	ssyncset.done $0x0  }
0x169: {  	[sflag:s9] =	ssyncadd.s32 $0xFFFFF000  }
0x16a: {  	_ =	swait.ge [sflag:s9], $0x1000  }
0x16b: {  	[sflag:s9] =	ssyncset.done $0x0  }
0x16c: {  	[sflag:s9] =	ssyncadd.s32 $0xFFFFF000  }
0x16d: {  	_ =	swait.ge [sflag:s9], $0x1000  }
0x16e: {  	[sflag:s9] =	ssyncset.done $0x0  }
0x16f: {  	[sflag:s9] =	ssyncadd.s32 $0xFFFFF000  }
0x170: {  	_ =	swait.ge [sflag:s9], $0x1000  }
0x171: {  	[sflag:s9] =	ssyncset.done $0x0  }
0x172: {  	[sflag:s9] =	ssyncadd.s32 $0xFFFFF000  }
0x173: {  	_ =	swait.ge [sflag:s9], $0x1000  }
0x174: {  	[sflag:s9] =	ssyncset.done $0x0  }
0x175: {  	s30 =	sadd.s32 $0x3200, s29;
	[sflag:s9] =	ssyncadd.s32 $0xFFFFF000  }
0x176: {  	[hbm4b:s30+s2] =	stream.linear.scatter [tilespmem:s25], [sflag:$0xA], $0x5000, $0x38;
	[tilespmem:$0x14A00] =	vst v63  }
0x177: {  	_ =	swait.ge [sflag:s10], $0x1000  }
0x178: {  	[sflag:s10] =	ssyncset.done $0x0  }
0x179: {  	[sflag:s10] =	ssyncadd.s32 $0xFFFFF000  }
0x17a: {  	_ =	swait.ge [sflag:s10], $0x1000  }
0x17b: {  	[sflag:s10] =	ssyncset.done $0x0  }
0x17c: {  	[sflag:s10] =	ssyncadd.s32 $0xFFFFF000  }
0x17d: {  	_ =	swait.ge [sflag:s10], $0x1000  }
0x17e: {  	[sflag:s10] =	ssyncset.done $0x0  }
0x17f: {  	[sflag:s10] =	ssyncadd.s32 $0xFFFFF000  }
0x180: {  	_ =	swait.ge [sflag:s10], $0x1000  }
0x181: {  	[sflag:s10] =	ssyncset.done $0x0  }
0x182: {  	[sflag:s10] =	ssyncadd.s32 $0xFFFFF000  }
0x183: {  	_ =	swait.ge [sflag:s10], $0x1000  }
0x184: {  	[sflag:s10] =	ssyncset.done $0x0  }
0x185: {  	s30 =	sadd.s32 $0x3C00, s29;
	[sflag:s10] =	ssyncadd.s32 $0xFFFFF000  }
0x186: {  	[hbm4b:s30+s2] =	stream.linear.scatter [tilespmem:s6], [sflag:$0xB], $0x5000, $0x38;
	[tilespmem:$0x14A00] =	vst v63  }
0x187: {  	_ =	swait.ge [sflag:s17], $0x1000  }
0x188: {  	[sflag:s17] =	ssyncset.done $0x0  }
0x189: {  	[sflag:s17] =	ssyncadd.s32 $0xFFFFF000  }
0x18a: {  	_ =	swait.ge [sflag:s17], $0x1000  }
0x18b: {  	[sflag:s17] =	ssyncset.done $0x0  }
0x18c: {  	[sflag:s17] =	ssyncadd.s32 $0xFFFFF000  }
0x18d: {  	_ =	swait.ge [sflag:s17], $0x1000  }
0x18e: {  	[sflag:s17] =	ssyncset.done $0x0  }
0x18f: {  	[sflag:s17] =	ssyncadd.s32 $0xFFFFF000  }
0x190: {  	_ =	swait.ge [sflag:s17], $0x1000  }
.Ltmp0:
0x191: {  	[sflag:s17] =	ssyncset.done $0x0;
	(pc) =	sbr.rel @p0 .LBB2_2-.Ltmp0, $4  }
0x192: {  	[sflag:s17] =	ssyncadd.s32 $0xFFFFF000  }
0x193: {  	_ =	swait.ge [sflag:s17], $0x1000  }
0x194: {  	[sflag:s17] =	ssyncset.done $0x0  }
0x195: {  	s28 =	sadd.s32 $0x140, s28;
	s29 =	sadd.s32 $0x4600, s29;
	[sflag:s17] =	ssyncadd.s32 $0xFFFFF000  }
0x196: {  	[hbm4b:s29+s2] =	stream.linear.scatter [tilespmem:s23], [sflag:$0xC], $0x5000, $0x38;
	[tilespmem:$0x14A00] =	vst v63  }
0x197: {  	_ =	swait.ge [sflag:s18], $0x5000  }
0x198: {  	[sflag:s18] =	ssyncset.done $0x0  }
0x199: {  	[sflag:s18] =	ssyncadd.s32 $0xFFFFB000  }
0x19a: {  	_ =	swait.ge [sflag:s19], $0x5000  }
0x19b: {  	[sflag:s19] =	ssyncset.done $0x0  }
0x19c: {  	[sflag:s19] =	ssyncadd.s32 $0xFFFFB000  }
0x19d: {  	_ =	swait.ge [sflag:s20], $0x5000  }
0x19e: {  	[sflag:s20] =	ssyncset.done $0x0  }
0x19f: {  	[sflag:s20] =	ssyncadd.s32 $0xFFFFB000  }
0x1a0: {  	_ =	swait.ge [sflag:s21], $0x5000  }
0x1a1: {  	s0 =	rddreg [dreg:$0x9]  }
0x1a2: {  	s26 =	rddreg [dreg:$0x7];
	s0 =	sadd.s32 $0x1, s0  }
0x1a3: {  	p0 =	sne.s32 s0, s26  }
.Ltmp1:
0x1a4: {  	s28 =	simm.s32 $0x1A00;
	s1 =	simm.s32 $0x100;
	(pc) =	sbr.rel @p0 .LBB2_1-.Ltmp1, $4  }
0x1a5: {  	s4 =	simm.s32 $0x180;
	s29 =	simm.s32 $0x3A00;
	s8 =	simm.s32 $0x200  }
0x1a6: {  	s11 =	simm.s32 $0x280;
	s12 =	simm.s32 $0x500;
	s13 =	simm.s32 $0x780  }
0x1a7: {  	s16 =	simm.s32 $0xA00;
	s30 =	simm.s32 $0x4A00;
	[sflag:s21] =	ssyncset.done $0x0  }
0x1a8: {  	[sflag:s21] =	ssyncadd.s32 $0xFFFFB000;
	[dreg:$0x9] =	wrdreg s0;
	s0 =	simm.s32 $0x2A00  }
0x1a9: {  	_ =	sfence.sel $0x180000  }
0x1aa: {  	[bflag:$0x0] =	sbarrier.arrive $0xFFFF  }
0x1ab: {  	_ =	strace $0x90000047  }
0x1ac: {  	s0 =	stileid.u32;
	[bflag:$0x2] =	sbarrier.arrive $0xFFFF  }
0x1ad: {  	p0 =	sne.s32 s0, $0x0;
	s0 =	rddreg [dreg:$0x2]  }
0x1ae: {  	s0 =	sadd.s32 @!p0 $0x100000, s0  }
0x1af: {  	[sflag:s0] =	ssyncadd.tile.s32 @!p0 $0x1;
	_ =	shalt  }
.Lfunc_end2:
_tile_overlayer_lowered:
.L_overlay_start_2:
0x1b0: {  	(tag) =	ssettag $0x2  }
0x1b1: {  	s0 =	rddreg [dreg:$0x0];
	s2 =	stileid.u32  }
0x1b2: {  	s1 =	rddreg [dreg:$0x1];
	p0 =	sne.s32 s2, $0x0  }
0x1b3: {  	s3 =	rddreg [dreg:$0x2];
	[bflag:$0x3] =	sbarrier.arrive $0xFFFF;
	s2 =	simm.s32 @!p0 $0x1C0D  }
0x1b4: {  	[timem:s3], [sflag:s2] =	dma.local @!p0 [hbm:s0], s1  }
0x1b5: {  	s0 =	simm.s32 @!p0 $0xD  }
0x1b6: {  	_ =	swait.ge @!p0 [sflag:s0], s1  }
0x1b7: {  	s1 =	ssub.s32 @!p0 $0x0, s1;
	[sflag:s0] =	ssyncset.done @!p0 $0x0  }
0x1b8: {  	[sflag:s0] =	ssyncadd.s32 @!p0 s1  }
0x1b9: {  	[bflag:$0x3] =	sbarrier.arrive $0xFFFF  }
0x1ba: {  	_ =	shalt  }

// kernel: sparse-core-data-format-call.cloned.1.call-start
scs
called_computation_lowered:
.L_overlay_start_0:
0x0: {  	s2 =	sld [smem:$0x3FD9]  }
0x1: {  	s3 =	sld [smem:$0x3FFE];
	_ =	sdelay $0x1  }
0x2: {  	s1 =	srdreg.scid  }
0x3: {  	s0 =	sand.u32 $0x1, s1  }
0x4: {  	s18 =	sshll.u32 s0, $0xA;
	s2 =	sadd.s32 s3, s2  }
0x5: {  	s2 =	sadd.s32 s2, s18  }
0x6: {  	[smem:$0x3FC6] =	sst s2  }
0x7: {  	_ = 	snop  }
0x8: {  	s2 =	sld [smem:$0x3FD0];
	(tm) =	ssettm $0x1  }
0x9: {  	s19 =	sld [smem:$0x3FFB];
	_ =	sdelay $0x3  }
0xa: {  	_ =	strace s19  }
0xb: {  	s3 =	sld [smem:$0x3FFC];
	_ =	sdelay $0x3  }
0xc: {  	_ =	strace s3  }
0xd: {  	s3 =	sld [smem:$0x3FFD];
	_ =	sdelay $0x3  }
0xe: {  	_ =	strace s3  }
0xf: {  	_ =	strace $0x8FFFFFFF  }
0x10: {  	s20 =	sld [smem:$0x3FDB];
	_ =	sdelay $0x1  }
0x11: {  	s4 =	simm.s32 $_scs_section_size  }
0x12: {  	s5 =	simm.s32 $_size__tile_overlayer_lowered;
	s6 =	simm.s32 $_tile_overlayer_lowered  }
0x13: {  	s23 =	simm.s32 $0x1BFF;
	s22 =	sshll.u32 s6, $0x1;
	s3 =	sadd.s32 s4, s20  }
0x14: {  	s7 =	simm.s32 $0x0;
	s21 =	sshll.u32 s5, $0x1;
	s5 =	sadd.s32 s22, s3  }
0x15: {  	[timem:s7], [sflag:s23] =	dma.local [hbm:s5], s21  }
0x16: {  	_ =	swait.ge [sflag:s23], s21  }
0x17: {  	s4 =	ssub.s32 $0x0, s21;
	[sflag:s23] =	ssyncset.done $0x0  }
0x18: {  	[sflag:s23] =	ssyncadd.s32 s4;
	_ =	sdelay $0x1  }
0x19: {  	s24 =	simm.s32 $0x1B8B  }
0x1a: {  	_ =	swait.ge [sflag:s24], $0x1  }
0x1b: {  	[sflag:s24] =	ssyncset.done $0x0  }
0x1c: {  	s26 =	simm.s32 $0x1B8E;
	s25 =	sld [smem:$0x3FFE];
	[sflag:s24] =	ssyncadd.s32 $0xFFFFFFFF  }
0x1d: {  	s27 =	simm.s32 $execute0_lowered;
	[smem:$0x3FD2] =	sst s26  }
0x1e: {  	s5 =	sshll.u32 s27, $0x1;
	_ =	strace $0x80000049;
	[dreg:$0x1] =	wrdreg $0xFFFFFFFF  }
0x1f: {  	s28 =	simm.s32 $_size_execute0_lowered;
	s3 =	sadd.s32 s3, s5;
	[dreg:$0x0] =	wrdreg $0x0  }
0x20: {  	s5 =	sshll.u32 s28, $0x1;
	[dreg:$0x2] =	wrdreg s3  }
0x21: {  	[dreg:$0x3] =	wrdreg s5  }
0x22: {  	[dreg:$0x4] =	wrdreg $0xC0  }
0x23: {  	_ =	task [dreg:s7], $0x5FFFF  }
0x24: {  	[dreg:$0x1] =	wrdreg $0xFFFFFFFF  }
0x25: {  	[dreg:$0x0] =	wrdreg $0x60  }
0x26: {  	[dreg:$0x2] =	wrdreg s25  }
0x27: {  	[dreg:$0x3] =	wrdreg s2  }
0x28: {  	[dreg:$0x4] =	wrdreg $0x9  }
0x29: {  	_ =	task.clear_ibuf [dreg:s7], $0x5FFFF;
	_ =	strace $0x90000049  }
0x2a: {  	s29 =	simm.s32 $0x9;
	_ =	strace $0x8000004B  }
0x2b: {  	_ =	swait.ge [sflag:s29], $0x1  }
0x2c: {  	[sflag:s29] =	ssyncadd.s32 $0xFFFFFFFF  }
0x2d: {  	_ =	strace $0x9000004B  }
0x2e: {  	_ =	sfence  }
0x2f: {  	s30 =	sld [smem:$0x0];
	_ =	sdelay $0x2  }
0x30: {  	s31 =	sshll.u32 s1, $0xD;
	s1 =	sshrl.u32 s1, $0x2  }
0x31: {  	s3 =	sand.u32 $0x4000, s31;
	s1 =	sadd.s32 s1, s30  }
0x32: {  	s0 =	sor.u32 s3, s0;
	s1 =	sshll.u32 s1, $0x11  }
0x33: {  	s0 =	sor.u32 s1, s0  }
0x34: {  	s0 =	sadd.s32 $0x8F2B, s0  }
0x35: {  	[sflag:s0] =	ssyncadd.remote.s32 $0x1  }
0x36: {  	_ =	sfence.sel $0xFFFF  }
0x37: {  	[dreg:$0x0] =	wrdreg $0xFFFFFFFF;
	(pc) =	sbr.abs _section_cstart, $3  }
0x38: {  	[dreg:$0x1] =	wrdreg $0xFFFFFFFF  }
0x39: {  	_ =	task.clear_ibuf [dreg:s7], $0x2FFFF;
	_ =	strace $0x9FFFFFFF  }
0x3a: {  	(tm) =	ssettm $0x7FFFFFFF  }
0x3b: {  	_ =	shalt  }
tec
execute0_lowered:
.L_overlay_start_1:
0x0: {  	(tag) =	ssettag $0x1  }
0x1: {  	s0 =	srdreg.scid  }
0x2: {  	s1 =	sshll.u32 s0, $0x4  }
0x3: {  	s0 =	stileid.u32;
	s1 =	sand.u32 $0x10, s1  }
0x4: {  	s1 =	sor.u32 s0, s1  }
0x5: {  	s6 =	rddreg [dreg:$0x0];
	s4 =	simm.s32 $0x1;
	s2 =	sshll.u32 s1, $0x7  }
0x6: {  	s7 =	simm.s32 $0x2;
	s12 =	simm.s32 $0x0;
	s1 =	ssub.s32 $0x1000, s2  }
0x7: {  	s8 =	simm.s32 $0x8000;
	s13 =	simm.s32 $0x0;
	s3 =	sand.u32 $0xF80, s1  }
0x8: {  	s9 =	simm.s32 $0x0;
	s5 =	sshrl.u32 s1, $0xC;
	p0 =	sne.s32 s3, $0x0  }
.Ltmp0:
0x9: {  	s1 =	rddreg [dreg:$0x2];
	s4 =	simm.s32 @!p0 $0x0;
	(pc) =	sbr.rel .LBB1_1-.Ltmp0, $4  }
0xa: {  	s11 =	simm.s32 $0x0;
	s3 =	rddreg [dreg:$0x1];
	s5 =	sadd.s32 s4, s5  }
0xb: {  	_ =	strace $0x8000004A;
	s4 =	simm.s32 $0x1;
	s5 =	smul.u32 $0xC8, s5  }
0xc: {  	s6 =	sadd.s32 $0xA00, s6;
	s10 =	smov.u32 s2;
	[sflag:s4] =	ssyncpa.u1 $0x0  }
0xd: {  	p0 =	por $0x0, $0x0;
	[sflag:s7] =	ssyncpa.u1 $0x0;
	s7 =	sor.u32 $0x1, s5  }
.LBB1_4:
0xe: {  	s16 =	sshll.u32 s13, $0x3;
	s17 =	sand.u32 $0x78, s13  }
0xf: {  	s30 =	sand.u32 $0x3E00, s13;
	s12 =	sshll.u32 s12, $0xE;
	s16 =	sand.u32 $0xC00, s16  }
0x10: {  	s31 =	sand.u32 $0x7, s13;
	s16 =	sor.u32 s17, s16;
	s17 =	sadd.s32 s3, s30  }
0x11: {  	s13 =	sshll.u32 s31, $0x12;
	s16 =	sshrl.u32 s16, $0x3;
	s12 =	sadd.s32 s12, s17  }
0x12: {  	[tilespmem:s15+$0x0 ss:$0x81] =	vst.msk $0xffff, v0;
	s13 =	sor.u32 $0x400, s13;
	s12 =	sadd.s32 s16, s12  }
0x13: {  	[hbm4b:s12+s13] =	stream.strided.scatter [tilespmem:s14], [sflag:$0x2], $0x1000, s8, s13, $0x20;
	[tilespmem:$0x4040] =	vst v63  }
.LBB1_5:
0x14: {  	s14 =	sadd.s32 $0x1, s9  }
0x15: {  	s12 =	sadd.s32 $0x1000, s10;
	s16 =	smov.u32 s10;
	p2 =	sgt.s32 s14, $0xC7  }
0x16: {  	s16 =	smov.u32 @p2 s12  }
0x17: {  	s14 =	simm.s32 @p2 $0x0;
	p2 =	sgt.s32 s16, $0xFFF  }
0x18: {  	s16 =	smov.u32 @p2 s2;
	p2 =	sne.s32 s11, s7  }
.Ltmp1:
0x19: {  	p1 =	slt.u32 s11, $0x2;
	(pc) =	sbr.rel @!p2 .LBB1_6-.Ltmp1, $4  }
0x1a: {  	s15 =	simm.s32 @!p1 $0x2  }
0x1b: {  	s13 =	smov.u32 s10;
	p0 =	por !p0, !p0;
	_ =	swait.ge @!p1 [sflag:s15], $0x1000  }
0x1c: {  	s12 =	smov.u32 s9;
	[sflag:s15] =	ssyncset.done @!p1 $0x0;
	s9 =	smov.u32 s14  }
0x1d: {  	s11 =	sadd.s32 $0x1, s11;
	[sflag:s15] =	ssyncadd.s32 @!p1 $0xFFFFF000;
	s10 =	smov.u32 s16  }
.LBB1_1:
0x1e: {  	p1 =	sge.u32 s11, s5  }
0x1f: {  	s14 =	sand.u32 @!p1 $0x1FFFFFF, s9  }
0x20: {  	s15 =	smulhi.u32 @!p1 $0x147AE15, s14;
	_ =	sdelay $0x1  }
0x21: {  	s15 =	smul.u32 @!p1 $0xC8, s15  }
0x22: {  	s16 =	sxor.u32 @!p1 $0xFFFFFFFF, s11;
	s17 =	smul.u32 @!p1 $0xC80, s10  }
0x23: {  	s31 =	sadd.s32 $0xFFFFFFFF, s11;
	s16 =	sshll.u32 @!p1 s16, $0xC;
	s14 =	ssub.s32 @!p1 s14, s15  }
0x24: {  	s15 =	sand.u32 @!p1 $0x1000, s16;
	s16 =	sadd.s32 @!p1 s6, s17;
	s14 =	sshll.u32 @!p1 s14, $0x4  }
0x25: {  	s17 =	simm.s32 @!p1 $0x6400;
	s14 =	sadd.s32 @!p1 s14, s16;
	s16 =	simm.s32 @!p1 $0x20  }
0x26: {  	[tilespmem:s15], [sflag:$0x1] =	stream.strided.gather @!p1 [hbm4b:s14+s16], $0x1000, s17, s16, $0x38;
	[tilespmem:$0x4040] =	vst v63  }
0x27: {  	p1 =	sge.u32 s31, s5  }
.Ltmp2:
0x28: {  	_ = 	snop;
	(pc) =	sbr.rel @p1 .LBB1_5-.Ltmp2, $1  }
0x29: {  	_ =	sdelay $0x3  }
0x2a: {  	s14 =	simm.s32 $0x1  }
0x2b: {  	_ =	swait.ge [sflag:s4], $0x1000;
	s14 =	simm.s32 @!p0 $0x0  }
0x2c: {  	[sflag:s4] =	ssyncset.done $0x0;
	s15 =	sshll.u32 s14, $0xC  }
0x2d: {  	[sflag:s4] =	ssyncadd.s32 $0xFFFFF000;
	s18 =	sor.u32 $0x10, s15  }
0x2e: {  	s14 =	smul.u32 $0x4080, s14;
	v1 =	vld [tilespmem:s18+$0x0]  }
0x2f: {  	s30 =	sand.u32 $0x1, s11;
	v0 =	vld [tilespmem:s18+$0xFFFFFFF0]  }
0x30: {  	s15 =	smul.u32 $0x4080, s30;
	s14 =	sshrl.u32 s14, $0x2  }
0x31: {  	s16 =	sor.u32 $0x2000, s14  }
0x32: {  	s31 =	sshrl.u32 s15, $0x2;
	s15 =	sadd.s32 $0x0, s16  }
0x33: {  	s17 =	simm.s32 $0x4;
	s18 =	sadd.s32 $0x20, s18;
	s14 =	sor.u32 $0x2000, s31;
	[tilespmem:s15+$0x810 ss:$0x81] =	vst.msk $0xffff, v1  }
.LBB1_3:
0x34: {  	v1 =	vld [tilespmem:s18+$0x0];
	p1 =	sne.s32 s17, $0x1FC;
	[tilespmem:s15+$0x0 ss:$0x81] =	vst.msk $0xffff, v0;
	s15 =	smov.u32 s17;
	s17 =	sadd.s32 $0x4, s17  }
.Ltmp3:
0x35: {  	v0 =	vld [tilespmem:s18+$0xFFFFFFF0];
	(pc) =	sbr.rel @p1 .LBB1_3-.Ltmp3, $4  }
0x36: {  	_ = 	snop  }
0x37: {  	s15 =	sshra.s32 s15, $0x2  }
0x38: {  	s15 =	sadd.s32 s15, s16  }
0x39: {  	s18 =	sadd.s32 $0x20, s18;
	[tilespmem:s15+$0x810 ss:$0x81] =	vst.msk $0xffff, v1  }
.Ltmp4:
0x3a: {  	_ = 	snop;
	(pc) =	sbr.rel .LBB1_4-.Ltmp4, $1  }
0x3b: {  	_ =	sdelay $0x3  }
.LBB1_6:
0x3c: {  	_ =	sfence.sel $0x180000  }
0x3d: {  	s2 =	simm.s32 $0x1;
	[bflag:$0x0] =	sbarrier.arrive $0xFFFF  }
0x3e: {  	s31 =	simm.s32 $0x2;
	[sflag:s2] =	ssyncpa.u1 $0x1  }
0x3f: {  	[sflag:s31] =	ssyncpa.u1 $0x1  }
0x40: {  	p0 =	sne.s32 s0, $0x0;
	_ =	strace $0x9000004A  }
0x41: {  	s0 =	sadd.s32 @!p0 $0x100000, s1;
	[bflag:$0x2] =	sbarrier.arrive $0xFFFF  }
0x42: {  	[sflag:s0] =	ssyncadd.tile.s32 @!p0 $0x1;
	_ =	shalt  }
.Lfunc_end1:
_tile_overlayer_lowered:
.L_overlay_start_2:
0x43: {  	(tag) =	ssettag $0x2  }
0x44: {  	s0 =	rddreg [dreg:$0x0];
	s2 =	stileid.u32  }
0x45: {  	s1 =	rddreg [dreg:$0x1];
	p0 =	sne.s32 s2, $0x0  }
0x46: {  	s3 =	rddreg [dreg:$0x2];
	[bflag:$0x3] =	sbarrier.arrive $0xFFFF;
	s2 =	simm.s32 @!p0 $0x1C01  }
0x47: {  	[timem:s3], [sflag:s2] =	dma.local @!p0 [hbm:s0], s1  }
0x48: {  	s0 =	simm.s32 @!p0 $0x1  }
0x49: {  	_ =	swait.ge @!p0 [sflag:s0], s1  }
0x4a: {  	s1 =	ssub.s32 @!p0 $0x0, s1;
	[sflag:s0] =	ssyncset.done @!p0 $0x0  }
0x4b: {  	[sflag:s0] =	ssyncadd.s32 @!p0 s1  }
0x4c: {  	[bflag:$0x3] =	sbarrier.arrive $0xFFFF  }
0x4d: {  	_ =	shalt  }

</sc_bundles>
